<compile_context>
chip_gen: v7x
topology: tpu7x:2x2x1
jax: 0.10.2.dev20260603
libtpu: 0.0.44.dev20260713+nightly
codegen_flags: <defaults>
</compile_context>

<pallas_src>
import functools
import numpy as _np

import jax
import jax.numpy as jnp
from jax import lax
from jax.experimental import pallas as pl
from jax.experimental.pallas import tpu as pltpu
from jax.experimental.pallas import tpu_sc as plsc

_EPS = 1e-5
_NC = 2
_NS = 16
_NW = _NC * _NS


def _sc_degrees(dst_r, ones128, z64, n, npad, rpt):
    nw, k, _ = dst_r.shape

    @functools.partial(
        pl.kernel,
        out_type=jax.ShapeDtypeStruct((_NC, npad, 128), jnp.float32),
        mesh=plsc.VectorSubcoreMesh(core_axis_name="c", subcore_axis_name="s"),
        scratch_types=[
            pltpu.VMEM((k, 128), jnp.int32),
            pltpu.VMEM((128, 128), jnp.float32),
            pltpu.VMEM((64, 128), jnp.float32),
            pltpu.VMEM_SHARED((npad, 128), jnp.float32),
            pltpu.SemaphoreType.DMA,
        ],
    )
    def deg_kernel(dst_hbm, ones_hbm, z_hbm, degp, idx_v, ones_v, zbuf,
                   deg_s, sem):
        cid = lax.axis_index("c")
        sid = lax.axis_index("s")
        wid = cid * _NS + sid
        zrows = npad // _NS
        pltpu.sync_copy(z_hbm, zbuf)
        for t in range(zrows // 64):
            pltpu.sync_copy(zbuf, deg_s.at[pl.ds(sid * zrows + t * 64, 64)])
        pltpu.sync_copy(ones_hbm, ones_v)
        pltpu.sync_copy(dst_hbm.at[wid], idx_v)
        plsc.subcore_barrier()

        def body(j, _):
            pltpu.sync_copy(ones_v, deg_s.at[idx_v.at[j]], add=True)
            return ()

        lax.fori_loop(0, k, body, ())
        plsc.subcore_barrier()

        for t in range(zrows // 64):
            base = sid * zrows + t * 64
            pltpu.sync_copy(deg_s.at[pl.ds(base, 64)], zbuf)
            pltpu.sync_copy(zbuf, degp.at[cid, pl.ds(base, 64)])

    return deg_kernel(dst_r, ones128, z64)


def _sc_scatter(g, src_r, dst_r, z128, n, npad, rpt):
    nw, k, _ = src_r.shape
    ph = (k + 1) // 2

    @functools.partial(
        pl.kernel,
        out_type=jax.ShapeDtypeStruct((_NC, npad, 128), jnp.float32),
        mesh=plsc.VectorSubcoreMesh(core_axis_name="c", subcore_axis_name="s"),
        scratch_types=[
            pltpu.VMEM((ph, 128), jnp.int32),
            pltpu.VMEM((ph, 128), jnp.int32),
            pltpu.VMEM((128, 128), jnp.float32),
            pltpu.VMEM((128, 128), jnp.float32),
            pltpu.VMEM_SHARED((npad, 128), jnp.float32),
            pltpu.SemaphoreType.DMA,
            pltpu.SemaphoreType.DMA,
        ],
    )
    def scat_kernel(g_hbm, src_hbm, dst_hbm, z_hbm, accp, sidx, didx, r0, r1,
                    acc_s, sem0, sem1):
        cid = lax.axis_index("c")
        sid = lax.axis_index("s")
        wid = cid * _NS + sid
        zrows = npad // _NS
        pltpu.sync_copy(z_hbm, r0)
        for t in range(zrows // 128):
            pltpu.sync_copy(r0, acc_s.at[pl.ds(sid * zrows + t * 128, 128)])
        plsc.subcore_barrier()

        for phase in range(2):
            base = phase * ph
            ke = min(k - base, ph)
            pltpu.sync_copy(src_hbm.at[wid, pl.ds(base, ke)],
                            sidx.at[pl.ds(0, ke)])
            pltpu.sync_copy(dst_hbm.at[wid, pl.ds(base, ke)],
                            didx.at[pl.ds(0, ke)])
            pltpu.async_copy(g_hbm.at[sidx.at[0]], r0, sem0)

            def body(j, _):
                @pl.when((j % 2 == 0) & (j + 1 < ke))
                def _f0():
                    pltpu.async_copy(g_hbm.at[sidx.at[j + 1]], r1, sem1)

                @pl.when((j % 2 == 1) & (j + 1 < ke))
                def _f1():
                    pltpu.async_copy(g_hbm.at[sidx.at[j + 1]], r0, sem0)

                @pl.when(j % 2 == 0)
                def _s0():
                    pltpu.make_async_copy(g_hbm.at[sidx.at[j]], r0, sem0).wait()
                    pltpu.sync_copy(r0, acc_s.at[didx.at[j]], add=True)

                @pl.when(j % 2 == 1)
                def _s1():
                    pltpu.make_async_copy(g_hbm.at[sidx.at[j]], r1, sem1).wait()
                    pltpu.sync_copy(r1, acc_s.at[didx.at[j]], add=True)

                return ()

            lax.fori_loop(0, ke, body, ())
        plsc.subcore_barrier()

        for t in range(zrows // 128):
            b = sid * zrows + t * 128
            pltpu.sync_copy(acc_s.at[pl.ds(b, 128)], r0)
            pltpu.sync_copy(r0, accp.at[cid, pl.ds(b, 128)])

    return scat_kernel(g, src_r, dst_r, z128)


def _tc_pre(xp, degp2, in_w, in_b, bng, bnb, w0, n, r):
    nblk = n // r
    bns = 1.0 / float(_np.sqrt(1.0 + _EPS))

    def body(x_ref, d_ref, w_ref, b_ref, g_ref, bb_ref, w0_ref,
             g0_ref, dinv_ref):
        deg = jnp.sum(d_ref[...], axis=1, keepdims=True) + 1.0
        dinv = lax.rsqrt(deg)
        h = jnp.dot(x_ref[...], w_ref[...], preferred_element_type=jnp.float32)
        h = (h + b_ref[...]) * (g_ref[...] * bns) + bb_ref[...]
        h = jnp.maximum(h, 0.0)
        g0_ref[...] = dinv * jnp.dot(h, w0_ref[...],
                              preferred_element_type=jnp.float32)
        dinv_ref[...] = dinv

    return pl.pallas_call(
        body,
        grid=(nblk,),
        in_specs=[
            pl.BlockSpec((r, xp.shape[1]), lambda i: (i, 0)),
            pl.BlockSpec((r, 2), lambda i: (i, 0)),
            pl.BlockSpec(in_w.shape, lambda i: (0, 0)),
            pl.BlockSpec((1, 128), lambda i: (0, 0)),
            pl.BlockSpec((1, 128), lambda i: (0, 0)),
            pl.BlockSpec((1, 128), lambda i: (0, 0)),
            pl.BlockSpec((128, 128), lambda i: (0, 0)),
        ],
        out_specs=[
            pl.BlockSpec((r, 128), lambda i: (i, 0)),
            pl.BlockSpec((r, 1), lambda i: (i, 0)),
        ],
        out_shape=[
            jax.ShapeDtypeStruct((n, 128), jnp.float32),
            jax.ShapeDtypeStruct((n, 1), jnp.float32),
        ],
    )(xp, degp2, in_w, in_b, bng, bnb, w0)


def _tc_mid(accp, g, hprev, dinv, b_gcn, bng, bnb, w_next, n, r):
    nblk = n // r
    bns = 1.0 / float(_np.sqrt(1.0 + _EPS))
    residual = hprev is not None

    def body(*refs):
        if residual:
            (acc_ref, g_ref, h_ref, dinv_ref, b_ref, bg_ref, bb_ref, w_ref,
             h_out, g_out) = refs
        else:
            (acc_ref, g_ref, dinv_ref, b_ref, bg_ref, bb_ref, w_ref,
             h_out, g_out) = refs
        m = acc_ref[0] + acc_ref[1]
        dinv = dinv_ref[...]
        conv = dinv * (m + g_ref[...]) + b_ref[...]
        hn = jnp.maximum(conv * (bg_ref[...] * bns) + bb_ref[...], 0.0)
        if residual:
            hn = hn + h_ref[...]
        h_out[...] = hn
        g_out[...] = dinv * jnp.dot(hn, w_ref[...],
                             preferred_element_type=jnp.float32)

    in_specs = [pl.BlockSpec((2, r, 128), lambda i: (0, i, 0)),
                pl.BlockSpec((r, 128), lambda i: (i, 0))]
    args = [accp, g]
    if residual:
        in_specs.append(pl.BlockSpec((r, 128), lambda i: (i, 0)))
        args.append(hprev)
    in_specs += [
        pl.BlockSpec((r, 1), lambda i: (i, 0)),
        pl.BlockSpec((1, 128), lambda i: (0, 0)),
        pl.BlockSpec((1, 128), lambda i: (0, 0)),
        pl.BlockSpec((1, 128), lambda i: (0, 0)),
        pl.BlockSpec((128, 128), lambda i: (0, 0)),
    ]
    args += [dinv, b_gcn, bng, bnb, w_next]
    return pl.pallas_call(
        body,
        grid=(nblk,),
        in_specs=in_specs,
        out_specs=[
            pl.BlockSpec((r, 128), lambda i: (i, 0)),
            pl.BlockSpec((r, 128), lambda i: (i, 0)),
        ],
        out_shape=[
            jax.ShapeDtypeStruct((n, 128), jnp.float32),
            jax.ShapeDtypeStruct((n, 128), jnp.float32),
        ],
    )(*args)


def _tc_final(accp, g, hprev, dinv, batch_r, b_gcn, bng, bnb, cls, n, r,
              num_graphs):
    nblk = n // r
    bns = 1.0 / float(_np.sqrt(1.0 + _EPS))
    (c0w, c0b, c0g, c0bb, c1w, c1b, c1g, c1bb, c2w, c2b) = cls

    def body(acc_ref, g_ref, h_ref, dinv_ref, b_ref, bg_ref, bb_ref,
             batch_ref, c0w_r, c0b_r, c0g_r, c0bb_r, c1w_r, c1b_r, c1g_r,
             c1bb_r, c2w_r, c2b_r, out_ref, sums, counts):
        i = pl.program_id(0)

        @pl.when(i == 0)
        def _init():
            sums[...] = jnp.zeros_like(sums)
            counts[...] = jnp.zeros_like(counts)

        m = acc_ref[0] + acc_ref[1]
        dinv = dinv_ref[...]
        conv = dinv * (m + g_ref[...]) + b_ref[...]
        hn = jnp.maximum(conv * (bg_ref[...] * bns) + bb_ref[...], 0.0)
        h3 = hn + h_ref[...]

        seg = batch_ref[0]
        gid = lax.broadcasted_iota(jnp.int32, (num_graphs, r), 0)
        onehot = jnp.where(gid == seg, 1.0, 0.0)
        sums[...] += jnp.dot(onehot, h3, preferred_element_type=jnp.float32,
                             precision=lax.Precision.HIGHEST)
        cnt = jnp.sum(onehot, axis=1, keepdims=True)
        counts[...] += jnp.broadcast_to(cnt, counts.shape)

        @pl.when(i == nblk - 1)
        def _fin():
            gemb = sums[...] / jnp.maximum(counts[...], 1.0)
            z = jnp.dot(gemb, c0w_r[...], preferred_element_type=jnp.float32)
            z = (z + c0b_r[...]) * (c0g_r[...] * bns) + c0bb_r[...]
            z = jnp.maximum(z, 0.0)
            z = jnp.dot(z, c1w_r[...], preferred_element_type=jnp.float32)
            z = (z + c1b_r[...]) * (c1g_r[...] * bns) + c1bb_r[...]
            z = jnp.maximum(z, 0.0)
            z = jnp.dot(z, c2w_r[...], preferred_element_type=jnp.float32)
            out_ref[...] = z + c2b_r[...]

    full = lambda a: pl.BlockSpec(a.shape, lambda i: tuple(0 for _ in a.shape))
    return pl.pallas_call(
        body,
        grid=(nblk,),
        in_specs=[
            pl.BlockSpec((2, r, 128), lambda i: (0, i, 0)),
            pl.BlockSpec((r, 128), lambda i: (i, 0)),
            pl.BlockSpec((r, 128), lambda i: (i, 0)),
            pl.BlockSpec((r, 1), lambda i: (i, 0)),
            pl.BlockSpec((1, 128), lambda i: (0, 0)),
            pl.BlockSpec((1, 128), lambda i: (0, 0)),
            pl.BlockSpec((1, 128), lambda i: (0, 0)),
            pl.BlockSpec((1, 1, r), lambda i: (i, 0, 0)),
            full(c0w), full(c0b), full(c0g), full(c0bb),
            full(c1w), full(c1b), full(c1g), full(c1bb),
            full(c2w), full(c2b),
        ],
        out_specs=pl.BlockSpec((num_graphs, 2), lambda i: (0, 0)),
        out_shape=jax.ShapeDtypeStruct((num_graphs, 2), jnp.float32),
        scratch_shapes=[
            pltpu.VMEM((num_graphs, 128), jnp.float32),
            pltpu.VMEM((num_graphs, 128), jnp.float32),
        ],
    )(accp, g, hprev, dinv, b_gcn, bng, bnb, batch_r,
      c0w, c0b, c0g, c0bb, c1w, c1b, c1g, c1bb, c2w, c2b)


def kernel(x, edge_index, batch, params):
    n, in_dim = x.shape
    e = edge_index.shape[1]
    num_graphs = 32
    r = 1000
    ept = e // _NW
    k = (ept + 127) // 128
    pad = k * 128 - ept
    rpt = n // _NS
    npad = ((n + 639) // 640) * 640

    src = edge_index[0].astype(jnp.int32)
    dst = edge_index[1].astype(jnp.int32)
    src_r = jnp.pad(src.reshape(_NW, ept), ((0, 0), (0, pad))).reshape(
        _NW, k, 128)
    dst_r = jnp.pad(dst.reshape(_NW, ept), ((0, 0), (0, pad)),
                    constant_values=n).reshape(_NW, k, 128)
    ones128 = jnp.ones((128, 128), jnp.float32)
    z64 = jnp.zeros((64, 128), jnp.float32)
    z128 = jnp.zeros((128, 128), jnp.float32)

    p = params
    row = lambda v: v.reshape(1, -1)

    degp = _sc_degrees(dst_r, ones128, z64, n, npad, rpt)[:, :, :1]
    degp2 = jnp.transpose(degp, (1, 0, 2)).reshape(npad, _NC)

    xp = jnp.pad(x, ((0, 0), (0, (-in_dim) % 8)))
    in_w = jnp.pad(p['in_W'], ((0, (-in_dim) % 8), (0, 0)))
    g0, dinv = _tc_pre(xp, degp2, in_w, row(p['in_b']), row(p['bn_in_g']),
                       row(p['bn_in_b']), p['gcn0_W'], n, r)

    acc = _sc_scatter(g0, src_r, dst_r, z128, n, npad, rpt)
    h1, g1 = _tc_mid(acc, g0, None, dinv, row(p['gcn0_b']), row(p['bn0_g']),
                     row(p['bn0_b']), p['gcn1_W'], n, r)

    acc = _sc_scatter(g1, src_r, dst_r, z128, n, npad, rpt)
    h2, g2 = _tc_mid(acc, g1, h1, dinv, row(p['gcn1_b']), row(p['bn1_g']),
                     row(p['bn1_b']), p['gcn2_W'], n, r)

    acc = _sc_scatter(g2, src_r, dst_r, z128, n, npad, rpt)
    batch_r = batch.astype(jnp.int32).reshape(n // r, 1, r)
    cls = (p['cl0_W'], row(p['cl0_b']), row(p['cbn0_g']), row(p['cbn0_b']),
           p['cl1_W'], row(p['cl1_b']), row(p['cbn1_g']), row(p['cbn1_b']),
           p['cl2_W'], row(p['cl2_b']))
    return _tc_final(acc, g2, h2, dinv, batch_r, row(p['gcn2_b']),
                     row(p['bn2_g']), row(p['bn2_b']), cls, n, r, num_graphs)

# --- scband reference (transcript-rebuilt; emitter-appended) ---
"""Pipeline reference for scband-pure-gcn-83571473645724 (READ-ONLY COPY).

The authoritative reference and input builder live on the scoring server;
editing this copy changes nothing except your own understanding.
"""

import jax, jax.numpy as jnp
import numpy as np

N = 10000
E = 320000
IN_DIM = 10
H = 128
NUM_GRAPHS = 32
NUM_LAYERS = 3
EPS = 1e-5


def _xavier(key, din, dout):
    lim = float(np.sqrt(6.0 / (din + dout)))
    return jax.random.uniform(key, (din, dout), jnp.float32, -lim, lim)


def setup_inputs(seed: int = 0):
    key = jax.random.key(seed)
    ks = jax.random.split(key, 16)
    x = jax.random.normal(ks[0], (N, IN_DIM), jnp.float32)
    edge_index = jax.random.randint(ks[1], (2, E), 0, N)
    batch = jnp.sort(jax.random.randint(ks[2], (N,), 0, NUM_GRAPHS))
    p = {}
    p['in_W'] = _xavier(ks[3], IN_DIM, H)
    p['in_b'] = jnp.zeros((H,), jnp.float32)
    p['bn_in_g'] = jnp.ones((H,), jnp.float32)
    p['bn_in_b'] = jnp.zeros((H,), jnp.float32)
    for i in range(NUM_LAYERS):
        p['gcn%d_W' % i] = _xavier(ks[4 + i], H, H)
        p['gcn%d_b' % i] = jnp.zeros((H,), jnp.float32)
        p['bn%d_g' % i] = jnp.ones((H,), jnp.float32)
        p['bn%d_b' % i] = jnp.zeros((H,), jnp.float32)
    p['cl0_W'] = _xavier(ks[10], H, H // 2)
    p['cl0_b'] = jnp.zeros((H // 2,), jnp.float32)
    p['cbn0_g'] = jnp.ones((H // 2,), jnp.float32)
    p['cbn0_b'] = jnp.zeros((H // 2,), jnp.float32)
    p['cl1_W'] = _xavier(ks[11], H // 2, H // 4)
    p['cl1_b'] = jnp.zeros((H // 4,), jnp.float32)
    p['cbn1_g'] = jnp.ones((H // 4,), jnp.float32)
    p['cbn1_b'] = jnp.zeros((H // 4,), jnp.float32)
    p['cl2_W'] = _xavier(ks[12], H // 4, 2)
    p['cl2_b'] = jnp.zeros((2,), jnp.float32)
    return {'x': x, 'edge_index': edge_index, 'batch': batch, 'params': p}


def _bn_eval(h, g, b):
    # BatchNorm1d in eval mode with running_mean=0, running_var=1
    return g * h / jnp.sqrt(1.0 + EPS) + b


def _gcn_conv(h, src, dst, W, b):
    # PyG GCNConv: add self-loops, symmetric normalization, linear, scatter-add, bias
    loop = jnp.arange(N, dtype=src.dtype)
    s = jnp.concatenate([src, loop])
    d = jnp.concatenate([dst, loop])
    hw = h @ W
    deg = jnp.zeros((N,), jnp.float32).at[d].add(1.0)
    dinv = jnp.where(deg > 0, 1.0 / jnp.sqrt(deg), 0.0)
    norm = dinv[s] * dinv[d]
    msg = hw[s] * norm[:, None]
    out = jnp.zeros((N, hw.shape[1]), jnp.float32).at[d].add(msg)
    return out + b


def _forward(x, params, edge_index, batch):
    src, dst = edge_index[0], edge_index[1]
    h = x @ params['in_W'] + params['in_b']
    h = _bn_eval(h, params['bn_in_g'], params['bn_in_b'])
    h = jax.nn.relu(h)
    for i in range(NUM_LAYERS):
        hn = _gcn_conv(h, src, dst, params['gcn%d_W' % i], params['gcn%d_b' % i])
        hn = _bn_eval(hn, params['bn%d_g' % i], params['bn%d_b' % i])
        hn = jax.nn.relu(hn)
        # dropout is identity in eval mode
        h = h + hn if i > 0 else hn
    sums = jax.ops.segment_sum(h, batch, num_segments=NUM_GRAPHS)
    counts = jax.ops.segment_sum(jnp.ones((N,), jnp.float32), batch, num_segments=NUM_GRAPHS)
    gemb = sums / jnp.maximum(counts, 1.0)[:, None]
    z = gemb @ params['cl0_W'] + params['cl0_b']
    z = jax.nn.relu(_bn_eval(z, params['cbn0_g'], params['cbn0_b']))
    z = z @ params['cl1_W'] + params['cl1_b']
    z = jax.nn.relu(_bn_eval(z, params['cbn1_g'], params['cbn1_b']))
    logits = z @ params['cl2_W'] + params['cl2_b']
    return logits


def reference(x, edge_index, batch, params):
    return _forward(x, params, edge_index, batch)

if __name__ == "__main__":
    import jax
    _d = setup_inputs()
    print(jax.jit(kernel)(*tuple(_d.values())))

</pallas_src>

<mosaic_0001>
#map = affine_map<(d0, d1) -> (0, 0)>
#map1 = affine_map<(d0, d1) -> (0, 0, 0)>
module attributes {stable_mosaic.version = 14 : i64} {
  func.func @scat_kernel(%arg0: i32, %arg1: i32, %arg2: memref<10000x128xf32, #tpu.memory_space<hbm>>, %arg3: memref<32x79x128xi32, #tpu.memory_space<hbm>>, %arg4: memref<32x79x128xi32, #tpu.memory_space<hbm>>, %arg5: memref<128x128xf32, #tpu.memory_space<hbm>>, %arg6: memref<2x10240x128xf32, #tpu.memory_space<hbm>>, %arg7: memref<40x128xi32, #tpu.memory_space<vmem>>, %arg8: memref<40x128xi32, #tpu.memory_space<vmem>>, %arg9: memref<128x128xf32, #tpu.memory_space<vmem>>, %arg10: memref<128x128xf32, #tpu.memory_space<vmem>>, %arg11: memref<10240x128xf32, #tpu.memory_space<vmem_shared>>, %arg12: memref<!tpu.dma_semaphore, #tpu.memory_space<semaphore_mem>>, %arg13: memref<!tpu.dma_semaphore, #tpu.memory_space<semaphore_mem>>) attributes {dimension_semantics = [#tpu.dimension_semantics<core_parallel>, #tpu.dimension_semantics<subcore_parallel>], iteration_bounds = array<i64: 2, 16>, scalar_prefetch = 0 : i64, scratch_operands = 7 : i64, tpu.core_type = #tpu.core_type<sc_vector_subcore>, window_params = [{transform_indices = #map}, {transform_indices = #map1}, {transform_indices = #map1}, {transform_indices = #map}, {transform_indices = #map1}]} {
    %mul3A = arith.constant 16 : i32
    %mul3A_0 = arith.muli %arg0, %mul3A : i32
    %add3A = arith.addi %mul3A_0, %arg1 : i32
    "tpu.region"() ({
      %run_scoped3A = tpu.sem_alloc : memref<!tpu.dma_semaphore, #tpu.memory_space<semaphore_mem>>
      tpu.enqueue_dma source(%arg5 : memref<128x128xf32, #tpu.memory_space<hbm>>) target(%arg9 : memref<128x128xf32, #tpu.memory_space<vmem>>) target_semaphore(%run_scoped3A : memref<!tpu.dma_semaphore, #tpu.memory_space<semaphore_mem>>)
      tpu.wait_dma2 semaphore(%run_scoped3A : memref<!tpu.dma_semaphore, #tpu.memory_space<semaphore_mem>>) src(%arg5 : memref<128x128xf32, #tpu.memory_space<hbm>>) dst(%arg9 : memref<128x128xf32, #tpu.memory_space<vmem>>)
      tpu.yield
    }) : () -> ()
    %mul3A_1 = arith.constant 640 : i32
    %mul3A_2 = arith.muli %arg1, %mul3A_1 : i32
    %add3A_3 = arith.constant 0 : i32
    %add3A_4 = arith.addi %mul3A_2, %add3A_3 : i32
    "tpu.region"() ({
      %run_scoped3A = tpu.sem_alloc : memref<!tpu.dma_semaphore, #tpu.memory_space<semaphore_mem>>
      %dma_start3A_64 = arith.constant 0 : i32
      %dma_start3A_65 = tpu.memref_slice %arg11[%add3A_4, %dma_start3A_64] : memref<10240x128xf32, #tpu.memory_space<vmem_shared>> -> memref<128x128xf32, #tpu.memory_space<vmem_shared>>
      %dma_start3A_66 = arith.constant 0 : i32
      %dma_start3A_67 = tpu.memref_slice %arg11[%add3A_4, %dma_start3A_66] : memref<10240x128xf32, #tpu.memory_space<vmem_shared>> -> memref<128x128xf32, #tpu.memory_space<vmem_shared>>
      tpu.enqueue_dma source(%arg9 : memref<128x128xf32, #tpu.memory_space<vmem>>) target(%dma_start3A_67 : memref<128x128xf32, #tpu.memory_space<vmem_shared>>) target_semaphore(%run_scoped3A : memref<!tpu.dma_semaphore, #tpu.memory_space<semaphore_mem>>)
      %dma_wait3A = arith.constant 0 : i32
      %dma_wait3A_68 = tpu.memref_slice %arg11[%add3A_4, %dma_wait3A] : memref<10240x128xf32, #tpu.memory_space<vmem_shared>> -> memref<128x128xf32, #tpu.memory_space<vmem_shared>>
      %dma_wait3A_69 = arith.constant 0 : i32
      %dma_wait3A_70 = tpu.memref_slice %arg11[%add3A_4, %dma_wait3A_69] : memref<10240x128xf32, #tpu.memory_space<vmem_shared>> -> memref<128x128xf32, #tpu.memory_space<vmem_shared>>
      tpu.wait_dma2 semaphore(%run_scoped3A : memref<!tpu.dma_semaphore, #tpu.memory_space<semaphore_mem>>) src(%arg9 : memref<128x128xf32, #tpu.memory_space<vmem>>) dst(%dma_wait3A_70 : memref<128x128xf32, #tpu.memory_space<vmem_shared>>)
      tpu.yield
    }) : () -> ()
    %mul3A_5 = arith.constant 640 : i32
    %mul3A_6 = arith.muli %arg1, %mul3A_5 : i32
    %add3A_7 = arith.constant 128 : i32
    %add3A_8 = arith.addi %mul3A_6, %add3A_7 : i32
    "tpu.region"() ({
      %run_scoped3A = tpu.sem_alloc : memref<!tpu.dma_semaphore, #tpu.memory_space<semaphore_mem>>
      %dma_start3A_64 = arith.constant 0 : i32
      %dma_start3A_65 = tpu.memref_slice %arg11[%add3A_8, %dma_start3A_64] : memref<10240x128xf32, #tpu.memory_space<vmem_shared>> -> memref<128x128xf32, #tpu.memory_space<vmem_shared>>
      %dma_start3A_66 = arith.constant 0 : i32
      %dma_start3A_67 = tpu.memref_slice %arg11[%add3A_8, %dma_start3A_66] : memref<10240x128xf32, #tpu.memory_space<vmem_shared>> -> memref<128x128xf32, #tpu.memory_space<vmem_shared>>
      tpu.enqueue_dma source(%arg9 : memref<128x128xf32, #tpu.memory_space<vmem>>) target(%dma_start3A_67 : memref<128x128xf32, #tpu.memory_space<vmem_shared>>) target_semaphore(%run_scoped3A : memref<!tpu.dma_semaphore, #tpu.memory_space<semaphore_mem>>)
      %dma_wait3A = arith.constant 0 : i32
      %dma_wait3A_68 = tpu.memref_slice %arg11[%add3A_8, %dma_wait3A] : memref<10240x128xf32, #tpu.memory_space<vmem_shared>> -> memref<128x128xf32, #tpu.memory_space<vmem_shared>>
      %dma_wait3A_69 = arith.constant 0 : i32
      %dma_wait3A_70 = tpu.memref_slice %arg11[%add3A_8, %dma_wait3A_69] : memref<10240x128xf32, #tpu.memory_space<vmem_shared>> -> memref<128x128xf32, #tpu.memory_space<vmem_shared>>
      tpu.wait_dma2 semaphore(%run_scoped3A : memref<!tpu.dma_semaphore, #tpu.memory_space<semaphore_mem>>) src(%arg9 : memref<128x128xf32, #tpu.memory_space<vmem>>) dst(%dma_wait3A_70 : memref<128x128xf32, #tpu.memory_space<vmem_shared>>)
      tpu.yield
    }) : () -> ()
    %mul3A_9 = arith.constant 640 : i32
    %mul3A_10 = arith.muli %arg1, %mul3A_9 : i32
    %add3A_11 = arith.constant 256 : i32
    %add3A_12 = arith.addi %mul3A_10, %add3A_11 : i32
    "tpu.region"() ({
      %run_scoped3A = tpu.sem_alloc : memref<!tpu.dma_semaphore, #tpu.memory_space<semaphore_mem>>
      %dma_start3A_64 = arith.constant 0 : i32
      %dma_start3A_65 = tpu.memref_slice %arg11[%add3A_12, %dma_start3A_64] : memref<10240x128xf32, #tpu.memory_space<vmem_shared>> -> memref<128x128xf32, #tpu.memory_space<vmem_shared>>
      %dma_start3A_66 = arith.constant 0 : i32
      %dma_start3A_67 = tpu.memref_slice %arg11[%add3A_12, %dma_start3A_66] : memref<10240x128xf32, #tpu.memory_space<vmem_shared>> -> memref<128x128xf32, #tpu.memory_space<vmem_shared>>
      tpu.enqueue_dma source(%arg9 : memref<128x128xf32, #tpu.memory_space<vmem>>) target(%dma_start3A_67 : memref<128x128xf32, #tpu.memory_space<vmem_shared>>) target_semaphore(%run_scoped3A : memref<!tpu.dma_semaphore, #tpu.memory_space<semaphore_mem>>)
      %dma_wait3A = arith.constant 0 : i32
      %dma_wait3A_68 = tpu.memref_slice %arg11[%add3A_12, %dma_wait3A] : memref<10240x128xf32, #tpu.memory_space<vmem_shared>> -> memref<128x128xf32, #tpu.memory_space<vmem_shared>>
      %dma_wait3A_69 = arith.constant 0 : i32
      %dma_wait3A_70 = tpu.memref_slice %arg11[%add3A_12, %dma_wait3A_69] : memref<10240x128xf32, #tpu.memory_space<vmem_shared>> -> memref<128x128xf32, #tpu.memory_space<vmem_shared>>
      tpu.wait_dma2 semaphore(%run_scoped3A : memref<!tpu.dma_semaphore, #tpu.memory_space<semaphore_mem>>) src(%arg9 : memref<128x128xf32, #tpu.memory_space<vmem>>) dst(%dma_wait3A_70 : memref<128x128xf32, #tpu.memory_space<vmem_shared>>)
      tpu.yield
    }) : () -> ()
    %mul3A_13 = arith.constant 640 : i32
    %mul3A_14 = arith.muli %arg1, %mul3A_13 : i32
    %add3A_15 = arith.constant 384 : i32
    %add3A_16 = arith.addi %mul3A_14, %add3A_15 : i32
    "tpu.region"() ({
      %run_scoped3A = tpu.sem_alloc : memref<!tpu.dma_semaphore, #tpu.memory_space<semaphore_mem>>
      %dma_start3A_64 = arith.constant 0 : i32
      %dma_start3A_65 = tpu.memref_slice %arg11[%add3A_16, %dma_start3A_64] : memref<10240x128xf32, #tpu.memory_space<vmem_shared>> -> memref<128x128xf32, #tpu.memory_space<vmem_shared>>
      %dma_start3A_66 = arith.constant 0 : i32
      %dma_start3A_67 = tpu.memref_slice %arg11[%add3A_16, %dma_start3A_66] : memref<10240x128xf32, #tpu.memory_space<vmem_shared>> -> memref<128x128xf32, #tpu.memory_space<vmem_shared>>
      tpu.enqueue_dma source(%arg9 : memref<128x128xf32, #tpu.memory_space<vmem>>) target(%dma_start3A_67 : memref<128x128xf32, #tpu.memory_space<vmem_shared>>) target_semaphore(%run_scoped3A : memref<!tpu.dma_semaphore, #tpu.memory_space<semaphore_mem>>)
      %dma_wait3A = arith.constant 0 : i32
      %dma_wait3A_68 = tpu.memref_slice %arg11[%add3A_16, %dma_wait3A] : memref<10240x128xf32, #tpu.memory_space<vmem_shared>> -> memref<128x128xf32, #tpu.memory_space<vmem_shared>>
      %dma_wait3A_69 = arith.constant 0 : i32
      %dma_wait3A_70 = tpu.memref_slice %arg11[%add3A_16, %dma_wait3A_69] : memref<10240x128xf32, #tpu.memory_space<vmem_shared>> -> memref<128x128xf32, #tpu.memory_space<vmem_shared>>
      tpu.wait_dma2 semaphore(%run_scoped3A : memref<!tpu.dma_semaphore, #tpu.memory_space<semaphore_mem>>) src(%arg9 : memref<128x128xf32, #tpu.memory_space<vmem>>) dst(%dma_wait3A_70 : memref<128x128xf32, #tpu.memory_space<vmem_shared>>)
      tpu.yield
    }) : () -> ()
    %mul3A_17 = arith.constant 640 : i32
    %mul3A_18 = arith.muli %arg1, %mul3A_17 : i32
    %add3A_19 = arith.constant 512 : i32
    %add3A_20 = arith.addi %mul3A_18, %add3A_19 : i32
    "tpu.region"() ({
      %run_scoped3A = tpu.sem_alloc : memref<!tpu.dma_semaphore, #tpu.memory_space<semaphore_mem>>
      %dma_start3A_64 = arith.constant 0 : i32
      %dma_start3A_65 = tpu.memref_slice %arg11[%add3A_20, %dma_start3A_64] : memref<10240x128xf32, #tpu.memory_space<vmem_shared>> -> memref<128x128xf32, #tpu.memory_space<vmem_shared>>
      %dma_start3A_66 = arith.constant 0 : i32
      %dma_start3A_67 = tpu.memref_slice %arg11[%add3A_20, %dma_start3A_66] : memref<10240x128xf32, #tpu.memory_space<vmem_shared>> -> memref<128x128xf32, #tpu.memory_space<vmem_shared>>
      tpu.enqueue_dma source(%arg9 : memref<128x128xf32, #tpu.memory_space<vmem>>) target(%dma_start3A_67 : memref<128x128xf32, #tpu.memory_space<vmem_shared>>) target_semaphore(%run_scoped3A : memref<!tpu.dma_semaphore, #tpu.memory_space<semaphore_mem>>)
      %dma_wait3A = arith.constant 0 : i32
      %dma_wait3A_68 = tpu.memref_slice %arg11[%add3A_20, %dma_wait3A] : memref<10240x128xf32, #tpu.memory_space<vmem_shared>> -> memref<128x128xf32, #tpu.memory_space<vmem_shared>>
      %dma_wait3A_69 = arith.constant 0 : i32
      %dma_wait3A_70 = tpu.memref_slice %arg11[%add3A_20, %dma_wait3A_69] : memref<10240x128xf32, #tpu.memory_space<vmem_shared>> -> memref<128x128xf32, #tpu.memory_space<vmem_shared>>
      tpu.wait_dma2 semaphore(%run_scoped3A : memref<!tpu.dma_semaphore, #tpu.memory_space<semaphore_mem>>) src(%arg9 : memref<128x128xf32, #tpu.memory_space<vmem>>) dst(%dma_wait3A_70 : memref<128x128xf32, #tpu.memory_space<vmem_shared>>)
      tpu.yield
    }) : () -> ()
    %barrier3A = arith.constant 0 : index
    tpu.barrier barrier_id(%barrier3A)
    "tpu.region"() ({
      %run_scoped3A = tpu.sem_alloc : memref<!tpu.dma_semaphore, #tpu.memory_space<semaphore_mem>>
      %dma_start3A_64 = arith.constant 0 : i32
      %dma_start3A_65 = arith.constant 0 : i32
      %dma_start3A_66 = tpu.memref_slice %arg7[%dma_start3A_64, %dma_start3A_65] : memref<40x128xi32, #tpu.memory_space<vmem>> -> memref<40x128xi32, #tpu.memory_space<vmem>>
      %dma_start3A_67 = arith.constant 0 : i32
      %dma_start3A_68 = arith.constant 0 : i32
      %dma_start3A_69 = tpu.memref_slice %arg3[%add3A, %dma_start3A_67, %dma_start3A_68] : memref<32x79x128xi32, #tpu.memory_space<hbm>> -> memref<1x40x128xi32, #tpu.memory_space<hbm>>
      %dma_start3A_70 = tpu.memref_squeeze %dma_start3A_69 : memref<1x40x128xi32, #tpu.memory_space<hbm>> -> memref<40x128xi32, #tpu.memory_space<hbm>>
      %dma_start3A_71 = arith.constant 0 : i32
      %dma_start3A_72 = arith.constant 0 : i32
      %dma_start3A_73 = tpu.memref_slice %arg7[%dma_start3A_71, %dma_start3A_72] : memref<40x128xi32, #tpu.memory_space<vmem>> -> memref<40x128xi32, #tpu.memory_space<vmem>>
      %dma_start3A_74 = arith.constant 0 : i32
      %dma_start3A_75 = arith.constant 0 : i32
      %dma_start3A_76 = tpu.memref_slice %arg3[%add3A, %dma_start3A_74, %dma_start3A_75] : memref<32x79x128xi32, #tpu.memory_space<hbm>> -> memref<1x40x128xi32, #tpu.memory_space<hbm>>
      %dma_start3A_77 = tpu.memref_squeeze %dma_start3A_76 : memref<1x40x128xi32, #tpu.memory_space<hbm>> -> memref<40x128xi32, #tpu.memory_space<hbm>>
      tpu.enqueue_dma source(%dma_start3A_77 : memref<40x128xi32, #tpu.memory_space<hbm>>) target(%dma_start3A_73 : memref<40x128xi32, #tpu.memory_space<vmem>>) target_semaphore(%run_scoped3A : memref<!tpu.dma_semaphore, #tpu.memory_space<semaphore_mem>>)
      %dma_wait3A = arith.constant 0 : i32
      %dma_wait3A_78 = arith.constant 0 : i32
      %dma_wait3A_79 = tpu.memref_slice %arg7[%dma_wait3A, %dma_wait3A_78] : memref<40x128xi32, #tpu.memory_space<vmem>> -> memref<40x128xi32, #tpu.memory_space<vmem>>
      %dma_wait3A_80 = arith.constant 0 : i32
      %dma_wait3A_81 = arith.constant 0 : i32
      %dma_wait3A_82 = tpu.memref_slice %arg3[%add3A, %dma_wait3A_80, %dma_wait3A_81] : memref<32x79x128xi32, #tpu.memory_space<hbm>> -> memref<1x40x128xi32, #tpu.memory_space<hbm>>
      %dma_wait3A_83 = tpu.memref_squeeze %dma_wait3A_82 : memref<1x40x128xi32, #tpu.memory_space<hbm>> -> memref<40x128xi32, #tpu.memory_space<hbm>>
      %dma_wait3A_84 = arith.constant 0 : i32
      %dma_wait3A_85 = arith.constant 0 : i32
      %dma_wait3A_86 = tpu.memref_slice %arg7[%dma_wait3A_84, %dma_wait3A_85] : memref<40x128xi32, #tpu.memory_space<vmem>> -> memref<40x128xi32, #tpu.memory_space<vmem>>
      %dma_wait3A_87 = arith.constant 0 : i32
      %dma_wait3A_88 = arith.constant 0 : i32
      %dma_wait3A_89 = tpu.memref_slice %arg3[%add3A, %dma_wait3A_87, %dma_wait3A_88] : memref<32x79x128xi32, #tpu.memory_space<hbm>> -> memref<1x40x128xi32, #tpu.memory_space<hbm>>
      %dma_wait3A_90 = tpu.memref_squeeze %dma_wait3A_89 : memref<1x40x128xi32, #tpu.memory_space<hbm>> -> memref<40x128xi32, #tpu.memory_space<hbm>>
      tpu.wait_dma2 semaphore(%run_scoped3A : memref<!tpu.dma_semaphore, #tpu.memory_space<semaphore_mem>>) src(%dma_wait3A_90 : memref<40x128xi32, #tpu.memory_space<hbm>>) dst(%dma_wait3A_86 : memref<40x128xi32, #tpu.memory_space<vmem>>)
      tpu.yield
    }) : () -> ()
    "tpu.region"() ({
      %run_scoped3A = tpu.sem_alloc : memref<!tpu.dma_semaphore, #tpu.memory_space<semaphore_mem>>
      %dma_start3A_64 = arith.constant 0 : i32
      %dma_start3A_65 = arith.constant 0 : i32
      %dma_start3A_66 = tpu.memref_slice %arg8[%dma_start3A_64, %dma_start3A_65] : memref<40x128xi32, #tpu.memory_space<vmem>> -> memref<40x128xi32, #tpu.memory_space<vmem>>
      %dma_start3A_67 = arith.constant 0 : i32
      %dma_start3A_68 = arith.constant 0 : i32
      %dma_start3A_69 = tpu.memref_slice %arg4[%add3A, %dma_start3A_67, %dma_start3A_68] : memref<32x79x128xi32, #tpu.memory_space<hbm>> -> memref<1x40x128xi32, #tpu.memory_space<hbm>>
      %dma_start3A_70 = tpu.memref_squeeze %dma_start3A_69 : memref<1x40x128xi32, #tpu.memory_space<hbm>> -> memref<40x128xi32, #tpu.memory_space<hbm>>
      %dma_start3A_71 = arith.constant 0 : i32
      %dma_start3A_72 = arith.constant 0 : i32
      %dma_start3A_73 = tpu.memref_slice %arg8[%dma_start3A_71, %dma_start3A_72] : memref<40x128xi32, #tpu.memory_space<vmem>> -> memref<40x128xi32, #tpu.memory_space<vmem>>
      %dma_start3A_74 = arith.constant 0 : i32
      %dma_start3A_75 = arith.constant 0 : i32
      %dma_start3A_76 = tpu.memref_slice %arg4[%add3A, %dma_start3A_74, %dma_start3A_75] : memref<32x79x128xi32, #tpu.memory_space<hbm>> -> memref<1x40x128xi32, #tpu.memory_space<hbm>>
      %dma_start3A_77 = tpu.memref_squeeze %dma_start3A_76 : memref<1x40x128xi32, #tpu.memory_space<hbm>> -> memref<40x128xi32, #tpu.memory_space<hbm>>
      tpu.enqueue_dma source(%dma_start3A_77 : memref<40x128xi32, #tpu.memory_space<hbm>>) target(%dma_start3A_73 : memref<40x128xi32, #tpu.memory_space<vmem>>) target_semaphore(%run_scoped3A : memref<!tpu.dma_semaphore, #tpu.memory_space<semaphore_mem>>)
      %dma_wait3A = arith.constant 0 : i32
      %dma_wait3A_78 = arith.constant 0 : i32
      %dma_wait3A_79 = tpu.memref_slice %arg8[%dma_wait3A, %dma_wait3A_78] : memref<40x128xi32, #tpu.memory_space<vmem>> -> memref<40x128xi32, #tpu.memory_space<vmem>>
      %dma_wait3A_80 = arith.constant 0 : i32
      %dma_wait3A_81 = arith.constant 0 : i32
      %dma_wait3A_82 = tpu.memref_slice %arg4[%add3A, %dma_wait3A_80, %dma_wait3A_81] : memref<32x79x128xi32, #tpu.memory_space<hbm>> -> memref<1x40x128xi32, #tpu.memory_space<hbm>>
      %dma_wait3A_83 = tpu.memref_squeeze %dma_wait3A_82 : memref<1x40x128xi32, #tpu.memory_space<hbm>> -> memref<40x128xi32, #tpu.memory_space<hbm>>
      %dma_wait3A_84 = arith.constant 0 : i32
      %dma_wait3A_85 = arith.constant 0 : i32
      %dma_wait3A_86 = tpu.memref_slice %arg8[%dma_wait3A_84, %dma_wait3A_85] : memref<40x128xi32, #tpu.memory_space<vmem>> -> memref<40x128xi32, #tpu.memory_space<vmem>>
      %dma_wait3A_87 = arith.constant 0 : i32
      %dma_wait3A_88 = arith.constant 0 : i32
      %dma_wait3A_89 = tpu.memref_slice %arg4[%add3A, %dma_wait3A_87, %dma_wait3A_88] : memref<32x79x128xi32, #tpu.memory_space<hbm>> -> memref<1x40x128xi32, #tpu.memory_space<hbm>>
      %dma_wait3A_90 = tpu.memref_squeeze %dma_wait3A_89 : memref<1x40x128xi32, #tpu.memory_space<hbm>> -> memref<40x128xi32, #tpu.memory_space<hbm>>
      tpu.wait_dma2 semaphore(%run_scoped3A : memref<!tpu.dma_semaphore, #tpu.memory_space<semaphore_mem>>) src(%dma_wait3A_90 : memref<40x128xi32, #tpu.memory_space<hbm>>) dst(%dma_wait3A_86 : memref<40x128xi32, #tpu.memory_space<vmem>>)
      tpu.yield
    }) : () -> ()
    %dma_start3A = arith.constant 0 : i32
    %dma_start3A_21 = arith.constant 0 : i32
    %dma_start3A_22 = tpu.memref_slice %arg7[%dma_start3A, %dma_start3A_21] : memref<40x128xi32, #tpu.memory_space<vmem>> -> memref<1x128xi32, #tpu.memory_space<vmem>>
    %dma_start3A_23 = tpu.memref_squeeze %dma_start3A_22 : memref<1x128xi32, #tpu.memory_space<vmem>> -> memref<128xi32, #tpu.memory_space<vmem>>
    %dma_start3A_24 = arith.constant 0 : i32
    %dma_start3A_25 = arith.constant 0 : i32
    %dma_start3A_26 = tpu.memref_slice %arg2[%dma_start3A_24, %dma_start3A_25] : memref<10000x128xf32, #tpu.memory_space<hbm>> -> memref<10000x128xf32, #tpu.memory_space<hbm>>
    tpu.enqueue_indirect_dma source(%dma_start3A_26 : memref<10000x128xf32, #tpu.memory_space<hbm>>) target(%arg9 : memref<128x128xf32, #tpu.memory_space<vmem>>) offsets(%dma_start3A_23 : memref<128xi32, #tpu.memory_space<vmem>>) semaphore(%arg12 : memref<!tpu.dma_semaphore, #tpu.memory_space<semaphore_mem>>)
    %scan3A = arith.constant 0 : i32
    %scan3A_27 = arith.constant 40 : i32
    %scan3A_28 = arith.addi %scan3A, %scan3A_27 : i32
    %scan3A_29 = arith.constant 1 : i32
    scf.for %scan3A_64 = %scan3A to %scan3A_28 step %scan3A_29  : i32 {
      %jit3A = arith.constant 2 : i32
      %eq3A = arith.constant 0 : i32
      %eq3A_65 = arith.cmpi eq, %jit3A, %eq3A : i32
      %jit3A_66 = arith.constant 1 : i32
      %select_n3A = arith.select %eq3A_65, %jit3A_66, %jit3A : i32
      %rem3A = arith.remsi %scan3A_64, %select_n3A : i32
      %ne3A = arith.constant 0 : i32
      %ne3A_67 = arith.cmpi ne, %rem3A, %ne3A : i32
      %lt3A = arith.constant 0 : i32
      %lt3A_68 = arith.cmpi slt, %rem3A, %lt3A : i32
      %lt3A_69 = arith.constant 0 : i32
      %lt3A_70 = arith.cmpi slt, %select_n3A, %lt3A_69 : i32
      %ne3A_71 = arith.xori %lt3A_68, %lt3A_70 : i1
      %and3A = arith.andi %ne3A_71, %ne3A_67 : i1
      %add3A_72 = arith.addi %rem3A, %select_n3A : i32
      %select_n3A_73 = arith.select %and3A, %add3A_72, %rem3A : i32
      %eq3A_74 = arith.constant 0 : i32
      %eq3A_75 = arith.cmpi eq, %select_n3A_73, %eq3A_74 : i32
      %add3A_76 = arith.constant 1 : i32
      %add3A_77 = arith.addi %scan3A_64, %add3A_76 : i32
      %lt3A_78 = arith.constant 40 : i32
      %lt3A_79 = arith.cmpi slt, %add3A_77, %lt3A_78 : i32
      %and3A_80 = arith.andi %eq3A_75, %lt3A_79 : i1
      %convert_element_type3A = arith.extui %and3A_80 : i1 to i32
      %cond3A = arith.constant 0 : i32
      %cond3A_81 = arith.cmpi ne, %convert_element_type3A, %cond3A : i32
      scf.if %cond3A_81 {
        %add3A_150 = arith.constant 1 : i32
        %add3A_151 = arith.addi %scan3A_64, %add3A_150 : i32
        %dma_start3A_152 = arith.constant 0 : i32
        %dma_start3A_153 = tpu.memref_slice %arg7[%add3A_151, %dma_start3A_152] : memref<40x128xi32, #tpu.memory_space<vmem>> -> memref<1x128xi32, #tpu.memory_space<vmem>>
        %dma_start3A_154 = tpu.memref_squeeze %dma_start3A_153 : memref<1x128xi32, #tpu.memory_space<vmem>> -> memref<128xi32, #tpu.memory_space<vmem>>
        %dma_start3A_155 = arith.constant 0 : i32
        %dma_start3A_156 = arith.constant 0 : i32
        %dma_start3A_157 = tpu.memref_slice %arg2[%dma_start3A_155, %dma_start3A_156] : memref<10000x128xf32, #tpu.memory_space<hbm>> -> memref<10000x128xf32, #tpu.memory_space<hbm>>
        tpu.enqueue_indirect_dma source(%dma_start3A_157 : memref<10000x128xf32, #tpu.memory_space<hbm>>) target(%arg10 : memref<128x128xf32, #tpu.memory_space<vmem>>) offsets(%dma_start3A_154 : memref<128xi32, #tpu.memory_space<vmem>>) semaphore(%arg13 : memref<!tpu.dma_semaphore, #tpu.memory_space<semaphore_mem>>)
      } else {
      }
      %jit3A_82 = arith.constant 2 : i32
      %eq3A_83 = arith.constant 0 : i32
      %eq3A_84 = arith.cmpi eq, %jit3A_82, %eq3A_83 : i32
      %jit3A_85 = arith.constant 1 : i32
      %select_n3A_86 = arith.select %eq3A_84, %jit3A_85, %jit3A_82 : i32
      %rem3A_87 = arith.remsi %scan3A_64, %select_n3A_86 : i32
      %ne3A_88 = arith.constant 0 : i32
      %ne3A_89 = arith.cmpi ne, %rem3A_87, %ne3A_88 : i32
      %lt3A_90 = arith.constant 0 : i32
      %lt3A_91 = arith.cmpi slt, %rem3A_87, %lt3A_90 : i32
      %lt3A_92 = arith.constant 0 : i32
      %lt3A_93 = arith.cmpi slt, %select_n3A_86, %lt3A_92 : i32
      %ne3A_94 = arith.xori %lt3A_91, %lt3A_93 : i1
      %and3A_95 = arith.andi %ne3A_94, %ne3A_89 : i1
      %add3A_96 = arith.addi %rem3A_87, %select_n3A_86 : i32
      %select_n3A_97 = arith.select %and3A_95, %add3A_96, %rem3A_87 : i32
      %eq3A_98 = arith.constant 1 : i32
      %eq3A_99 = arith.cmpi eq, %select_n3A_97, %eq3A_98 : i32
      %add3A_100 = arith.constant 1 : i32
      %add3A_101 = arith.addi %scan3A_64, %add3A_100 : i32
      %lt3A_102 = arith.constant 40 : i32
      %lt3A_103 = arith.cmpi slt, %add3A_101, %lt3A_102 : i32
      %and3A_104 = arith.andi %eq3A_99, %lt3A_103 : i1
      %convert_element_type3A_105 = arith.extui %and3A_104 : i1 to i32
      %cond3A_106 = arith.constant 0 : i32
      %cond3A_107 = arith.cmpi ne, %convert_element_type3A_105, %cond3A_106 : i32
      scf.if %cond3A_107 {
        %add3A_150 = arith.constant 1 : i32
        %add3A_151 = arith.addi %scan3A_64, %add3A_150 : i32
        %dma_start3A_152 = arith.constant 0 : i32
        %dma_start3A_153 = tpu.memref_slice %arg7[%add3A_151, %dma_start3A_152] : memref<40x128xi32, #tpu.memory_space<vmem>> -> memref<1x128xi32, #tpu.memory_space<vmem>>
        %dma_start3A_154 = tpu.memref_squeeze %dma_start3A_153 : memref<1x128xi32, #tpu.memory_space<vmem>> -> memref<128xi32, #tpu.memory_space<vmem>>
        %dma_start3A_155 = arith.constant 0 : i32
        %dma_start3A_156 = arith.constant 0 : i32
        %dma_start3A_157 = tpu.memref_slice %arg2[%dma_start3A_155, %dma_start3A_156] : memref<10000x128xf32, #tpu.memory_space<hbm>> -> memref<10000x128xf32, #tpu.memory_space<hbm>>
        tpu.enqueue_indirect_dma source(%dma_start3A_157 : memref<10000x128xf32, #tpu.memory_space<hbm>>) target(%arg9 : memref<128x128xf32, #tpu.memory_space<vmem>>) offsets(%dma_start3A_154 : memref<128xi32, #tpu.memory_space<vmem>>) semaphore(%arg12 : memref<!tpu.dma_semaphore, #tpu.memory_space<semaphore_mem>>)
      } else {
      }
      %jit3A_108 = arith.constant 2 : i32
      %eq3A_109 = arith.constant 0 : i32
      %eq3A_110 = arith.cmpi eq, %jit3A_108, %eq3A_109 : i32
      %jit3A_111 = arith.constant 1 : i32
      %select_n3A_112 = arith.select %eq3A_110, %jit3A_111, %jit3A_108 : i32
      %rem3A_113 = arith.remsi %scan3A_64, %select_n3A_112 : i32
      %ne3A_114 = arith.constant 0 : i32
      %ne3A_115 = arith.cmpi ne, %rem3A_113, %ne3A_114 : i32
      %lt3A_116 = arith.constant 0 : i32
      %lt3A_117 = arith.cmpi slt, %rem3A_113, %lt3A_116 : i32
      %lt3A_118 = arith.constant 0 : i32
      %lt3A_119 = arith.cmpi slt, %select_n3A_112, %lt3A_118 : i32
      %ne3A_120 = arith.xori %lt3A_117, %lt3A_119 : i1
      %and3A_121 = arith.andi %ne3A_120, %ne3A_115 : i1
      %add3A_122 = arith.addi %rem3A_113, %select_n3A_112 : i32
      %select_n3A_123 = arith.select %and3A_121, %add3A_122, %rem3A_113 : i32
      %eq3A_124 = arith.constant 0 : i32
      %eq3A_125 = arith.cmpi eq, %select_n3A_123, %eq3A_124 : i32
      %convert_element_type3A_126 = arith.extui %eq3A_125 : i1 to i32
      %cond3A_127 = arith.constant 0 : i32
      %cond3A_128 = arith.cmpi ne, %convert_element_type3A_126, %cond3A_127 : i32
      scf.if %cond3A_128 {
        %dma_wait3A = arith.constant 0 : i32
        %dma_wait3A_150 = tpu.memref_slice %arg7[%scan3A_64, %dma_wait3A] : memref<40x128xi32, #tpu.memory_space<vmem>> -> memref<1x128xi32, #tpu.memory_space<vmem>>
        %dma_wait3A_151 = tpu.memref_squeeze %dma_wait3A_150 : memref<1x128xi32, #tpu.memory_space<vmem>> -> memref<128xi32, #tpu.memory_space<vmem>>
        %dma_wait3A_152 = arith.constant 0 : i32
        %dma_wait3A_153 = arith.constant 0 : i32
        %dma_wait3A_154 = tpu.memref_slice %arg2[%dma_wait3A_152, %dma_wait3A_153] : memref<10000x128xf32, #tpu.memory_space<hbm>> -> memref<10000x128xf32, #tpu.memory_space<hbm>>
        tpu.wait_indirect_dma semaphore(%arg12 : memref<!tpu.dma_semaphore, #tpu.memory_space<semaphore_mem>>) src(%dma_wait3A_154 : memref<10000x128xf32, #tpu.memory_space<hbm>>) dst(%arg9 : memref<128x128xf32, #tpu.memory_space<vmem>>)
        "tpu.region"() ({
          %run_scoped3A = tpu.sem_alloc : memref<!tpu.dma_semaphore, #tpu.memory_space<semaphore_mem>>
          %dma_start3A_155 = arith.constant 0 : i32
          %dma_start3A_156 = tpu.memref_slice %arg8[%scan3A_64, %dma_start3A_155] : memref<40x128xi32, #tpu.memory_space<vmem>> -> memref<1x128xi32, #tpu.memory_space<vmem>>
          %dma_start3A_157 = tpu.memref_squeeze %dma_start3A_156 : memref<1x128xi32, #tpu.memory_space<vmem>> -> memref<128xi32, #tpu.memory_space<vmem>>
          %dma_start3A_158 = arith.constant 0 : i32
          %dma_start3A_159 = arith.constant 0 : i32
          %dma_start3A_160 = tpu.memref_slice %arg11[%dma_start3A_158, %dma_start3A_159] : memref<10240x128xf32, #tpu.memory_space<vmem_shared>> -> memref<10240x128xf32, #tpu.memory_space<vmem_shared>>
          tpu.enqueue_indirect_dma source(%arg9 : memref<128x128xf32, #tpu.memory_space<vmem>>) target(%dma_start3A_160 : memref<10240x128xf32, #tpu.memory_space<vmem_shared>>) offsets(%dma_start3A_157 : memref<128xi32, #tpu.memory_space<vmem>>) semaphore(%run_scoped3A : memref<!tpu.dma_semaphore, #tpu.memory_space<semaphore_mem>>) {add = true}
          %dma_wait3A_161 = arith.constant 0 : i32
          %dma_wait3A_162 = tpu.memref_slice %arg8[%scan3A_64, %dma_wait3A_161] : memref<40x128xi32, #tpu.memory_space<vmem>> -> memref<1x128xi32, #tpu.memory_space<vmem>>
          %dma_wait3A_163 = tpu.memref_squeeze %dma_wait3A_162 : memref<1x128xi32, #tpu.memory_space<vmem>> -> memref<128xi32, #tpu.memory_space<vmem>>
          %dma_wait3A_164 = arith.constant 0 : i32
          %dma_wait3A_165 = arith.constant 0 : i32
          %dma_wait3A_166 = tpu.memref_slice %arg11[%dma_wait3A_164, %dma_wait3A_165] : memref<10240x128xf32, #tpu.memory_space<vmem_shared>> -> memref<10240x128xf32, #tpu.memory_space<vmem_shared>>
          tpu.wait_indirect_dma semaphore(%run_scoped3A : memref<!tpu.dma_semaphore, #tpu.memory_space<semaphore_mem>>) src(%arg9 : memref<128x128xf32, #tpu.memory_space<vmem>>) dst(%dma_wait3A_166 : memref<10240x128xf32, #tpu.memory_space<vmem_shared>>)
          tpu.yield
        }) : () -> ()
      } else {
      }
      %jit3A_129 = arith.constant 2 : i32
      %eq3A_130 = arith.constant 0 : i32
      %eq3A_131 = arith.cmpi eq, %jit3A_129, %eq3A_130 : i32
      %jit3A_132 = arith.constant 1 : i32
      %select_n3A_133 = arith.select %eq3A_131, %jit3A_132, %jit3A_129 : i32
      %rem3A_134 = arith.remsi %scan3A_64, %select_n3A_133 : i32
      %ne3A_135 = arith.constant 0 : i32
      %ne3A_136 = arith.cmpi ne, %rem3A_134, %ne3A_135 : i32
      %lt3A_137 = arith.constant 0 : i32
      %lt3A_138 = arith.cmpi slt, %rem3A_134, %lt3A_137 : i32
      %lt3A_139 = arith.constant 0 : i32
      %lt3A_140 = arith.cmpi slt, %select_n3A_133, %lt3A_139 : i32
      %ne3A_141 = arith.xori %lt3A_138, %lt3A_140 : i1
      %and3A_142 = arith.andi %ne3A_141, %ne3A_136 : i1
      %add3A_143 = arith.addi %rem3A_134, %select_n3A_133 : i32
      %select_n3A_144 = arith.select %and3A_142, %add3A_143, %rem3A_134 : i32
      %eq3A_145 = arith.constant 1 : i32
      %eq3A_146 = arith.cmpi eq, %select_n3A_144, %eq3A_145 : i32
      %convert_element_type3A_147 = arith.extui %eq3A_146 : i1 to i32
      %cond3A_148 = arith.constant 0 : i32
      %cond3A_149 = arith.cmpi ne, %convert_element_type3A_147, %cond3A_148 : i32
      scf.if %cond3A_149 {
        %dma_wait3A = arith.constant 0 : i32
        %dma_wait3A_150 = tpu.memref_slice %arg7[%scan3A_64, %dma_wait3A] : memref<40x128xi32, #tpu.memory_space<vmem>> -> memref<1x128xi32, #tpu.memory_space<vmem>>
        %dma_wait3A_151 = tpu.memref_squeeze %dma_wait3A_150 : memref<1x128xi32, #tpu.memory_space<vmem>> -> memref<128xi32, #tpu.memory_space<vmem>>
        %dma_wait3A_152 = arith.constant 0 : i32
        %dma_wait3A_153 = arith.constant 0 : i32
        %dma_wait3A_154 = tpu.memref_slice %arg2[%dma_wait3A_152, %dma_wait3A_153] : memref<10000x128xf32, #tpu.memory_space<hbm>> -> memref<10000x128xf32, #tpu.memory_space<hbm>>
        tpu.wait_indirect_dma semaphore(%arg13 : memref<!tpu.dma_semaphore, #tpu.memory_space<semaphore_mem>>) src(%dma_wait3A_154 : memref<10000x128xf32, #tpu.memory_space<hbm>>) dst(%arg10 : memref<128x128xf32, #tpu.memory_space<vmem>>)
        "tpu.region"() ({
          %run_scoped3A = tpu.sem_alloc : memref<!tpu.dma_semaphore, #tpu.memory_space<semaphore_mem>>
          %dma_start3A_155 = arith.constant 0 : i32
          %dma_start3A_156 = tpu.memref_slice %arg8[%scan3A_64, %dma_start3A_155] : memref<40x128xi32, #tpu.memory_space<vmem>> -> memref<1x128xi32, #tpu.memory_space<vmem>>
          %dma_start3A_157 = tpu.memref_squeeze %dma_start3A_156 : memref<1x128xi32, #tpu.memory_space<vmem>> -> memref<128xi32, #tpu.memory_space<vmem>>
          %dma_start3A_158 = arith.constant 0 : i32
          %dma_start3A_159 = arith.constant 0 : i32
          %dma_start3A_160 = tpu.memref_slice %arg11[%dma_start3A_158, %dma_start3A_159] : memref<10240x128xf32, #tpu.memory_space<vmem_shared>> -> memref<10240x128xf32, #tpu.memory_space<vmem_shared>>
          tpu.enqueue_indirect_dma source(%arg10 : memref<128x128xf32, #tpu.memory_space<vmem>>) target(%dma_start3A_160 : memref<10240x128xf32, #tpu.memory_space<vmem_shared>>) offsets(%dma_start3A_157 : memref<128xi32, #tpu.memory_space<vmem>>) semaphore(%run_scoped3A : memref<!tpu.dma_semaphore, #tpu.memory_space<semaphore_mem>>) {add = true}
          %dma_wait3A_161 = arith.constant 0 : i32
          %dma_wait3A_162 = tpu.memref_slice %arg8[%scan3A_64, %dma_wait3A_161] : memref<40x128xi32, #tpu.memory_space<vmem>> -> memref<1x128xi32, #tpu.memory_space<vmem>>
          %dma_wait3A_163 = tpu.memref_squeeze %dma_wait3A_162 : memref<1x128xi32, #tpu.memory_space<vmem>> -> memref<128xi32, #tpu.memory_space<vmem>>
          %dma_wait3A_164 = arith.constant 0 : i32
          %dma_wait3A_165 = arith.constant 0 : i32
          %dma_wait3A_166 = tpu.memref_slice %arg11[%dma_wait3A_164, %dma_wait3A_165] : memref<10240x128xf32, #tpu.memory_space<vmem_shared>> -> memref<10240x128xf32, #tpu.memory_space<vmem_shared>>
          tpu.wait_indirect_dma semaphore(%run_scoped3A : memref<!tpu.dma_semaphore, #tpu.memory_space<semaphore_mem>>) src(%arg10 : memref<128x128xf32, #tpu.memory_space<vmem>>) dst(%dma_wait3A_166 : memref<10240x128xf32, #tpu.memory_space<vmem_shared>>)
          tpu.yield
        }) : () -> ()
      } else {
      }
    }
    %scan3A_30 = arith.constant 40 : i32
    "tpu.region"() ({
      %run_scoped3A = tpu.sem_alloc : memref<!tpu.dma_semaphore, #tpu.memory_space<semaphore_mem>>
      %dma_start3A_64 = arith.constant 0 : i32
      %dma_start3A_65 = arith.constant 0 : i32
      %dma_start3A_66 = tpu.memref_slice %arg7[%dma_start3A_64, %dma_start3A_65] : memref<40x128xi32, #tpu.memory_space<vmem>> -> memref<39x128xi32, #tpu.memory_space<vmem>>
      %dma_start3A_67 = arith.constant 40 : i32
      %dma_start3A_68 = arith.constant 0 : i32
      %dma_start3A_69 = tpu.memref_slice %arg3[%add3A, %dma_start3A_67, %dma_start3A_68] : memref<32x79x128xi32, #tpu.memory_space<hbm>> -> memref<1x39x128xi32, #tpu.memory_space<hbm>>
      %dma_start3A_70 = tpu.memref_squeeze %dma_start3A_69 : memref<1x39x128xi32, #tpu.memory_space<hbm>> -> memref<39x128xi32, #tpu.memory_space<hbm>>
      %dma_start3A_71 = arith.constant 0 : i32
      %dma_start3A_72 = arith.constant 0 : i32
      %dma_start3A_73 = tpu.memref_slice %arg7[%dma_start3A_71, %dma_start3A_72] : memref<40x128xi32, #tpu.memory_space<vmem>> -> memref<39x128xi32, #tpu.memory_space<vmem>>
      %dma_start3A_74 = arith.constant 40 : i32
      %dma_start3A_75 = arith.constant 0 : i32
      %dma_start3A_76 = tpu.memref_slice %arg3[%add3A, %dma_start3A_74, %dma_start3A_75] : memref<32x79x128xi32, #tpu.memory_space<hbm>> -> memref<1x39x128xi32, #tpu.memory_space<hbm>>
      %dma_start3A_77 = tpu.memref_squeeze %dma_start3A_76 : memref<1x39x128xi32, #tpu.memory_space<hbm>> -> memref<39x128xi32, #tpu.memory_space<hbm>>
      tpu.enqueue_dma source(%dma_start3A_77 : memref<39x128xi32, #tpu.memory_space<hbm>>) target(%dma_start3A_73 : memref<39x128xi32, #tpu.memory_space<vmem>>) target_semaphore(%run_scoped3A : memref<!tpu.dma_semaphore, #tpu.memory_space<semaphore_mem>>)
      %dma_wait3A = arith.constant 0 : i32
      %dma_wait3A_78 = arith.constant 0 : i32
      %dma_wait3A_79 = tpu.memref_slice %arg7[%dma_wait3A, %dma_wait3A_78] : memref<40x128xi32, #tpu.memory_space<vmem>> -> memref<39x128xi32, #tpu.memory_space<vmem>>
      %dma_wait3A_80 = arith.constant 40 : i32
      %dma_wait3A_81 = arith.constant 0 : i32
      %dma_wait3A_82 = tpu.memref_slice %arg3[%add3A, %dma_wait3A_80, %dma_wait3A_81] : memref<32x79x128xi32, #tpu.memory_space<hbm>> -> memref<1x39x128xi32, #tpu.memory_space<hbm>>
      %dma_wait3A_83 = tpu.memref_squeeze %dma_wait3A_82 : memref<1x39x128xi32, #tpu.memory_space<hbm>> -> memref<39x128xi32, #tpu.memory_space<hbm>>
      %dma_wait3A_84 = arith.constant 0 : i32
      %dma_wait3A_85 = arith.constant 0 : i32
      %dma_wait3A_86 = tpu.memref_slice %arg7[%dma_wait3A_84, %dma_wait3A_85] : memref<40x128xi32, #tpu.memory_space<vmem>> -> memref<39x128xi32, #tpu.memory_space<vmem>>
      %dma_wait3A_87 = arith.constant 40 : i32
      %dma_wait3A_88 = arith.constant 0 : i32
      %dma_wait3A_89 = tpu.memref_slice %arg3[%add3A, %dma_wait3A_87, %dma_wait3A_88] : memref<32x79x128xi32, #tpu.memory_space<hbm>> -> memref<1x39x128xi32, #tpu.memory_space<hbm>>
      %dma_wait3A_90 = tpu.memref_squeeze %dma_wait3A_89 : memref<1x39x128xi32, #tpu.memory_space<hbm>> -> memref<39x128xi32, #tpu.memory_space<hbm>>
      tpu.wait_dma2 semaphore(%run_scoped3A : memref<!tpu.dma_semaphore, #tpu.memory_space<semaphore_mem>>) src(%dma_wait3A_90 : memref<39x128xi32, #tpu.memory_space<hbm>>) dst(%dma_wait3A_86 : memref<39x128xi32, #tpu.memory_space<vmem>>)
      tpu.yield
    }) : () -> ()
    "tpu.region"() ({
      %run_scoped3A = tpu.sem_alloc : memref<!tpu.dma_semaphore, #tpu.memory_space<semaphore_mem>>
      %dma_start3A_64 = arith.constant 0 : i32
      %dma_start3A_65 = arith.constant 0 : i32
      %dma_start3A_66 = tpu.memref_slice %arg8[%dma_start3A_64, %dma_start3A_65] : memref<40x128xi32, #tpu.memory_space<vmem>> -> memref<39x128xi32, #tpu.memory_space<vmem>>
      %dma_start3A_67 = arith.constant 40 : i32
      %dma_start3A_68 = arith.constant 0 : i32
      %dma_start3A_69 = tpu.memref_slice %arg4[%add3A, %dma_start3A_67, %dma_start3A_68] : memref<32x79x128xi32, #tpu.memory_space<hbm>> -> memref<1x39x128xi32, #tpu.memory_space<hbm>>
      %dma_start3A_70 = tpu.memref_squeeze %dma_start3A_69 : memref<1x39x128xi32, #tpu.memory_space<hbm>> -> memref<39x128xi32, #tpu.memory_space<hbm>>
      %dma_start3A_71 = arith.constant 0 : i32
      %dma_start3A_72 = arith.constant 0 : i32
      %dma_start3A_73 = tpu.memref_slice %arg8[%dma_start3A_71, %dma_start3A_72] : memref<40x128xi32, #tpu.memory_space<vmem>> -> memref<39x128xi32, #tpu.memory_space<vmem>>
      %dma_start3A_74 = arith.constant 40 : i32
      %dma_start3A_75 = arith.constant 0 : i32
      %dma_start3A_76 = tpu.memref_slice %arg4[%add3A, %dma_start3A_74, %dma_start3A_75] : memref<32x79x128xi32, #tpu.memory_space<hbm>> -> memref<1x39x128xi32, #tpu.memory_space<hbm>>
      %dma_start3A_77 = tpu.memref_squeeze %dma_start3A_76 : memref<1x39x128xi32, #tpu.memory_space<hbm>> -> memref<39x128xi32, #tpu.memory_space<hbm>>
      tpu.enqueue_dma source(%dma_start3A_77 : memref<39x128xi32, #tpu.memory_space<hbm>>) target(%dma_start3A_73 : memref<39x128xi32, #tpu.memory_space<vmem>>) target_semaphore(%run_scoped3A : memref<!tpu.dma_semaphore, #tpu.memory_space<semaphore_mem>>)
      %dma_wait3A = arith.constant 0 : i32
      %dma_wait3A_78 = arith.constant 0 : i32
      %dma_wait3A_79 = tpu.memref_slice %arg8[%dma_wait3A, %dma_wait3A_78] : memref<40x128xi32, #tpu.memory_space<vmem>> -> memref<39x128xi32, #tpu.memory_space<vmem>>
      %dma_wait3A_80 = arith.constant 40 : i32
      %dma_wait3A_81 = arith.constant 0 : i32
      %dma_wait3A_82 = tpu.memref_slice %arg4[%add3A, %dma_wait3A_80, %dma_wait3A_81] : memref<32x79x128xi32, #tpu.memory_space<hbm>> -> memref<1x39x128xi32, #tpu.memory_space<hbm>>
      %dma_wait3A_83 = tpu.memref_squeeze %dma_wait3A_82 : memref<1x39x128xi32, #tpu.memory_space<hbm>> -> memref<39x128xi32, #tpu.memory_space<hbm>>
      %dma_wait3A_84 = arith.constant 0 : i32
      %dma_wait3A_85 = arith.constant 0 : i32
      %dma_wait3A_86 = tpu.memref_slice %arg8[%dma_wait3A_84, %dma_wait3A_85] : memref<40x128xi32, #tpu.memory_space<vmem>> -> memref<39x128xi32, #tpu.memory_space<vmem>>
      %dma_wait3A_87 = arith.constant 40 : i32
      %dma_wait3A_88 = arith.constant 0 : i32
      %dma_wait3A_89 = tpu.memref_slice %arg4[%add3A, %dma_wait3A_87, %dma_wait3A_88] : memref<32x79x128xi32, #tpu.memory_space<hbm>> -> memref<1x39x128xi32, #tpu.memory_space<hbm>>
      %dma_wait3A_90 = tpu.memref_squeeze %dma_wait3A_89 : memref<1x39x128xi32, #tpu.memory_space<hbm>> -> memref<39x128xi32, #tpu.memory_space<hbm>>
      tpu.wait_dma2 semaphore(%run_scoped3A : memref<!tpu.dma_semaphore, #tpu.memory_space<semaphore_mem>>) src(%dma_wait3A_90 : memref<39x128xi32, #tpu.memory_space<hbm>>) dst(%dma_wait3A_86 : memref<39x128xi32, #tpu.memory_space<vmem>>)
      tpu.yield
    }) : () -> ()
    %dma_start3A_31 = arith.constant 0 : i32
    %dma_start3A_32 = arith.constant 0 : i32
    %dma_start3A_33 = tpu.memref_slice %arg7[%dma_start3A_31, %dma_start3A_32] : memref<40x128xi32, #tpu.memory_space<vmem>> -> memref<1x128xi32, #tpu.memory_space<vmem>>
    %dma_start3A_34 = tpu.memref_squeeze %dma_start3A_33 : memref<1x128xi32, #tpu.memory_space<vmem>> -> memref<128xi32, #tpu.memory_space<vmem>>
    %dma_start3A_35 = arith.constant 0 : i32
    %dma_start3A_36 = arith.constant 0 : i32
    %dma_start3A_37 = tpu.memref_slice %arg2[%dma_start3A_35, %dma_start3A_36] : memref<10000x128xf32, #tpu.memory_space<hbm>> -> memref<10000x128xf32, #tpu.memory_space<hbm>>
    tpu.enqueue_indirect_dma source(%dma_start3A_37 : memref<10000x128xf32, #tpu.memory_space<hbm>>) target(%arg9 : memref<128x128xf32, #tpu.memory_space<vmem>>) offsets(%dma_start3A_34 : memref<128xi32, #tpu.memory_space<vmem>>) semaphore(%arg12 : memref<!tpu.dma_semaphore, #tpu.memory_space<semaphore_mem>>)
    %scan3A_38 = arith.constant 0 : i32
    %scan3A_39 = arith.constant 39 : i32
    %scan3A_40 = arith.addi %scan3A_38, %scan3A_39 : i32
    %scan3A_41 = arith.constant 1 : i32
    scf.for %scan3A_64 = %scan3A_38 to %scan3A_40 step %scan3A_41  : i32 {
      %jit3A = arith.constant 2 : i32
      %eq3A = arith.constant 0 : i32
      %eq3A_65 = arith.cmpi eq, %jit3A, %eq3A : i32
      %jit3A_66 = arith.constant 1 : i32
      %select_n3A = arith.select %eq3A_65, %jit3A_66, %jit3A : i32
      %rem3A = arith.remsi %scan3A_64, %select_n3A : i32
      %ne3A = arith.constant 0 : i32
      %ne3A_67 = arith.cmpi ne, %rem3A, %ne3A : i32
      %lt3A = arith.constant 0 : i32
      %lt3A_68 = arith.cmpi slt, %rem3A, %lt3A : i32
      %lt3A_69 = arith.constant 0 : i32
      %lt3A_70 = arith.cmpi slt, %select_n3A, %lt3A_69 : i32
      %ne3A_71 = arith.xori %lt3A_68, %lt3A_70 : i1
      %and3A = arith.andi %ne3A_71, %ne3A_67 : i1
      %add3A_72 = arith.addi %rem3A, %select_n3A : i32
      %select_n3A_73 = arith.select %and3A, %add3A_72, %rem3A : i32
      %eq3A_74 = arith.constant 0 : i32
      %eq3A_75 = arith.cmpi eq, %select_n3A_73, %eq3A_74 : i32
      %add3A_76 = arith.constant 1 : i32
      %add3A_77 = arith.addi %scan3A_64, %add3A_76 : i32
      %lt3A_78 = arith.constant 39 : i32
      %lt3A_79 = arith.cmpi slt, %add3A_77, %lt3A_78 : i32
      %and3A_80 = arith.andi %eq3A_75, %lt3A_79 : i1
      %convert_element_type3A = arith.extui %and3A_80 : i1 to i32
      %cond3A = arith.constant 0 : i32
      %cond3A_81 = arith.cmpi ne, %convert_element_type3A, %cond3A : i32
      scf.if %cond3A_81 {
        %add3A_150 = arith.constant 1 : i32
        %add3A_151 = arith.addi %scan3A_64, %add3A_150 : i32
        %dma_start3A_152 = arith.constant 0 : i32
        %dma_start3A_153 = tpu.memref_slice %arg7[%add3A_151, %dma_start3A_152] : memref<40x128xi32, #tpu.memory_space<vmem>> -> memref<1x128xi32, #tpu.memory_space<vmem>>
        %dma_start3A_154 = tpu.memref_squeeze %dma_start3A_153 : memref<1x128xi32, #tpu.memory_space<vmem>> -> memref<128xi32, #tpu.memory_space<vmem>>
        %dma_start3A_155 = arith.constant 0 : i32
        %dma_start3A_156 = arith.constant 0 : i32
        %dma_start3A_157 = tpu.memref_slice %arg2[%dma_start3A_155, %dma_start3A_156] : memref<10000x128xf32, #tpu.memory_space<hbm>> -> memref<10000x128xf32, #tpu.memory_space<hbm>>
        tpu.enqueue_indirect_dma source(%dma_start3A_157 : memref<10000x128xf32, #tpu.memory_space<hbm>>) target(%arg10 : memref<128x128xf32, #tpu.memory_space<vmem>>) offsets(%dma_start3A_154 : memref<128xi32, #tpu.memory_space<vmem>>) semaphore(%arg13 : memref<!tpu.dma_semaphore, #tpu.memory_space<semaphore_mem>>)
      } else {
      }
      %jit3A_82 = arith.constant 2 : i32
      %eq3A_83 = arith.constant 0 : i32
      %eq3A_84 = arith.cmpi eq, %jit3A_82, %eq3A_83 : i32
      %jit3A_85 = arith.constant 1 : i32
      %select_n3A_86 = arith.select %eq3A_84, %jit3A_85, %jit3A_82 : i32
      %rem3A_87 = arith.remsi %scan3A_64, %select_n3A_86 : i32
      %ne3A_88 = arith.constant 0 : i32
      %ne3A_89 = arith.cmpi ne, %rem3A_87, %ne3A_88 : i32
      %lt3A_90 = arith.constant 0 : i32
      %lt3A_91 = arith.cmpi slt, %rem3A_87, %lt3A_90 : i32
      %lt3A_92 = arith.constant 0 : i32
      %lt3A_93 = arith.cmpi slt, %select_n3A_86, %lt3A_92 : i32
      %ne3A_94 = arith.xori %lt3A_91, %lt3A_93 : i1
      %and3A_95 = arith.andi %ne3A_94, %ne3A_89 : i1
      %add3A_96 = arith.addi %rem3A_87, %select_n3A_86 : i32
      %select_n3A_97 = arith.select %and3A_95, %add3A_96, %rem3A_87 : i32
      %eq3A_98 = arith.constant 1 : i32
      %eq3A_99 = arith.cmpi eq, %select_n3A_97, %eq3A_98 : i32
      %add3A_100 = arith.constant 1 : i32
      %add3A_101 = arith.addi %scan3A_64, %add3A_100 : i32
      %lt3A_102 = arith.constant 39 : i32
      %lt3A_103 = arith.cmpi slt, %add3A_101, %lt3A_102 : i32
      %and3A_104 = arith.andi %eq3A_99, %lt3A_103 : i1
      %convert_element_type3A_105 = arith.extui %and3A_104 : i1 to i32
      %cond3A_106 = arith.constant 0 : i32
      %cond3A_107 = arith.cmpi ne, %convert_element_type3A_105, %cond3A_106 : i32
      scf.if %cond3A_107 {
        %add3A_150 = arith.constant 1 : i32
        %add3A_151 = arith.addi %scan3A_64, %add3A_150 : i32
        %dma_start3A_152 = arith.constant 0 : i32
        %dma_start3A_153 = tpu.memref_slice %arg7[%add3A_151, %dma_start3A_152] : memref<40x128xi32, #tpu.memory_space<vmem>> -> memref<1x128xi32, #tpu.memory_space<vmem>>
        %dma_start3A_154 = tpu.memref_squeeze %dma_start3A_153 : memref<1x128xi32, #tpu.memory_space<vmem>> -> memref<128xi32, #tpu.memory_space<vmem>>
        %dma_start3A_155 = arith.constant 0 : i32
        %dma_start3A_156 = arith.constant 0 : i32
        %dma_start3A_157 = tpu.memref_slice %arg2[%dma_start3A_155, %dma_start3A_156] : memref<10000x128xf32, #tpu.memory_space<hbm>> -> memref<10000x128xf32, #tpu.memory_space<hbm>>
        tpu.enqueue_indirect_dma source(%dma_start3A_157 : memref<10000x128xf32, #tpu.memory_space<hbm>>) target(%arg9 : memref<128x128xf32, #tpu.memory_space<vmem>>) offsets(%dma_start3A_154 : memref<128xi32, #tpu.memory_space<vmem>>) semaphore(%arg12 : memref<!tpu.dma_semaphore, #tpu.memory_space<semaphore_mem>>)
      } else {
      }
      %jit3A_108 = arith.constant 2 : i32
      %eq3A_109 = arith.constant 0 : i32
      %eq3A_110 = arith.cmpi eq, %jit3A_108, %eq3A_109 : i32
      %jit3A_111 = arith.constant 1 : i32
      %select_n3A_112 = arith.select %eq3A_110, %jit3A_111, %jit3A_108 : i32
      %rem3A_113 = arith.remsi %scan3A_64, %select_n3A_112 : i32
      %ne3A_114 = arith.constant 0 : i32
      %ne3A_115 = arith.cmpi ne, %rem3A_113, %ne3A_114 : i32
      %lt3A_116 = arith.constant 0 : i32
      %lt3A_117 = arith.cmpi slt, %rem3A_113, %lt3A_116 : i32
      %lt3A_118 = arith.constant 0 : i32
      %lt3A_119 = arith.cmpi slt, %select_n3A_112, %lt3A_118 : i32
      %ne3A_120 = arith.xori %lt3A_117, %lt3A_119 : i1
      %and3A_121 = arith.andi %ne3A_120, %ne3A_115 : i1
      %add3A_122 = arith.addi %rem3A_113, %select_n3A_112 : i32
      %select_n3A_123 = arith.select %and3A_121, %add3A_122, %rem3A_113 : i32
      %eq3A_124 = arith.constant 0 : i32
      %eq3A_125 = arith.cmpi eq, %select_n3A_123, %eq3A_124 : i32
      %convert_element_type3A_126 = arith.extui %eq3A_125 : i1 to i32
      %cond3A_127 = arith.constant 0 : i32
      %cond3A_128 = arith.cmpi ne, %convert_element_type3A_126, %cond3A_127 : i32
      scf.if %cond3A_128 {
        %dma_wait3A = arith.constant 0 : i32
        %dma_wait3A_150 = tpu.memref_slice %arg7[%scan3A_64, %dma_wait3A] : memref<40x128xi32, #tpu.memory_space<vmem>> -> memref<1x128xi32, #tpu.memory_space<vmem>>
        %dma_wait3A_151 = tpu.memref_squeeze %dma_wait3A_150 : memref<1x128xi32, #tpu.memory_space<vmem>> -> memref<128xi32, #tpu.memory_space<vmem>>
        %dma_wait3A_152 = arith.constant 0 : i32
        %dma_wait3A_153 = arith.constant 0 : i32
        %dma_wait3A_154 = tpu.memref_slice %arg2[%dma_wait3A_152, %dma_wait3A_153] : memref<10000x128xf32, #tpu.memory_space<hbm>> -> memref<10000x128xf32, #tpu.memory_space<hbm>>
        tpu.wait_indirect_dma semaphore(%arg12 : memref<!tpu.dma_semaphore, #tpu.memory_space<semaphore_mem>>) src(%dma_wait3A_154 : memref<10000x128xf32, #tpu.memory_space<hbm>>) dst(%arg9 : memref<128x128xf32, #tpu.memory_space<vmem>>)
        "tpu.region"() ({
          %run_scoped3A = tpu.sem_alloc : memref<!tpu.dma_semaphore, #tpu.memory_space<semaphore_mem>>
          %dma_start3A_155 = arith.constant 0 : i32
          %dma_start3A_156 = tpu.memref_slice %arg8[%scan3A_64, %dma_start3A_155] : memref<40x128xi32, #tpu.memory_space<vmem>> -> memref<1x128xi32, #tpu.memory_space<vmem>>
          %dma_start3A_157 = tpu.memref_squeeze %dma_start3A_156 : memref<1x128xi32, #tpu.memory_space<vmem>> -> memref<128xi32, #tpu.memory_space<vmem>>
          %dma_start3A_158 = arith.constant 0 : i32
          %dma_start3A_159 = arith.constant 0 : i32
          %dma_start3A_160 = tpu.memref_slice %arg11[%dma_start3A_158, %dma_start3A_159] : memref<10240x128xf32, #tpu.memory_space<vmem_shared>> -> memref<10240x128xf32, #tpu.memory_space<vmem_shared>>
          tpu.enqueue_indirect_dma source(%arg9 : memref<128x128xf32, #tpu.memory_space<vmem>>) target(%dma_start3A_160 : memref<10240x128xf32, #tpu.memory_space<vmem_shared>>) offsets(%dma_start3A_157 : memref<128xi32, #tpu.memory_space<vmem>>) semaphore(%run_scoped3A : memref<!tpu.dma_semaphore, #tpu.memory_space<semaphore_mem>>) {add = true}
          %dma_wait3A_161 = arith.constant 0 : i32
          %dma_wait3A_162 = tpu.memref_slice %arg8[%scan3A_64, %dma_wait3A_161] : memref<40x128xi32, #tpu.memory_space<vmem>> -> memref<1x128xi32, #tpu.memory_space<vmem>>
          %dma_wait3A_163 = tpu.memref_squeeze %dma_wait3A_162 : memref<1x128xi32, #tpu.memory_space<vmem>> -> memref<128xi32, #tpu.memory_space<vmem>>
          %dma_wait3A_164 = arith.constant 0 : i32
          %dma_wait3A_165 = arith.constant 0 : i32
          %dma_wait3A_166 = tpu.memref_slice %arg11[%dma_wait3A_164, %dma_wait3A_165] : memref<10240x128xf32, #tpu.memory_space<vmem_shared>> -> memref<10240x128xf32, #tpu.memory_space<vmem_shared>>
          tpu.wait_indirect_dma semaphore(%run_scoped3A : memref<!tpu.dma_semaphore, #tpu.memory_space<semaphore_mem>>) src(%arg9 : memref<128x128xf32, #tpu.memory_space<vmem>>) dst(%dma_wait3A_166 : memref<10240x128xf32, #tpu.memory_space<vmem_shared>>)
          tpu.yield
        }) : () -> ()
      } else {
      }
      %jit3A_129 = arith.constant 2 : i32
      %eq3A_130 = arith.constant 0 : i32
      %eq3A_131 = arith.cmpi eq, %jit3A_129, %eq3A_130 : i32
      %jit3A_132 = arith.constant 1 : i32
      %select_n3A_133 = arith.select %eq3A_131, %jit3A_132, %jit3A_129 : i32
      %rem3A_134 = arith.remsi %scan3A_64, %select_n3A_133 : i32
      %ne3A_135 = arith.constant 0 : i32
      %ne3A_136 = arith.cmpi ne, %rem3A_134, %ne3A_135 : i32
      %lt3A_137 = arith.constant 0 : i32
      %lt3A_138 = arith.cmpi slt, %rem3A_134, %lt3A_137 : i32
      %lt3A_139 = arith.constant 0 : i32
      %lt3A_140 = arith.cmpi slt, %select_n3A_133, %lt3A_139 : i32
      %ne3A_141 = arith.xori %lt3A_138, %lt3A_140 : i1
      %and3A_142 = arith.andi %ne3A_141, %ne3A_136 : i1
      %add3A_143 = arith.addi %rem3A_134, %select_n3A_133 : i32
      %select_n3A_144 = arith.select %and3A_142, %add3A_143, %rem3A_134 : i32
      %eq3A_145 = arith.constant 1 : i32
      %eq3A_146 = arith.cmpi eq, %select_n3A_144, %eq3A_145 : i32
      %convert_element_type3A_147 = arith.extui %eq3A_146 : i1 to i32
      %cond3A_148 = arith.constant 0 : i32
      %cond3A_149 = arith.cmpi ne, %convert_element_type3A_147, %cond3A_148 : i32
      scf.if %cond3A_149 {
        %dma_wait3A = arith.constant 0 : i32
        %dma_wait3A_150 = tpu.memref_slice %arg7[%scan3A_64, %dma_wait3A] : memref<40x128xi32, #tpu.memory_space<vmem>> -> memref<1x128xi32, #tpu.memory_space<vmem>>
        %dma_wait3A_151 = tpu.memref_squeeze %dma_wait3A_150 : memref<1x128xi32, #tpu.memory_space<vmem>> -> memref<128xi32, #tpu.memory_space<vmem>>
        %dma_wait3A_152 = arith.constant 0 : i32
        %dma_wait3A_153 = arith.constant 0 : i32
        %dma_wait3A_154 = tpu.memref_slice %arg2[%dma_wait3A_152, %dma_wait3A_153] : memref<10000x128xf32, #tpu.memory_space<hbm>> -> memref<10000x128xf32, #tpu.memory_space<hbm>>
        tpu.wait_indirect_dma semaphore(%arg13 : memref<!tpu.dma_semaphore, #tpu.memory_space<semaphore_mem>>) src(%dma_wait3A_154 : memref<10000x128xf32, #tpu.memory_space<hbm>>) dst(%arg10 : memref<128x128xf32, #tpu.memory_space<vmem>>)
        "tpu.region"() ({
          %run_scoped3A = tpu.sem_alloc : memref<!tpu.dma_semaphore, #tpu.memory_space<semaphore_mem>>
          %dma_start3A_155 = arith.constant 0 : i32
          %dma_start3A_156 = tpu.memref_slice %arg8[%scan3A_64, %dma_start3A_155] : memref<40x128xi32, #tpu.memory_space<vmem>> -> memref<1x128xi32, #tpu.memory_space<vmem>>
          %dma_start3A_157 = tpu.memref_squeeze %dma_start3A_156 : memref<1x128xi32, #tpu.memory_space<vmem>> -> memref<128xi32, #tpu.memory_space<vmem>>
          %dma_start3A_158 = arith.constant 0 : i32
          %dma_start3A_159 = arith.constant 0 : i32
          %dma_start3A_160 = tpu.memref_slice %arg11[%dma_start3A_158, %dma_start3A_159] : memref<10240x128xf32, #tpu.memory_space<vmem_shared>> -> memref<10240x128xf32, #tpu.memory_space<vmem_shared>>
          tpu.enqueue_indirect_dma source(%arg10 : memref<128x128xf32, #tpu.memory_space<vmem>>) target(%dma_start3A_160 : memref<10240x128xf32, #tpu.memory_space<vmem_shared>>) offsets(%dma_start3A_157 : memref<128xi32, #tpu.memory_space<vmem>>) semaphore(%run_scoped3A : memref<!tpu.dma_semaphore, #tpu.memory_space<semaphore_mem>>) {add = true}
          %dma_wait3A_161 = arith.constant 0 : i32
          %dma_wait3A_162 = tpu.memref_slice %arg8[%scan3A_64, %dma_wait3A_161] : memref<40x128xi32, #tpu.memory_space<vmem>> -> memref<1x128xi32, #tpu.memory_space<vmem>>
          %dma_wait3A_163 = tpu.memref_squeeze %dma_wait3A_162 : memref<1x128xi32, #tpu.memory_space<vmem>> -> memref<128xi32, #tpu.memory_space<vmem>>
          %dma_wait3A_164 = arith.constant 0 : i32
          %dma_wait3A_165 = arith.constant 0 : i32
          %dma_wait3A_166 = tpu.memref_slice %arg11[%dma_wait3A_164, %dma_wait3A_165] : memref<10240x128xf32, #tpu.memory_space<vmem_shared>> -> memref<10240x128xf32, #tpu.memory_space<vmem_shared>>
          tpu.wait_indirect_dma semaphore(%run_scoped3A : memref<!tpu.dma_semaphore, #tpu.memory_space<semaphore_mem>>) src(%arg10 : memref<128x128xf32, #tpu.memory_space<vmem>>) dst(%dma_wait3A_166 : memref<10240x128xf32, #tpu.memory_space<vmem_shared>>)
          tpu.yield
        }) : () -> ()
      } else {
      }
    }
    %scan3A_42 = arith.constant 39 : i32
    %barrier3A_43 = arith.constant 0 : index
    tpu.barrier barrier_id(%barrier3A_43)
    %mul3A_44 = arith.constant 640 : i32
    %mul3A_45 = arith.muli %arg1, %mul3A_44 : i32
    %add3A_46 = arith.constant 0 : i32
    %add3A_47 = arith.addi %mul3A_45, %add3A_46 : i32
    "tpu.region"() ({
      %run_scoped3A = tpu.sem_alloc : memref<!tpu.dma_semaphore, #tpu.memory_space<semaphore_mem>>
      %dma_start3A_64 = arith.constant 0 : i32
      %dma_start3A_65 = tpu.memref_slice %arg11[%add3A_47, %dma_start3A_64] : memref<10240x128xf32, #tpu.memory_space<vmem_shared>> -> memref<128x128xf32, #tpu.memory_space<vmem_shared>>
      %dma_start3A_66 = arith.constant 0 : i32
      %dma_start3A_67 = tpu.memref_slice %arg11[%add3A_47, %dma_start3A_66] : memref<10240x128xf32, #tpu.memory_space<vmem_shared>> -> memref<128x128xf32, #tpu.memory_space<vmem_shared>>
      tpu.enqueue_dma source(%dma_start3A_67 : memref<128x128xf32, #tpu.memory_space<vmem_shared>>) target(%arg9 : memref<128x128xf32, #tpu.memory_space<vmem>>) target_semaphore(%run_scoped3A : memref<!tpu.dma_semaphore, #tpu.memory_space<semaphore_mem>>)
      %dma_wait3A = arith.constant 0 : i32
      %dma_wait3A_68 = tpu.memref_slice %arg11[%add3A_47, %dma_wait3A] : memref<10240x128xf32, #tpu.memory_space<vmem_shared>> -> memref<128x128xf32, #tpu.memory_space<vmem_shared>>
      %dma_wait3A_69 = arith.constant 0 : i32
      %dma_wait3A_70 = tpu.memref_slice %arg11[%add3A_47, %dma_wait3A_69] : memref<10240x128xf32, #tpu.memory_space<vmem_shared>> -> memref<128x128xf32, #tpu.memory_space<vmem_shared>>
      tpu.wait_dma2 semaphore(%run_scoped3A : memref<!tpu.dma_semaphore, #tpu.memory_space<semaphore_mem>>) src(%dma_wait3A_70 : memref<128x128xf32, #tpu.memory_space<vmem_shared>>) dst(%arg9 : memref<128x128xf32, #tpu.memory_space<vmem>>)
      tpu.yield
    }) : () -> ()
    "tpu.region"() ({
      %run_scoped3A = tpu.sem_alloc : memref<!tpu.dma_semaphore, #tpu.memory_space<semaphore_mem>>
      %dma_start3A_64 = arith.constant 0 : i32
      %dma_start3A_65 = tpu.memref_slice %arg6[%arg0, %add3A_47, %dma_start3A_64] : memref<2x10240x128xf32, #tpu.memory_space<hbm>> -> memref<1x128x128xf32, #tpu.memory_space<hbm>>
      %dma_start3A_66 = tpu.memref_squeeze %dma_start3A_65 : memref<1x128x128xf32, #tpu.memory_space<hbm>> -> memref<128x128xf32, #tpu.memory_space<hbm>>
      %dma_start3A_67 = arith.constant 0 : i32
      %dma_start3A_68 = tpu.memref_slice %arg6[%arg0, %add3A_47, %dma_start3A_67] : memref<2x10240x128xf32, #tpu.memory_space<hbm>> -> memref<1x128x128xf32, #tpu.memory_space<hbm>>
      %dma_start3A_69 = tpu.memref_squeeze %dma_start3A_68 : memref<1x128x128xf32, #tpu.memory_space<hbm>> -> memref<128x128xf32, #tpu.memory_space<hbm>>
      tpu.enqueue_dma source(%arg9 : memref<128x128xf32, #tpu.memory_space<vmem>>) target(%dma_start3A_69 : memref<128x128xf32, #tpu.memory_space<hbm>>) target_semaphore(%run_scoped3A : memref<!tpu.dma_semaphore, #tpu.memory_space<semaphore_mem>>)
      %dma_wait3A = arith.constant 0 : i32
      %dma_wait3A_70 = tpu.memref_slice %arg6[%arg0, %add3A_47, %dma_wait3A] : memref<2x10240x128xf32, #tpu.memory_space<hbm>> -> memref<1x128x128xf32, #tpu.memory_space<hbm>>
      %dma_wait3A_71 = tpu.memref_squeeze %dma_wait3A_70 : memref<1x128x128xf32, #tpu.memory_space<hbm>> -> memref<128x128xf32, #tpu.memory_space<hbm>>
      %dma_wait3A_72 = arith.constant 0 : i32
      %dma_wait3A_73 = tpu.memref_slice %arg6[%arg0, %add3A_47, %dma_wait3A_72] : memref<2x10240x128xf32, #tpu.memory_space<hbm>> -> memref<1x128x128xf32, #tpu.memory_space<hbm>>
      %dma_wait3A_74 = tpu.memref_squeeze %dma_wait3A_73 : memref<1x128x128xf32, #tpu.memory_space<hbm>> -> memref<128x128xf32, #tpu.memory_space<hbm>>
      tpu.wait_dma2 semaphore(%run_scoped3A : memref<!tpu.dma_semaphore, #tpu.memory_space<semaphore_mem>>) src(%arg9 : memref<128x128xf32, #tpu.memory_space<vmem>>) dst(%dma_wait3A_74 : memref<128x128xf32, #tpu.memory_space<hbm>>)
      tpu.yield
    }) : () -> ()
    %mul3A_48 = arith.constant 640 : i32
    %mul3A_49 = arith.muli %arg1, %mul3A_48 : i32
    %add3A_50 = arith.constant 128 : i32
    %add3A_51 = arith.addi %mul3A_49, %add3A_50 : i32
    "tpu.region"() ({
      %run_scoped3A = tpu.sem_alloc : memref<!tpu.dma_semaphore, #tpu.memory_space<semaphore_mem>>
      %dma_start3A_64 = arith.constant 0 : i32
      %dma_start3A_65 = tpu.memref_slice %arg11[%add3A_51, %dma_start3A_64] : memref<10240x128xf32, #tpu.memory_space<vmem_shared>> -> memref<128x128xf32, #tpu.memory_space<vmem_shared>>
      %dma_start3A_66 = arith.constant 0 : i32
      %dma_start3A_67 = tpu.memref_slice %arg11[%add3A_51, %dma_start3A_66] : memref<10240x128xf32, #tpu.memory_space<vmem_shared>> -> memref<128x128xf32, #tpu.memory_space<vmem_shared>>
      tpu.enqueue_dma source(%dma_start3A_67 : memref<128x128xf32, #tpu.memory_space<vmem_shared>>) target(%arg9 : memref<128x128xf32, #tpu.memory_space<vmem>>) target_semaphore(%run_scoped3A : memref<!tpu.dma_semaphore, #tpu.memory_space<semaphore_mem>>)
      %dma_wait3A = arith.constant 0 : i32
      %dma_wait3A_68 = tpu.memref_slice %arg11[%add3A_51, %dma_wait3A] : memref<10240x128xf32, #tpu.memory_space<vmem_shared>> -> memref<128x128xf32, #tpu.memory_space<vmem_shared>>
      %dma_wait3A_69 = arith.constant 0 : i32
      %dma_wait3A_70 = tpu.memref_slice %arg11[%add3A_51, %dma_wait3A_69] : memref<10240x128xf32, #tpu.memory_space<vmem_shared>> -> memref<128x128xf32, #tpu.memory_space<vmem_shared>>
      tpu.wait_dma2 semaphore(%run_scoped3A : memref<!tpu.dma_semaphore, #tpu.memory_space<semaphore_mem>>) src(%dma_wait3A_70 : memref<128x128xf32, #tpu.memory_space<vmem_shared>>) dst(%arg9 : memref<128x128xf32, #tpu.memory_space<vmem>>)
      tpu.yield
    }) : () -> ()
    "tpu.region"() ({
      %run_scoped3A = tpu.sem_alloc : memref<!tpu.dma_semaphore, #tpu.memory_space<semaphore_mem>>
      %dma_start3A_64 = arith.constant 0 : i32
      %dma_start3A_65 = tpu.memref_slice %arg6[%arg0, %add3A_51, %dma_start3A_64] : memref<2x10240x128xf32, #tpu.memory_space<hbm>> -> memref<1x128x128xf32, #tpu.memory_space<hbm>>
      %dma_start3A_66 = tpu.memref_squeeze %dma_start3A_65 : memref<1x128x128xf32, #tpu.memory_space<hbm>> -> memref<128x128xf32, #tpu.memory_space<hbm>>
      %dma_start3A_67 = arith.constant 0 : i32
      %dma_start3A_68 = tpu.memref_slice %arg6[%arg0, %add3A_51, %dma_start3A_67] : memref<2x10240x128xf32, #tpu.memory_space<hbm>> -> memref<1x128x128xf32, #tpu.memory_space<hbm>>
      %dma_start3A_69 = tpu.memref_squeeze %dma_start3A_68 : memref<1x128x128xf32, #tpu.memory_space<hbm>> -> memref<128x128xf32, #tpu.memory_space<hbm>>
      tpu.enqueue_dma source(%arg9 : memref<128x128xf32, #tpu.memory_space<vmem>>) target(%dma_start3A_69 : memref<128x128xf32, #tpu.memory_space<hbm>>) target_semaphore(%run_scoped3A : memref<!tpu.dma_semaphore, #tpu.memory_space<semaphore_mem>>)
      %dma_wait3A = arith.constant 0 : i32
      %dma_wait3A_70 = tpu.memref_slice %arg6[%arg0, %add3A_51, %dma_wait3A] : memref<2x10240x128xf32, #tpu.memory_space<hbm>> -> memref<1x128x128xf32, #tpu.memory_space<hbm>>
      %dma_wait3A_71 = tpu.memref_squeeze %dma_wait3A_70 : memref<1x128x128xf32, #tpu.memory_space<hbm>> -> memref<128x128xf32, #tpu.memory_space<hbm>>
      %dma_wait3A_72 = arith.constant 0 : i32
      %dma_wait3A_73 = tpu.memref_slice %arg6[%arg0, %add3A_51, %dma_wait3A_72] : memref<2x10240x128xf32, #tpu.memory_space<hbm>> -> memref<1x128x128xf32, #tpu.memory_space<hbm>>
      %dma_wait3A_74 = tpu.memref_squeeze %dma_wait3A_73 : memref<1x128x128xf32, #tpu.memory_space<hbm>> -> memref<128x128xf32, #tpu.memory_space<hbm>>
      tpu.wait_dma2 semaphore(%run_scoped3A : memref<!tpu.dma_semaphore, #tpu.memory_space<semaphore_mem>>) src(%arg9 : memref<128x128xf32, #tpu.memory_space<vmem>>) dst(%dma_wait3A_74 : memref<128x128xf32, #tpu.memory_space<hbm>>)
      tpu.yield
    }) : () -> ()
    %mul3A_52 = arith.constant 640 : i32
    %mul3A_53 = arith.muli %arg1, %mul3A_52 : i32
    %add3A_54 = arith.constant 256 : i32
    %add3A_55 = arith.addi %mul3A_53, %add3A_54 : i32
    "tpu.region"() ({
      %run_scoped3A = tpu.sem_alloc : memref<!tpu.dma_semaphore, #tpu.memory_space<semaphore_mem>>
      %dma_start3A_64 = arith.constant 0 : i32
      %dma_start3A_65 = tpu.memref_slice %arg11[%add3A_55, %dma_start3A_64] : memref<10240x128xf32, #tpu.memory_space<vmem_shared>> -> memref<128x128xf32, #tpu.memory_space<vmem_shared>>
      %dma_start3A_66 = arith.constant 0 : i32
      %dma_start3A_67 = tpu.memref_slice %arg11[%add3A_55, %dma_start3A_66] : memref<10240x128xf32, #tpu.memory_space<vmem_shared>> -> memref<128x128xf32, #tpu.memory_space<vmem_shared>>
      tpu.enqueue_dma source(%dma_start3A_67 : memref<128x128xf32, #tpu.memory_space<vmem_shared>>) target(%arg9 : memref<128x128xf32, #tpu.memory_space<vmem>>) target_semaphore(%run_scoped3A : memref<!tpu.dma_semaphore, #tpu.memory_space<semaphore_mem>>)
      %dma_wait3A = arith.constant 0 : i32
      %dma_wait3A_68 = tpu.memref_slice %arg11[%add3A_55, %dma_wait3A] : memref<10240x128xf32, #tpu.memory_space<vmem_shared>> -> memref<128x128xf32, #tpu.memory_space<vmem_shared>>
      %dma_wait3A_69 = arith.constant 0 : i32
      %dma_wait3A_70 = tpu.memref_slice %arg11[%add3A_55, %dma_wait3A_69] : memref<10240x128xf32, #tpu.memory_space<vmem_shared>> -> memref<128x128xf32, #tpu.memory_space<vmem_shared>>
      tpu.wait_dma2 semaphore(%run_scoped3A : memref<!tpu.dma_semaphore, #tpu.memory_space<semaphore_mem>>) src(%dma_wait3A_70 : memref<128x128xf32, #tpu.memory_space<vmem_shared>>) dst(%arg9 : memref<128x128xf32, #tpu.memory_space<vmem>>)
      tpu.yield
    }) : () -> ()
    "tpu.region"() ({
      %run_scoped3A = tpu.sem_alloc : memref<!tpu.dma_semaphore, #tpu.memory_space<semaphore_mem>>
      %dma_start3A_64 = arith.constant 0 : i32
      %dma_start3A_65 = tpu.memref_slice %arg6[%arg0, %add3A_55, %dma_start3A_64] : memref<2x10240x128xf32, #tpu.memory_space<hbm>> -> memref<1x128x128xf32, #tpu.memory_space<hbm>>
      %dma_start3A_66 = tpu.memref_squeeze %dma_start3A_65 : memref<1x128x128xf32, #tpu.memory_space<hbm>> -> memref<128x128xf32, #tpu.memory_space<hbm>>
      %dma_start3A_67 = arith.constant 0 : i32
      %dma_start3A_68 = tpu.memref_slice %arg6[%arg0, %add3A_55, %dma_start3A_67] : memref<2x10240x128xf32, #tpu.memory_space<hbm>> -> memref<1x128x128xf32, #tpu.memory_space<hbm>>
      %dma_start3A_69 = tpu.memref_squeeze %dma_start3A_68 : memref<1x128x128xf32, #tpu.memory_space<hbm>> -> memref<128x128xf32, #tpu.memory_space<hbm>>
      tpu.enqueue_dma source(%arg9 : memref<128x128xf32, #tpu.memory_space<vmem>>) target(%dma_start3A_69 : memref<128x128xf32, #tpu.memory_space<hbm>>) target_semaphore(%run_scoped3A : memref<!tpu.dma_semaphore, #tpu.memory_space<semaphore_mem>>)
      %dma_wait3A = arith.constant 0 : i32
      %dma_wait3A_70 = tpu.memref_slice %arg6[%arg0, %add3A_55, %dma_wait3A] : memref<2x10240x128xf32, #tpu.memory_space<hbm>> -> memref<1x128x128xf32, #tpu.memory_space<hbm>>
      %dma_wait3A_71 = tpu.memref_squeeze %dma_wait3A_70 : memref<1x128x128xf32, #tpu.memory_space<hbm>> -> memref<128x128xf32, #tpu.memory_space<hbm>>
      %dma_wait3A_72 = arith.constant 0 : i32
      %dma_wait3A_73 = tpu.memref_slice %arg6[%arg0, %add3A_55, %dma_wait3A_72] : memref<2x10240x128xf32, #tpu.memory_space<hbm>> -> memref<1x128x128xf32, #tpu.memory_space<hbm>>
      %dma_wait3A_74 = tpu.memref_squeeze %dma_wait3A_73 : memref<1x128x128xf32, #tpu.memory_space<hbm>> -> memref<128x128xf32, #tpu.memory_space<hbm>>
      tpu.wait_dma2 semaphore(%run_scoped3A : memref<!tpu.dma_semaphore, #tpu.memory_space<semaphore_mem>>) src(%arg9 : memref<128x128xf32, #tpu.memory_space<vmem>>) dst(%dma_wait3A_74 : memref<128x128xf32, #tpu.memory_space<hbm>>)
      tpu.yield
    }) : () -> ()
    %mul3A_56 = arith.constant 640 : i32
    %mul3A_57 = arith.muli %arg1, %mul3A_56 : i32
    %add3A_58 = arith.constant 384 : i32
    %add3A_59 = arith.addi %mul3A_57, %add3A_58 : i32
    "tpu.region"() ({
      %run_scoped3A = tpu.sem_alloc : memref<!tpu.dma_semaphore, #tpu.memory_space<semaphore_mem>>
      %dma_start3A_64 = arith.constant 0 : i32
      %dma_start3A_65 = tpu.memref_slice %arg11[%add3A_59, %dma_start3A_64] : memref<10240x128xf32, #tpu.memory_space<vmem_shared>> -> memref<128x128xf32, #tpu.memory_space<vmem_shared>>
      %dma_start3A_66 = arith.constant 0 : i32
      %dma_start3A_67 = tpu.memref_slice %arg11[%add3A_59, %dma_start3A_66] : memref<10240x128xf32, #tpu.memory_space<vmem_shared>> -> memref<128x128xf32, #tpu.memory_space<vmem_shared>>
      tpu.enqueue_dma source(%dma_start3A_67 : memref<128x128xf32, #tpu.memory_space<vmem_shared>>) target(%arg9 : memref<128x128xf32, #tpu.memory_space<vmem>>) target_semaphore(%run_scoped3A : memref<!tpu.dma_semaphore, #tpu.memory_space<semaphore_mem>>)
      %dma_wait3A = arith.constant 0 : i32
      %dma_wait3A_68 = tpu.memref_slice %arg11[%add3A_59, %dma_wait3A] : memref<10240x128xf32, #tpu.memory_space<vmem_shared>> -> memref<128x128xf32, #tpu.memory_space<vmem_shared>>
      %dma_wait3A_69 = arith.constant 0 : i32
      %dma_wait3A_70 = tpu.memref_slice %arg11[%add3A_59, %dma_wait3A_69] : memref<10240x128xf32, #tpu.memory_space<vmem_shared>> -> memref<128x128xf32, #tpu.memory_space<vmem_shared>>
      tpu.wait_dma2 semaphore(%run_scoped3A : memref<!tpu.dma_semaphore, #tpu.memory_space<semaphore_mem>>) src(%dma_wait3A_70 : memref<128x128xf32, #tpu.memory_space<vmem_shared>>) dst(%arg9 : memref<128x128xf32, #tpu.memory_space<vmem>>)
      tpu.yield
    }) : () -> ()
    "tpu.region"() ({
      %run_scoped3A = tpu.sem_alloc : memref<!tpu.dma_semaphore, #tpu.memory_space<semaphore_mem>>
      %dma_start3A_64 = arith.constant 0 : i32
      %dma_start3A_65 = tpu.memref_slice %arg6[%arg0, %add3A_59, %dma_start3A_64] : memref<2x10240x128xf32, #tpu.memory_space<hbm>> -> memref<1x128x128xf32, #tpu.memory_space<hbm>>
      %dma_start3A_66 = tpu.memref_squeeze %dma_start3A_65 : memref<1x128x128xf32, #tpu.memory_space<hbm>> -> memref<128x128xf32, #tpu.memory_space<hbm>>
      %dma_start3A_67 = arith.constant 0 : i32
      %dma_start3A_68 = tpu.memref_slice %arg6[%arg0, %add3A_59, %dma_start3A_67] : memref<2x10240x128xf32, #tpu.memory_space<hbm>> -> memref<1x128x128xf32, #tpu.memory_space<hbm>>
      %dma_start3A_69 = tpu.memref_squeeze %dma_start3A_68 : memref<1x128x128xf32, #tpu.memory_space<hbm>> -> memref<128x128xf32, #tpu.memory_space<hbm>>
      tpu.enqueue_dma source(%arg9 : memref<128x128xf32, #tpu.memory_space<vmem>>) target(%dma_start3A_69 : memref<128x128xf32, #tpu.memory_space<hbm>>) target_semaphore(%run_scoped3A : memref<!tpu.dma_semaphore, #tpu.memory_space<semaphore_mem>>)
      %dma_wait3A = arith.constant 0 : i32
      %dma_wait3A_70 = tpu.memref_slice %arg6[%arg0, %add3A_59, %dma_wait3A] : memref<2x10240x128xf32, #tpu.memory_space<hbm>> -> memref<1x128x128xf32, #tpu.memory_space<hbm>>
      %dma_wait3A_71 = tpu.memref_squeeze %dma_wait3A_70 : memref<1x128x128xf32, #tpu.memory_space<hbm>> -> memref<128x128xf32, #tpu.memory_space<hbm>>
      %dma_wait3A_72 = arith.constant 0 : i32
      %dma_wait3A_73 = tpu.memref_slice %arg6[%arg0, %add3A_59, %dma_wait3A_72] : memref<2x10240x128xf32, #tpu.memory_space<hbm>> -> memref<1x128x128xf32, #tpu.memory_space<hbm>>
      %dma_wait3A_74 = tpu.memref_squeeze %dma_wait3A_73 : memref<1x128x128xf32, #tpu.memory_space<hbm>> -> memref<128x128xf32, #tpu.memory_space<hbm>>
      tpu.wait_dma2 semaphore(%run_scoped3A : memref<!tpu.dma_semaphore, #tpu.memory_space<semaphore_mem>>) src(%arg9 : memref<128x128xf32, #tpu.memory_space<vmem>>) dst(%dma_wait3A_74 : memref<128x128xf32, #tpu.memory_space<hbm>>)
      tpu.yield
    }) : () -> ()
    %mul3A_60 = arith.constant 640 : i32
    %mul3A_61 = arith.muli %arg1, %mul3A_60 : i32
    %add3A_62 = arith.constant 512 : i32
    %add3A_63 = arith.addi %mul3A_61, %add3A_62 : i32
    "tpu.region"() ({
      %run_scoped3A = tpu.sem_alloc : memref<!tpu.dma_semaphore, #tpu.memory_space<semaphore_mem>>
      %dma_start3A_64 = arith.constant 0 : i32
      %dma_start3A_65 = tpu.memref_slice %arg11[%add3A_63, %dma_start3A_64] : memref<10240x128xf32, #tpu.memory_space<vmem_shared>> -> memref<128x128xf32, #tpu.memory_space<vmem_shared>>
      %dma_start3A_66 = arith.constant 0 : i32
      %dma_start3A_67 = tpu.memref_slice %arg11[%add3A_63, %dma_start3A_66] : memref<10240x128xf32, #tpu.memory_space<vmem_shared>> -> memref<128x128xf32, #tpu.memory_space<vmem_shared>>
      tpu.enqueue_dma source(%dma_start3A_67 : memref<128x128xf32, #tpu.memory_space<vmem_shared>>) target(%arg9 : memref<128x128xf32, #tpu.memory_space<vmem>>) target_semaphore(%run_scoped3A : memref<!tpu.dma_semaphore, #tpu.memory_space<semaphore_mem>>)
      %dma_wait3A = arith.constant 0 : i32
      %dma_wait3A_68 = tpu.memref_slice %arg11[%add3A_63, %dma_wait3A] : memref<10240x128xf32, #tpu.memory_space<vmem_shared>> -> memref<128x128xf32, #tpu.memory_space<vmem_shared>>
      %dma_wait3A_69 = arith.constant 0 : i32
      %dma_wait3A_70 = tpu.memref_slice %arg11[%add3A_63, %dma_wait3A_69] : memref<10240x128xf32, #tpu.memory_space<vmem_shared>> -> memref<128x128xf32, #tpu.memory_space<vmem_shared>>
      tpu.wait_dma2 semaphore(%run_scoped3A : memref<!tpu.dma_semaphore, #tpu.memory_space<semaphore_mem>>) src(%dma_wait3A_70 : memref<128x128xf32, #tpu.memory_space<vmem_shared>>) dst(%arg9 : memref<128x128xf32, #tpu.memory_space<vmem>>)
      tpu.yield
    }) : () -> ()
    "tpu.region"() ({
      %run_scoped3A = tpu.sem_alloc : memref<!tpu.dma_semaphore, #tpu.memory_space<semaphore_mem>>
      %dma_start3A_64 = arith.constant 0 : i32
      %dma_start3A_65 = tpu.memref_slice %arg6[%arg0, %add3A_63, %dma_start3A_64] : memref<2x10240x128xf32, #tpu.memory_space<hbm>> -> memref<1x128x128xf32, #tpu.memory_space<hbm>>
      %dma_start3A_66 = tpu.memref_squeeze %dma_start3A_65 : memref<1x128x128xf32, #tpu.memory_space<hbm>> -> memref<128x128xf32, #tpu.memory_space<hbm>>
      %dma_start3A_67 = arith.constant 0 : i32
      %dma_start3A_68 = tpu.memref_slice %arg6[%arg0, %add3A_63, %dma_start3A_67] : memref<2x10240x128xf32, #tpu.memory_space<hbm>> -> memref<1x128x128xf32, #tpu.memory_space<hbm>>
      %dma_start3A_69 = tpu.memref_squeeze %dma_start3A_68 : memref<1x128x128xf32, #tpu.memory_space<hbm>> -> memref<128x128xf32, #tpu.memory_space<hbm>>
      tpu.enqueue_dma source(%arg9 : memref<128x128xf32, #tpu.memory_space<vmem>>) target(%dma_start3A_69 : memref<128x128xf32, #tpu.memory_space<hbm>>) target_semaphore(%run_scoped3A : memref<!tpu.dma_semaphore, #tpu.memory_space<semaphore_mem>>)
      %dma_wait3A = arith.constant 0 : i32
      %dma_wait3A_70 = tpu.memref_slice %arg6[%arg0, %add3A_63, %dma_wait3A] : memref<2x10240x128xf32, #tpu.memory_space<hbm>> -> memref<1x128x128xf32, #tpu.memory_space<hbm>>
      %dma_wait3A_71 = tpu.memref_squeeze %dma_wait3A_70 : memref<1x128x128xf32, #tpu.memory_space<hbm>> -> memref<128x128xf32, #tpu.memory_space<hbm>>
      %dma_wait3A_72 = arith.constant 0 : i32
      %dma_wait3A_73 = tpu.memref_slice %arg6[%arg0, %add3A_63, %dma_wait3A_72] : memref<2x10240x128xf32, #tpu.memory_space<hbm>> -> memref<1x128x128xf32, #tpu.memory_space<hbm>>
      %dma_wait3A_74 = tpu.memref_squeeze %dma_wait3A_73 : memref<1x128x128xf32, #tpu.memory_space<hbm>> -> memref<128x128xf32, #tpu.memory_space<hbm>>
      tpu.wait_dma2 semaphore(%run_scoped3A : memref<!tpu.dma_semaphore, #tpu.memory_space<semaphore_mem>>) src(%arg9 : memref<128x128xf32, #tpu.memory_space<vmem>>) dst(%dma_wait3A_74 : memref<128x128xf32, #tpu.memory_space<hbm>>)
      tpu.yield
    }) : () -> ()
    return
  }
}

#map = affine_map<(d0, d1) -> (0, 0, 0)>
#map1 = affine_map<(d0, d1) -> (0, 0)>
module attributes {stable_mosaic.version = 14 : i64} {
  func.func @deg_kernel(%arg0: i32, %arg1: i32, %arg2: memref<32x79x128xi32, #tpu.memory_space<hbm>>, %arg3: memref<128x128xf32, #tpu.memory_space<hbm>>, %arg4: memref<64x128xf32, #tpu.memory_space<hbm>>, %arg5: memref<2x10240x128xf32, #tpu.memory_space<hbm>>, %arg6: memref<79x128xi32, #tpu.memory_space<vmem>>, %arg7: memref<128x128xf32, #tpu.memory_space<vmem>>, %arg8: memref<64x128xf32, #tpu.memory_space<vmem>>, %arg9: memref<10240x128xf32, #tpu.memory_space<vmem_shared>>, %arg10: memref<!tpu.dma_semaphore, #tpu.memory_space<semaphore_mem>>) attributes {dimension_semantics = [#tpu.dimension_semantics<core_parallel>, #tpu.dimension_semantics<subcore_parallel>], iteration_bounds = array<i64: 2, 16>, scalar_prefetch = 0 : i64, scratch_operands = 5 : i64, tpu.core_type = #tpu.core_type<sc_vector_subcore>, window_params = [{transform_indices = #map}, {transform_indices = #map1}, {transform_indices = #map1}, {transform_indices = #map}]} {
    %mul3A = arith.constant 16 : i32
    %mul3A_0 = arith.muli %arg0, %mul3A : i32
    %add3A = arith.addi %mul3A_0, %arg1 : i32
    "tpu.region"() ({
      %run_scoped3A = tpu.sem_alloc : memref<!tpu.dma_semaphore, #tpu.memory_space<semaphore_mem>>
      tpu.enqueue_dma source(%arg4 : memref<64x128xf32, #tpu.memory_space<hbm>>) target(%arg8 : memref<64x128xf32, #tpu.memory_space<vmem>>) target_semaphore(%run_scoped3A : memref<!tpu.dma_semaphore, #tpu.memory_space<semaphore_mem>>)
      tpu.wait_dma2 semaphore(%run_scoped3A : memref<!tpu.dma_semaphore, #tpu.memory_space<semaphore_mem>>) src(%arg4 : memref<64x128xf32, #tpu.memory_space<hbm>>) dst(%arg8 : memref<64x128xf32, #tpu.memory_space<vmem>>)
      tpu.yield
    }) : () -> ()
    %mul3A_1 = arith.constant 640 : i32
    %mul3A_2 = arith.muli %arg1, %mul3A_1 : i32
    %add3A_3 = arith.constant 0 : i32
    %add3A_4 = arith.addi %mul3A_2, %add3A_3 : i32
    "tpu.region"() ({
      %run_scoped3A = tpu.sem_alloc : memref<!tpu.dma_semaphore, #tpu.memory_space<semaphore_mem>>
      %dma_start3A = arith.constant 0 : i32
      %dma_start3A_86 = tpu.memref_slice %arg9[%add3A_4, %dma_start3A] : memref<10240x128xf32, #tpu.memory_space<vmem_shared>> -> memref<64x128xf32, #tpu.memory_space<vmem_shared>>
      %dma_start3A_87 = arith.constant 0 : i32
      %dma_start3A_88 = tpu.memref_slice %arg9[%add3A_4, %dma_start3A_87] : memref<10240x128xf32, #tpu.memory_space<vmem_shared>> -> memref<64x128xf32, #tpu.memory_space<vmem_shared>>
      tpu.enqueue_dma source(%arg8 : memref<64x128xf32, #tpu.memory_space<vmem>>) target(%dma_start3A_88 : memref<64x128xf32, #tpu.memory_space<vmem_shared>>) target_semaphore(%run_scoped3A : memref<!tpu.dma_semaphore, #tpu.memory_space<semaphore_mem>>)
      %dma_wait3A = arith.constant 0 : i32
      %dma_wait3A_89 = tpu.memref_slice %arg9[%add3A_4, %dma_wait3A] : memref<10240x128xf32, #tpu.memory_space<vmem_shared>> -> memref<64x128xf32, #tpu.memory_space<vmem_shared>>
      %dma_wait3A_90 = arith.constant 0 : i32
      %dma_wait3A_91 = tpu.memref_slice %arg9[%add3A_4, %dma_wait3A_90] : memref<10240x128xf32, #tpu.memory_space<vmem_shared>> -> memref<64x128xf32, #tpu.memory_space<vmem_shared>>
      tpu.wait_dma2 semaphore(%run_scoped3A : memref<!tpu.dma_semaphore, #tpu.memory_space<semaphore_mem>>) src(%arg8 : memref<64x128xf32, #tpu.memory_space<vmem>>) dst(%dma_wait3A_91 : memref<64x128xf32, #tpu.memory_space<vmem_shared>>)
      tpu.yield
    }) : () -> ()
    %mul3A_5 = arith.constant 640 : i32
    %mul3A_6 = arith.muli %arg1, %mul3A_5 : i32
    %add3A_7 = arith.constant 64 : i32
    %add3A_8 = arith.addi %mul3A_6, %add3A_7 : i32
    "tpu.region"() ({
      %run_scoped3A = tpu.sem_alloc : memref<!tpu.dma_semaphore, #tpu.memory_space<semaphore_mem>>
      %dma_start3A = arith.constant 0 : i32
      %dma_start3A_86 = tpu.memref_slice %arg9[%add3A_8, %dma_start3A] : memref<10240x128xf32, #tpu.memory_space<vmem_shared>> -> memref<64x128xf32, #tpu.memory_space<vmem_shared>>
      %dma_start3A_87 = arith.constant 0 : i32
      %dma_start3A_88 = tpu.memref_slice %arg9[%add3A_8, %dma_start3A_87] : memref<10240x128xf32, #tpu.memory_space<vmem_shared>> -> memref<64x128xf32, #tpu.memory_space<vmem_shared>>
      tpu.enqueue_dma source(%arg8 : memref<64x128xf32, #tpu.memory_space<vmem>>) target(%dma_start3A_88 : memref<64x128xf32, #tpu.memory_space<vmem_shared>>) target_semaphore(%run_scoped3A : memref<!tpu.dma_semaphore, #tpu.memory_space<semaphore_mem>>)
      %dma_wait3A = arith.constant 0 : i32
      %dma_wait3A_89 = tpu.memref_slice %arg9[%add3A_8, %dma_wait3A] : memref<10240x128xf32, #tpu.memory_space<vmem_shared>> -> memref<64x128xf32, #tpu.memory_space<vmem_shared>>
      %dma_wait3A_90 = arith.constant 0 : i32
      %dma_wait3A_91 = tpu.memref_slice %arg9[%add3A_8, %dma_wait3A_90] : memref<10240x128xf32, #tpu.memory_space<vmem_shared>> -> memref<64x128xf32, #tpu.memory_space<vmem_shared>>
      tpu.wait_dma2 semaphore(%run_scoped3A : memref<!tpu.dma_semaphore, #tpu.memory_space<semaphore_mem>>) src(%arg8 : memref<64x128xf32, #tpu.memory_space<vmem>>) dst(%dma_wait3A_91 : memref<64x128xf32, #tpu.memory_space<vmem_shared>>)
      tpu.yield
    }) : () -> ()
    %mul3A_9 = arith.constant 640 : i32
    %mul3A_10 = arith.muli %arg1, %mul3A_9 : i32
    %add3A_11 = arith.constant 128 : i32
    %add3A_12 = arith.addi %mul3A_10, %add3A_11 : i32
    "tpu.region"() ({
      %run_scoped3A = tpu.sem_alloc : memref<!tpu.dma_semaphore, #tpu.memory_space<semaphore_mem>>
      %dma_start3A = arith.constant 0 : i32
      %dma_start3A_86 = tpu.memref_slice %arg9[%add3A_12, %dma_start3A] : memref<10240x128xf32, #tpu.memory_space<vmem_shared>> -> memref<64x128xf32, #tpu.memory_space<vmem_shared>>
      %dma_start3A_87 = arith.constant 0 : i32
      %dma_start3A_88 = tpu.memref_slice %arg9[%add3A_12, %dma_start3A_87] : memref<10240x128xf32, #tpu.memory_space<vmem_shared>> -> memref<64x128xf32, #tpu.memory_space<vmem_shared>>
      tpu.enqueue_dma source(%arg8 : memref<64x128xf32, #tpu.memory_space<vmem>>) target(%dma_start3A_88 : memref<64x128xf32, #tpu.memory_space<vmem_shared>>) target_semaphore(%run_scoped3A : memref<!tpu.dma_semaphore, #tpu.memory_space<semaphore_mem>>)
      %dma_wait3A = arith.constant 0 : i32
      %dma_wait3A_89 = tpu.memref_slice %arg9[%add3A_12, %dma_wait3A] : memref<10240x128xf32, #tpu.memory_space<vmem_shared>> -> memref<64x128xf32, #tpu.memory_space<vmem_shared>>
      %dma_wait3A_90 = arith.constant 0 : i32
      %dma_wait3A_91 = tpu.memref_slice %arg9[%add3A_12, %dma_wait3A_90] : memref<10240x128xf32, #tpu.memory_space<vmem_shared>> -> memref<64x128xf32, #tpu.memory_space<vmem_shared>>
      tpu.wait_dma2 semaphore(%run_scoped3A : memref<!tpu.dma_semaphore, #tpu.memory_space<semaphore_mem>>) src(%arg8 : memref<64x128xf32, #tpu.memory_space<vmem>>) dst(%dma_wait3A_91 : memref<64x128xf32, #tpu.memory_space<vmem_shared>>)
      tpu.yield
    }) : () -> ()
    %mul3A_13 = arith.constant 640 : i32
    %mul3A_14 = arith.muli %arg1, %mul3A_13 : i32
    %add3A_15 = arith.constant 192 : i32
    %add3A_16 = arith.addi %mul3A_14, %add3A_15 : i32
    "tpu.region"() ({
      %run_scoped3A = tpu.sem_alloc : memref<!tpu.dma_semaphore, #tpu.memory_space<semaphore_mem>>
      %dma_start3A = arith.constant 0 : i32
      %dma_start3A_86 = tpu.memref_slice %arg9[%add3A_16, %dma_start3A] : memref<10240x128xf32, #tpu.memory_space<vmem_shared>> -> memref<64x128xf32, #tpu.memory_space<vmem_shared>>
      %dma_start3A_87 = arith.constant 0 : i32
      %dma_start3A_88 = tpu.memref_slice %arg9[%add3A_16, %dma_start3A_87] : memref<10240x128xf32, #tpu.memory_space<vmem_shared>> -> memref<64x128xf32, #tpu.memory_space<vmem_shared>>
      tpu.enqueue_dma source(%arg8 : memref<64x128xf32, #tpu.memory_space<vmem>>) target(%dma_start3A_88 : memref<64x128xf32, #tpu.memory_space<vmem_shared>>) target_semaphore(%run_scoped3A : memref<!tpu.dma_semaphore, #tpu.memory_space<semaphore_mem>>)
      %dma_wait3A = arith.constant 0 : i32
      %dma_wait3A_89 = tpu.memref_slice %arg9[%add3A_16, %dma_wait3A] : memref<10240x128xf32, #tpu.memory_space<vmem_shared>> -> memref<64x128xf32, #tpu.memory_space<vmem_shared>>
      %dma_wait3A_90 = arith.constant 0 : i32
      %dma_wait3A_91 = tpu.memref_slice %arg9[%add3A_16, %dma_wait3A_90] : memref<10240x128xf32, #tpu.memory_space<vmem_shared>> -> memref<64x128xf32, #tpu.memory_space<vmem_shared>>
      tpu.wait_dma2 semaphore(%run_scoped3A : memref<!tpu.dma_semaphore, #tpu.memory_space<semaphore_mem>>) src(%arg8 : memref<64x128xf32, #tpu.memory_space<vmem>>) dst(%dma_wait3A_91 : memref<64x128xf32, #tpu.memory_space<vmem_shared>>)
      tpu.yield
    }) : () -> ()
    %mul3A_17 = arith.constant 640 : i32
    %mul3A_18 = arith.muli %arg1, %mul3A_17 : i32
    %add3A_19 = arith.constant 256 : i32
    %add3A_20 = arith.addi %mul3A_18, %add3A_19 : i32
    "tpu.region"() ({
      %run_scoped3A = tpu.sem_alloc : memref<!tpu.dma_semaphore, #tpu.memory_space<semaphore_mem>>
      %dma_start3A = arith.constant 0 : i32
      %dma_start3A_86 = tpu.memref_slice %arg9[%add3A_20, %dma_start3A] : memref<10240x128xf32, #tpu.memory_space<vmem_shared>> -> memref<64x128xf32, #tpu.memory_space<vmem_shared>>
      %dma_start3A_87 = arith.constant 0 : i32
      %dma_start3A_88 = tpu.memref_slice %arg9[%add3A_20, %dma_start3A_87] : memref<10240x128xf32, #tpu.memory_space<vmem_shared>> -> memref<64x128xf32, #tpu.memory_space<vmem_shared>>
      tpu.enqueue_dma source(%arg8 : memref<64x128xf32, #tpu.memory_space<vmem>>) target(%dma_start3A_88 : memref<64x128xf32, #tpu.memory_space<vmem_shared>>) target_semaphore(%run_scoped3A : memref<!tpu.dma_semaphore, #tpu.memory_space<semaphore_mem>>)
      %dma_wait3A = arith.constant 0 : i32
      %dma_wait3A_89 = tpu.memref_slice %arg9[%add3A_20, %dma_wait3A] : memref<10240x128xf32, #tpu.memory_space<vmem_shared>> -> memref<64x128xf32, #tpu.memory_space<vmem_shared>>
      %dma_wait3A_90 = arith.constant 0 : i32
      %dma_wait3A_91 = tpu.memref_slice %arg9[%add3A_20, %dma_wait3A_90] : memref<10240x128xf32, #tpu.memory_space<vmem_shared>> -> memref<64x128xf32, #tpu.memory_space<vmem_shared>>
      tpu.wait_dma2 semaphore(%run_scoped3A : memref<!tpu.dma_semaphore, #tpu.memory_space<semaphore_mem>>) src(%arg8 : memref<64x128xf32, #tpu.memory_space<vmem>>) dst(%dma_wait3A_91 : memref<64x128xf32, #tpu.memory_space<vmem_shared>>)
      tpu.yield
    }) : () -> ()
    %mul3A_21 = arith.constant 640 : i32
    %mul3A_22 = arith.muli %arg1, %mul3A_21 : i32
    %add3A_23 = arith.constant 320 : i32
    %add3A_24 = arith.addi %mul3A_22, %add3A_23 : i32
    "tpu.region"() ({
      %run_scoped3A = tpu.sem_alloc : memref<!tpu.dma_semaphore, #tpu.memory_space<semaphore_mem>>
      %dma_start3A = arith.constant 0 : i32
      %dma_start3A_86 = tpu.memref_slice %arg9[%add3A_24, %dma_start3A] : memref<10240x128xf32, #tpu.memory_space<vmem_shared>> -> memref<64x128xf32, #tpu.memory_space<vmem_shared>>
      %dma_start3A_87 = arith.constant 0 : i32
      %dma_start3A_88 = tpu.memref_slice %arg9[%add3A_24, %dma_start3A_87] : memref<10240x128xf32, #tpu.memory_space<vmem_shared>> -> memref<64x128xf32, #tpu.memory_space<vmem_shared>>
      tpu.enqueue_dma source(%arg8 : memref<64x128xf32, #tpu.memory_space<vmem>>) target(%dma_start3A_88 : memref<64x128xf32, #tpu.memory_space<vmem_shared>>) target_semaphore(%run_scoped3A : memref<!tpu.dma_semaphore, #tpu.memory_space<semaphore_mem>>)
      %dma_wait3A = arith.constant 0 : i32
      %dma_wait3A_89 = tpu.memref_slice %arg9[%add3A_24, %dma_wait3A] : memref<10240x128xf32, #tpu.memory_space<vmem_shared>> -> memref<64x128xf32, #tpu.memory_space<vmem_shared>>
      %dma_wait3A_90 = arith.constant 0 : i32
      %dma_wait3A_91 = tpu.memref_slice %arg9[%add3A_24, %dma_wait3A_90] : memref<10240x128xf32, #tpu.memory_space<vmem_shared>> -> memref<64x128xf32, #tpu.memory_space<vmem_shared>>
      tpu.wait_dma2 semaphore(%run_scoped3A : memref<!tpu.dma_semaphore, #tpu.memory_space<semaphore_mem>>) src(%arg8 : memref<64x128xf32, #tpu.memory_space<vmem>>) dst(%dma_wait3A_91 : memref<64x128xf32, #tpu.memory_space<vmem_shared>>)
      tpu.yield
    }) : () -> ()
    %mul3A_25 = arith.constant 640 : i32
    %mul3A_26 = arith.muli %arg1, %mul3A_25 : i32
    %add3A_27 = arith.constant 384 : i32
    %add3A_28 = arith.addi %mul3A_26, %add3A_27 : i32
    "tpu.region"() ({
      %run_scoped3A = tpu.sem_alloc : memref<!tpu.dma_semaphore, #tpu.memory_space<semaphore_mem>>
      %dma_start3A = arith.constant 0 : i32
      %dma_start3A_86 = tpu.memref_slice %arg9[%add3A_28, %dma_start3A] : memref<10240x128xf32, #tpu.memory_space<vmem_shared>> -> memref<64x128xf32, #tpu.memory_space<vmem_shared>>
      %dma_start3A_87 = arith.constant 0 : i32
      %dma_start3A_88 = tpu.memref_slice %arg9[%add3A_28, %dma_start3A_87] : memref<10240x128xf32, #tpu.memory_space<vmem_shared>> -> memref<64x128xf32, #tpu.memory_space<vmem_shared>>
      tpu.enqueue_dma source(%arg8 : memref<64x128xf32, #tpu.memory_space<vmem>>) target(%dma_start3A_88 : memref<64x128xf32, #tpu.memory_space<vmem_shared>>) target_semaphore(%run_scoped3A : memref<!tpu.dma_semaphore, #tpu.memory_space<semaphore_mem>>)
      %dma_wait3A = arith.constant 0 : i32
      %dma_wait3A_89 = tpu.memref_slice %arg9[%add3A_28, %dma_wait3A] : memref<10240x128xf32, #tpu.memory_space<vmem_shared>> -> memref<64x128xf32, #tpu.memory_space<vmem_shared>>
      %dma_wait3A_90 = arith.constant 0 : i32
      %dma_wait3A_91 = tpu.memref_slice %arg9[%add3A_28, %dma_wait3A_90] : memref<10240x128xf32, #tpu.memory_space<vmem_shared>> -> memref<64x128xf32, #tpu.memory_space<vmem_shared>>
      tpu.wait_dma2 semaphore(%run_scoped3A : memref<!tpu.dma_semaphore, #tpu.memory_space<semaphore_mem>>) src(%arg8 : memref<64x128xf32, #tpu.memory_space<vmem>>) dst(%dma_wait3A_91 : memref<64x128xf32, #tpu.memory_space<vmem_shared>>)
      tpu.yield
    }) : () -> ()
    %mul3A_29 = arith.constant 640 : i32
    %mul3A_30 = arith.muli %arg1, %mul3A_29 : i32
    %add3A_31 = arith.constant 448 : i32
    %add3A_32 = arith.addi %mul3A_30, %add3A_31 : i32
    "tpu.region"() ({
      %run_scoped3A = tpu.sem_alloc : memref<!tpu.dma_semaphore, #tpu.memory_space<semaphore_mem>>
      %dma_start3A = arith.constant 0 : i32
      %dma_start3A_86 = tpu.memref_slice %arg9[%add3A_32, %dma_start3A] : memref<10240x128xf32, #tpu.memory_space<vmem_shared>> -> memref<64x128xf32, #tpu.memory_space<vmem_shared>>
      %dma_start3A_87 = arith.constant 0 : i32
      %dma_start3A_88 = tpu.memref_slice %arg9[%add3A_32, %dma_start3A_87] : memref<10240x128xf32, #tpu.memory_space<vmem_shared>> -> memref<64x128xf32, #tpu.memory_space<vmem_shared>>
      tpu.enqueue_dma source(%arg8 : memref<64x128xf32, #tpu.memory_space<vmem>>) target(%dma_start3A_88 : memref<64x128xf32, #tpu.memory_space<vmem_shared>>) target_semaphore(%run_scoped3A : memref<!tpu.dma_semaphore, #tpu.memory_space<semaphore_mem>>)
      %dma_wait3A = arith.constant 0 : i32
      %dma_wait3A_89 = tpu.memref_slice %arg9[%add3A_32, %dma_wait3A] : memref<10240x128xf32, #tpu.memory_space<vmem_shared>> -> memref<64x128xf32, #tpu.memory_space<vmem_shared>>
      %dma_wait3A_90 = arith.constant 0 : i32
      %dma_wait3A_91 = tpu.memref_slice %arg9[%add3A_32, %dma_wait3A_90] : memref<10240x128xf32, #tpu.memory_space<vmem_shared>> -> memref<64x128xf32, #tpu.memory_space<vmem_shared>>
      tpu.wait_dma2 semaphore(%run_scoped3A : memref<!tpu.dma_semaphore, #tpu.memory_space<semaphore_mem>>) src(%arg8 : memref<64x128xf32, #tpu.memory_space<vmem>>) dst(%dma_wait3A_91 : memref<64x128xf32, #tpu.memory_space<vmem_shared>>)
      tpu.yield
    }) : () -> ()
    %mul3A_33 = arith.constant 640 : i32
    %mul3A_34 = arith.muli %arg1, %mul3A_33 : i32
    %add3A_35 = arith.constant 512 : i32
    %add3A_36 = arith.addi %mul3A_34, %add3A_35 : i32
    "tpu.region"() ({
      %run_scoped3A = tpu.sem_alloc : memref<!tpu.dma_semaphore, #tpu.memory_space<semaphore_mem>>
      %dma_start3A = arith.constant 0 : i32
      %dma_start3A_86 = tpu.memref_slice %arg9[%add3A_36, %dma_start3A] : memref<10240x128xf32, #tpu.memory_space<vmem_shared>> -> memref<64x128xf32, #tpu.memory_space<vmem_shared>>
      %dma_start3A_87 = arith.constant 0 : i32
      %dma_start3A_88 = tpu.memref_slice %arg9[%add3A_36, %dma_start3A_87] : memref<10240x128xf32, #tpu.memory_space<vmem_shared>> -> memref<64x128xf32, #tpu.memory_space<vmem_shared>>
      tpu.enqueue_dma source(%arg8 : memref<64x128xf32, #tpu.memory_space<vmem>>) target(%dma_start3A_88 : memref<64x128xf32, #tpu.memory_space<vmem_shared>>) target_semaphore(%run_scoped3A : memref<!tpu.dma_semaphore, #tpu.memory_space<semaphore_mem>>)
      %dma_wait3A = arith.constant 0 : i32
      %dma_wait3A_89 = tpu.memref_slice %arg9[%add3A_36, %dma_wait3A] : memref<10240x128xf32, #tpu.memory_space<vmem_shared>> -> memref<64x128xf32, #tpu.memory_space<vmem_shared>>
      %dma_wait3A_90 = arith.constant 0 : i32
      %dma_wait3A_91 = tpu.memref_slice %arg9[%add3A_36, %dma_wait3A_90] : memref<10240x128xf32, #tpu.memory_space<vmem_shared>> -> memref<64x128xf32, #tpu.memory_space<vmem_shared>>
      tpu.wait_dma2 semaphore(%run_scoped3A : memref<!tpu.dma_semaphore, #tpu.memory_space<semaphore_mem>>) src(%arg8 : memref<64x128xf32, #tpu.memory_space<vmem>>) dst(%dma_wait3A_91 : memref<64x128xf32, #tpu.memory_space<vmem_shared>>)
      tpu.yield
    }) : () -> ()
    %mul3A_37 = arith.constant 640 : i32
    %mul3A_38 = arith.muli %arg1, %mul3A_37 : i32
    %add3A_39 = arith.constant 576 : i32
    %add3A_40 = arith.addi %mul3A_38, %add3A_39 : i32
    "tpu.region"() ({
      %run_scoped3A = tpu.sem_alloc : memref<!tpu.dma_semaphore, #tpu.memory_space<semaphore_mem>>
      %dma_start3A = arith.constant 0 : i32
      %dma_start3A_86 = tpu.memref_slice %arg9[%add3A_40, %dma_start3A] : memref<10240x128xf32, #tpu.memory_space<vmem_shared>> -> memref<64x128xf32, #tpu.memory_space<vmem_shared>>
      %dma_start3A_87 = arith.constant 0 : i32
      %dma_start3A_88 = tpu.memref_slice %arg9[%add3A_40, %dma_start3A_87] : memref<10240x128xf32, #tpu.memory_space<vmem_shared>> -> memref<64x128xf32, #tpu.memory_space<vmem_shared>>
      tpu.enqueue_dma source(%arg8 : memref<64x128xf32, #tpu.memory_space<vmem>>) target(%dma_start3A_88 : memref<64x128xf32, #tpu.memory_space<vmem_shared>>) target_semaphore(%run_scoped3A : memref<!tpu.dma_semaphore, #tpu.memory_space<semaphore_mem>>)
      %dma_wait3A = arith.constant 0 : i32
      %dma_wait3A_89 = tpu.memref_slice %arg9[%add3A_40, %dma_wait3A] : memref<10240x128xf32, #tpu.memory_space<vmem_shared>> -> memref<64x128xf32, #tpu.memory_space<vmem_shared>>
      %dma_wait3A_90 = arith.constant 0 : i32
      %dma_wait3A_91 = tpu.memref_slice %arg9[%add3A_40, %dma_wait3A_90] : memref<10240x128xf32, #tpu.memory_space<vmem_shared>> -> memref<64x128xf32, #tpu.memory_space<vmem_shared>>
      tpu.wait_dma2 semaphore(%run_scoped3A : memref<!tpu.dma_semaphore, #tpu.memory_space<semaphore_mem>>) src(%arg8 : memref<64x128xf32, #tpu.memory_space<vmem>>) dst(%dma_wait3A_91 : memref<64x128xf32, #tpu.memory_space<vmem_shared>>)
      tpu.yield
    }) : () -> ()
    "tpu.region"() ({
      %run_scoped3A = tpu.sem_alloc : memref<!tpu.dma_semaphore, #tpu.memory_space<semaphore_mem>>
      tpu.enqueue_dma source(%arg3 : memref<128x128xf32, #tpu.memory_space<hbm>>) target(%arg7 : memref<128x128xf32, #tpu.memory_space<vmem>>) target_semaphore(%run_scoped3A : memref<!tpu.dma_semaphore, #tpu.memory_space<semaphore_mem>>)
      tpu.wait_dma2 semaphore(%run_scoped3A : memref<!tpu.dma_semaphore, #tpu.memory_space<semaphore_mem>>) src(%arg3 : memref<128x128xf32, #tpu.memory_space<hbm>>) dst(%arg7 : memref<128x128xf32, #tpu.memory_space<vmem>>)
      tpu.yield
    }) : () -> ()
    "tpu.region"() ({
      %run_scoped3A = tpu.sem_alloc : memref<!tpu.dma_semaphore, #tpu.memory_space<semaphore_mem>>
      %dma_start3A = arith.constant 0 : i32
      %dma_start3A_86 = arith.constant 0 : i32
      %dma_start3A_87 = tpu.memref_slice %arg2[%add3A, %dma_start3A, %dma_start3A_86] : memref<32x79x128xi32, #tpu.memory_space<hbm>> -> memref<1x79x128xi32, #tpu.memory_space<hbm>>
      %dma_start3A_88 = tpu.memref_squeeze %dma_start3A_87 : memref<1x79x128xi32, #tpu.memory_space<hbm>> -> memref<79x128xi32, #tpu.memory_space<hbm>>
      %dma_start3A_89 = arith.constant 0 : i32
      %dma_start3A_90 = arith.constant 0 : i32
      %dma_start3A_91 = tpu.memref_slice %arg2[%add3A, %dma_start3A_89, %dma_start3A_90] : memref<32x79x128xi32, #tpu.memory_space<hbm>> -> memref<1x79x128xi32, #tpu.memory_space<hbm>>
      %dma_start3A_92 = tpu.memref_squeeze %dma_start3A_91 : memref<1x79x128xi32, #tpu.memory_space<hbm>> -> memref<79x128xi32, #tpu.memory_space<hbm>>
      tpu.enqueue_dma source(%dma_start3A_92 : memref<79x128xi32, #tpu.memory_space<hbm>>) target(%arg6 : memref<79x128xi32, #tpu.memory_space<vmem>>) target_semaphore(%run_scoped3A : memref<!tpu.dma_semaphore, #tpu.memory_space<semaphore_mem>>)
      %dma_wait3A = arith.constant 0 : i32
      %dma_wait3A_93 = arith.constant 0 : i32
      %dma_wait3A_94 = tpu.memref_slice %arg2[%add3A, %dma_wait3A, %dma_wait3A_93] : memref<32x79x128xi32, #tpu.memory_space<hbm>> -> memref<1x79x128xi32, #tpu.memory_space<hbm>>
      %dma_wait3A_95 = tpu.memref_squeeze %dma_wait3A_94 : memref<1x79x128xi32, #tpu.memory_space<hbm>> -> memref<79x128xi32, #tpu.memory_space<hbm>>
      %dma_wait3A_96 = arith.constant 0 : i32
      %dma_wait3A_97 = arith.constant 0 : i32
      %dma_wait3A_98 = tpu.memref_slice %arg2[%add3A, %dma_wait3A_96, %dma_wait3A_97] : memref<32x79x128xi32, #tpu.memory_space<hbm>> -> memref<1x79x128xi32, #tpu.memory_space<hbm>>
      %dma_wait3A_99 = tpu.memref_squeeze %dma_wait3A_98 : memref<1x79x128xi32, #tpu.memory_space<hbm>> -> memref<79x128xi32, #tpu.memory_space<hbm>>
      tpu.wait_dma2 semaphore(%run_scoped3A : memref<!tpu.dma_semaphore, #tpu.memory_space<semaphore_mem>>) src(%dma_wait3A_99 : memref<79x128xi32, #tpu.memory_space<hbm>>) dst(%arg6 : memref<79x128xi32, #tpu.memory_space<vmem>>)
      tpu.yield
    }) : () -> ()
    %barrier3A = arith.constant 0 : index
    tpu.barrier barrier_id(%barrier3A)
    %scan3A = arith.constant 0 : i32
    %scan3A_41 = arith.constant 79 : i32
    %scan3A_42 = arith.addi %scan3A, %scan3A_41 : i32
    %scan3A_43 = arith.constant 1 : i32
    scf.for %scan3A_86 = %scan3A to %scan3A_42 step %scan3A_43  : i32 {
      "tpu.region"() ({
        %run_scoped3A = tpu.sem_alloc : memref<!tpu.dma_semaphore, #tpu.memory_space<semaphore_mem>>
        %dma_start3A = arith.constant 0 : i32
        %dma_start3A_87 = tpu.memref_slice %arg6[%scan3A_86, %dma_start3A] : memref<79x128xi32, #tpu.memory_space<vmem>> -> memref<1x128xi32, #tpu.memory_space<vmem>>
        %dma_start3A_88 = tpu.memref_squeeze %dma_start3A_87 : memref<1x128xi32, #tpu.memory_space<vmem>> -> memref<128xi32, #tpu.memory_space<vmem>>
        %dma_start3A_89 = arith.constant 0 : i32
        %dma_start3A_90 = arith.constant 0 : i32
        %dma_start3A_91 = tpu.memref_slice %arg9[%dma_start3A_89, %dma_start3A_90] : memref<10240x128xf32, #tpu.memory_space<vmem_shared>> -> memref<10240x128xf32, #tpu.memory_space<vmem_shared>>
        tpu.enqueue_indirect_dma source(%arg7 : memref<128x128xf32, #tpu.memory_space<vmem>>) target(%dma_start3A_91 : memref<10240x128xf32, #tpu.memory_space<vmem_shared>>) offsets(%dma_start3A_88 : memref<128xi32, #tpu.memory_space<vmem>>) semaphore(%run_scoped3A : memref<!tpu.dma_semaphore, #tpu.memory_space<semaphore_mem>>) {add = true}
        %dma_wait3A = arith.constant 0 : i32
        %dma_wait3A_92 = tpu.memref_slice %arg6[%scan3A_86, %dma_wait3A] : memref<79x128xi32, #tpu.memory_space<vmem>> -> memref<1x128xi32, #tpu.memory_space<vmem>>
        %dma_wait3A_93 = tpu.memref_squeeze %dma_wait3A_92 : memref<1x128xi32, #tpu.memory_space<vmem>> -> memref<128xi32, #tpu.memory_space<vmem>>
        %dma_wait3A_94 = arith.constant 0 : i32
        %dma_wait3A_95 = arith.constant 0 : i32
        %dma_wait3A_96 = tpu.memref_slice %arg9[%dma_wait3A_94, %dma_wait3A_95] : memref<10240x128xf32, #tpu.memory_space<vmem_shared>> -> memref<10240x128xf32, #tpu.memory_space<vmem_shared>>
        tpu.wait_indirect_dma semaphore(%run_scoped3A : memref<!tpu.dma_semaphore, #tpu.memory_space<semaphore_mem>>) src(%arg7 : memref<128x128xf32, #tpu.memory_space<vmem>>) dst(%dma_wait3A_96 : memref<10240x128xf32, #tpu.memory_space<vmem_shared>>)
        tpu.yield
      }) : () -> ()
    }
    %scan3A_44 = arith.constant 79 : i32
    %barrier3A_45 = arith.constant 0 : index
    tpu.barrier barrier_id(%barrier3A_45)
    %mul3A_46 = arith.constant 640 : i32
    %mul3A_47 = arith.muli %arg1, %mul3A_46 : i32
    %add3A_48 = arith.constant 0 : i32
    %add3A_49 = arith.addi %mul3A_47, %add3A_48 : i32
    "tpu.region"() ({
      %run_scoped3A = tpu.sem_alloc : memref<!tpu.dma_semaphore, #tpu.memory_space<semaphore_mem>>
      %dma_start3A = arith.constant 0 : i32
      %dma_start3A_86 = tpu.memref_slice %arg9[%add3A_49, %dma_start3A] : memref<10240x128xf32, #tpu.memory_space<vmem_shared>> -> memref<64x128xf32, #tpu.memory_space<vmem_shared>>
      %dma_start3A_87 = arith.constant 0 : i32
      %dma_start3A_88 = tpu.memref_slice %arg9[%add3A_49, %dma_start3A_87] : memref<10240x128xf32, #tpu.memory_space<vmem_shared>> -> memref<64x128xf32, #tpu.memory_space<vmem_shared>>
      tpu.enqueue_dma source(%dma_start3A_88 : memref<64x128xf32, #tpu.memory_space<vmem_shared>>) target(%arg8 : memref<64x128xf32, #tpu.memory_space<vmem>>) target_semaphore(%run_scoped3A : memref<!tpu.dma_semaphore, #tpu.memory_space<semaphore_mem>>)
      %dma_wait3A = arith.constant 0 : i32
      %dma_wait3A_89 = tpu.memref_slice %arg9[%add3A_49, %dma_wait3A] : memref<10240x128xf32, #tpu.memory_space<vmem_shared>> -> memref<64x128xf32, #tpu.memory_space<vmem_shared>>
      %dma_wait3A_90 = arith.constant 0 : i32
      %dma_wait3A_91 = tpu.memref_slice %arg9[%add3A_49, %dma_wait3A_90] : memref<10240x128xf32, #tpu.memory_space<vmem_shared>> -> memref<64x128xf32, #tpu.memory_space<vmem_shared>>
      tpu.wait_dma2 semaphore(%run_scoped3A : memref<!tpu.dma_semaphore, #tpu.memory_space<semaphore_mem>>) src(%dma_wait3A_91 : memref<64x128xf32, #tpu.memory_space<vmem_shared>>) dst(%arg8 : memref<64x128xf32, #tpu.memory_space<vmem>>)
      tpu.yield
    }) : () -> ()
    "tpu.region"() ({
      %run_scoped3A = tpu.sem_alloc : memref<!tpu.dma_semaphore, #tpu.memory_space<semaphore_mem>>
      %dma_start3A = arith.constant 0 : i32
      %dma_start3A_86 = tpu.memref_slice %arg5[%arg0, %add3A_49, %dma_start3A] : memref<2x10240x128xf32, #tpu.memory_space<hbm>> -> memref<1x64x128xf32, #tpu.memory_space<hbm>>
      %dma_start3A_87 = tpu.memref_squeeze %dma_start3A_86 : memref<1x64x128xf32, #tpu.memory_space<hbm>> -> memref<64x128xf32, #tpu.memory_space<hbm>>
      %dma_start3A_88 = arith.constant 0 : i32
      %dma_start3A_89 = tpu.memref_slice %arg5[%arg0, %add3A_49, %dma_start3A_88] : memref<2x10240x128xf32, #tpu.memory_space<hbm>> -> memref<1x64x128xf32, #tpu.memory_space<hbm>>
      %dma_start3A_90 = tpu.memref_squeeze %dma_start3A_89 : memref<1x64x128xf32, #tpu.memory_space<hbm>> -> memref<64x128xf32, #tpu.memory_space<hbm>>
      tpu.enqueue_dma source(%arg8 : memref<64x128xf32, #tpu.memory_space<vmem>>) target(%dma_start3A_90 : memref<64x128xf32, #tpu.memory_space<hbm>>) target_semaphore(%run_scoped3A : memref<!tpu.dma_semaphore, #tpu.memory_space<semaphore_mem>>)
      %dma_wait3A = arith.constant 0 : i32
      %dma_wait3A_91 = tpu.memref_slice %arg5[%arg0, %add3A_49, %dma_wait3A] : memref<2x10240x128xf32, #tpu.memory_space<hbm>> -> memref<1x64x128xf32, #tpu.memory_space<hbm>>
      %dma_wait3A_92 = tpu.memref_squeeze %dma_wait3A_91 : memref<1x64x128xf32, #tpu.memory_space<hbm>> -> memref<64x128xf32, #tpu.memory_space<hbm>>
      %dma_wait3A_93 = arith.constant 0 : i32
      %dma_wait3A_94 = tpu.memref_slice %arg5[%arg0, %add3A_49, %dma_wait3A_93] : memref<2x10240x128xf32, #tpu.memory_space<hbm>> -> memref<1x64x128xf32, #tpu.memory_space<hbm>>
      %dma_wait3A_95 = tpu.memref_squeeze %dma_wait3A_94 : memref<1x64x128xf32, #tpu.memory_space<hbm>> -> memref<64x128xf32, #tpu.memory_space<hbm>>
      tpu.wait_dma2 semaphore(%run_scoped3A : memref<!tpu.dma_semaphore, #tpu.memory_space<semaphore_mem>>) src(%arg8 : memref<64x128xf32, #tpu.memory_space<vmem>>) dst(%dma_wait3A_95 : memref<64x128xf32, #tpu.memory_space<hbm>>)
      tpu.yield
    }) : () -> ()
    %mul3A_50 = arith.constant 640 : i32
    %mul3A_51 = arith.muli %arg1, %mul3A_50 : i32
    %add3A_52 = arith.constant 64 : i32
    %add3A_53 = arith.addi %mul3A_51, %add3A_52 : i32
    "tpu.region"() ({
      %run_scoped3A = tpu.sem_alloc : memref<!tpu.dma_semaphore, #tpu.memory_space<semaphore_mem>>
      %dma_start3A = arith.constant 0 : i32
      %dma_start3A_86 = tpu.memref_slice %arg9[%add3A_53, %dma_start3A] : memref<10240x128xf32, #tpu.memory_space<vmem_shared>> -> memref<64x128xf32, #tpu.memory_space<vmem_shared>>
      %dma_start3A_87 = arith.constant 0 : i32
      %dma_start3A_88 = tpu.memref_slice %arg9[%add3A_53, %dma_start3A_87] : memref<10240x128xf32, #tpu.memory_space<vmem_shared>> -> memref<64x128xf32, #tpu.memory_space<vmem_shared>>
      tpu.enqueue_dma source(%dma_start3A_88 : memref<64x128xf32, #tpu.memory_space<vmem_shared>>) target(%arg8 : memref<64x128xf32, #tpu.memory_space<vmem>>) target_semaphore(%run_scoped3A : memref<!tpu.dma_semaphore, #tpu.memory_space<semaphore_mem>>)
      %dma_wait3A = arith.constant 0 : i32
      %dma_wait3A_89 = tpu.memref_slice %arg9[%add3A_53, %dma_wait3A] : memref<10240x128xf32, #tpu.memory_space<vmem_shared>> -> memref<64x128xf32, #tpu.memory_space<vmem_shared>>
      %dma_wait3A_90 = arith.constant 0 : i32
      %dma_wait3A_91 = tpu.memref_slice %arg9[%add3A_53, %dma_wait3A_90] : memref<10240x128xf32, #tpu.memory_space<vmem_shared>> -> memref<64x128xf32, #tpu.memory_space<vmem_shared>>
      tpu.wait_dma2 semaphore(%run_scoped3A : memref<!tpu.dma_semaphore, #tpu.memory_space<semaphore_mem>>) src(%dma_wait3A_91 : memref<64x128xf32, #tpu.memory_space<vmem_shared>>) dst(%arg8 : memref<64x128xf32, #tpu.memory_space<vmem>>)
      tpu.yield
    }) : () -> ()
    "tpu.region"() ({
      %run_scoped3A = tpu.sem_alloc : memref<!tpu.dma_semaphore, #tpu.memory_space<semaphore_mem>>
      %dma_start3A = arith.constant 0 : i32
      %dma_start3A_86 = tpu.memref_slice %arg5[%arg0, %add3A_53, %dma_start3A] : memref<2x10240x128xf32, #tpu.memory_space<hbm>> -> memref<1x64x128xf32, #tpu.memory_space<hbm>>
      %dma_start3A_87 = tpu.memref_squeeze %dma_start3A_86 : memref<1x64x128xf32, #tpu.memory_space<hbm>> -> memref<64x128xf32, #tpu.memory_space<hbm>>
      %dma_start3A_88 = arith.constant 0 : i32
      %dma_start3A_89 = tpu.memref_slice %arg5[%arg0, %add3A_53, %dma_start3A_88] : memref<2x10240x128xf32, #tpu.memory_space<hbm>> -> memref<1x64x128xf32, #tpu.memory_space<hbm>>
      %dma_start3A_90 = tpu.memref_squeeze %dma_start3A_89 : memref<1x64x128xf32, #tpu.memory_space<hbm>> -> memref<64x128xf32, #tpu.memory_space<hbm>>
      tpu.enqueue_dma source(%arg8 : memref<64x128xf32, #tpu.memory_space<vmem>>) target(%dma_start3A_90 : memref<64x128xf32, #tpu.memory_space<hbm>>) target_semaphore(%run_scoped3A : memref<!tpu.dma_semaphore, #tpu.memory_space<semaphore_mem>>)
      %dma_wait3A = arith.constant 0 : i32
      %dma_wait3A_91 = tpu.memref_slice %arg5[%arg0, %add3A_53, %dma_wait3A] : memref<2x10240x128xf32, #tpu.memory_space<hbm>> -> memref<1x64x128xf32, #tpu.memory_space<hbm>>
      %dma_wait3A_92 = tpu.memref_squeeze %dma_wait3A_91 : memref<1x64x128xf32, #tpu.memory_space<hbm>> -> memref<64x128xf32, #tpu.memory_space<hbm>>
      %dma_wait3A_93 = arith.constant 0 : i32
      %dma_wait3A_94 = tpu.memref_slice %arg5[%arg0, %add3A_53, %dma_wait3A_93] : memref<2x10240x128xf32, #tpu.memory_space<hbm>> -> memref<1x64x128xf32, #tpu.memory_space<hbm>>
      %dma_wait3A_95 = tpu.memref_squeeze %dma_wait3A_94 : memref<1x64x128xf32, #tpu.memory_space<hbm>> -> memref<64x128xf32, #tpu.memory_space<hbm>>
      tpu.wait_dma2 semaphore(%run_scoped3A : memref<!tpu.dma_semaphore, #tpu.memory_space<semaphore_mem>>) src(%arg8 : memref<64x128xf32, #tpu.memory_space<vmem>>) dst(%dma_wait3A_95 : memref<64x128xf32, #tpu.memory_space<hbm>>)
      tpu.yield
    }) : () -> ()
    %mul3A_54 = arith.constant 640 : i32
    %mul3A_55 = arith.muli %arg1, %mul3A_54 : i32
    %add3A_56 = arith.constant 128 : i32
    %add3A_57 = arith.addi %mul3A_55, %add3A_56 : i32
    "tpu.region"() ({
      %run_scoped3A = tpu.sem_alloc : memref<!tpu.dma_semaphore, #tpu.memory_space<semaphore_mem>>
      %dma_start3A = arith.constant 0 : i32
      %dma_start3A_86 = tpu.memref_slice %arg9[%add3A_57, %dma_start3A] : memref<10240x128xf32, #tpu.memory_space<vmem_shared>> -> memref<64x128xf32, #tpu.memory_space<vmem_shared>>
      %dma_start3A_87 = arith.constant 0 : i32
      %dma_start3A_88 = tpu.memref_slice %arg9[%add3A_57, %dma_start3A_87] : memref<10240x128xf32, #tpu.memory_space<vmem_shared>> -> memref<64x128xf32, #tpu.memory_space<vmem_shared>>
      tpu.enqueue_dma source(%dma_start3A_88 : memref<64x128xf32, #tpu.memory_space<vmem_shared>>) target(%arg8 : memref<64x128xf32, #tpu.memory_space<vmem>>) target_semaphore(%run_scoped3A : memref<!tpu.dma_semaphore, #tpu.memory_space<semaphore_mem>>)
      %dma_wait3A = arith.constant 0 : i32
      %dma_wait3A_89 = tpu.memref_slice %arg9[%add3A_57, %dma_wait3A] : memref<10240x128xf32, #tpu.memory_space<vmem_shared>> -> memref<64x128xf32, #tpu.memory_space<vmem_shared>>
      %dma_wait3A_90 = arith.constant 0 : i32
      %dma_wait3A_91 = tpu.memref_slice %arg9[%add3A_57, %dma_wait3A_90] : memref<10240x128xf32, #tpu.memory_space<vmem_shared>> -> memref<64x128xf32, #tpu.memory_space<vmem_shared>>
      tpu.wait_dma2 semaphore(%run_scoped3A : memref<!tpu.dma_semaphore, #tpu.memory_space<semaphore_mem>>) src(%dma_wait3A_91 : memref<64x128xf32, #tpu.memory_space<vmem_shared>>) dst(%arg8 : memref<64x128xf32, #tpu.memory_space<vmem>>)
      tpu.yield
    }) : () -> ()
    "tpu.region"() ({
      %run_scoped3A = tpu.sem_alloc : memref<!tpu.dma_semaphore, #tpu.memory_space<semaphore_mem>>
      %dma_start3A = arith.constant 0 : i32
      %dma_start3A_86 = tpu.memref_slice %arg5[%arg0, %add3A_57, %dma_start3A] : memref<2x10240x128xf32, #tpu.memory_space<hbm>> -> memref<1x64x128xf32, #tpu.memory_space<hbm>>
      %dma_start3A_87 = tpu.memref_squeeze %dma_start3A_86 : memref<1x64x128xf32, #tpu.memory_space<hbm>> -> memref<64x128xf32, #tpu.memory_space<hbm>>
      %dma_start3A_88 = arith.constant 0 : i32
      %dma_start3A_89 = tpu.memref_slice %arg5[%arg0, %add3A_57, %dma_start3A_88] : memref<2x10240x128xf32, #tpu.memory_space<hbm>> -> memref<1x64x128xf32, #tpu.memory_space<hbm>>
      %dma_start3A_90 = tpu.memref_squeeze %dma_start3A_89 : memref<1x64x128xf32, #tpu.memory_space<hbm>> -> memref<64x128xf32, #tpu.memory_space<hbm>>
      tpu.enqueue_dma source(%arg8 : memref<64x128xf32, #tpu.memory_space<vmem>>) target(%dma_start3A_90 : memref<64x128xf32, #tpu.memory_space<hbm>>) target_semaphore(%run_scoped3A : memref<!tpu.dma_semaphore, #tpu.memory_space<semaphore_mem>>)
      %dma_wait3A = arith.constant 0 : i32
      %dma_wait3A_91 = tpu.memref_slice %arg5[%arg0, %add3A_57, %dma_wait3A] : memref<2x10240x128xf32, #tpu.memory_space<hbm>> -> memref<1x64x128xf32, #tpu.memory_space<hbm>>
      %dma_wait3A_92 = tpu.memref_squeeze %dma_wait3A_91 : memref<1x64x128xf32, #tpu.memory_space<hbm>> -> memref<64x128xf32, #tpu.memory_space<hbm>>
      %dma_wait3A_93 = arith.constant 0 : i32
      %dma_wait3A_94 = tpu.memref_slice %arg5[%arg0, %add3A_57, %dma_wait3A_93] : memref<2x10240x128xf32, #tpu.memory_space<hbm>> -> memref<1x64x128xf32, #tpu.memory_space<hbm>>
      %dma_wait3A_95 = tpu.memref_squeeze %dma_wait3A_94 : memref<1x64x128xf32, #tpu.memory_space<hbm>> -> memref<64x128xf32, #tpu.memory_space<hbm>>
      tpu.wait_dma2 semaphore(%run_scoped3A : memref<!tpu.dma_semaphore, #tpu.memory_space<semaphore_mem>>) src(%arg8 : memref<64x128xf32, #tpu.memory_space<vmem>>) dst(%dma_wait3A_95 : memref<64x128xf32, #tpu.memory_space<hbm>>)
      tpu.yield
    }) : () -> ()
    %mul3A_58 = arith.constant 640 : i32
    %mul3A_59 = arith.muli %arg1, %mul3A_58 : i32
    %add3A_60 = arith.constant 192 : i32
    %add3A_61 = arith.addi %mul3A_59, %add3A_60 : i32
    "tpu.region"() ({
      %run_scoped3A = tpu.sem_alloc : memref<!tpu.dma_semaphore, #tpu.memory_space<semaphore_mem>>
      %dma_start3A = arith.constant 0 : i32
      %dma_start3A_86 = tpu.memref_slice %arg9[%add3A_61, %dma_start3A] : memref<10240x128xf32, #tpu.memory_space<vmem_shared>> -> memref<64x128xf32, #tpu.memory_space<vmem_shared>>
      %dma_start3A_87 = arith.constant 0 : i32
      %dma_start3A_88 = tpu.memref_slice %arg9[%add3A_61, %dma_start3A_87] : memref<10240x128xf32, #tpu.memory_space<vmem_shared>> -> memref<64x128xf32, #tpu.memory_space<vmem_shared>>
      tpu.enqueue_dma source(%dma_start3A_88 : memref<64x128xf32, #tpu.memory_space<vmem_shared>>) target(%arg8 : memref<64x128xf32, #tpu.memory_space<vmem>>) target_semaphore(%run_scoped3A : memref<!tpu.dma_semaphore, #tpu.memory_space<semaphore_mem>>)
      %dma_wait3A = arith.constant 0 : i32
      %dma_wait3A_89 = tpu.memref_slice %arg9[%add3A_61, %dma_wait3A] : memref<10240x128xf32, #tpu.memory_space<vmem_shared>> -> memref<64x128xf32, #tpu.memory_space<vmem_shared>>
      %dma_wait3A_90 = arith.constant 0 : i32
      %dma_wait3A_91 = tpu.memref_slice %arg9[%add3A_61, %dma_wait3A_90] : memref<10240x128xf32, #tpu.memory_space<vmem_shared>> -> memref<64x128xf32, #tpu.memory_space<vmem_shared>>
      tpu.wait_dma2 semaphore(%run_scoped3A : memref<!tpu.dma_semaphore, #tpu.memory_space<semaphore_mem>>) src(%dma_wait3A_91 : memref<64x128xf32, #tpu.memory_space<vmem_shared>>) dst(%arg8 : memref<64x128xf32, #tpu.memory_space<vmem>>)
      tpu.yield
    }) : () -> ()
    "tpu.region"() ({
      %run_scoped3A = tpu.sem_alloc : memref<!tpu.dma_semaphore, #tpu.memory_space<semaphore_mem>>
      %dma_start3A = arith.constant 0 : i32
      %dma_start3A_86 = tpu.memref_slice %arg5[%arg0, %add3A_61, %dma_start3A] : memref<2x10240x128xf32, #tpu.memory_space<hbm>> -> memref<1x64x128xf32, #tpu.memory_space<hbm>>
      %dma_start3A_87 = tpu.memref_squeeze %dma_start3A_86 : memref<1x64x128xf32, #tpu.memory_space<hbm>> -> memref<64x128xf32, #tpu.memory_space<hbm>>
      %dma_start3A_88 = arith.constant 0 : i32
      %dma_start3A_89 = tpu.memref_slice %arg5[%arg0, %add3A_61, %dma_start3A_88] : memref<2x10240x128xf32, #tpu.memory_space<hbm>> -> memref<1x64x128xf32, #tpu.memory_space<hbm>>
      %dma_start3A_90 = tpu.memref_squeeze %dma_start3A_89 : memref<1x64x128xf32, #tpu.memory_space<hbm>> -> memref<64x128xf32, #tpu.memory_space<hbm>>
      tpu.enqueue_dma source(%arg8 : memref<64x128xf32, #tpu.memory_space<vmem>>) target(%dma_start3A_90 : memref<64x128xf32, #tpu.memory_space<hbm>>) target_semaphore(%run_scoped3A : memref<!tpu.dma_semaphore, #tpu.memory_space<semaphore_mem>>)
      %dma_wait3A = arith.constant 0 : i32
      %dma_wait3A_91 = tpu.memref_slice %arg5[%arg0, %add3A_61, %dma_wait3A] : memref<2x10240x128xf32, #tpu.memory_space<hbm>> -> memref<1x64x128xf32, #tpu.memory_space<hbm>>
      %dma_wait3A_92 = tpu.memref_squeeze %dma_wait3A_91 : memref<1x64x128xf32, #tpu.memory_space<hbm>> -> memref<64x128xf32, #tpu.memory_space<hbm>>
      %dma_wait3A_93 = arith.constant 0 : i32
      %dma_wait3A_94 = tpu.memref_slice %arg5[%arg0, %add3A_61, %dma_wait3A_93] : memref<2x10240x128xf32, #tpu.memory_space<hbm>> -> memref<1x64x128xf32, #tpu.memory_space<hbm>>
      %dma_wait3A_95 = tpu.memref_squeeze %dma_wait3A_94 : memref<1x64x128xf32, #tpu.memory_space<hbm>> -> memref<64x128xf32, #tpu.memory_space<hbm>>
      tpu.wait_dma2 semaphore(%run_scoped3A : memref<!tpu.dma_semaphore, #tpu.memory_space<semaphore_mem>>) src(%arg8 : memref<64x128xf32, #tpu.memory_space<vmem>>) dst(%dma_wait3A_95 : memref<64x128xf32, #tpu.memory_space<hbm>>)
      tpu.yield
    }) : () -> ()
    %mul3A_62 = arith.constant 640 : i32
    %mul3A_63 = arith.muli %arg1, %mul3A_62 : i32
    %add3A_64 = arith.constant 256 : i32
    %add3A_65 = arith.addi %mul3A_63, %add3A_64 : i32
    "tpu.region"() ({
      %run_scoped3A = tpu.sem_alloc : memref<!tpu.dma_semaphore, #tpu.memory_space<semaphore_mem>>
      %dma_start3A = arith.constant 0 : i32
      %dma_start3A_86 = tpu.memref_slice %arg9[%add3A_65, %dma_start3A] : memref<10240x128xf32, #tpu.memory_space<vmem_shared>> -> memref<64x128xf32, #tpu.memory_space<vmem_shared>>
      %dma_start3A_87 = arith.constant 0 : i32
      %dma_start3A_88 = tpu.memref_slice %arg9[%add3A_65, %dma_start3A_87] : memref<10240x128xf32, #tpu.memory_space<vmem_shared>> -> memref<64x128xf32, #tpu.memory_space<vmem_shared>>
      tpu.enqueue_dma source(%dma_start3A_88 : memref<64x128xf32, #tpu.memory_space<vmem_shared>>) target(%arg8 : memref<64x128xf32, #tpu.memory_space<vmem>>) target_semaphore(%run_scoped3A : memref<!tpu.dma_semaphore, #tpu.memory_space<semaphore_mem>>)
      %dma_wait3A = arith.constant 0 : i32
      %dma_wait3A_89 = tpu.memref_slice %arg9[%add3A_65, %dma_wait3A] : memref<10240x128xf32, #tpu.memory_space<vmem_shared>> -> memref<64x128xf32, #tpu.memory_space<vmem_shared>>
      %dma_wait3A_90 = arith.constant 0 : i32
      %dma_wait3A_91 = tpu.memref_slice %arg9[%add3A_65, %dma_wait3A_90] : memref<10240x128xf32, #tpu.memory_space<vmem_shared>> -> memref<64x128xf32, #tpu.memory_space<vmem_shared>>
      tpu.wait_dma2 semaphore(%run_scoped3A : memref<!tpu.dma_semaphore, #tpu.memory_space<semaphore_mem>>) src(%dma_wait3A_91 : memref<64x128xf32, #tpu.memory_space<vmem_shared>>) dst(%arg8 : memref<64x128xf32, #tpu.memory_space<vmem>>)
      tpu.yield
    }) : () -> ()
    "tpu.region"() ({
      %run_scoped3A = tpu.sem_alloc : memref<!tpu.dma_semaphore, #tpu.memory_space<semaphore_mem>>
      %dma_start3A = arith.constant 0 : i32
      %dma_start3A_86 = tpu.memref_slice %arg5[%arg0, %add3A_65, %dma_start3A] : memref<2x10240x128xf32, #tpu.memory_space<hbm>> -> memref<1x64x128xf32, #tpu.memory_space<hbm>>
      %dma_start3A_87 = tpu.memref_squeeze %dma_start3A_86 : memref<1x64x128xf32, #tpu.memory_space<hbm>> -> memref<64x128xf32, #tpu.memory_space<hbm>>
      %dma_start3A_88 = arith.constant 0 : i32
      %dma_start3A_89 = tpu.memref_slice %arg5[%arg0, %add3A_65, %dma_start3A_88] : memref<2x10240x128xf32, #tpu.memory_space<hbm>> -> memref<1x64x128xf32, #tpu.memory_space<hbm>>
      %dma_start3A_90 = tpu.memref_squeeze %dma_start3A_89 : memref<1x64x128xf32, #tpu.memory_space<hbm>> -> memref<64x128xf32, #tpu.memory_space<hbm>>
      tpu.enqueue_dma source(%arg8 : memref<64x128xf32, #tpu.memory_space<vmem>>) target(%dma_start3A_90 : memref<64x128xf32, #tpu.memory_space<hbm>>) target_semaphore(%run_scoped3A : memref<!tpu.dma_semaphore, #tpu.memory_space<semaphore_mem>>)
      %dma_wait3A = arith.constant 0 : i32
      %dma_wait3A_91 = tpu.memref_slice %arg5[%arg0, %add3A_65, %dma_wait3A] : memref<2x10240x128xf32, #tpu.memory_space<hbm>> -> memref<1x64x128xf32, #tpu.memory_space<hbm>>
      %dma_wait3A_92 = tpu.memref_squeeze %dma_wait3A_91 : memref<1x64x128xf32, #tpu.memory_space<hbm>> -> memref<64x128xf32, #tpu.memory_space<hbm>>
      %dma_wait3A_93 = arith.constant 0 : i32
      %dma_wait3A_94 = tpu.memref_slice %arg5[%arg0, %add3A_65, %dma_wait3A_93] : memref<2x10240x128xf32, #tpu.memory_space<hbm>> -> memref<1x64x128xf32, #tpu.memory_space<hbm>>
      %dma_wait3A_95 = tpu.memref_squeeze %dma_wait3A_94 : memref<1x64x128xf32, #tpu.memory_space<hbm>> -> memref<64x128xf32, #tpu.memory_space<hbm>>
      tpu.wait_dma2 semaphore(%run_scoped3A : memref<!tpu.dma_semaphore, #tpu.memory_space<semaphore_mem>>) src(%arg8 : memref<64x128xf32, #tpu.memory_space<vmem>>) dst(%dma_wait3A_95 : memref<64x128xf32, #tpu.memory_space<hbm>>)
      tpu.yield
    }) : () -> ()
    %mul3A_66 = arith.constant 640 : i32
    %mul3A_67 = arith.muli %arg1, %mul3A_66 : i32
    %add3A_68 = arith.constant 320 : i32
    %add3A_69 = arith.addi %mul3A_67, %add3A_68 : i32
    "tpu.region"() ({
      %run_scoped3A = tpu.sem_alloc : memref<!tpu.dma_semaphore, #tpu.memory_space<semaphore_mem>>
      %dma_start3A = arith.constant 0 : i32
      %dma_start3A_86 = tpu.memref_slice %arg9[%add3A_69, %dma_start3A] : memref<10240x128xf32, #tpu.memory_space<vmem_shared>> -> memref<64x128xf32, #tpu.memory_space<vmem_shared>>
      %dma_start3A_87 = arith.constant 0 : i32
      %dma_start3A_88 = tpu.memref_slice %arg9[%add3A_69, %dma_start3A_87] : memref<10240x128xf32, #tpu.memory_space<vmem_shared>> -> memref<64x128xf32, #tpu.memory_space<vmem_shared>>
      tpu.enqueue_dma source(%dma_start3A_88 : memref<64x128xf32, #tpu.memory_space<vmem_shared>>) target(%arg8 : memref<64x128xf32, #tpu.memory_space<vmem>>) target_semaphore(%run_scoped3A : memref<!tpu.dma_semaphore, #tpu.memory_space<semaphore_mem>>)
      %dma_wait3A = arith.constant 0 : i32
      %dma_wait3A_89 = tpu.memref_slice %arg9[%add3A_69, %dma_wait3A] : memref<10240x128xf32, #tpu.memory_space<vmem_shared>> -> memref<64x128xf32, #tpu.memory_space<vmem_shared>>
      %dma_wait3A_90 = arith.constant 0 : i32
      %dma_wait3A_91 = tpu.memref_slice %arg9[%add3A_69, %dma_wait3A_90] : memref<10240x128xf32, #tpu.memory_space<vmem_shared>> -> memref<64x128xf32, #tpu.memory_space<vmem_shared>>
      tpu.wait_dma2 semaphore(%run_scoped3A : memref<!tpu.dma_semaphore, #tpu.memory_space<semaphore_mem>>) src(%dma_wait3A_91 : memref<64x128xf32, #tpu.memory_space<vmem_shared>>) dst(%arg8 : memref<64x128xf32, #tpu.memory_space<vmem>>)
      tpu.yield
    }) : () -> ()
    "tpu.region"() ({
      %run_scoped3A = tpu.sem_alloc : memref<!tpu.dma_semaphore, #tpu.memory_space<semaphore_mem>>
      %dma_start3A = arith.constant 0 : i32
      %dma_start3A_86 = tpu.memref_slice %arg5[%arg0, %add3A_69, %dma_start3A] : memref<2x10240x128xf32, #tpu.memory_space<hbm>> -> memref<1x64x128xf32, #tpu.memory_space<hbm>>
      %dma_start3A_87 = tpu.memref_squeeze %dma_start3A_86 : memref<1x64x128xf32, #tpu.memory_space<hbm>> -> memref<64x128xf32, #tpu.memory_space<hbm>>
      %dma_start3A_88 = arith.constant 0 : i32
      %dma_start3A_89 = tpu.memref_slice %arg5[%arg0, %add3A_69, %dma_start3A_88] : memref<2x10240x128xf32, #tpu.memory_space<hbm>> -> memref<1x64x128xf32, #tpu.memory_space<hbm>>
      %dma_start3A_90 = tpu.memref_squeeze %dma_start3A_89 : memref<1x64x128xf32, #tpu.memory_space<hbm>> -> memref<64x128xf32, #tpu.memory_space<hbm>>
      tpu.enqueue_dma source(%arg8 : memref<64x128xf32, #tpu.memory_space<vmem>>) target(%dma_start3A_90 : memref<64x128xf32, #tpu.memory_space<hbm>>) target_semaphore(%run_scoped3A : memref<!tpu.dma_semaphore, #tpu.memory_space<semaphore_mem>>)
      %dma_wait3A = arith.constant 0 : i32
      %dma_wait3A_91 = tpu.memref_slice %arg5[%arg0, %add3A_69, %dma_wait3A] : memref<2x10240x128xf32, #tpu.memory_space<hbm>> -> memref<1x64x128xf32, #tpu.memory_space<hbm>>
      %dma_wait3A_92 = tpu.memref_squeeze %dma_wait3A_91 : memref<1x64x128xf32, #tpu.memory_space<hbm>> -> memref<64x128xf32, #tpu.memory_space<hbm>>
      %dma_wait3A_93 = arith.constant 0 : i32
      %dma_wait3A_94 = tpu.memref_slice %arg5[%arg0, %add3A_69, %dma_wait3A_93] : memref<2x10240x128xf32, #tpu.memory_space<hbm>> -> memref<1x64x128xf32, #tpu.memory_space<hbm>>
      %dma_wait3A_95 = tpu.memref_squeeze %dma_wait3A_94 : memref<1x64x128xf32, #tpu.memory_space<hbm>> -> memref<64x128xf32, #tpu.memory_space<hbm>>
      tpu.wait_dma2 semaphore(%run_scoped3A : memref<!tpu.dma_semaphore, #tpu.memory_space<semaphore_mem>>) src(%arg8 : memref<64x128xf32, #tpu.memory_space<vmem>>) dst(%dma_wait3A_95 : memref<64x128xf32, #tpu.memory_space<hbm>>)
      tpu.yield
    }) : () -> ()
    %mul3A_70 = arith.constant 640 : i32
    %mul3A_71 = arith.muli %arg1, %mul3A_70 : i32
    %add3A_72 = arith.constant 384 : i32
    %add3A_73 = arith.addi %mul3A_71, %add3A_72 : i32
    "tpu.region"() ({
      %run_scoped3A = tpu.sem_alloc : memref<!tpu.dma_semaphore, #tpu.memory_space<semaphore_mem>>
      %dma_start3A = arith.constant 0 : i32
      %dma_start3A_86 = tpu.memref_slice %arg9[%add3A_73, %dma_start3A] : memref<10240x128xf32, #tpu.memory_space<vmem_shared>> -> memref<64x128xf32, #tpu.memory_space<vmem_shared>>
      %dma_start3A_87 = arith.constant 0 : i32
      %dma_start3A_88 = tpu.memref_slice %arg9[%add3A_73, %dma_start3A_87] : memref<10240x128xf32, #tpu.memory_space<vmem_shared>> -> memref<64x128xf32, #tpu.memory_space<vmem_shared>>
      tpu.enqueue_dma source(%dma_start3A_88 : memref<64x128xf32, #tpu.memory_space<vmem_shared>>) target(%arg8 : memref<64x128xf32, #tpu.memory_space<vmem>>) target_semaphore(%run_scoped3A : memref<!tpu.dma_semaphore, #tpu.memory_space<semaphore_mem>>)
      %dma_wait3A = arith.constant 0 : i32
      %dma_wait3A_89 = tpu.memref_slice %arg9[%add3A_73, %dma_wait3A] : memref<10240x128xf32, #tpu.memory_space<vmem_shared>> -> memref<64x128xf32, #tpu.memory_space<vmem_shared>>
      %dma_wait3A_90 = arith.constant 0 : i32
      %dma_wait3A_91 = tpu.memref_slice %arg9[%add3A_73, %dma_wait3A_90] : memref<10240x128xf32, #tpu.memory_space<vmem_shared>> -> memref<64x128xf32, #tpu.memory_space<vmem_shared>>
      tpu.wait_dma2 semaphore(%run_scoped3A : memref<!tpu.dma_semaphore, #tpu.memory_space<semaphore_mem>>) src(%dma_wait3A_91 : memref<64x128xf32, #tpu.memory_space<vmem_shared>>) dst(%arg8 : memref<64x128xf32, #tpu.memory_space<vmem>>)
      tpu.yield
    }) : () -> ()
    "tpu.region"() ({
      %run_scoped3A = tpu.sem_alloc : memref<!tpu.dma_semaphore, #tpu.memory_space<semaphore_mem>>
      %dma_start3A = arith.constant 0 : i32
      %dma_start3A_86 = tpu.memref_slice %arg5[%arg0, %add3A_73, %dma_start3A] : memref<2x10240x128xf32, #tpu.memory_space<hbm>> -> memref<1x64x128xf32, #tpu.memory_space<hbm>>
      %dma_start3A_87 = tpu.memref_squeeze %dma_start3A_86 : memref<1x64x128xf32, #tpu.memory_space<hbm>> -> memref<64x128xf32, #tpu.memory_space<hbm>>
      %dma_start3A_88 = arith.constant 0 : i32
      %dma_start3A_89 = tpu.memref_slice %arg5[%arg0, %add3A_73, %dma_start3A_88] : memref<2x10240x128xf32, #tpu.memory_space<hbm>> -> memref<1x64x128xf32, #tpu.memory_space<hbm>>
      %dma_start3A_90 = tpu.memref_squeeze %dma_start3A_89 : memref<1x64x128xf32, #tpu.memory_space<hbm>> -> memref<64x128xf32, #tpu.memory_space<hbm>>
      tpu.enqueue_dma source(%arg8 : memref<64x128xf32, #tpu.memory_space<vmem>>) target(%dma_start3A_90 : memref<64x128xf32, #tpu.memory_space<hbm>>) target_semaphore(%run_scoped3A : memref<!tpu.dma_semaphore, #tpu.memory_space<semaphore_mem>>)
      %dma_wait3A = arith.constant 0 : i32
      %dma_wait3A_91 = tpu.memref_slice %arg5[%arg0, %add3A_73, %dma_wait3A] : memref<2x10240x128xf32, #tpu.memory_space<hbm>> -> memref<1x64x128xf32, #tpu.memory_space<hbm>>
      %dma_wait3A_92 = tpu.memref_squeeze %dma_wait3A_91 : memref<1x64x128xf32, #tpu.memory_space<hbm>> -> memref<64x128xf32, #tpu.memory_space<hbm>>
      %dma_wait3A_93 = arith.constant 0 : i32
      %dma_wait3A_94 = tpu.memref_slice %arg5[%arg0, %add3A_73, %dma_wait3A_93] : memref<2x10240x128xf32, #tpu.memory_space<hbm>> -> memref<1x64x128xf32, #tpu.memory_space<hbm>>
      %dma_wait3A_95 = tpu.memref_squeeze %dma_wait3A_94 : memref<1x64x128xf32, #tpu.memory_space<hbm>> -> memref<64x128xf32, #tpu.memory_space<hbm>>
      tpu.wait_dma2 semaphore(%run_scoped3A : memref<!tpu.dma_semaphore, #tpu.memory_space<semaphore_mem>>) src(%arg8 : memref<64x128xf32, #tpu.memory_space<vmem>>) dst(%dma_wait3A_95 : memref<64x128xf32, #tpu.memory_space<hbm>>)
      tpu.yield
    }) : () -> ()
    %mul3A_74 = arith.constant 640 : i32
    %mul3A_75 = arith.muli %arg1, %mul3A_74 : i32
    %add3A_76 = arith.constant 448 : i32
    %add3A_77 = arith.addi %mul3A_75, %add3A_76 : i32
    "tpu.region"() ({
      %run_scoped3A = tpu.sem_alloc : memref<!tpu.dma_semaphore, #tpu.memory_space<semaphore_mem>>
      %dma_start3A = arith.constant 0 : i32
      %dma_start3A_86 = tpu.memref_slice %arg9[%add3A_77, %dma_start3A] : memref<10240x128xf32, #tpu.memory_space<vmem_shared>> -> memref<64x128xf32, #tpu.memory_space<vmem_shared>>
      %dma_start3A_87 = arith.constant 0 : i32
      %dma_start3A_88 = tpu.memref_slice %arg9[%add3A_77, %dma_start3A_87] : memref<10240x128xf32, #tpu.memory_space<vmem_shared>> -> memref<64x128xf32, #tpu.memory_space<vmem_shared>>
      tpu.enqueue_dma source(%dma_start3A_88 : memref<64x128xf32, #tpu.memory_space<vmem_shared>>) target(%arg8 : memref<64x128xf32, #tpu.memory_space<vmem>>) target_semaphore(%run_scoped3A : memref<!tpu.dma_semaphore, #tpu.memory_space<semaphore_mem>>)
      %dma_wait3A = arith.constant 0 : i32
      %dma_wait3A_89 = tpu.memref_slice %arg9[%add3A_77, %dma_wait3A] : memref<10240x128xf32, #tpu.memory_space<vmem_shared>> -> memref<64x128xf32, #tpu.memory_space<vmem_shared>>
      %dma_wait3A_90 = arith.constant 0 : i32
      %dma_wait3A_91 = tpu.memref_slice %arg9[%add3A_77, %dma_wait3A_90] : memref<10240x128xf32, #tpu.memory_space<vmem_shared>> -> memref<64x128xf32, #tpu.memory_space<vmem_shared>>
      tpu.wait_dma2 semaphore(%run_scoped3A : memref<!tpu.dma_semaphore, #tpu.memory_space<semaphore_mem>>) src(%dma_wait3A_91 : memref<64x128xf32, #tpu.memory_space<vmem_shared>>) dst(%arg8 : memref<64x128xf32, #tpu.memory_space<vmem>>)
      tpu.yield
    }) : () -> ()
    "tpu.region"() ({
      %run_scoped3A = tpu.sem_alloc : memref<!tpu.dma_semaphore, #tpu.memory_space<semaphore_mem>>
      %dma_start3A = arith.constant 0 : i32
      %dma_start3A_86 = tpu.memref_slice %arg5[%arg0, %add3A_77, %dma_start3A] : memref<2x10240x128xf32, #tpu.memory_space<hbm>> -> memref<1x64x128xf32, #tpu.memory_space<hbm>>
      %dma_start3A_87 = tpu.memref_squeeze %dma_start3A_86 : memref<1x64x128xf32, #tpu.memory_space<hbm>> -> memref<64x128xf32, #tpu.memory_space<hbm>>
      %dma_start3A_88 = arith.constant 0 : i32
      %dma_start3A_89 = tpu.memref_slice %arg5[%arg0, %add3A_77, %dma_start3A_88] : memref<2x10240x128xf32, #tpu.memory_space<hbm>> -> memref<1x64x128xf32, #tpu.memory_space<hbm>>
      %dma_start3A_90 = tpu.memref_squeeze %dma_start3A_89 : memref<1x64x128xf32, #tpu.memory_space<hbm>> -> memref<64x128xf32, #tpu.memory_space<hbm>>
      tpu.enqueue_dma source(%arg8 : memref<64x128xf32, #tpu.memory_space<vmem>>) target(%dma_start3A_90 : memref<64x128xf32, #tpu.memory_space<hbm>>) target_semaphore(%run_scoped3A : memref<!tpu.dma_semaphore, #tpu.memory_space<semaphore_mem>>)
      %dma_wait3A = arith.constant 0 : i32
      %dma_wait3A_91 = tpu.memref_slice %arg5[%arg0, %add3A_77, %dma_wait3A] : memref<2x10240x128xf32, #tpu.memory_space<hbm>> -> memref<1x64x128xf32, #tpu.memory_space<hbm>>
      %dma_wait3A_92 = tpu.memref_squeeze %dma_wait3A_91 : memref<1x64x128xf32, #tpu.memory_space<hbm>> -> memref<64x128xf32, #tpu.memory_space<hbm>>
      %dma_wait3A_93 = arith.constant 0 : i32
      %dma_wait3A_94 = tpu.memref_slice %arg5[%arg0, %add3A_77, %dma_wait3A_93] : memref<2x10240x128xf32, #tpu.memory_space<hbm>> -> memref<1x64x128xf32, #tpu.memory_space<hbm>>
      %dma_wait3A_95 = tpu.memref_squeeze %dma_wait3A_94 : memref<1x64x128xf32, #tpu.memory_space<hbm>> -> memref<64x128xf32, #tpu.memory_space<hbm>>
      tpu.wait_dma2 semaphore(%run_scoped3A : memref<!tpu.dma_semaphore, #tpu.memory_space<semaphore_mem>>) src(%arg8 : memref<64x128xf32, #tpu.memory_space<vmem>>) dst(%dma_wait3A_95 : memref<64x128xf32, #tpu.memory_space<hbm>>)
      tpu.yield
    }) : () -> ()
    %mul3A_78 = arith.constant 640 : i32
    %mul3A_79 = arith.muli %arg1, %mul3A_78 : i32
    %add3A_80 = arith.constant 512 : i32
    %add3A_81 = arith.addi %mul3A_79, %add3A_80 : i32
    "tpu.region"() ({
      %run_scoped3A = tpu.sem_alloc : memref<!tpu.dma_semaphore, #tpu.memory_space<semaphore_mem>>
      %dma_start3A = arith.constant 0 : i32
      %dma_start3A_86 = tpu.memref_slice %arg9[%add3A_81, %dma_start3A] : memref<10240x128xf32, #tpu.memory_space<vmem_shared>> -> memref<64x128xf32, #tpu.memory_space<vmem_shared>>
      %dma_start3A_87 = arith.constant 0 : i32
      %dma_start3A_88 = tpu.memref_slice %arg9[%add3A_81, %dma_start3A_87] : memref<10240x128xf32, #tpu.memory_space<vmem_shared>> -> memref<64x128xf32, #tpu.memory_space<vmem_shared>>
      tpu.enqueue_dma source(%dma_start3A_88 : memref<64x128xf32, #tpu.memory_space<vmem_shared>>) target(%arg8 : memref<64x128xf32, #tpu.memory_space<vmem>>) target_semaphore(%run_scoped3A : memref<!tpu.dma_semaphore, #tpu.memory_space<semaphore_mem>>)
      %dma_wait3A = arith.constant 0 : i32
      %dma_wait3A_89 = tpu.memref_slice %arg9[%add3A_81, %dma_wait3A] : memref<10240x128xf32, #tpu.memory_space<vmem_shared>> -> memref<64x128xf32, #tpu.memory_space<vmem_shared>>
      %dma_wait3A_90 = arith.constant 0 : i32
      %dma_wait3A_91 = tpu.memref_slice %arg9[%add3A_81, %dma_wait3A_90] : memref<10240x128xf32, #tpu.memory_space<vmem_shared>> -> memref<64x128xf32, #tpu.memory_space<vmem_shared>>
      tpu.wait_dma2 semaphore(%run_scoped3A : memref<!tpu.dma_semaphore, #tpu.memory_space<semaphore_mem>>) src(%dma_wait3A_91 : memref<64x128xf32, #tpu.memory_space<vmem_shared>>) dst(%arg8 : memref<64x128xf32, #tpu.memory_space<vmem>>)
      tpu.yield
    }) : () -> ()
    "tpu.region"() ({
      %run_scoped3A = tpu.sem_alloc : memref<!tpu.dma_semaphore, #tpu.memory_space<semaphore_mem>>
      %dma_start3A = arith.constant 0 : i32
      %dma_start3A_86 = tpu.memref_slice %arg5[%arg0, %add3A_81, %dma_start3A] : memref<2x10240x128xf32, #tpu.memory_space<hbm>> -> memref<1x64x128xf32, #tpu.memory_space<hbm>>
      %dma_start3A_87 = tpu.memref_squeeze %dma_start3A_86 : memref<1x64x128xf32, #tpu.memory_space<hbm>> -> memref<64x128xf32, #tpu.memory_space<hbm>>
      %dma_start3A_88 = arith.constant 0 : i32
      %dma_start3A_89 = tpu.memref_slice %arg5[%arg0, %add3A_81, %dma_start3A_88] : memref<2x10240x128xf32, #tpu.memory_space<hbm>> -> memref<1x64x128xf32, #tpu.memory_space<hbm>>
      %dma_start3A_90 = tpu.memref_squeeze %dma_start3A_89 : memref<1x64x128xf32, #tpu.memory_space<hbm>> -> memref<64x128xf32, #tpu.memory_space<hbm>>
      tpu.enqueue_dma source(%arg8 : memref<64x128xf32, #tpu.memory_space<vmem>>) target(%dma_start3A_90 : memref<64x128xf32, #tpu.memory_space<hbm>>) target_semaphore(%run_scoped3A : memref<!tpu.dma_semaphore, #tpu.memory_space<semaphore_mem>>)
      %dma_wait3A = arith.constant 0 : i32
      %dma_wait3A_91 = tpu.memref_slice %arg5[%arg0, %add3A_81, %dma_wait3A] : memref<2x10240x128xf32, #tpu.memory_space<hbm>> -> memref<1x64x128xf32, #tpu.memory_space<hbm>>
      %dma_wait3A_92 = tpu.memref_squeeze %dma_wait3A_91 : memref<1x64x128xf32, #tpu.memory_space<hbm>> -> memref<64x128xf32, #tpu.memory_space<hbm>>
      %dma_wait3A_93 = arith.constant 0 : i32
      %dma_wait3A_94 = tpu.memref_slice %arg5[%arg0, %add3A_81, %dma_wait3A_93] : memref<2x10240x128xf32, #tpu.memory_space<hbm>> -> memref<1x64x128xf32, #tpu.memory_space<hbm>>
      %dma_wait3A_95 = tpu.memref_squeeze %dma_wait3A_94 : memref<1x64x128xf32, #tpu.memory_space<hbm>> -> memref<64x128xf32, #tpu.memory_space<hbm>>
      tpu.wait_dma2 semaphore(%run_scoped3A : memref<!tpu.dma_semaphore, #tpu.memory_space<semaphore_mem>>) src(%arg8 : memref<64x128xf32, #tpu.memory_space<vmem>>) dst(%dma_wait3A_95 : memref<64x128xf32, #tpu.memory_space<hbm>>)
      tpu.yield
    }) : () -> ()
    %mul3A_82 = arith.constant 640 : i32
    %mul3A_83 = arith.muli %arg1, %mul3A_82 : i32
    %add3A_84 = arith.constant 576 : i32
    %add3A_85 = arith.addi %mul3A_83, %add3A_84 : i32
    "tpu.region"() ({
      %run_scoped3A = tpu.sem_alloc : memref<!tpu.dma_semaphore, #tpu.memory_space<semaphore_mem>>
      %dma_start3A = arith.constant 0 : i32
      %dma_start3A_86 = tpu.memref_slice %arg9[%add3A_85, %dma_start3A] : memref<10240x128xf32, #tpu.memory_space<vmem_shared>> -> memref<64x128xf32, #tpu.memory_space<vmem_shared>>
      %dma_start3A_87 = arith.constant 0 : i32
      %dma_start3A_88 = tpu.memref_slice %arg9[%add3A_85, %dma_start3A_87] : memref<10240x128xf32, #tpu.memory_space<vmem_shared>> -> memref<64x128xf32, #tpu.memory_space<vmem_shared>>
      tpu.enqueue_dma source(%dma_start3A_88 : memref<64x128xf32, #tpu.memory_space<vmem_shared>>) target(%arg8 : memref<64x128xf32, #tpu.memory_space<vmem>>) target_semaphore(%run_scoped3A : memref<!tpu.dma_semaphore, #tpu.memory_space<semaphore_mem>>)
      %dma_wait3A = arith.constant 0 : i32
      %dma_wait3A_89 = tpu.memref_slice %arg9[%add3A_85, %dma_wait3A] : memref<10240x128xf32, #tpu.memory_space<vmem_shared>> -> memref<64x128xf32, #tpu.memory_space<vmem_shared>>
      %dma_wait3A_90 = arith.constant 0 : i32
      %dma_wait3A_91 = tpu.memref_slice %arg9[%add3A_85, %dma_wait3A_90] : memref<10240x128xf32, #tpu.memory_space<vmem_shared>> -> memref<64x128xf32, #tpu.memory_space<vmem_shared>>
      tpu.wait_dma2 semaphore(%run_scoped3A : memref<!tpu.dma_semaphore, #tpu.memory_space<semaphore_mem>>) src(%dma_wait3A_91 : memref<64x128xf32, #tpu.memory_space<vmem_shared>>) dst(%arg8 : memref<64x128xf32, #tpu.memory_space<vmem>>)
      tpu.yield
    }) : () -> ()
    "tpu.region"() ({
      %run_scoped3A = tpu.sem_alloc : memref<!tpu.dma_semaphore, #tpu.memory_space<semaphore_mem>>
      %dma_start3A = arith.constant 0 : i32
      %dma_start3A_86 = tpu.memref_slice %arg5[%arg0, %add3A_85, %dma_start3A] : memref<2x10240x128xf32, #tpu.memory_space<hbm>> -> memref<1x64x128xf32, #tpu.memory_space<hbm>>
      %dma_start3A_87 = tpu.memref_squeeze %dma_start3A_86 : memref<1x64x128xf32, #tpu.memory_space<hbm>> -> memref<64x128xf32, #tpu.memory_space<hbm>>
      %dma_start3A_88 = arith.constant 0 : i32
      %dma_start3A_89 = tpu.memref_slice %arg5[%arg0, %add3A_85, %dma_start3A_88] : memref<2x10240x128xf32, #tpu.memory_space<hbm>> -> memref<1x64x128xf32, #tpu.memory_space<hbm>>
      %dma_start3A_90 = tpu.memref_squeeze %dma_start3A_89 : memref<1x64x128xf32, #tpu.memory_space<hbm>> -> memref<64x128xf32, #tpu.memory_space<hbm>>
      tpu.enqueue_dma source(%arg8 : memref<64x128xf32, #tpu.memory_space<vmem>>) target(%dma_start3A_90 : memref<64x128xf32, #tpu.memory_space<hbm>>) target_semaphore(%run_scoped3A : memref<!tpu.dma_semaphore, #tpu.memory_space<semaphore_mem>>)
      %dma_wait3A = arith.constant 0 : i32
      %dma_wait3A_91 = tpu.memref_slice %arg5[%arg0, %add3A_85, %dma_wait3A] : memref<2x10240x128xf32, #tpu.memory_space<hbm>> -> memref<1x64x128xf32, #tpu.memory_space<hbm>>
      %dma_wait3A_92 = tpu.memref_squeeze %dma_wait3A_91 : memref<1x64x128xf32, #tpu.memory_space<hbm>> -> memref<64x128xf32, #tpu.memory_space<hbm>>
      %dma_wait3A_93 = arith.constant 0 : i32
      %dma_wait3A_94 = tpu.memref_slice %arg5[%arg0, %add3A_85, %dma_wait3A_93] : memref<2x10240x128xf32, #tpu.memory_space<hbm>> -> memref<1x64x128xf32, #tpu.memory_space<hbm>>
      %dma_wait3A_95 = tpu.memref_squeeze %dma_wait3A_94 : memref<1x64x128xf32, #tpu.memory_space<hbm>> -> memref<64x128xf32, #tpu.memory_space<hbm>>
      tpu.wait_dma2 semaphore(%run_scoped3A : memref<!tpu.dma_semaphore, #tpu.memory_space<semaphore_mem>>) src(%arg8 : memref<64x128xf32, #tpu.memory_space<vmem>>) dst(%dma_wait3A_95 : memref<64x128xf32, #tpu.memory_space<hbm>>)
      tpu.yield
    }) : () -> ()
    return
  }
}

#map = affine_map<(d0, d1) -> (0, 0)>
#map1 = affine_map<(d0, d1) -> (0, 0, 0)>
module attributes {stable_mosaic.version = 14 : i64} {
  func.func @scat_kernel(%arg0: i32, %arg1: i32, %arg2: memref<10000x128xf32, #tpu.memory_space<hbm>>, %arg3: memref<32x79x128xi32, #tpu.memory_space<hbm>>, %arg4: memref<32x79x128xi32, #tpu.memory_space<hbm>>, %arg5: memref<128x128xf32, #tpu.memory_space<hbm>>, %arg6: memref<2x10240x128xf32, #tpu.memory_space<hbm>>, %arg7: memref<40x128xi32, #tpu.memory_space<vmem>>, %arg8: memref<40x128xi32, #tpu.memory_space<vmem>>, %arg9: memref<128x128xf32, #tpu.memory_space<vmem>>, %arg10: memref<128x128xf32, #tpu.memory_space<vmem>>, %arg11: memref<10240x128xf32, #tpu.memory_space<vmem_shared>>, %arg12: memref<!tpu.dma_semaphore, #tpu.memory_space<semaphore_mem>>, %arg13: memref<!tpu.dma_semaphore, #tpu.memory_space<semaphore_mem>>) attributes {dimension_semantics = [#tpu.dimension_semantics<core_parallel>, #tpu.dimension_semantics<subcore_parallel>], iteration_bounds = array<i64: 2, 16>, scalar_prefetch = 0 : i64, scratch_operands = 7 : i64, tpu.core_type = #tpu.core_type<sc_vector_subcore>, window_params = [{transform_indices = #map}, {transform_indices = #map1}, {transform_indices = #map1}, {transform_indices = #map}, {transform_indices = #map1}]} {
    %mul3A = arith.constant 16 : i32
    %mul3A_0 = arith.muli %arg0, %mul3A : i32
    %add3A = arith.addi %mul3A_0, %arg1 : i32
    "tpu.region"() ({
      %run_scoped3A = tpu.sem_alloc : memref<!tpu.dma_semaphore, #tpu.memory_space<semaphore_mem>>
      tpu.enqueue_dma source(%arg5 : memref<128x128xf32, #tpu.memory_space<hbm>>) target(%arg9 : memref<128x128xf32, #tpu.memory_space<vmem>>) target_semaphore(%run_scoped3A : memref<!tpu.dma_semaphore, #tpu.memory_space<semaphore_mem>>)
      tpu.wait_dma2 semaphore(%run_scoped3A : memref<!tpu.dma_semaphore, #tpu.memory_space<semaphore_mem>>) src(%arg5 : memref<128x128xf32, #tpu.memory_space<hbm>>) dst(%arg9 : memref<128x128xf32, #tpu.memory_space<vmem>>)
      tpu.yield
    }) : () -> ()
    %mul3A_1 = arith.constant 640 : i32
    %mul3A_2 = arith.muli %arg1, %mul3A_1 : i32
    %add3A_3 = arith.constant 0 : i32
    %add3A_4 = arith.addi %mul3A_2, %add3A_3 : i32
    "tpu.region"() ({
      %run_scoped3A = tpu.sem_alloc : memref<!tpu.dma_semaphore, #tpu.memory_space<semaphore_mem>>
      %dma_start3A_64 = arith.constant 0 : i32
      %dma_start3A_65 = tpu.memref_slice %arg11[%add3A_4, %dma_start3A_64] : memref<10240x128xf32, #tpu.memory_space<vmem_shared>> -> memref<128x128xf32, #tpu.memory_space<vmem_shared>>
      %dma_start3A_66 = arith.constant 0 : i32
      %dma_start3A_67 = tpu.memref_slice %arg11[%add3A_4, %dma_start3A_66] : memref<10240x128xf32, #tpu.memory_space<vmem_shared>> -> memref<128x128xf32, #tpu.memory_space<vmem_shared>>
      tpu.enqueue_dma source(%arg9 : memref<128x128xf32, #tpu.memory_space<vmem>>) target(%dma_start3A_67 : memref<128x128xf32, #tpu.memory_space<vmem_shared>>) target_semaphore(%run_scoped3A : memref<!tpu.dma_semaphore, #tpu.memory_space<semaphore_mem>>)
      %dma_wait3A = arith.constant 0 : i32
      %dma_wait3A_68 = tpu.memref_slice %arg11[%add3A_4, %dma_wait3A] : memref<10240x128xf32, #tpu.memory_space<vmem_shared>> -> memref<128x128xf32, #tpu.memory_space<vmem_shared>>
      %dma_wait3A_69 = arith.constant 0 : i32
      %dma_wait3A_70 = tpu.memref_slice %arg11[%add3A_4, %dma_wait3A_69] : memref<10240x128xf32, #tpu.memory_space<vmem_shared>> -> memref<128x128xf32, #tpu.memory_space<vmem_shared>>
      tpu.wait_dma2 semaphore(%run_scoped3A : memref<!tpu.dma_semaphore, #tpu.memory_space<semaphore_mem>>) src(%arg9 : memref<128x128xf32, #tpu.memory_space<vmem>>) dst(%dma_wait3A_70 : memref<128x128xf32, #tpu.memory_space<vmem_shared>>)
      tpu.yield
    }) : () -> ()
    %mul3A_5 = arith.constant 640 : i32
    %mul3A_6 = arith.muli %arg1, %mul3A_5 : i32
    %add3A_7 = arith.constant 128 : i32
    %add3A_8 = arith.addi %mul3A_6, %add3A_7 : i32
    "tpu.region"() ({
      %run_scoped3A = tpu.sem_alloc : memref<!tpu.dma_semaphore, #tpu.memory_space<semaphore_mem>>
      %dma_start3A_64 = arith.constant 0 : i32
      %dma_start3A_65 = tpu.memref_slice %arg11[%add3A_8, %dma_start3A_64] : memref<10240x128xf32, #tpu.memory_space<vmem_shared>> -> memref<128x128xf32, #tpu.memory_space<vmem_shared>>
      %dma_start3A_66 = arith.constant 0 : i32
      %dma_start3A_67 = tpu.memref_slice %arg11[%add3A_8, %dma_start3A_66] : memref<10240x128xf32, #tpu.memory_space<vmem_shared>> -> memref<128x128xf32, #tpu.memory_space<vmem_shared>>
      tpu.enqueue_dma source(%arg9 : memref<128x128xf32, #tpu.memory_space<vmem>>) target(%dma_start3A_67 : memref<128x128xf32, #tpu.memory_space<vmem_shared>>) target_semaphore(%run_scoped3A : memref<!tpu.dma_semaphore, #tpu.memory_space<semaphore_mem>>)
      %dma_wait3A = arith.constant 0 : i32
      %dma_wait3A_68 = tpu.memref_slice %arg11[%add3A_8, %dma_wait3A] : memref<10240x128xf32, #tpu.memory_space<vmem_shared>> -> memref<128x128xf32, #tpu.memory_space<vmem_shared>>
      %dma_wait3A_69 = arith.constant 0 : i32
      %dma_wait3A_70 = tpu.memref_slice %arg11[%add3A_8, %dma_wait3A_69] : memref<10240x128xf32, #tpu.memory_space<vmem_shared>> -> memref<128x128xf32, #tpu.memory_space<vmem_shared>>
      tpu.wait_dma2 semaphore(%run_scoped3A : memref<!tpu.dma_semaphore, #tpu.memory_space<semaphore_mem>>) src(%arg9 : memref<128x128xf32, #tpu.memory_space<vmem>>) dst(%dma_wait3A_70 : memref<128x128xf32, #tpu.memory_space<vmem_shared>>)
      tpu.yield
    }) : () -> ()
    %mul3A_9 = arith.constant 640 : i32
    %mul3A_10 = arith.muli %arg1, %mul3A_9 : i32
    %add3A_11 = arith.constant 256 : i32
    %add3A_12 = arith.addi %mul3A_10, %add3A_11 : i32
    "tpu.region"() ({
      %run_scoped3A = tpu.sem_alloc : memref<!tpu.dma_semaphore, #tpu.memory_space<semaphore_mem>>
      %dma_start3A_64 = arith.constant 0 : i32
      %dma_start3A_65 = tpu.memref_slice %arg11[%add3A_12, %dma_start3A_64] : memref<10240x128xf32, #tpu.memory_space<vmem_shared>> -> memref<128x128xf32, #tpu.memory_space<vmem_shared>>
      %dma_start3A_66 = arith.constant 0 : i32
      %dma_start3A_67 = tpu.memref_slice %arg11[%add3A_12, %dma_start3A_66] : memref<10240x128xf32, #tpu.memory_space<vmem_shared>> -> memref<128x128xf32, #tpu.memory_space<vmem_shared>>
      tpu.enqueue_dma source(%arg9 : memref<128x128xf32, #tpu.memory_space<vmem>>) target(%dma_start3A_67 : memref<128x128xf32, #tpu.memory_space<vmem_shared>>) target_semaphore(%run_scoped3A : memref<!tpu.dma_semaphore, #tpu.memory_space<semaphore_mem>>)
      %dma_wait3A = arith.constant 0 : i32
      %dma_wait3A_68 = tpu.memref_slice %arg11[%add3A_12, %dma_wait3A] : memref<10240x128xf32, #tpu.memory_space<vmem_shared>> -> memref<128x128xf32, #tpu.memory_space<vmem_shared>>
      %dma_wait3A_69 = arith.constant 0 : i32
      %dma_wait3A_70 = tpu.memref_slice %arg11[%add3A_12, %dma_wait3A_69] : memref<10240x128xf32, #tpu.memory_space<vmem_shared>> -> memref<128x128xf32, #tpu.memory_space<vmem_shared>>
      tpu.wait_dma2 semaphore(%run_scoped3A : memref<!tpu.dma_semaphore, #tpu.memory_space<semaphore_mem>>) src(%arg9 : memref<128x128xf32, #tpu.memory_space<vmem>>) dst(%dma_wait3A_70 : memref<128x128xf32, #tpu.memory_space<vmem_shared>>)
      tpu.yield
    }) : () -> ()
    %mul3A_13 = arith.constant 640 : i32
    %mul3A_14 = arith.muli %arg1, %mul3A_13 : i32
    %add3A_15 = arith.constant 384 : i32
    %add3A_16 = arith.addi %mul3A_14, %add3A_15 : i32
    "tpu.region"() ({
      %run_scoped3A = tpu.sem_alloc : memref<!tpu.dma_semaphore, #tpu.memory_space<semaphore_mem>>
      %dma_start3A_64 = arith.constant 0 : i32
      %dma_start3A_65 = tpu.memref_slice %arg11[%add3A_16, %dma_start3A_64] : memref<10240x128xf32, #tpu.memory_space<vmem_shared>> -> memref<128x128xf32, #tpu.memory_space<vmem_shared>>
      %dma_start3A_66 = arith.constant 0 : i32
      %dma_start3A_67 = tpu.memref_slice %arg11[%add3A_16, %dma_start3A_66] : memref<10240x128xf32, #tpu.memory_space<vmem_shared>> -> memref<128x128xf32, #tpu.memory_space<vmem_shared>>
      tpu.enqueue_dma source(%arg9 : memref<128x128xf32, #tpu.memory_space<vmem>>) target(%dma_start3A_67 : memref<128x128xf32, #tpu.memory_space<vmem_shared>>) target_semaphore(%run_scoped3A : memref<!tpu.dma_semaphore, #tpu.memory_space<semaphore_mem>>)
      %dma_wait3A = arith.constant 0 : i32
      %dma_wait3A_68 = tpu.memref_slice %arg11[%add3A_16, %dma_wait3A] : memref<10240x128xf32, #tpu.memory_space<vmem_shared>> -> memref<128x128xf32, #tpu.memory_space<vmem_shared>>
      %dma_wait3A_69 = arith.constant 0 : i32
      %dma_wait3A_70 = tpu.memref_slice %arg11[%add3A_16, %dma_wait3A_69] : memref<10240x128xf32, #tpu.memory_space<vmem_shared>> -> memref<128x128xf32, #tpu.memory_space<vmem_shared>>
      tpu.wait_dma2 semaphore(%run_scoped3A : memref<!tpu.dma_semaphore, #tpu.memory_space<semaphore_mem>>) src(%arg9 : memref<128x128xf32, #tpu.memory_space<vmem>>) dst(%dma_wait3A_70 : memref<128x128xf32, #tpu.memory_space<vmem_shared>>)
      tpu.yield
    }) : () -> ()
    %mul3A_17 = arith.constant 640 : i32
    %mul3A_18 = arith.muli %arg1, %mul3A_17 : i32
    %add3A_19 = arith.constant 512 : i32
    %add3A_20 = arith.addi %mul3A_18, %add3A_19 : i32
    "tpu.region"() ({
      %run_scoped3A = tpu.sem_alloc : memref<!tpu.dma_semaphore, #tpu.memory_space<semaphore_mem>>
      %dma_start3A_64 = arith.constant 0 : i32
      %dma_start3A_65 = tpu.memref_slice %arg11[%add3A_20, %dma_start3A_64] : memref<10240x128xf32, #tpu.memory_space<vmem_shared>> -> memref<128x128xf32, #tpu.memory_space<vmem_shared>>
      %dma_start3A_66 = arith.constant 0 : i32
      %dma_start3A_67 = tpu.memref_slice %arg11[%add3A_20, %dma_start3A_66] : memref<10240x128xf32, #tpu.memory_space<vmem_shared>> -> memref<128x128xf32, #tpu.memory_space<vmem_shared>>
      tpu.enqueue_dma source(%arg9 : memref<128x128xf32, #tpu.memory_space<vmem>>) target(%dma_start3A_67 : memref<128x128xf32, #tpu.memory_space<vmem_shared>>) target_semaphore(%run_scoped3A : memref<!tpu.dma_semaphore, #tpu.memory_space<semaphore_mem>>)
      %dma_wait3A = arith.constant 0 : i32
      %dma_wait3A_68 = tpu.memref_slice %arg11[%add3A_20, %dma_wait3A] : memref<10240x128xf32, #tpu.memory_space<vmem_shared>> -> memref<128x128xf32, #tpu.memory_space<vmem_shared>>
      %dma_wait3A_69 = arith.constant 0 : i32
      %dma_wait3A_70 = tpu.memref_slice %arg11[%add3A_20, %dma_wait3A_69] : memref<10240x128xf32, #tpu.memory_space<vmem_shared>> -> memref<128x128xf32, #tpu.memory_space<vmem_shared>>
      tpu.wait_dma2 semaphore(%run_scoped3A : memref<!tpu.dma_semaphore, #tpu.memory_space<semaphore_mem>>) src(%arg9 : memref<128x128xf32, #tpu.memory_space<vmem>>) dst(%dma_wait3A_70 : memref<128x128xf32, #tpu.memory_space<vmem_shared>>)
      tpu.yield
    }) : () -> ()
    %barrier3A = arith.constant 0 : index
    tpu.barrier barrier_id(%barrier3A)
    "tpu.region"() ({
      %run_scoped3A = tpu.sem_alloc : memref<!tpu.dma_semaphore, #tpu.memory_space<semaphore_mem>>
      %dma_start3A_64 = arith.constant 0 : i32
      %dma_start3A_65 = arith.constant 0 : i32
      %dma_start3A_66 = tpu.memref_slice %arg7[%dma_start3A_64, %dma_start3A_65] : memref<40x128xi32, #tpu.memory_space<vmem>> -> memref<40x128xi32, #tpu.memory_space<vmem>>
      %dma_start3A_67 = arith.constant 0 : i32
      %dma_start3A_68 = arith.constant 0 : i32
      %dma_start3A_69 = tpu.memref_slice %arg3[%add3A, %dma_start3A_67, %dma_start3A_68] : memref<32x79x128xi32, #tpu.memory_space<hbm>> -> memref<1x40x128xi32, #tpu.memory_space<hbm>>
      %dma_start3A_70 = tpu.memref_squeeze %dma_start3A_69 : memref<1x40x128xi32, #tpu.memory_space<hbm>> -> memref<40x128xi32, #tpu.memory_space<hbm>>
      %dma_start3A_71 = arith.constant 0 : i32
      %dma_start3A_72 = arith.constant 0 : i32
      %dma_start3A_73 = tpu.memref_slice %arg7[%dma_start3A_71, %dma_start3A_72] : memref<40x128xi32, #tpu.memory_space<vmem>> -> memref<40x128xi32, #tpu.memory_space<vmem>>
      %dma_start3A_74 = arith.constant 0 : i32
      %dma_start3A_75 = arith.constant 0 : i32
      %dma_start3A_76 = tpu.memref_slice %arg3[%add3A, %dma_start3A_74, %dma_start3A_75] : memref<32x79x128xi32, #tpu.memory_space<hbm>> -> memref<1x40x128xi32, #tpu.memory_space<hbm>>
      %dma_start3A_77 = tpu.memref_squeeze %dma_start3A_76 : memref<1x40x128xi32, #tpu.memory_space<hbm>> -> memref<40x128xi32, #tpu.memory_space<hbm>>
      tpu.enqueue_dma source(%dma_start3A_77 : memref<40x128xi32, #tpu.memory_space<hbm>>) target(%dma_start3A_73 : memref<40x128xi32, #tpu.memory_space<vmem>>) target_semaphore(%run_scoped3A : memref<!tpu.dma_semaphore, #tpu.memory_space<semaphore_mem>>)
      %dma_wait3A = arith.constant 0 : i32
      %dma_wait3A_78 = arith.constant 0 : i32
      %dma_wait3A_79 = tpu.memref_slice %arg7[%dma_wait3A, %dma_wait3A_78] : memref<40x128xi32, #tpu.memory_space<vmem>> -> memref<40x128xi32, #tpu.memory_space<vmem>>
      %dma_wait3A_80 = arith.constant 0 : i32
      %dma_wait3A_81 = arith.constant 0 : i32
      %dma_wait3A_82 = tpu.memref_slice %arg3[%add3A, %dma_wait3A_80, %dma_wait3A_81] : memref<32x79x128xi32, #tpu.memory_space<hbm>> -> memref<1x40x128xi32, #tpu.memory_space<hbm>>
      %dma_wait3A_83 = tpu.memref_squeeze %dma_wait3A_82 : memref<1x40x128xi32, #tpu.memory_space<hbm>> -> memref<40x128xi32, #tpu.memory_space<hbm>>
      %dma_wait3A_84 = arith.constant 0 : i32
      %dma_wait3A_85 = arith.constant 0 : i32
      %dma_wait3A_86 = tpu.memref_slice %arg7[%dma_wait3A_84, %dma_wait3A_85] : memref<40x128xi32, #tpu.memory_space<vmem>> -> memref<40x128xi32, #tpu.memory_space<vmem>>
      %dma_wait3A_87 = arith.constant 0 : i32
      %dma_wait3A_88 = arith.constant 0 : i32
      %dma_wait3A_89 = tpu.memref_slice %arg3[%add3A, %dma_wait3A_87, %dma_wait3A_88] : memref<32x79x128xi32, #tpu.memory_space<hbm>> -> memref<1x40x128xi32, #tpu.memory_space<hbm>>
      %dma_wait3A_90 = tpu.memref_squeeze %dma_wait3A_89 : memref<1x40x128xi32, #tpu.memory_space<hbm>> -> memref<40x128xi32, #tpu.memory_space<hbm>>
      tpu.wait_dma2 semaphore(%run_scoped3A : memref<!tpu.dma_semaphore, #tpu.memory_space<semaphore_mem>>) src(%dma_wait3A_90 : memref<40x128xi32, #tpu.memory_space<hbm>>) dst(%dma_wait3A_86 : memref<40x128xi32, #tpu.memory_space<vmem>>)
      tpu.yield
    }) : () -> ()
    "tpu.region"() ({
      %run_scoped3A = tpu.sem_alloc : memref<!tpu.dma_semaphore, #tpu.memory_space<semaphore_mem>>
      %dma_start3A_64 = arith.constant 0 : i32
      %dma_start3A_65 = arith.constant 0 : i32
      %dma_start3A_66 = tpu.memref_slice %arg8[%dma_start3A_64, %dma_start3A_65] : memref<40x128xi32, #tpu.memory_space<vmem>> -> memref<40x128xi32, #tpu.memory_space<vmem>>
      %dma_start3A_67 = arith.constant 0 : i32
      %dma_start3A_68 = arith.constant 0 : i32
      %dma_start3A_69 = tpu.memref_slice %arg4[%add3A, %dma_start3A_67, %dma_start3A_68] : memref<32x79x128xi32, #tpu.memory_space<hbm>> -> memref<1x40x128xi32, #tpu.memory_space<hbm>>
      %dma_start3A_70 = tpu.memref_squeeze %dma_start3A_69 : memref<1x40x128xi32, #tpu.memory_space<hbm>> -> memref<40x128xi32, #tpu.memory_space<hbm>>
      %dma_start3A_71 = arith.constant 0 : i32
      %dma_start3A_72 = arith.constant 0 : i32
      %dma_start3A_73 = tpu.memref_slice %arg8[%dma_start3A_71, %dma_start3A_72] : memref<40x128xi32, #tpu.memory_space<vmem>> -> memref<40x128xi32, #tpu.memory_space<vmem>>
      %dma_start3A_74 = arith.constant 0 : i32
      %dma_start3A_75 = arith.constant 0 : i32
      %dma_start3A_76 = tpu.memref_slice %arg4[%add3A, %dma_start3A_74, %dma_start3A_75] : memref<32x79x128xi32, #tpu.memory_space<hbm>> -> memref<1x40x128xi32, #tpu.memory_space<hbm>>
      %dma_start3A_77 = tpu.memref_squeeze %dma_start3A_76 : memref<1x40x128xi32, #tpu.memory_space<hbm>> -> memref<40x128xi32, #tpu.memory_space<hbm>>
      tpu.enqueue_dma source(%dma_start3A_77 : memref<40x128xi32, #tpu.memory_space<hbm>>) target(%dma_start3A_73 : memref<40x128xi32, #tpu.memory_space<vmem>>) target_semaphore(%run_scoped3A : memref<!tpu.dma_semaphore, #tpu.memory_space<semaphore_mem>>)
      %dma_wait3A = arith.constant 0 : i32
      %dma_wait3A_78 = arith.constant 0 : i32
      %dma_wait3A_79 = tpu.memref_slice %arg8[%dma_wait3A, %dma_wait3A_78] : memref<40x128xi32, #tpu.memory_space<vmem>> -> memref<40x128xi32, #tpu.memory_space<vmem>>
      %dma_wait3A_80 = arith.constant 0 : i32
      %dma_wait3A_81 = arith.constant 0 : i32
      %dma_wait3A_82 = tpu.memref_slice %arg4[%add3A, %dma_wait3A_80, %dma_wait3A_81] : memref<32x79x128xi32, #tpu.memory_space<hbm>> -> memref<1x40x128xi32, #tpu.memory_space<hbm>>
      %dma_wait3A_83 = tpu.memref_squeeze %dma_wait3A_82 : memref<1x40x128xi32, #tpu.memory_space<hbm>> -> memref<40x128xi32, #tpu.memory_space<hbm>>
      %dma_wait3A_84 = arith.constant 0 : i32
      %dma_wait3A_85 = arith.constant 0 : i32
      %dma_wait3A_86 = tpu.memref_slice %arg8[%dma_wait3A_84, %dma_wait3A_85] : memref<40x128xi32, #tpu.memory_space<vmem>> -> memref<40x128xi32, #tpu.memory_space<vmem>>
      %dma_wait3A_87 = arith.constant 0 : i32
      %dma_wait3A_88 = arith.constant 0 : i32
      %dma_wait3A_89 = tpu.memref_slice %arg4[%add3A, %dma_wait3A_87, %dma_wait3A_88] : memref<32x79x128xi32, #tpu.memory_space<hbm>> -> memref<1x40x128xi32, #tpu.memory_space<hbm>>
      %dma_wait3A_90 = tpu.memref_squeeze %dma_wait3A_89 : memref<1x40x128xi32, #tpu.memory_space<hbm>> -> memref<40x128xi32, #tpu.memory_space<hbm>>
      tpu.wait_dma2 semaphore(%run_scoped3A : memref<!tpu.dma_semaphore, #tpu.memory_space<semaphore_mem>>) src(%dma_wait3A_90 : memref<40x128xi32, #tpu.memory_space<hbm>>) dst(%dma_wait3A_86 : memref<40x128xi32, #tpu.memory_space<vmem>>)
      tpu.yield
    }) : () -> ()
    %dma_start3A = arith.constant 0 : i32
    %dma_start3A_21 = arith.constant 0 : i32
    %dma_start3A_22 = tpu.memref_slice %arg7[%dma_start3A, %dma_start3A_21] : memref<40x128xi32, #tpu.memory_space<vmem>> -> memref<1x128xi32, #tpu.memory_space<vmem>>
    %dma_start3A_23 = tpu.memref_squeeze %dma_start3A_22 : memref<1x128xi32, #tpu.memory_space<vmem>> -> memref<128xi32, #tpu.memory_space<vmem>>
    %dma_start3A_24 = arith.constant 0 : i32
    %dma_start3A_25 = arith.constant 0 : i32
    %dma_start3A_26 = tpu.memref_slice %arg2[%dma_start3A_24, %dma_start3A_25] : memref<10000x128xf32, #tpu.memory_space<hbm>> -> memref<10000x128xf32, #tpu.memory_space<hbm>>
    tpu.enqueue_indirect_dma source(%dma_start3A_26 : memref<10000x128xf32, #tpu.memory_space<hbm>>) target(%arg9 : memref<128x128xf32, #tpu.memory_space<vmem>>) offsets(%dma_start3A_23 : memref<128xi32, #tpu.memory_space<vmem>>) semaphore(%arg12 : memref<!tpu.dma_semaphore, #tpu.memory_space<semaphore_mem>>)
    %scan3A = arith.constant 0 : i32
    %scan3A_27 = arith.constant 40 : i32
    %scan3A_28 = arith.addi %scan3A, %scan3A_27 : i32
    %scan3A_29 = arith.constant 1 : i32
    scf.for %scan3A_64 = %scan3A to %scan3A_28 step %scan3A_29  : i32 {
      %jit3A = arith.constant 2 : i32
      %eq3A = arith.constant 0 : i32
      %eq3A_65 = arith.cmpi eq, %jit3A, %eq3A : i32
      %jit3A_66 = arith.constant 1 : i32
      %select_n3A = arith.select %eq3A_65, %jit3A_66, %jit3A : i32
      %rem3A = arith.remsi %scan3A_64, %select_n3A : i32
      %ne3A = arith.constant 0 : i32
      %ne3A_67 = arith.cmpi ne, %rem3A, %ne3A : i32
      %lt3A = arith.constant 0 : i32
      %lt3A_68 = arith.cmpi slt, %rem3A, %lt3A : i32
      %lt3A_69 = arith.constant 0 : i32
      %lt3A_70 = arith.cmpi slt, %select_n3A, %lt3A_69 : i32
      %ne3A_71 = arith.xori %lt3A_68, %lt3A_70 : i1
      %and3A = arith.andi %ne3A_71, %ne3A_67 : i1
      %add3A_72 = arith.addi %rem3A, %select_n3A : i32
      %select_n3A_73 = arith.select %and3A, %add3A_72, %rem3A : i32
      %eq3A_74 = arith.constant 0 : i32
      %eq3A_75 = arith.cmpi eq, %select_n3A_73, %eq3A_74 : i32
      %add3A_76 = arith.constant 1 : i32
      %add3A_77 = arith.addi %scan3A_64, %add3A_76 : i32
      %lt3A_78 = arith.constant 40 : i32
      %lt3A_79 = arith.cmpi slt, %add3A_77, %lt3A_78 : i32
      %and3A_80 = arith.andi %eq3A_75, %lt3A_79 : i1
      %convert_element_type3A = arith.extui %and3A_80 : i1 to i32
      %cond3A = arith.constant 0 : i32
      %cond3A_81 = arith.cmpi ne, %convert_element_type3A, %cond3A : i32
      scf.if %cond3A_81 {
        %add3A_150 = arith.constant 1 : i32
        %add3A_151 = arith.addi %scan3A_64, %add3A_150 : i32
        %dma_start3A_152 = arith.constant 0 : i32
        %dma_start3A_153 = tpu.memref_slice %arg7[%add3A_151, %dma_start3A_152] : memref<40x128xi32, #tpu.memory_space<vmem>> -> memref<1x128xi32, #tpu.memory_space<vmem>>
        %dma_start3A_154 = tpu.memref_squeeze %dma_start3A_153 : memref<1x128xi32, #tpu.memory_space<vmem>> -> memref<128xi32, #tpu.memory_space<vmem>>
        %dma_start3A_155 = arith.constant 0 : i32
        %dma_start3A_156 = arith.constant 0 : i32
        %dma_start3A_157 = tpu.memref_slice %arg2[%dma_start3A_155, %dma_start3A_156] : memref<10000x128xf32, #tpu.memory_space<hbm>> -> memref<10000x128xf32, #tpu.memory_space<hbm>>
        tpu.enqueue_indirect_dma source(%dma_start3A_157 : memref<10000x128xf32, #tpu.memory_space<hbm>>) target(%arg10 : memref<128x128xf32, #tpu.memory_space<vmem>>) offsets(%dma_start3A_154 : memref<128xi32, #tpu.memory_space<vmem>>) semaphore(%arg13 : memref<!tpu.dma_semaphore, #tpu.memory_space<semaphore_mem>>)
      } else {
      }
      %jit3A_82 = arith.constant 2 : i32
      %eq3A_83 = arith.constant 0 : i32
      %eq3A_84 = arith.cmpi eq, %jit3A_82, %eq3A_83 : i32
      %jit3A_85 = arith.constant 1 : i32
      %select_n3A_86 = arith.select %eq3A_84, %jit3A_85, %jit3A_82 : i32
      %rem3A_87 = arith.remsi %scan3A_64, %select_n3A_86 : i32
      %ne3A_88 = arith.constant 0 : i32
      %ne3A_89 = arith.cmpi ne, %rem3A_87, %ne3A_88 : i32
      %lt3A_90 = arith.constant 0 : i32
      %lt3A_91 = arith.cmpi slt, %rem3A_87, %lt3A_90 : i32
      %lt3A_92 = arith.constant 0 : i32
      %lt3A_93 = arith.cmpi slt, %select_n3A_86, %lt3A_92 : i32
      %ne3A_94 = arith.xori %lt3A_91, %lt3A_93 : i1
      %and3A_95 = arith.andi %ne3A_94, %ne3A_89 : i1
      %add3A_96 = arith.addi %rem3A_87, %select_n3A_86 : i32
      %select_n3A_97 = arith.select %and3A_95, %add3A_96, %rem3A_87 : i32
      %eq3A_98 = arith.constant 1 : i32
      %eq3A_99 = arith.cmpi eq, %select_n3A_97, %eq3A_98 : i32
      %add3A_100 = arith.constant 1 : i32
      %add3A_101 = arith.addi %scan3A_64, %add3A_100 : i32
      %lt3A_102 = arith.constant 40 : i32
      %lt3A_103 = arith.cmpi slt, %add3A_101, %lt3A_102 : i32
      %and3A_104 = arith.andi %eq3A_99, %lt3A_103 : i1
      %convert_element_type3A_105 = arith.extui %and3A_104 : i1 to i32
      %cond3A_106 = arith.constant 0 : i32
      %cond3A_107 = arith.cmpi ne, %convert_element_type3A_105, %cond3A_106 : i32
      scf.if %cond3A_107 {
        %add3A_150 = arith.constant 1 : i32
        %add3A_151 = arith.addi %scan3A_64, %add3A_150 : i32
        %dma_start3A_152 = arith.constant 0 : i32
        %dma_start3A_153 = tpu.memref_slice %arg7[%add3A_151, %dma_start3A_152] : memref<40x128xi32, #tpu.memory_space<vmem>> -> memref<1x128xi32, #tpu.memory_space<vmem>>
        %dma_start3A_154 = tpu.memref_squeeze %dma_start3A_153 : memref<1x128xi32, #tpu.memory_space<vmem>> -> memref<128xi32, #tpu.memory_space<vmem>>
        %dma_start3A_155 = arith.constant 0 : i32
        %dma_start3A_156 = arith.constant 0 : i32
        %dma_start3A_157 = tpu.memref_slice %arg2[%dma_start3A_155, %dma_start3A_156] : memref<10000x128xf32, #tpu.memory_space<hbm>> -> memref<10000x128xf32, #tpu.memory_space<hbm>>
        tpu.enqueue_indirect_dma source(%dma_start3A_157 : memref<10000x128xf32, #tpu.memory_space<hbm>>) target(%arg9 : memref<128x128xf32, #tpu.memory_space<vmem>>) offsets(%dma_start3A_154 : memref<128xi32, #tpu.memory_space<vmem>>) semaphore(%arg12 : memref<!tpu.dma_semaphore, #tpu.memory_space<semaphore_mem>>)
      } else {
      }
      %jit3A_108 = arith.constant 2 : i32
      %eq3A_109 = arith.constant 0 : i32
      %eq3A_110 = arith.cmpi eq, %jit3A_108, %eq3A_109 : i32
      %jit3A_111 = arith.constant 1 : i32
      %select_n3A_112 = arith.select %eq3A_110, %jit3A_111, %jit3A_108 : i32
      %rem3A_113 = arith.remsi %scan3A_64, %select_n3A_112 : i32
      %ne3A_114 = arith.constant 0 : i32
      %ne3A_115 = arith.cmpi ne, %rem3A_113, %ne3A_114 : i32
      %lt3A_116 = arith.constant 0 : i32
      %lt3A_117 = arith.cmpi slt, %rem3A_113, %lt3A_116 : i32
      %lt3A_118 = arith.constant 0 : i32
      %lt3A_119 = arith.cmpi slt, %select_n3A_112, %lt3A_118 : i32
      %ne3A_120 = arith.xori %lt3A_117, %lt3A_119 : i1
      %and3A_121 = arith.andi %ne3A_120, %ne3A_115 : i1
      %add3A_122 = arith.addi %rem3A_113, %select_n3A_112 : i32
      %select_n3A_123 = arith.select %and3A_121, %add3A_122, %rem3A_113 : i32
      %eq3A_124 = arith.constant 0 : i32
      %eq3A_125 = arith.cmpi eq, %select_n3A_123, %eq3A_124 : i32
      %convert_element_type3A_126 = arith.extui %eq3A_125 : i1 to i32
      %cond3A_127 = arith.constant 0 : i32
      %cond3A_128 = arith.cmpi ne, %convert_element_type3A_126, %cond3A_127 : i32
      scf.if %cond3A_128 {
        %dma_wait3A = arith.constant 0 : i32
        %dma_wait3A_150 = tpu.memref_slice %arg7[%scan3A_64, %dma_wait3A] : memref<40x128xi32, #tpu.memory_space<vmem>> -> memref<1x128xi32, #tpu.memory_space<vmem>>
        %dma_wait3A_151 = tpu.memref_squeeze %dma_wait3A_150 : memref<1x128xi32, #tpu.memory_space<vmem>> -> memref<128xi32, #tpu.memory_space<vmem>>
        %dma_wait3A_152 = arith.constant 0 : i32
        %dma_wait3A_153 = arith.constant 0 : i32
        %dma_wait3A_154 = tpu.memref_slice %arg2[%dma_wait3A_152, %dma_wait3A_153] : memref<10000x128xf32, #tpu.memory_space<hbm>> -> memref<10000x128xf32, #tpu.memory_space<hbm>>
        tpu.wait_indirect_dma semaphore(%arg12 : memref<!tpu.dma_semaphore, #tpu.memory_space<semaphore_mem>>) src(%dma_wait3A_154 : memref<10000x128xf32, #tpu.memory_space<hbm>>) dst(%arg9 : memref<128x128xf32, #tpu.memory_space<vmem>>)
        "tpu.region"() ({
          %run_scoped3A = tpu.sem_alloc : memref<!tpu.dma_semaphore, #tpu.memory_space<semaphore_mem>>
          %dma_start3A_155 = arith.constant 0 : i32
          %dma_start3A_156 = tpu.memref_slice %arg8[%scan3A_64, %dma_start3A_155] : memref<40x128xi32, #tpu.memory_space<vmem>> -> memref<1x128xi32, #tpu.memory_space<vmem>>
          %dma_start3A_157 = tpu.memref_squeeze %dma_start3A_156 : memref<1x128xi32, #tpu.memory_space<vmem>> -> memref<128xi32, #tpu.memory_space<vmem>>
          %dma_start3A_158 = arith.constant 0 : i32
          %dma_start3A_159 = arith.constant 0 : i32
          %dma_start3A_160 = tpu.memref_slice %arg11[%dma_start3A_158, %dma_start3A_159] : memref<10240x128xf32, #tpu.memory_space<vmem_shared>> -> memref<10240x128xf32, #tpu.memory_space<vmem_shared>>
          tpu.enqueue_indirect_dma source(%arg9 : memref<128x128xf32, #tpu.memory_space<vmem>>) target(%dma_start3A_160 : memref<10240x128xf32, #tpu.memory_space<vmem_shared>>) offsets(%dma_start3A_157 : memref<128xi32, #tpu.memory_space<vmem>>) semaphore(%run_scoped3A : memref<!tpu.dma_semaphore, #tpu.memory_space<semaphore_mem>>) {add = true}
          %dma_wait3A_161 = arith.constant 0 : i32
          %dma_wait3A_162 = tpu.memref_slice %arg8[%scan3A_64, %dma_wait3A_161] : memref<40x128xi32, #tpu.memory_space<vmem>> -> memref<1x128xi32, #tpu.memory_space<vmem>>
          %dma_wait3A_163 = tpu.memref_squeeze %dma_wait3A_162 : memref<1x128xi32, #tpu.memory_space<vmem>> -> memref<128xi32, #tpu.memory_space<vmem>>
          %dma_wait3A_164 = arith.constant 0 : i32
          %dma_wait3A_165 = arith.constant 0 : i32
          %dma_wait3A_166 = tpu.memref_slice %arg11[%dma_wait3A_164, %dma_wait3A_165] : memref<10240x128xf32, #tpu.memory_space<vmem_shared>> -> memref<10240x128xf32, #tpu.memory_space<vmem_shared>>
          tpu.wait_indirect_dma semaphore(%run_scoped3A : memref<!tpu.dma_semaphore, #tpu.memory_space<semaphore_mem>>) src(%arg9 : memref<128x128xf32, #tpu.memory_space<vmem>>) dst(%dma_wait3A_166 : memref<10240x128xf32, #tpu.memory_space<vmem_shared>>)
          tpu.yield
        }) : () -> ()
      } else {
      }
      %jit3A_129 = arith.constant 2 : i32
      %eq3A_130 = arith.constant 0 : i32
      %eq3A_131 = arith.cmpi eq, %jit3A_129, %eq3A_130 : i32
      %jit3A_132 = arith.constant 1 : i32
      %select_n3A_133 = arith.select %eq3A_131, %jit3A_132, %jit3A_129 : i32
      %rem3A_134 = arith.remsi %scan3A_64, %select_n3A_133 : i32
      %ne3A_135 = arith.constant 0 : i32
      %ne3A_136 = arith.cmpi ne, %rem3A_134, %ne3A_135 : i32
      %lt3A_137 = arith.constant 0 : i32
      %lt3A_138 = arith.cmpi slt, %rem3A_134, %lt3A_137 : i32
      %lt3A_139 = arith.constant 0 : i32
      %lt3A_140 = arith.cmpi slt, %select_n3A_133, %lt3A_139 : i32
      %ne3A_141 = arith.xori %lt3A_138, %lt3A_140 : i1
      %and3A_142 = arith.andi %ne3A_141, %ne3A_136 : i1
      %add3A_143 = arith.addi %rem3A_134, %select_n3A_133 : i32
      %select_n3A_144 = arith.select %and3A_142, %add3A_143, %rem3A_134 : i32
      %eq3A_145 = arith.constant 1 : i32
      %eq3A_146 = arith.cmpi eq, %select_n3A_144, %eq3A_145 : i32
      %convert_element_type3A_147 = arith.extui %eq3A_146 : i1 to i32
      %cond3A_148 = arith.constant 0 : i32
      %cond3A_149 = arith.cmpi ne, %convert_element_type3A_147, %cond3A_148 : i32
      scf.if %cond3A_149 {
        %dma_wait3A = arith.constant 0 : i32
        %dma_wait3A_150 = tpu.memref_slice %arg7[%scan3A_64, %dma_wait3A] : memref<40x128xi32, #tpu.memory_space<vmem>> -> memref<1x128xi32, #tpu.memory_space<vmem>>
        %dma_wait3A_151 = tpu.memref_squeeze %dma_wait3A_150 : memref<1x128xi32, #tpu.memory_space<vmem>> -> memref<128xi32, #tpu.memory_space<vmem>>
        %dma_wait3A_152 = arith.constant 0 : i32
        %dma_wait3A_153 = arith.constant 0 : i32
        %dma_wait3A_154 = tpu.memref_slice %arg2[%dma_wait3A_152, %dma_wait3A_153] : memref<10000x128xf32, #tpu.memory_space<hbm>> -> memref<10000x128xf32, #tpu.memory_space<hbm>>
        tpu.wait_indirect_dma semaphore(%arg13 : memref<!tpu.dma_semaphore, #tpu.memory_space<semaphore_mem>>) src(%dma_wait3A_154 : memref<10000x128xf32, #tpu.memory_space<hbm>>) dst(%arg10 : memref<128x128xf32, #tpu.memory_space<vmem>>)
        "tpu.region"() ({
          %run_scoped3A = tpu.sem_alloc : memref<!tpu.dma_semaphore, #tpu.memory_space<semaphore_mem>>
          %dma_start3A_155 = arith.constant 0 : i32
          %dma_start3A_156 = tpu.memref_slice %arg8[%scan3A_64, %dma_start3A_155] : memref<40x128xi32, #tpu.memory_space<vmem>> -> memref<1x128xi32, #tpu.memory_space<vmem>>
          %dma_start3A_157 = tpu.memref_squeeze %dma_start3A_156 : memref<1x128xi32, #tpu.memory_space<vmem>> -> memref<128xi32, #tpu.memory_space<vmem>>
          %dma_start3A_158 = arith.constant 0 : i32
          %dma_start3A_159 = arith.constant 0 : i32
          %dma_start3A_160 = tpu.memref_slice %arg11[%dma_start3A_158, %dma_start3A_159] : memref<10240x128xf32, #tpu.memory_space<vmem_shared>> -> memref<10240x128xf32, #tpu.memory_space<vmem_shared>>
          tpu.enqueue_indirect_dma source(%arg10 : memref<128x128xf32, #tpu.memory_space<vmem>>) target(%dma_start3A_160 : memref<10240x128xf32, #tpu.memory_space<vmem_shared>>) offsets(%dma_start3A_157 : memref<128xi32, #tpu.memory_space<vmem>>) semaphore(%run_scoped3A : memref<!tpu.dma_semaphore, #tpu.memory_space<semaphore_mem>>) {add = true}
          %dma_wait3A_161 = arith.constant 0 : i32
          %dma_wait3A_162 = tpu.memref_slice %arg8[%scan3A_64, %dma_wait3A_161] : memref<40x128xi32, #tpu.memory_space<vmem>> -> memref<1x128xi32, #tpu.memory_space<vmem>>
          %dma_wait3A_163 = tpu.memref_squeeze %dma_wait3A_162 : memref<1x128xi32, #tpu.memory_space<vmem>> -> memref<128xi32, #tpu.memory_space<vmem>>
          %dma_wait3A_164 = arith.constant 0 : i32
          %dma_wait3A_165 = arith.constant 0 : i32
          %dma_wait3A_166 = tpu.memref_slice %arg11[%dma_wait3A_164, %dma_wait3A_165] : memref<10240x128xf32, #tpu.memory_space<vmem_shared>> -> memref<10240x128xf32, #tpu.memory_space<vmem_shared>>
          tpu.wait_indirect_dma semaphore(%run_scoped3A : memref<!tpu.dma_semaphore, #tpu.memory_space<semaphore_mem>>) src(%arg10 : memref<128x128xf32, #tpu.memory_space<vmem>>) dst(%dma_wait3A_166 : memref<10240x128xf32, #tpu.memory_space<vmem_shared>>)
          tpu.yield
        }) : () -> ()
      } else {
      }
    }
    %scan3A_30 = arith.constant 40 : i32
    "tpu.region"() ({
      %run_scoped3A = tpu.sem_alloc : memref<!tpu.dma_semaphore, #tpu.memory_space<semaphore_mem>>
      %dma_start3A_64 = arith.constant 0 : i32
      %dma_start3A_65 = arith.constant 0 : i32
      %dma_start3A_66 = tpu.memref_slice %arg7[%dma_start3A_64, %dma_start3A_65] : memref<40x128xi32, #tpu.memory_space<vmem>> -> memref<39x128xi32, #tpu.memory_space<vmem>>
      %dma_start3A_67 = arith.constant 40 : i32
      %dma_start3A_68 = arith.constant 0 : i32
      %dma_start3A_69 = tpu.memref_slice %arg3[%add3A, %dma_start3A_67, %dma_start3A_68] : memref<32x79x128xi32, #tpu.memory_space<hbm>> -> memref<1x39x128xi32, #tpu.memory_space<hbm>>
      %dma_start3A_70 = tpu.memref_squeeze %dma_start3A_69 : memref<1x39x128xi32, #tpu.memory_space<hbm>> -> memref<39x128xi32, #tpu.memory_space<hbm>>
      %dma_start3A_71 = arith.constant 0 : i32
      %dma_start3A_72 = arith.constant 0 : i32
      %dma_start3A_73 = tpu.memref_slice %arg7[%dma_start3A_71, %dma_start3A_72] : memref<40x128xi32, #tpu.memory_space<vmem>> -> memref<39x128xi32, #tpu.memory_space<vmem>>
      %dma_start3A_74 = arith.constant 40 : i32
      %dma_start3A_75 = arith.constant 0 : i32
      %dma_start3A_76 = tpu.memref_slice %arg3[%add3A, %dma_start3A_74, %dma_start3A_75] : memref<32x79x128xi32, #tpu.memory_space<hbm>> -> memref<1x39x128xi32, #tpu.memory_space<hbm>>
      %dma_start3A_77 = tpu.memref_squeeze %dma_start3A_76 : memref<1x39x128xi32, #tpu.memory_space<hbm>> -> memref<39x128xi32, #tpu.memory_space<hbm>>
      tpu.enqueue_dma source(%dma_start3A_77 : memref<39x128xi32, #tpu.memory_space<hbm>>) target(%dma_start3A_73 : memref<39x128xi32, #tpu.memory_space<vmem>>) target_semaphore(%run_scoped3A : memref<!tpu.dma_semaphore, #tpu.memory_space<semaphore_mem>>)
      %dma_wait3A = arith.constant 0 : i32
      %dma_wait3A_78 = arith.constant 0 : i32
      %dma_wait3A_79 = tpu.memref_slice %arg7[%dma_wait3A, %dma_wait3A_78] : memref<40x128xi32, #tpu.memory_space<vmem>> -> memref<39x128xi32, #tpu.memory_space<vmem>>
      %dma_wait3A_80 = arith.constant 40 : i32
      %dma_wait3A_81 = arith.constant 0 : i32
      %dma_wait3A_82 = tpu.memref_slice %arg3[%add3A, %dma_wait3A_80, %dma_wait3A_81] : memref<32x79x128xi32, #tpu.memory_space<hbm>> -> memref<1x39x128xi32, #tpu.memory_space<hbm>>
      %dma_wait3A_83 = tpu.memref_squeeze %dma_wait3A_82 : memref<1x39x128xi32, #tpu.memory_space<hbm>> -> memref<39x128xi32, #tpu.memory_space<hbm>>
      %dma_wait3A_84 = arith.constant 0 : i32
      %dma_wait3A_85 = arith.constant 0 : i32
      %dma_wait3A_86 = tpu.memref_slice %arg7[%dma_wait3A_84, %dma_wait3A_85] : memref<40x128xi32, #tpu.memory_space<vmem>> -> memref<39x128xi32, #tpu.memory_space<vmem>>
      %dma_wait3A_87 = arith.constant 40 : i32
      %dma_wait3A_88 = arith.constant 0 : i32
      %dma_wait3A_89 = tpu.memref_slice %arg3[%add3A, %dma_wait3A_87, %dma_wait3A_88] : memref<32x79x128xi32, #tpu.memory_space<hbm>> -> memref<1x39x128xi32, #tpu.memory_space<hbm>>
      %dma_wait3A_90 = tpu.memref_squeeze %dma_wait3A_89 : memref<1x39x128xi32, #tpu.memory_space<hbm>> -> memref<39x128xi32, #tpu.memory_space<hbm>>
      tpu.wait_dma2 semaphore(%run_scoped3A : memref<!tpu.dma_semaphore, #tpu.memory_space<semaphore_mem>>) src(%dma_wait3A_90 : memref<39x128xi32, #tpu.memory_space<hbm>>) dst(%dma_wait3A_86 : memref<39x128xi32, #tpu.memory_space<vmem>>)
      tpu.yield
    }) : () -> ()
    "tpu.region"() ({
      %run_scoped3A = tpu.sem_alloc : memref<!tpu.dma_semaphore, #tpu.memory_space<semaphore_mem>>
      %dma_start3A_64 = arith.constant 0 : i32
      %dma_start3A_65 = arith.constant 0 : i32
      %dma_start3A_66 = tpu.memref_slice %arg8[%dma_start3A_64, %dma_start3A_65] : memref<40x128xi32, #tpu.memory_space<vmem>> -> memref<39x128xi32, #tpu.memory_space<vmem>>
      %dma_start3A_67 = arith.constant 40 : i32
      %dma_start3A_68 = arith.constant 0 : i32
      %dma_start3A_69 = tpu.memref_slice %arg4[%add3A, %dma_start3A_67, %dma_start3A_68] : memref<32x79x128xi32, #tpu.memory_space<hbm>> -> memref<1x39x128xi32, #tpu.memory_space<hbm>>
      %dma_start3A_70 = tpu.memref_squeeze %dma_start3A_69 : memref<1x39x128xi32, #tpu.memory_space<hbm>> -> memref<39x128xi32, #tpu.memory_space<hbm>>
      %dma_start3A_71 = arith.constant 0 : i32
      %dma_start3A_72 = arith.constant 0 : i32
      %dma_start3A_73 = tpu.memref_slice %arg8[%dma_start3A_71, %dma_start3A_72] : memref<40x128xi32, #tpu.memory_space<vmem>> -> memref<39x128xi32, #tpu.memory_space<vmem>>
      %dma_start3A_74 = arith.constant 40 : i32
      %dma_start3A_75 = arith.constant 0 : i32
      %dma_start3A_76 = tpu.memref_slice %arg4[%add3A, %dma_start3A_74, %dma_start3A_75] : memref<32x79x128xi32, #tpu.memory_space<hbm>> -> memref<1x39x128xi32, #tpu.memory_space<hbm>>
      %dma_start3A_77 = tpu.memref_squeeze %dma_start3A_76 : memref<1x39x128xi32, #tpu.memory_space<hbm>> -> memref<39x128xi32, #tpu.memory_space<hbm>>
      tpu.enqueue_dma source(%dma_start3A_77 : memref<39x128xi32, #tpu.memory_space<hbm>>) target(%dma_start3A_73 : memref<39x128xi32, #tpu.memory_space<vmem>>) target_semaphore(%run_scoped3A : memref<!tpu.dma_semaphore, #tpu.memory_space<semaphore_mem>>)
      %dma_wait3A = arith.constant 0 : i32
      %dma_wait3A_78 = arith.constant 0 : i32
      %dma_wait3A_79 = tpu.memref_slice %arg8[%dma_wait3A, %dma_wait3A_78] : memref<40x128xi32, #tpu.memory_space<vmem>> -> memref<39x128xi32, #tpu.memory_space<vmem>>
      %dma_wait3A_80 = arith.constant 40 : i32
      %dma_wait3A_81 = arith.constant 0 : i32
      %dma_wait3A_82 = tpu.memref_slice %arg4[%add3A, %dma_wait3A_80, %dma_wait3A_81] : memref<32x79x128xi32, #tpu.memory_space<hbm>> -> memref<1x39x128xi32, #tpu.memory_space<hbm>>
      %dma_wait3A_83 = tpu.memref_squeeze %dma_wait3A_82 : memref<1x39x128xi32, #tpu.memory_space<hbm>> -> memref<39x128xi32, #tpu.memory_space<hbm>>
      %dma_wait3A_84 = arith.constant 0 : i32
      %dma_wait3A_85 = arith.constant 0 : i32
      %dma_wait3A_86 = tpu.memref_slice %arg8[%dma_wait3A_84, %dma_wait3A_85] : memref<40x128xi32, #tpu.memory_space<vmem>> -> memref<39x128xi32, #tpu.memory_space<vmem>>
      %dma_wait3A_87 = arith.constant 40 : i32
      %dma_wait3A_88 = arith.constant 0 : i32
      %dma_wait3A_89 = tpu.memref_slice %arg4[%add3A, %dma_wait3A_87, %dma_wait3A_88] : memref<32x79x128xi32, #tpu.memory_space<hbm>> -> memref<1x39x128xi32, #tpu.memory_space<hbm>>
      %dma_wait3A_90 = tpu.memref_squeeze %dma_wait3A_89 : memref<1x39x128xi32, #tpu.memory_space<hbm>> -> memref<39x128xi32, #tpu.memory_space<hbm>>
      tpu.wait_dma2 semaphore(%run_scoped3A : memref<!tpu.dma_semaphore, #tpu.memory_space<semaphore_mem>>) src(%dma_wait3A_90 : memref<39x128xi32, #tpu.memory_space<hbm>>) dst(%dma_wait3A_86 : memref<39x128xi32, #tpu.memory_space<vmem>>)
      tpu.yield
    }) : () -> ()
    %dma_start3A_31 = arith.constant 0 : i32
    %dma_start3A_32 = arith.constant 0 : i32
    %dma_start3A_33 = tpu.memref_slice %arg7[%dma_start3A_31, %dma_start3A_32] : memref<40x128xi32, #tpu.memory_space<vmem>> -> memref<1x128xi32, #tpu.memory_space<vmem>>
    %dma_start3A_34 = tpu.memref_squeeze %dma_start3A_33 : memref<1x128xi32, #tpu.memory_space<vmem>> -> memref<128xi32, #tpu.memory_space<vmem>>
    %dma_start3A_35 = arith.constant 0 : i32
    %dma_start3A_36 = arith.constant 0 : i32
    %dma_start3A_37 = tpu.memref_slice %arg2[%dma_start3A_35, %dma_start3A_36] : memref<10000x128xf32, #tpu.memory_space<hbm>> -> memref<10000x128xf32, #tpu.memory_space<hbm>>
    tpu.enqueue_indirect_dma source(%dma_start3A_37 : memref<10000x128xf32, #tpu.memory_space<hbm>>) target(%arg9 : memref<128x128xf32, #tpu.memory_space<vmem>>) offsets(%dma_start3A_34 : memref<128xi32, #tpu.memory_space<vmem>>) semaphore(%arg12 : memref<!tpu.dma_semaphore, #tpu.memory_space<semaphore_mem>>)
    %scan3A_38 = arith.constant 0 : i32
    %scan3A_39 = arith.constant 39 : i32
    %scan3A_40 = arith.addi %scan3A_38, %scan3A_39 : i32
    %scan3A_41 = arith.constant 1 : i32
    scf.for %scan3A_64 = %scan3A_38 to %scan3A_40 step %scan3A_41  : i32 {
      %jit3A = arith.constant 2 : i32
      %eq3A = arith.constant 0 : i32
      %eq3A_65 = arith.cmpi eq, %jit3A, %eq3A : i32
      %jit3A_66 = arith.constant 1 : i32
      %select_n3A = arith.select %eq3A_65, %jit3A_66, %jit3A : i32
      %rem3A = arith.remsi %scan3A_64, %select_n3A : i32
      %ne3A = arith.constant 0 : i32
      %ne3A_67 = arith.cmpi ne, %rem3A, %ne3A : i32
      %lt3A = arith.constant 0 : i32
      %lt3A_68 = arith.cmpi slt, %rem3A, %lt3A : i32
      %lt3A_69 = arith.constant 0 : i32
      %lt3A_70 = arith.cmpi slt, %select_n3A, %lt3A_69 : i32
      %ne3A_71 = arith.xori %lt3A_68, %lt3A_70 : i1
      %and3A = arith.andi %ne3A_71, %ne3A_67 : i1
      %add3A_72 = arith.addi %rem3A, %select_n3A : i32
      %select_n3A_73 = arith.select %and3A, %add3A_72, %rem3A : i32
      %eq3A_74 = arith.constant 0 : i32
      %eq3A_75 = arith.cmpi eq, %select_n3A_73, %eq3A_74 : i32
      %add3A_76 = arith.constant 1 : i32
      %add3A_77 = arith.addi %scan3A_64, %add3A_76 : i32
      %lt3A_78 = arith.constant 39 : i32
      %lt3A_79 = arith.cmpi slt, %add3A_77, %lt3A_78 : i32
      %and3A_80 = arith.andi %eq3A_75, %lt3A_79 : i1
      %convert_element_type3A = arith.extui %and3A_80 : i1 to i32
      %cond3A = arith.constant 0 : i32
      %cond3A_81 = arith.cmpi ne, %convert_element_type3A, %cond3A : i32
      scf.if %cond3A_81 {
        %add3A_150 = arith.constant 1 : i32
        %add3A_151 = arith.addi %scan3A_64, %add3A_150 : i32
        %dma_start3A_152 = arith.constant 0 : i32
        %dma_start3A_153 = tpu.memref_slice %arg7[%add3A_151, %dma_start3A_152] : memref<40x128xi32, #tpu.memory_space<vmem>> -> memref<1x128xi32, #tpu.memory_space<vmem>>
        %dma_start3A_154 = tpu.memref_squeeze %dma_start3A_153 : memref<1x128xi32, #tpu.memory_space<vmem>> -> memref<128xi32, #tpu.memory_space<vmem>>
        %dma_start3A_155 = arith.constant 0 : i32
        %dma_start3A_156 = arith.constant 0 : i32
        %dma_start3A_157 = tpu.memref_slice %arg2[%dma_start3A_155, %dma_start3A_156] : memref<10000x128xf32, #tpu.memory_space<hbm>> -> memref<10000x128xf32, #tpu.memory_space<hbm>>
        tpu.enqueue_indirect_dma source(%dma_start3A_157 : memref<10000x128xf32, #tpu.memory_space<hbm>>) target(%arg10 : memref<128x128xf32, #tpu.memory_space<vmem>>) offsets(%dma_start3A_154 : memref<128xi32, #tpu.memory_space<vmem>>) semaphore(%arg13 : memref<!tpu.dma_semaphore, #tpu.memory_space<semaphore_mem>>)
      } else {
      }
      %jit3A_82 = arith.constant 2 : i32
      %eq3A_83 = arith.constant 0 : i32
      %eq3A_84 = arith.cmpi eq, %jit3A_82, %eq3A_83 : i32
      %jit3A_85 = arith.constant 1 : i32
      %select_n3A_86 = arith.select %eq3A_84, %jit3A_85, %jit3A_82 : i32
      %rem3A_87 = arith.remsi %scan3A_64, %select_n3A_86 : i32
      %ne3A_88 = arith.constant 0 : i32
      %ne3A_89 = arith.cmpi ne, %rem3A_87, %ne3A_88 : i32
      %lt3A_90 = arith.constant 0 : i32
      %lt3A_91 = arith.cmpi slt, %rem3A_87, %lt3A_90 : i32
      %lt3A_92 = arith.constant 0 : i32
      %lt3A_93 = arith.cmpi slt, %select_n3A_86, %lt3A_92 : i32
      %ne3A_94 = arith.xori %lt3A_91, %lt3A_93 : i1
      %and3A_95 = arith.andi %ne3A_94, %ne3A_89 : i1
      %add3A_96 = arith.addi %rem3A_87, %select_n3A_86 : i32
      %select_n3A_97 = arith.select %and3A_95, %add3A_96, %rem3A_87 : i32
      %eq3A_98 = arith.constant 1 : i32
      %eq3A_99 = arith.cmpi eq, %select_n3A_97, %eq3A_98 : i32
      %add3A_100 = arith.constant 1 : i32
      %add3A_101 = arith.addi %scan3A_64, %add3A_100 : i32
      %lt3A_102 = arith.constant 39 : i32
      %lt3A_103 = arith.cmpi slt, %add3A_101, %lt3A_102 : i32
      %and3A_104 = arith.andi %eq3A_99, %lt3A_103 : i1
      %convert_element_type3A_105 = arith.extui %and3A_104 : i1 to i32
      %cond3A_106 = arith.constant 0 : i32
      %cond3A_107 = arith.cmpi ne, %convert_element_type3A_105, %cond3A_106 : i32
      scf.if %cond3A_107 {
        %add3A_150 = arith.constant 1 : i32
        %add3A_151 = arith.addi %scan3A_64, %add3A_150 : i32
        %dma_start3A_152 = arith.constant 0 : i32
        %dma_start3A_153 = tpu.memref_slice %arg7[%add3A_151, %dma_start3A_152] : memref<40x128xi32, #tpu.memory_space<vmem>> -> memref<1x128xi32, #tpu.memory_space<vmem>>
        %dma_start3A_154 = tpu.memref_squeeze %dma_start3A_153 : memref<1x128xi32, #tpu.memory_space<vmem>> -> memref<128xi32, #tpu.memory_space<vmem>>
        %dma_start3A_155 = arith.constant 0 : i32
        %dma_start3A_156 = arith.constant 0 : i32
        %dma_start3A_157 = tpu.memref_slice %arg2[%dma_start3A_155, %dma_start3A_156] : memref<10000x128xf32, #tpu.memory_space<hbm>> -> memref<10000x128xf32, #tpu.memory_space<hbm>>
        tpu.enqueue_indirect_dma source(%dma_start3A_157 : memref<10000x128xf32, #tpu.memory_space<hbm>>) target(%arg9 : memref<128x128xf32, #tpu.memory_space<vmem>>) offsets(%dma_start3A_154 : memref<128xi32, #tpu.memory_space<vmem>>) semaphore(%arg12 : memref<!tpu.dma_semaphore, #tpu.memory_space<semaphore_mem>>)
      } else {
      }
      %jit3A_108 = arith.constant 2 : i32
      %eq3A_109 = arith.constant 0 : i32
      %eq3A_110 = arith.cmpi eq, %jit3A_108, %eq3A_109 : i32
      %jit3A_111 = arith.constant 1 : i32
      %select_n3A_112 = arith.select %eq3A_110, %jit3A_111, %jit3A_108 : i32
      %rem3A_113 = arith.remsi %scan3A_64, %select_n3A_112 : i32
      %ne3A_114 = arith.constant 0 : i32
      %ne3A_115 = arith.cmpi ne, %rem3A_113, %ne3A_114 : i32
      %lt3A_116 = arith.constant 0 : i32
      %lt3A_117 = arith.cmpi slt, %rem3A_113, %lt3A_116 : i32
      %lt3A_118 = arith.constant 0 : i32
      %lt3A_119 = arith.cmpi slt, %select_n3A_112, %lt3A_118 : i32
      %ne3A_120 = arith.xori %lt3A_117, %lt3A_119 : i1
      %and3A_121 = arith.andi %ne3A_120, %ne3A_115 : i1
      %add3A_122 = arith.addi %rem3A_113, %select_n3A_112 : i32
      %select_n3A_123 = arith.select %and3A_121, %add3A_122, %rem3A_113 : i32
      %eq3A_124 = arith.constant 0 : i32
      %eq3A_125 = arith.cmpi eq, %select_n3A_123, %eq3A_124 : i32
      %convert_element_type3A_126 = arith.extui %eq3A_125 : i1 to i32
      %cond3A_127 = arith.constant 0 : i32
      %cond3A_128 = arith.cmpi ne, %convert_element_type3A_126, %cond3A_127 : i32
      scf.if %cond3A_128 {
        %dma_wait3A = arith.constant 0 : i32
        %dma_wait3A_150 = tpu.memref_slice %arg7[%scan3A_64, %dma_wait3A] : memref<40x128xi32, #tpu.memory_space<vmem>> -> memref<1x128xi32, #tpu.memory_space<vmem>>
        %dma_wait3A_151 = tpu.memref_squeeze %dma_wait3A_150 : memref<1x128xi32, #tpu.memory_space<vmem>> -> memref<128xi32, #tpu.memory_space<vmem>>
        %dma_wait3A_152 = arith.constant 0 : i32
        %dma_wait3A_153 = arith.constant 0 : i32
        %dma_wait3A_154 = tpu.memref_slice %arg2[%dma_wait3A_152, %dma_wait3A_153] : memref<10000x128xf32, #tpu.memory_space<hbm>> -> memref<10000x128xf32, #tpu.memory_space<hbm>>
        tpu.wait_indirect_dma semaphore(%arg12 : memref<!tpu.dma_semaphore, #tpu.memory_space<semaphore_mem>>) src(%dma_wait3A_154 : memref<10000x128xf32, #tpu.memory_space<hbm>>) dst(%arg9 : memref<128x128xf32, #tpu.memory_space<vmem>>)
        "tpu.region"() ({
          %run_scoped3A = tpu.sem_alloc : memref<!tpu.dma_semaphore, #tpu.memory_space<semaphore_mem>>
          %dma_start3A_155 = arith.constant 0 : i32
          %dma_start3A_156 = tpu.memref_slice %arg8[%scan3A_64, %dma_start3A_155] : memref<40x128xi32, #tpu.memory_space<vmem>> -> memref<1x128xi32, #tpu.memory_space<vmem>>
          %dma_start3A_157 = tpu.memref_squeeze %dma_start3A_156 : memref<1x128xi32, #tpu.memory_space<vmem>> -> memref<128xi32, #tpu.memory_space<vmem>>
          %dma_start3A_158 = arith.constant 0 : i32
          %dma_start3A_159 = arith.constant 0 : i32
          %dma_start3A_160 = tpu.memref_slice %arg11[%dma_start3A_158, %dma_start3A_159] : memref<10240x128xf32, #tpu.memory_space<vmem_shared>> -> memref<10240x128xf32, #tpu.memory_space<vmem_shared>>
          tpu.enqueue_indirect_dma source(%arg9 : memref<128x128xf32, #tpu.memory_space<vmem>>) target(%dma_start3A_160 : memref<10240x128xf32, #tpu.memory_space<vmem_shared>>) offsets(%dma_start3A_157 : memref<128xi32, #tpu.memory_space<vmem>>) semaphore(%run_scoped3A : memref<!tpu.dma_semaphore, #tpu.memory_space<semaphore_mem>>) {add = true}
          %dma_wait3A_161 = arith.constant 0 : i32
          %dma_wait3A_162 = tpu.memref_slice %arg8[%scan3A_64, %dma_wait3A_161] : memref<40x128xi32, #tpu.memory_space<vmem>> -> memref<1x128xi32, #tpu.memory_space<vmem>>
          %dma_wait3A_163 = tpu.memref_squeeze %dma_wait3A_162 : memref<1x128xi32, #tpu.memory_space<vmem>> -> memref<128xi32, #tpu.memory_space<vmem>>
          %dma_wait3A_164 = arith.constant 0 : i32
          %dma_wait3A_165 = arith.constant 0 : i32
          %dma_wait3A_166 = tpu.memref_slice %arg11[%dma_wait3A_164, %dma_wait3A_165] : memref<10240x128xf32, #tpu.memory_space<vmem_shared>> -> memref<10240x128xf32, #tpu.memory_space<vmem_shared>>
          tpu.wait_indirect_dma semaphore(%run_scoped3A : memref<!tpu.dma_semaphore, #tpu.memory_space<semaphore_mem>>) src(%arg9 : memref<128x128xf32, #tpu.memory_space<vmem>>) dst(%dma_wait3A_166 : memref<10240x128xf32, #tpu.memory_space<vmem_shared>>)
          tpu.yield
        }) : () -> ()
      } else {
      }
      %jit3A_129 = arith.constant 2 : i32
      %eq3A_130 = arith.constant 0 : i32
      %eq3A_131 = arith.cmpi eq, %jit3A_129, %eq3A_130 : i32
      %jit3A_132 = arith.constant 1 : i32
      %select_n3A_133 = arith.select %eq3A_131, %jit3A_132, %jit3A_129 : i32
      %rem3A_134 = arith.remsi %scan3A_64, %select_n3A_133 : i32
      %ne3A_135 = arith.constant 0 : i32
      %ne3A_136 = arith.cmpi ne, %rem3A_134, %ne3A_135 : i32
      %lt3A_137 = arith.constant 0 : i32
      %lt3A_138 = arith.cmpi slt, %rem3A_134, %lt3A_137 : i32
      %lt3A_139 = arith.constant 0 : i32
      %lt3A_140 = arith.cmpi slt, %select_n3A_133, %lt3A_139 : i32
      %ne3A_141 = arith.xori %lt3A_138, %lt3A_140 : i1
      %and3A_142 = arith.andi %ne3A_141, %ne3A_136 : i1
      %add3A_143 = arith.addi %rem3A_134, %select_n3A_133 : i32
      %select_n3A_144 = arith.select %and3A_142, %add3A_143, %rem3A_134 : i32
      %eq3A_145 = arith.constant 1 : i32
      %eq3A_146 = arith.cmpi eq, %select_n3A_144, %eq3A_145 : i32
      %convert_element_type3A_147 = arith.extui %eq3A_146 : i1 to i32
      %cond3A_148 = arith.constant 0 : i32
      %cond3A_149 = arith.cmpi ne, %convert_element_type3A_147, %cond3A_148 : i32
      scf.if %cond3A_149 {
        %dma_wait3A = arith.constant 0 : i32
        %dma_wait3A_150 = tpu.memref_slice %arg7[%scan3A_64, %dma_wait3A] : memref<40x128xi32, #tpu.memory_space<vmem>> -> memref<1x128xi32, #tpu.memory_space<vmem>>
        %dma_wait3A_151 = tpu.memref_squeeze %dma_wait3A_150 : memref<1x128xi32, #tpu.memory_space<vmem>> -> memref<128xi32, #tpu.memory_space<vmem>>
        %dma_wait3A_152 = arith.constant 0 : i32
        %dma_wait3A_153 = arith.constant 0 : i32
        %dma_wait3A_154 = tpu.memref_slice %arg2[%dma_wait3A_152, %dma_wait3A_153] : memref<10000x128xf32, #tpu.memory_space<hbm>> -> memref<10000x128xf32, #tpu.memory_space<hbm>>
        tpu.wait_indirect_dma semaphore(%arg13 : memref<!tpu.dma_semaphore, #tpu.memory_space<semaphore_mem>>) src(%dma_wait3A_154 : memref<10000x128xf32, #tpu.memory_space<hbm>>) dst(%arg10 : memref<128x128xf32, #tpu.memory_space<vmem>>)
        "tpu.region"() ({
          %run_scoped3A = tpu.sem_alloc : memref<!tpu.dma_semaphore, #tpu.memory_space<semaphore_mem>>
          %dma_start3A_155 = arith.constant 0 : i32
          %dma_start3A_156 = tpu.memref_slice %arg8[%scan3A_64, %dma_start3A_155] : memref<40x128xi32, #tpu.memory_space<vmem>> -> memref<1x128xi32, #tpu.memory_space<vmem>>
          %dma_start3A_157 = tpu.memref_squeeze %dma_start3A_156 : memref<1x128xi32, #tpu.memory_space<vmem>> -> memref<128xi32, #tpu.memory_space<vmem>>
          %dma_start3A_158 = arith.constant 0 : i32
          %dma_start3A_159 = arith.constant 0 : i32
          %dma_start3A_160 = tpu.memref_slice %arg11[%dma_start3A_158, %dma_start3A_159] : memref<10240x128xf32, #tpu.memory_space<vmem_shared>> -> memref<10240x128xf32, #tpu.memory_space<vmem_shared>>
          tpu.enqueue_indirect_dma source(%arg10 : memref<128x128xf32, #tpu.memory_space<vmem>>) target(%dma_start3A_160 : memref<10240x128xf32, #tpu.memory_space<vmem_shared>>) offsets(%dma_start3A_157 : memref<128xi32, #tpu.memory_space<vmem>>) semaphore(%run_scoped3A : memref<!tpu.dma_semaphore, #tpu.memory_space<semaphore_mem>>) {add = true}
          %dma_wait3A_161 = arith.constant 0 : i32
          %dma_wait3A_162 = tpu.memref_slice %arg8[%scan3A_64, %dma_wait3A_161] : memref<40x128xi32, #tpu.memory_space<vmem>> -> memref<1x128xi32, #tpu.memory_space<vmem>>
          %dma_wait3A_163 = tpu.memref_squeeze %dma_wait3A_162 : memref<1x128xi32, #tpu.memory_space<vmem>> -> memref<128xi32, #tpu.memory_space<vmem>>
          %dma_wait3A_164 = arith.constant 0 : i32
          %dma_wait3A_165 = arith.constant 0 : i32
          %dma_wait3A_166 = tpu.memref_slice %arg11[%dma_wait3A_164, %dma_wait3A_165] : memref<10240x128xf32, #tpu.memory_space<vmem_shared>> -> memref<10240x128xf32, #tpu.memory_space<vmem_shared>>
          tpu.wait_indirect_dma semaphore(%run_scoped3A : memref<!tpu.dma_semaphore, #tpu.memory_space<semaphore_mem>>) src(%arg10 : memref<128x128xf32, #tpu.memory_space<vmem>>) dst(%dma_wait3A_166 : memref<10240x128xf32, #tpu.memory_space<vmem_shared>>)
          tpu.yield
        }) : () -> ()
      } else {
      }
    }
    %scan3A_42 = arith.constant 39 : i32
    %barrier3A_43 = arith.constant 0 : index
    tpu.barrier barrier_id(%barrier3A_43)
    %mul3A_44 = arith.constant 640 : i32
    %mul3A_45 = arith.muli %arg1, %mul3A_44 : i32
    %add3A_46 = arith.constant 0 : i32
    %add3A_47 = arith.addi %mul3A_45, %add3A_46 : i32
    "tpu.region"() ({
      %run_scoped3A = tpu.sem_alloc : memref<!tpu.dma_semaphore, #tpu.memory_space<semaphore_mem>>
      %dma_start3A_64 = arith.constant 0 : i32
      %dma_start3A_65 = tpu.memref_slice %arg11[%add3A_47, %dma_start3A_64] : memref<10240x128xf32, #tpu.memory_space<vmem_shared>> -> memref<128x128xf32, #tpu.memory_space<vmem_shared>>
      %dma_start3A_66 = arith.constant 0 : i32
      %dma_start3A_67 = tpu.memref_slice %arg11[%add3A_47, %dma_start3A_66] : memref<10240x128xf32, #tpu.memory_space<vmem_shared>> -> memref<128x128xf32, #tpu.memory_space<vmem_shared>>
      tpu.enqueue_dma source(%dma_start3A_67 : memref<128x128xf32, #tpu.memory_space<vmem_shared>>) target(%arg9 : memref<128x128xf32, #tpu.memory_space<vmem>>) target_semaphore(%run_scoped3A : memref<!tpu.dma_semaphore, #tpu.memory_space<semaphore_mem>>)
      %dma_wait3A = arith.constant 0 : i32
      %dma_wait3A_68 = tpu.memref_slice %arg11[%add3A_47, %dma_wait3A] : memref<10240x128xf32, #tpu.memory_space<vmem_shared>> -> memref<128x128xf32, #tpu.memory_space<vmem_shared>>
      %dma_wait3A_69 = arith.constant 0 : i32
      %dma_wait3A_70 = tpu.memref_slice %arg11[%add3A_47, %dma_wait3A_69] : memref<10240x128xf32, #tpu.memory_space<vmem_shared>> -> memref<128x128xf32, #tpu.memory_space<vmem_shared>>
      tpu.wait_dma2 semaphore(%run_scoped3A : memref<!tpu.dma_semaphore, #tpu.memory_space<semaphore_mem>>) src(%dma_wait3A_70 : memref<128x128xf32, #tpu.memory_space<vmem_shared>>) dst(%arg9 : memref<128x128xf32, #tpu.memory_space<vmem>>)
      tpu.yield
    }) : () -> ()
    "tpu.region"() ({
      %run_scoped3A = tpu.sem_alloc : memref<!tpu.dma_semaphore, #tpu.memory_space<semaphore_mem>>
      %dma_start3A_64 = arith.constant 0 : i32
      %dma_start3A_65 = tpu.memref_slice %arg6[%arg0, %add3A_47, %dma_start3A_64] : memref<2x10240x128xf32, #tpu.memory_space<hbm>> -> memref<1x128x128xf32, #tpu.memory_space<hbm>>
      %dma_start3A_66 = tpu.memref_squeeze %dma_start3A_65 : memref<1x128x128xf32, #tpu.memory_space<hbm>> -> memref<128x128xf32, #tpu.memory_space<hbm>>
      %dma_start3A_67 = arith.constant 0 : i32
      %dma_start3A_68 = tpu.memref_slice %arg6[%arg0, %add3A_47, %dma_start3A_67] : memref<2x10240x128xf32, #tpu.memory_space<hbm>> -> memref<1x128x128xf32, #tpu.memory_space<hbm>>
      %dma_start3A_69 = tpu.memref_squeeze %dma_start3A_68 : memref<1x128x128xf32, #tpu.memory_space<hbm>> -> memref<128x128xf32, #tpu.memory_space<hbm>>
      tpu.enqueue_dma source(%arg9 : memref<128x128xf32, #tpu.memory_space<vmem>>) target(%dma_start3A_69 : memref<128x128xf32, #tpu.memory_space<hbm>>) target_semaphore(%run_scoped3A : memref<!tpu.dma_semaphore, #tpu.memory_space<semaphore_mem>>)
      %dma_wait3A = arith.constant 0 : i32
      %dma_wait3A_70 = tpu.memref_slice %arg6[%arg0, %add3A_47, %dma_wait3A] : memref<2x10240x128xf32, #tpu.memory_space<hbm>> -> memref<1x128x128xf32, #tpu.memory_space<hbm>>
      %dma_wait3A_71 = tpu.memref_squeeze %dma_wait3A_70 : memref<1x128x128xf32, #tpu.memory_space<hbm>> -> memref<128x128xf32, #tpu.memory_space<hbm>>
      %dma_wait3A_72 = arith.constant 0 : i32
      %dma_wait3A_73 = tpu.memref_slice %arg6[%arg0, %add3A_47, %dma_wait3A_72] : memref<2x10240x128xf32, #tpu.memory_space<hbm>> -> memref<1x128x128xf32, #tpu.memory_space<hbm>>
      %dma_wait3A_74 = tpu.memref_squeeze %dma_wait3A_73 : memref<1x128x128xf32, #tpu.memory_space<hbm>> -> memref<128x128xf32, #tpu.memory_space<hbm>>
      tpu.wait_dma2 semaphore(%run_scoped3A : memref<!tpu.dma_semaphore, #tpu.memory_space<semaphore_mem>>) src(%arg9 : memref<128x128xf32, #tpu.memory_space<vmem>>) dst(%dma_wait3A_74 : memref<128x128xf32, #tpu.memory_space<hbm>>)
      tpu.yield
    }) : () -> ()
    %mul3A_48 = arith.constant 640 : i32
    %mul3A_49 = arith.muli %arg1, %mul3A_48 : i32
    %add3A_50 = arith.constant 128 : i32
    %add3A_51 = arith.addi %mul3A_49, %add3A_50 : i32
    "tpu.region"() ({
      %run_scoped3A = tpu.sem_alloc : memref<!tpu.dma_semaphore, #tpu.memory_space<semaphore_mem>>
      %dma_start3A_64 = arith.constant 0 : i32
      %dma_start3A_65 = tpu.memref_slice %arg11[%add3A_51, %dma_start3A_64] : memref<10240x128xf32, #tpu.memory_space<vmem_shared>> -> memref<128x128xf32, #tpu.memory_space<vmem_shared>>
      %dma_start3A_66 = arith.constant 0 : i32
      %dma_start3A_67 = tpu.memref_slice %arg11[%add3A_51, %dma_start3A_66] : memref<10240x128xf32, #tpu.memory_space<vmem_shared>> -> memref<128x128xf32, #tpu.memory_space<vmem_shared>>
      tpu.enqueue_dma source(%dma_start3A_67 : memref<128x128xf32, #tpu.memory_space<vmem_shared>>) target(%arg9 : memref<128x128xf32, #tpu.memory_space<vmem>>) target_semaphore(%run_scoped3A : memref<!tpu.dma_semaphore, #tpu.memory_space<semaphore_mem>>)
      %dma_wait3A = arith.constant 0 : i32
      %dma_wait3A_68 = tpu.memref_slice %arg11[%add3A_51, %dma_wait3A] : memref<10240x128xf32, #tpu.memory_space<vmem_shared>> -> memref<128x128xf32, #tpu.memory_space<vmem_shared>>
      %dma_wait3A_69 = arith.constant 0 : i32
      %dma_wait3A_70 = tpu.memref_slice %arg11[%add3A_51, %dma_wait3A_69] : memref<10240x128xf32, #tpu.memory_space<vmem_shared>> -> memref<128x128xf32, #tpu.memory_space<vmem_shared>>
      tpu.wait_dma2 semaphore(%run_scoped3A : memref<!tpu.dma_semaphore, #tpu.memory_space<semaphore_mem>>) src(%dma_wait3A_70 : memref<128x128xf32, #tpu.memory_space<vmem_shared>>) dst(%arg9 : memref<128x128xf32, #tpu.memory_space<vmem>>)
      tpu.yield
    }) : () -> ()
    "tpu.region"() ({
      %run_scoped3A = tpu.sem_alloc : memref<!tpu.dma_semaphore, #tpu.memory_space<semaphore_mem>>
      %dma_start3A_64 = arith.constant 0 : i32
      %dma_start3A_65 = tpu.memref_slice %arg6[%arg0, %add3A_51, %dma_start3A_64] : memref<2x10240x128xf32, #tpu.memory_space<hbm>> -> memref<1x128x128xf32, #tpu.memory_space<hbm>>
      %dma_start3A_66 = tpu.memref_squeeze %dma_start3A_65 : memref<1x128x128xf32, #tpu.memory_space<hbm>> -> memref<128x128xf32, #tpu.memory_space<hbm>>
      %dma_start3A_67 = arith.constant 0 : i32
      %dma_start3A_68 = tpu.memref_slice %arg6[%arg0, %add3A_51, %dma_start3A_67] : memref<2x10240x128xf32, #tpu.memory_space<hbm>> -> memref<1x128x128xf32, #tpu.memory_space<hbm>>
      %dma_start3A_69 = tpu.memref_squeeze %dma_start3A_68 : memref<1x128x128xf32, #tpu.memory_space<hbm>> -> memref<128x128xf32, #tpu.memory_space<hbm>>
      tpu.enqueue_dma source(%arg9 : memref<128x128xf32, #tpu.memory_space<vmem>>) target(%dma_start3A_69 : memref<128x128xf32, #tpu.memory_space<hbm>>) target_semaphore(%run_scoped3A : memref<!tpu.dma_semaphore, #tpu.memory_space<semaphore_mem>>)
      %dma_wait3A = arith.constant 0 : i32
      %dma_wait3A_70 = tpu.memref_slice %arg6[%arg0, %add3A_51, %dma_wait3A] : memref<2x10240x128xf32, #tpu.memory_space<hbm>> -> memref<1x128x128xf32, #tpu.memory_space<hbm>>
      %dma_wait3A_71 = tpu.memref_squeeze %dma_wait3A_70 : memref<1x128x128xf32, #tpu.memory_space<hbm>> -> memref<128x128xf32, #tpu.memory_space<hbm>>
      %dma_wait3A_72 = arith.constant 0 : i32
      %dma_wait3A_73 = tpu.memref_slice %arg6[%arg0, %add3A_51, %dma_wait3A_72] : memref<2x10240x128xf32, #tpu.memory_space<hbm>> -> memref<1x128x128xf32, #tpu.memory_space<hbm>>
      %dma_wait3A_74 = tpu.memref_squeeze %dma_wait3A_73 : memref<1x128x128xf32, #tpu.memory_space<hbm>> -> memref<128x128xf32, #tpu.memory_space<hbm>>
      tpu.wait_dma2 semaphore(%run_scoped3A : memref<!tpu.dma_semaphore, #tpu.memory_space<semaphore_mem>>) src(%arg9 : memref<128x128xf32, #tpu.memory_space<vmem>>) dst(%dma_wait3A_74 : memref<128x128xf32, #tpu.memory_space<hbm>>)
      tpu.yield
    }) : () -> ()
    %mul3A_52 = arith.constant 640 : i32
    %mul3A_53 = arith.muli %arg1, %mul3A_52 : i32
    %add3A_54 = arith.constant 256 : i32
    %add3A_55 = arith.addi %mul3A_53, %add3A_54 : i32
    "tpu.region"() ({
      %run_scoped3A = tpu.sem_alloc : memref<!tpu.dma_semaphore, #tpu.memory_space<semaphore_mem>>
      %dma_start3A_64 = arith.constant 0 : i32
      %dma_start3A_65 = tpu.memref_slice %arg11[%add3A_55, %dma_start3A_64] : memref<10240x128xf32, #tpu.memory_space<vmem_shared>> -> memref<128x128xf32, #tpu.memory_space<vmem_shared>>
      %dma_start3A_66 = arith.constant 0 : i32
      %dma_start3A_67 = tpu.memref_slice %arg11[%add3A_55, %dma_start3A_66] : memref<10240x128xf32, #tpu.memory_space<vmem_shared>> -> memref<128x128xf32, #tpu.memory_space<vmem_shared>>
      tpu.enqueue_dma source(%dma_start3A_67 : memref<128x128xf32, #tpu.memory_space<vmem_shared>>) target(%arg9 : memref<128x128xf32, #tpu.memory_space<vmem>>) target_semaphore(%run_scoped3A : memref<!tpu.dma_semaphore, #tpu.memory_space<semaphore_mem>>)
      %dma_wait3A = arith.constant 0 : i32
      %dma_wait3A_68 = tpu.memref_slice %arg11[%add3A_55, %dma_wait3A] : memref<10240x128xf32, #tpu.memory_space<vmem_shared>> -> memref<128x128xf32, #tpu.memory_space<vmem_shared>>
      %dma_wait3A_69 = arith.constant 0 : i32
      %dma_wait3A_70 = tpu.memref_slice %arg11[%add3A_55, %dma_wait3A_69] : memref<10240x128xf32, #tpu.memory_space<vmem_shared>> -> memref<128x128xf32, #tpu.memory_space<vmem_shared>>
      tpu.wait_dma2 semaphore(%run_scoped3A : memref<!tpu.dma_semaphore, #tpu.memory_space<semaphore_mem>>) src(%dma_wait3A_70 : memref<128x128xf32, #tpu.memory_space<vmem_shared>>) dst(%arg9 : memref<128x128xf32, #tpu.memory_space<vmem>>)
      tpu.yield
    }) : () -> ()
    "tpu.region"() ({
      %run_scoped3A = tpu.sem_alloc : memref<!tpu.dma_semaphore, #tpu.memory_space<semaphore_mem>>
      %dma_start3A_64 = arith.constant 0 : i32
      %dma_start3A_65 = tpu.memref_slice %arg6[%arg0, %add3A_55, %dma_start3A_64] : memref<2x10240x128xf32, #tpu.memory_space<hbm>> -> memref<1x128x128xf32, #tpu.memory_space<hbm>>
      %dma_start3A_66 = tpu.memref_squeeze %dma_start3A_65 : memref<1x128x128xf32, #tpu.memory_space<hbm>> -> memref<128x128xf32, #tpu.memory_space<hbm>>
      %dma_start3A_67 = arith.constant 0 : i32
      %dma_start3A_68 = tpu.memref_slice %arg6[%arg0, %add3A_55, %dma_start3A_67] : memref<2x10240x128xf32, #tpu.memory_space<hbm>> -> memref<1x128x128xf32, #tpu.memory_space<hbm>>
      %dma_start3A_69 = tpu.memref_squeeze %dma_start3A_68 : memref<1x128x128xf32, #tpu.memory_space<hbm>> -> memref<128x128xf32, #tpu.memory_space<hbm>>
      tpu.enqueue_dma source(%arg9 : memref<128x128xf32, #tpu.memory_space<vmem>>) target(%dma_start3A_69 : memref<128x128xf32, #tpu.memory_space<hbm>>) target_semaphore(%run_scoped3A : memref<!tpu.dma_semaphore, #tpu.memory_space<semaphore_mem>>)
      %dma_wait3A = arith.constant 0 : i32
      %dma_wait3A_70 = tpu.memref_slice %arg6[%arg0, %add3A_55, %dma_wait3A] : memref<2x10240x128xf32, #tpu.memory_space<hbm>> -> memref<1x128x128xf32, #tpu.memory_space<hbm>>
      %dma_wait3A_71 = tpu.memref_squeeze %dma_wait3A_70 : memref<1x128x128xf32, #tpu.memory_space<hbm>> -> memref<128x128xf32, #tpu.memory_space<hbm>>
      %dma_wait3A_72 = arith.constant 0 : i32
      %dma_wait3A_73 = tpu.memref_slice %arg6[%arg0, %add3A_55, %dma_wait3A_72] : memref<2x10240x128xf32, #tpu.memory_space<hbm>> -> memref<1x128x128xf32, #tpu.memory_space<hbm>>
      %dma_wait3A_74 = tpu.memref_squeeze %dma_wait3A_73 : memref<1x128x128xf32, #tpu.memory_space<hbm>> -> memref<128x128xf32, #tpu.memory_space<hbm>>
      tpu.wait_dma2 semaphore(%run_scoped3A : memref<!tpu.dma_semaphore, #tpu.memory_space<semaphore_mem>>) src(%arg9 : memref<128x128xf32, #tpu.memory_space<vmem>>) dst(%dma_wait3A_74 : memref<128x128xf32, #tpu.memory_space<hbm>>)
      tpu.yield
    }) : () -> ()
    %mul3A_56 = arith.constant 640 : i32
    %mul3A_57 = arith.muli %arg1, %mul3A_56 : i32
    %add3A_58 = arith.constant 384 : i32
    %add3A_59 = arith.addi %mul3A_57, %add3A_58 : i32
    "tpu.region"() ({
      %run_scoped3A = tpu.sem_alloc : memref<!tpu.dma_semaphore, #tpu.memory_space<semaphore_mem>>
      %dma_start3A_64 = arith.constant 0 : i32
      %dma_start3A_65 = tpu.memref_slice %arg11[%add3A_59, %dma_start3A_64] : memref<10240x128xf32, #tpu.memory_space<vmem_shared>> -> memref<128x128xf32, #tpu.memory_space<vmem_shared>>
      %dma_start3A_66 = arith.constant 0 : i32
      %dma_start3A_67 = tpu.memref_slice %arg11[%add3A_59, %dma_start3A_66] : memref<10240x128xf32, #tpu.memory_space<vmem_shared>> -> memref<128x128xf32, #tpu.memory_space<vmem_shared>>
      tpu.enqueue_dma source(%dma_start3A_67 : memref<128x128xf32, #tpu.memory_space<vmem_shared>>) target(%arg9 : memref<128x128xf32, #tpu.memory_space<vmem>>) target_semaphore(%run_scoped3A : memref<!tpu.dma_semaphore, #tpu.memory_space<semaphore_mem>>)
      %dma_wait3A = arith.constant 0 : i32
      %dma_wait3A_68 = tpu.memref_slice %arg11[%add3A_59, %dma_wait3A] : memref<10240x128xf32, #tpu.memory_space<vmem_shared>> -> memref<128x128xf32, #tpu.memory_space<vmem_shared>>
      %dma_wait3A_69 = arith.constant 0 : i32
      %dma_wait3A_70 = tpu.memref_slice %arg11[%add3A_59, %dma_wait3A_69] : memref<10240x128xf32, #tpu.memory_space<vmem_shared>> -> memref<128x128xf32, #tpu.memory_space<vmem_shared>>
      tpu.wait_dma2 semaphore(%run_scoped3A : memref<!tpu.dma_semaphore, #tpu.memory_space<semaphore_mem>>) src(%dma_wait3A_70 : memref<128x128xf32, #tpu.memory_space<vmem_shared>>) dst(%arg9 : memref<128x128xf32, #tpu.memory_space<vmem>>)
      tpu.yield
    }) : () -> ()
    "tpu.region"() ({
      %run_scoped3A = tpu.sem_alloc : memref<!tpu.dma_semaphore, #tpu.memory_space<semaphore_mem>>
      %dma_start3A_64 = arith.constant 0 : i32
      %dma_start3A_65 = tpu.memref_slice %arg6[%arg0, %add3A_59, %dma_start3A_64] : memref<2x10240x128xf32, #tpu.memory_space<hbm>> -> memref<1x128x128xf32, #tpu.memory_space<hbm>>
      %dma_start3A_66 = tpu.memref_squeeze %dma_start3A_65 : memref<1x128x128xf32, #tpu.memory_space<hbm>> -> memref<128x128xf32, #tpu.memory_space<hbm>>
      %dma_start3A_67 = arith.constant 0 : i32
      %dma_start3A_68 = tpu.memref_slice %arg6[%arg0, %add3A_59, %dma_start3A_67] : memref<2x10240x128xf32, #tpu.memory_space<hbm>> -> memref<1x128x128xf32, #tpu.memory_space<hbm>>
      %dma_start3A_69 = tpu.memref_squeeze %dma_start3A_68 : memref<1x128x128xf32, #tpu.memory_space<hbm>> -> memref<128x128xf32, #tpu.memory_space<hbm>>
      tpu.enqueue_dma source(%arg9 : memref<128x128xf32, #tpu.memory_space<vmem>>) target(%dma_start3A_69 : memref<128x128xf32, #tpu.memory_space<hbm>>) target_semaphore(%run_scoped3A : memref<!tpu.dma_semaphore, #tpu.memory_space<semaphore_mem>>)
      %dma_wait3A = arith.constant 0 : i32
      %dma_wait3A_70 = tpu.memref_slice %arg6[%arg0, %add3A_59, %dma_wait3A] : memref<2x10240x128xf32, #tpu.memory_space<hbm>> -> memref<1x128x128xf32, #tpu.memory_space<hbm>>
      %dma_wait3A_71 = tpu.memref_squeeze %dma_wait3A_70 : memref<1x128x128xf32, #tpu.memory_space<hbm>> -> memref<128x128xf32, #tpu.memory_space<hbm>>
      %dma_wait3A_72 = arith.constant 0 : i32
      %dma_wait3A_73 = tpu.memref_slice %arg6[%arg0, %add3A_59, %dma_wait3A_72] : memref<2x10240x128xf32, #tpu.memory_space<hbm>> -> memref<1x128x128xf32, #tpu.memory_space<hbm>>
      %dma_wait3A_74 = tpu.memref_squeeze %dma_wait3A_73 : memref<1x128x128xf32, #tpu.memory_space<hbm>> -> memref<128x128xf32, #tpu.memory_space<hbm>>
      tpu.wait_dma2 semaphore(%run_scoped3A : memref<!tpu.dma_semaphore, #tpu.memory_space<semaphore_mem>>) src(%arg9 : memref<128x128xf32, #tpu.memory_space<vmem>>) dst(%dma_wait3A_74 : memref<128x128xf32, #tpu.memory_space<hbm>>)
      tpu.yield
    }) : () -> ()
    %mul3A_60 = arith.constant 640 : i32
    %mul3A_61 = arith.muli %arg1, %mul3A_60 : i32
    %add3A_62 = arith.constant 512 : i32
    %add3A_63 = arith.addi %mul3A_61, %add3A_62 : i32
    "tpu.region"() ({
      %run_scoped3A = tpu.sem_alloc : memref<!tpu.dma_semaphore, #tpu.memory_space<semaphore_mem>>
      %dma_start3A_64 = arith.constant 0 : i32
      %dma_start3A_65 = tpu.memref_slice %arg11[%add3A_63, %dma_start3A_64] : memref<10240x128xf32, #tpu.memory_space<vmem_shared>> -> memref<128x128xf32, #tpu.memory_space<vmem_shared>>
      %dma_start3A_66 = arith.constant 0 : i32
      %dma_start3A_67 = tpu.memref_slice %arg11[%add3A_63, %dma_start3A_66] : memref<10240x128xf32, #tpu.memory_space<vmem_shared>> -> memref<128x128xf32, #tpu.memory_space<vmem_shared>>
      tpu.enqueue_dma source(%dma_start3A_67 : memref<128x128xf32, #tpu.memory_space<vmem_shared>>) target(%arg9 : memref<128x128xf32, #tpu.memory_space<vmem>>) target_semaphore(%run_scoped3A : memref<!tpu.dma_semaphore, #tpu.memory_space<semaphore_mem>>)
      %dma_wait3A = arith.constant 0 : i32
      %dma_wait3A_68 = tpu.memref_slice %arg11[%add3A_63, %dma_wait3A] : memref<10240x128xf32, #tpu.memory_space<vmem_shared>> -> memref<128x128xf32, #tpu.memory_space<vmem_shared>>
      %dma_wait3A_69 = arith.constant 0 : i32
      %dma_wait3A_70 = tpu.memref_slice %arg11[%add3A_63, %dma_wait3A_69] : memref<10240x128xf32, #tpu.memory_space<vmem_shared>> -> memref<128x128xf32, #tpu.memory_space<vmem_shared>>
      tpu.wait_dma2 semaphore(%run_scoped3A : memref<!tpu.dma_semaphore, #tpu.memory_space<semaphore_mem>>) src(%dma_wait3A_70 : memref<128x128xf32, #tpu.memory_space<vmem_shared>>) dst(%arg9 : memref<128x128xf32, #tpu.memory_space<vmem>>)
      tpu.yield
    }) : () -> ()
    "tpu.region"() ({
      %run_scoped3A = tpu.sem_alloc : memref<!tpu.dma_semaphore, #tpu.memory_space<semaphore_mem>>
      %dma_start3A_64 = arith.constant 0 : i32
      %dma_start3A_65 = tpu.memref_slice %arg6[%arg0, %add3A_63, %dma_start3A_64] : memref<2x10240x128xf32, #tpu.memory_space<hbm>> -> memref<1x128x128xf32, #tpu.memory_space<hbm>>
      %dma_start3A_66 = tpu.memref_squeeze %dma_start3A_65 : memref<1x128x128xf32, #tpu.memory_space<hbm>> -> memref<128x128xf32, #tpu.memory_space<hbm>>
      %dma_start3A_67 = arith.constant 0 : i32
      %dma_start3A_68 = tpu.memref_slice %arg6[%arg0, %add3A_63, %dma_start3A_67] : memref<2x10240x128xf32, #tpu.memory_space<hbm>> -> memref<1x128x128xf32, #tpu.memory_space<hbm>>
      %dma_start3A_69 = tpu.memref_squeeze %dma_start3A_68 : memref<1x128x128xf32, #tpu.memory_space<hbm>> -> memref<128x128xf32, #tpu.memory_space<hbm>>
      tpu.enqueue_dma source(%arg9 : memref<128x128xf32, #tpu.memory_space<vmem>>) target(%dma_start3A_69 : memref<128x128xf32, #tpu.memory_space<hbm>>) target_semaphore(%run_scoped3A : memref<!tpu.dma_semaphore, #tpu.memory_space<semaphore_mem>>)
      %dma_wait3A = arith.constant 0 : i32
      %dma_wait3A_70 = tpu.memref_slice %arg6[%arg0, %add3A_63, %dma_wait3A] : memref<2x10240x128xf32, #tpu.memory_space<hbm>> -> memref<1x128x128xf32, #tpu.memory_space<hbm>>
      %dma_wait3A_71 = tpu.memref_squeeze %dma_wait3A_70 : memref<1x128x128xf32, #tpu.memory_space<hbm>> -> memref<128x128xf32, #tpu.memory_space<hbm>>
      %dma_wait3A_72 = arith.constant 0 : i32
      %dma_wait3A_73 = tpu.memref_slice %arg6[%arg0, %add3A_63, %dma_wait3A_72] : memref<2x10240x128xf32, #tpu.memory_space<hbm>> -> memref<1x128x128xf32, #tpu.memory_space<hbm>>
      %dma_wait3A_74 = tpu.memref_squeeze %dma_wait3A_73 : memref<1x128x128xf32, #tpu.memory_space<hbm>> -> memref<128x128xf32, #tpu.memory_space<hbm>>
      tpu.wait_dma2 semaphore(%run_scoped3A : memref<!tpu.dma_semaphore, #tpu.memory_space<semaphore_mem>>) src(%arg9 : memref<128x128xf32, #tpu.memory_space<vmem>>) dst(%dma_wait3A_74 : memref<128x128xf32, #tpu.memory_space<hbm>>)
      tpu.yield
    }) : () -> ()
    return
  }
}

#map = affine_map<(d0, d1) -> (0, 0)>
#map1 = affine_map<(d0, d1) -> (0, 0, 0)>
module attributes {stable_mosaic.version = 14 : i64} {
  func.func @scat_kernel(%arg0: i32, %arg1: i32, %arg2: memref<10000x128xf32, #tpu.memory_space<hbm>>, %arg3: memref<32x79x128xi32, #tpu.memory_space<hbm>>, %arg4: memref<32x79x128xi32, #tpu.memory_space<hbm>>, %arg5: memref<128x128xf32, #tpu.memory_space<hbm>>, %arg6: memref<2x10240x128xf32, #tpu.memory_space<hbm>>, %arg7: memref<40x128xi32, #tpu.memory_space<vmem>>, %arg8: memref<40x128xi32, #tpu.memory_space<vmem>>, %arg9: memref<128x128xf32, #tpu.memory_space<vmem>>, %arg10: memref<128x128xf32, #tpu.memory_space<vmem>>, %arg11: memref<10240x128xf32, #tpu.memory_space<vmem_shared>>, %arg12: memref<!tpu.dma_semaphore, #tpu.memory_space<semaphore_mem>>, %arg13: memref<!tpu.dma_semaphore, #tpu.memory_space<semaphore_mem>>) attributes {dimension_semantics = [#tpu.dimension_semantics<core_parallel>, #tpu.dimension_semantics<subcore_parallel>], iteration_bounds = array<i64: 2, 16>, scalar_prefetch = 0 : i64, scratch_operands = 7 : i64, tpu.core_type = #tpu.core_type<sc_vector_subcore>, window_params = [{transform_indices = #map}, {transform_indices = #map1}, {transform_indices = #map1}, {transform_indices = #map}, {transform_indices = #map1}]} {
    %mul3A = arith.constant 16 : i32
    %mul3A_0 = arith.muli %arg0, %mul3A : i32
    %add3A = arith.addi %mul3A_0, %arg1 : i32
    "tpu.region"() ({
      %run_scoped3A = tpu.sem_alloc : memref<!tpu.dma_semaphore, #tpu.memory_space<semaphore_mem>>
      tpu.enqueue_dma source(%arg5 : memref<128x128xf32, #tpu.memory_space<hbm>>) target(%arg9 : memref<128x128xf32, #tpu.memory_space<vmem>>) target_semaphore(%run_scoped3A : memref<!tpu.dma_semaphore, #tpu.memory_space<semaphore_mem>>)
      tpu.wait_dma2 semaphore(%run_scoped3A : memref<!tpu.dma_semaphore, #tpu.memory_space<semaphore_mem>>) src(%arg5 : memref<128x128xf32, #tpu.memory_space<hbm>>) dst(%arg9 : memref<128x128xf32, #tpu.memory_space<vmem>>)
      tpu.yield
    }) : () -> ()
    %mul3A_1 = arith.constant 640 : i32
    %mul3A_2 = arith.muli %arg1, %mul3A_1 : i32
    %add3A_3 = arith.constant 0 : i32
    %add3A_4 = arith.addi %mul3A_2, %add3A_3 : i32
    "tpu.region"() ({
      %run_scoped3A = tpu.sem_alloc : memref<!tpu.dma_semaphore, #tpu.memory_space<semaphore_mem>>
      %dma_start3A_64 = arith.constant 0 : i32
      %dma_start3A_65 = tpu.memref_slice %arg11[%add3A_4, %dma_start3A_64] : memref<10240x128xf32, #tpu.memory_space<vmem_shared>> -> memref<128x128xf32, #tpu.memory_space<vmem_shared>>
      %dma_start3A_66 = arith.constant 0 : i32
      %dma_start3A_67 = tpu.memref_slice %arg11[%add3A_4, %dma_start3A_66] : memref<10240x128xf32, #tpu.memory_space<vmem_shared>> -> memref<128x128xf32, #tpu.memory_space<vmem_shared>>
      tpu.enqueue_dma source(%arg9 : memref<128x128xf32, #tpu.memory_space<vmem>>) target(%dma_start3A_67 : memref<128x128xf32, #tpu.memory_space<vmem_shared>>) target_semaphore(%run_scoped3A : memref<!tpu.dma_semaphore, #tpu.memory_space<semaphore_mem>>)
      %dma_wait3A = arith.constant 0 : i32
      %dma_wait3A_68 = tpu.memref_slice %arg11[%add3A_4, %dma_wait3A] : memref<10240x128xf32, #tpu.memory_space<vmem_shared>> -> memref<128x128xf32, #tpu.memory_space<vmem_shared>>
      %dma_wait3A_69 = arith.constant 0 : i32
      %dma_wait3A_70 = tpu.memref_slice %arg11[%add3A_4, %dma_wait3A_69] : memref<10240x128xf32, #tpu.memory_space<vmem_shared>> -> memref<128x128xf32, #tpu.memory_space<vmem_shared>>
      tpu.wait_dma2 semaphore(%run_scoped3A : memref<!tpu.dma_semaphore, #tpu.memory_space<semaphore_mem>>) src(%arg9 : memref<128x128xf32, #tpu.memory_space<vmem>>) dst(%dma_wait3A_70 : memref<128x128xf32, #tpu.memory_space<vmem_shared>>)
      tpu.yield
    }) : () -> ()
    %mul3A_5 = arith.constant 640 : i32
    %mul3A_6 = arith.muli %arg1, %mul3A_5 : i32
    %add3A_7 = arith.constant 128 : i32
    %add3A_8 = arith.addi %mul3A_6, %add3A_7 : i32
    "tpu.region"() ({
      %run_scoped3A = tpu.sem_alloc : memref<!tpu.dma_semaphore, #tpu.memory_space<semaphore_mem>>
      %dma_start3A_64 = arith.constant 0 : i32
      %dma_start3A_65 = tpu.memref_slice %arg11[%add3A_8, %dma_start3A_64] : memref<10240x128xf32, #tpu.memory_space<vmem_shared>> -> memref<128x128xf32, #tpu.memory_space<vmem_shared>>
      %dma_start3A_66 = arith.constant 0 : i32
      %dma_start3A_67 = tpu.memref_slice %arg11[%add3A_8, %dma_start3A_66] : memref<10240x128xf32, #tpu.memory_space<vmem_shared>> -> memref<128x128xf32, #tpu.memory_space<vmem_shared>>
      tpu.enqueue_dma source(%arg9 : memref<128x128xf32, #tpu.memory_space<vmem>>) target(%dma_start3A_67 : memref<128x128xf32, #tpu.memory_space<vmem_shared>>) target_semaphore(%run_scoped3A : memref<!tpu.dma_semaphore, #tpu.memory_space<semaphore_mem>>)
      %dma_wait3A = arith.constant 0 : i32
      %dma_wait3A_68 = tpu.memref_slice %arg11[%add3A_8, %dma_wait3A] : memref<10240x128xf32, #tpu.memory_space<vmem_shared>> -> memref<128x128xf32, #tpu.memory_space<vmem_shared>>
      %dma_wait3A_69 = arith.constant 0 : i32
      %dma_wait3A_70 = tpu.memref_slice %arg11[%add3A_8, %dma_wait3A_69] : memref<10240x128xf32, #tpu.memory_space<vmem_shared>> -> memref<128x128xf32, #tpu.memory_space<vmem_shared>>
      tpu.wait_dma2 semaphore(%run_scoped3A : memref<!tpu.dma_semaphore, #tpu.memory_space<semaphore_mem>>) src(%arg9 : memref<128x128xf32, #tpu.memory_space<vmem>>) dst(%dma_wait3A_70 : memref<128x128xf32, #tpu.memory_space<vmem_shared>>)
      tpu.yield
    }) : () -> ()
    %mul3A_9 = arith.constant 640 : i32
    %mul3A_10 = arith.muli %arg1, %mul3A_9 : i32
    %add3A_11 = arith.constant 256 : i32
    %add3A_12 = arith.addi %mul3A_10, %add3A_11 : i32
    "tpu.region"() ({
      %run_scoped3A = tpu.sem_alloc : memref<!tpu.dma_semaphore, #tpu.memory_space<semaphore_mem>>
      %dma_start3A_64 = arith.constant 0 : i32
      %dma_start3A_65 = tpu.memref_slice %arg11[%add3A_12, %dma_start3A_64] : memref<10240x128xf32, #tpu.memory_space<vmem_shared>> -> memref<128x128xf32, #tpu.memory_space<vmem_shared>>
      %dma_start3A_66 = arith.constant 0 : i32
      %dma_start3A_67 = tpu.memref_slice %arg11[%add3A_12, %dma_start3A_66] : memref<10240x128xf32, #tpu.memory_space<vmem_shared>> -> memref<128x128xf32, #tpu.memory_space<vmem_shared>>
      tpu.enqueue_dma source(%arg9 : memref<128x128xf32, #tpu.memory_space<vmem>>) target(%dma_start3A_67 : memref<128x128xf32, #tpu.memory_space<vmem_shared>>) target_semaphore(%run_scoped3A : memref<!tpu.dma_semaphore, #tpu.memory_space<semaphore_mem>>)
      %dma_wait3A = arith.constant 0 : i32
      %dma_wait3A_68 = tpu.memref_slice %arg11[%add3A_12, %dma_wait3A] : memref<10240x128xf32, #tpu.memory_space<vmem_shared>> -> memref<128x128xf32, #tpu.memory_space<vmem_shared>>
      %dma_wait3A_69 = arith.constant 0 : i32
      %dma_wait3A_70 = tpu.memref_slice %arg11[%add3A_12, %dma_wait3A_69] : memref<10240x128xf32, #tpu.memory_space<vmem_shared>> -> memref<128x128xf32, #tpu.memory_space<vmem_shared>>
      tpu.wait_dma2 semaphore(%run_scoped3A : memref<!tpu.dma_semaphore, #tpu.memory_space<semaphore_mem>>) src(%arg9 : memref<128x128xf32, #tpu.memory_space<vmem>>) dst(%dma_wait3A_70 : memref<128x128xf32, #tpu.memory_space<vmem_shared>>)
      tpu.yield
    }) : () -> ()
    %mul3A_13 = arith.constant 640 : i32
    %mul3A_14 = arith.muli %arg1, %mul3A_13 : i32
    %add3A_15 = arith.constant 384 : i32
    %add3A_16 = arith.addi %mul3A_14, %add3A_15 : i32
    "tpu.region"() ({
      %run_scoped3A = tpu.sem_alloc : memref<!tpu.dma_semaphore, #tpu.memory_space<semaphore_mem>>
      %dma_start3A_64 = arith.constant 0 : i32
      %dma_start3A_65 = tpu.memref_slice %arg11[%add3A_16, %dma_start3A_64] : memref<10240x128xf32, #tpu.memory_space<vmem_shared>> -> memref<128x128xf32, #tpu.memory_space<vmem_shared>>
      %dma_start3A_66 = arith.constant 0 : i32
      %dma_start3A_67 = tpu.memref_slice %arg11[%add3A_16, %dma_start3A_66] : memref<10240x128xf32, #tpu.memory_space<vmem_shared>> -> memref<128x128xf32, #tpu.memory_space<vmem_shared>>
      tpu.enqueue_dma source(%arg9 : memref<128x128xf32, #tpu.memory_space<vmem>>) target(%dma_start3A_67 : memref<128x128xf32, #tpu.memory_space<vmem_shared>>) target_semaphore(%run_scoped3A : memref<!tpu.dma_semaphore, #tpu.memory_space<semaphore_mem>>)
      %dma_wait3A = arith.constant 0 : i32
      %dma_wait3A_68 = tpu.memref_slice %arg11[%add3A_16, %dma_wait3A] : memref<10240x128xf32, #tpu.memory_space<vmem_shared>> -> memref<128x128xf32, #tpu.memory_space<vmem_shared>>
      %dma_wait3A_69 = arith.constant 0 : i32
      %dma_wait3A_70 = tpu.memref_slice %arg11[%add3A_16, %dma_wait3A_69] : memref<10240x128xf32, #tpu.memory_space<vmem_shared>> -> memref<128x128xf32, #tpu.memory_space<vmem_shared>>
      tpu.wait_dma2 semaphore(%run_scoped3A : memref<!tpu.dma_semaphore, #tpu.memory_space<semaphore_mem>>) src(%arg9 : memref<128x128xf32, #tpu.memory_space<vmem>>) dst(%dma_wait3A_70 : memref<128x128xf32, #tpu.memory_space<vmem_shared>>)
      tpu.yield
    }) : () -> ()
    %mul3A_17 = arith.constant 640 : i32
    %mul3A_18 = arith.muli %arg1, %mul3A_17 : i32
    %add3A_19 = arith.constant 512 : i32
    %add3A_20 = arith.addi %mul3A_18, %add3A_19 : i32
    "tpu.region"() ({
      %run_scoped3A = tpu.sem_alloc : memref<!tpu.dma_semaphore, #tpu.memory_space<semaphore_mem>>
      %dma_start3A_64 = arith.constant 0 : i32
      %dma_start3A_65 = tpu.memref_slice %arg11[%add3A_20, %dma_start3A_64] : memref<10240x128xf32, #tpu.memory_space<vmem_shared>> -> memref<128x128xf32, #tpu.memory_space<vmem_shared>>
      %dma_start3A_66 = arith.constant 0 : i32
      %dma_start3A_67 = tpu.memref_slice %arg11[%add3A_20, %dma_start3A_66] : memref<10240x128xf32, #tpu.memory_space<vmem_shared>> -> memref<128x128xf32, #tpu.memory_space<vmem_shared>>
      tpu.enqueue_dma source(%arg9 : memref<128x128xf32, #tpu.memory_space<vmem>>) target(%dma_start3A_67 : memref<128x128xf32, #tpu.memory_space<vmem_shared>>) target_semaphore(%run_scoped3A : memref<!tpu.dma_semaphore, #tpu.memory_space<semaphore_mem>>)
      %dma_wait3A = arith.constant 0 : i32
      %dma_wait3A_68 = tpu.memref_slice %arg11[%add3A_20, %dma_wait3A] : memref<10240x128xf32, #tpu.memory_space<vmem_shared>> -> memref<128x128xf32, #tpu.memory_space<vmem_shared>>
      %dma_wait3A_69 = arith.constant 0 : i32
      %dma_wait3A_70 = tpu.memref_slice %arg11[%add3A_20, %dma_wait3A_69] : memref<10240x128xf32, #tpu.memory_space<vmem_shared>> -> memref<128x128xf32, #tpu.memory_space<vmem_shared>>
      tpu.wait_dma2 semaphore(%run_scoped3A : memref<!tpu.dma_semaphore, #tpu.memory_space<semaphore_mem>>) src(%arg9 : memref<128x128xf32, #tpu.memory_space<vmem>>) dst(%dma_wait3A_70 : memref<128x128xf32, #tpu.memory_space<vmem_shared>>)
      tpu.yield
    }) : () -> ()
    %barrier3A = arith.constant 0 : index
    tpu.barrier barrier_id(%barrier3A)
    "tpu.region"() ({
      %run_scoped3A = tpu.sem_alloc : memref<!tpu.dma_semaphore, #tpu.memory_space<semaphore_mem>>
      %dma_start3A_64 = arith.constant 0 : i32
      %dma_start3A_65 = arith.constant 0 : i32
      %dma_start3A_66 = tpu.memref_slice %arg7[%dma_start3A_64, %dma_start3A_65] : memref<40x128xi32, #tpu.memory_space<vmem>> -> memref<40x128xi32, #tpu.memory_space<vmem>>
      %dma_start3A_67 = arith.constant 0 : i32
      %dma_start3A_68 = arith.constant 0 : i32
      %dma_start3A_69 = tpu.memref_slice %arg3[%add3A, %dma_start3A_67, %dma_start3A_68] : memref<32x79x128xi32, #tpu.memory_space<hbm>> -> memref<1x40x128xi32, #tpu.memory_space<hbm>>
      %dma_start3A_70 = tpu.memref_squeeze %dma_start3A_69 : memref<1x40x128xi32, #tpu.memory_space<hbm>> -> memref<40x128xi32, #tpu.memory_space<hbm>>
      %dma_start3A_71 = arith.constant 0 : i32
      %dma_start3A_72 = arith.constant 0 : i32
      %dma_start3A_73 = tpu.memref_slice %arg7[%dma_start3A_71, %dma_start3A_72] : memref<40x128xi32, #tpu.memory_space<vmem>> -> memref<40x128xi32, #tpu.memory_space<vmem>>
      %dma_start3A_74 = arith.constant 0 : i32
      %dma_start3A_75 = arith.constant 0 : i32
      %dma_start3A_76 = tpu.memref_slice %arg3[%add3A, %dma_start3A_74, %dma_start3A_75] : memref<32x79x128xi32, #tpu.memory_space<hbm>> -> memref<1x40x128xi32, #tpu.memory_space<hbm>>
      %dma_start3A_77 = tpu.memref_squeeze %dma_start3A_76 : memref<1x40x128xi32, #tpu.memory_space<hbm>> -> memref<40x128xi32, #tpu.memory_space<hbm>>
      tpu.enqueue_dma source(%dma_start3A_77 : memref<40x128xi32, #tpu.memory_space<hbm>>) target(%dma_start3A_73 : memref<40x128xi32, #tpu.memory_space<vmem>>) target_semaphore(%run_scoped3A : memref<!tpu.dma_semaphore, #tpu.memory_space<semaphore_mem>>)
      %dma_wait3A = arith.constant 0 : i32
      %dma_wait3A_78 = arith.constant 0 : i32
      %dma_wait3A_79 = tpu.memref_slice %arg7[%dma_wait3A, %dma_wait3A_78] : memref<40x128xi32, #tpu.memory_space<vmem>> -> memref<40x128xi32, #tpu.memory_space<vmem>>
      %dma_wait3A_80 = arith.constant 0 : i32
      %dma_wait3A_81 = arith.constant 0 : i32
      %dma_wait3A_82 = tpu.memref_slice %arg3[%add3A, %dma_wait3A_80, %dma_wait3A_81] : memref<32x79x128xi32, #tpu.memory_space<hbm>> -> memref<1x40x128xi32, #tpu.memory_space<hbm>>
      %dma_wait3A_83 = tpu.memref_squeeze %dma_wait3A_82 : memref<1x40x128xi32, #tpu.memory_space<hbm>> -> memref<40x128xi32, #tpu.memory_space<hbm>>
      %dma_wait3A_84 = arith.constant 0 : i32
      %dma_wait3A_85 = arith.constant 0 : i32
      %dma_wait3A_86 = tpu.memref_slice %arg7[%dma_wait3A_84, %dma_wait3A_85] : memref<40x128xi32, #tpu.memory_space<vmem>> -> memref<40x128xi32, #tpu.memory_space<vmem>>
      %dma_wait3A_87 = arith.constant 0 : i32
      %dma_wait3A_88 = arith.constant 0 : i32
      %dma_wait3A_89 = tpu.memref_slice %arg3[%add3A, %dma_wait3A_87, %dma_wait3A_88] : memref<32x79x128xi32, #tpu.memory_space<hbm>> -> memref<1x40x128xi32, #tpu.memory_space<hbm>>
      %dma_wait3A_90 = tpu.memref_squeeze %dma_wait3A_89 : memref<1x40x128xi32, #tpu.memory_space<hbm>> -> memref<40x128xi32, #tpu.memory_space<hbm>>
      tpu.wait_dma2 semaphore(%run_scoped3A : memref<!tpu.dma_semaphore, #tpu.memory_space<semaphore_mem>>) src(%dma_wait3A_90 : memref<40x128xi32, #tpu.memory_space<hbm>>) dst(%dma_wait3A_86 : memref<40x128xi32, #tpu.memory_space<vmem>>)
      tpu.yield
    }) : () -> ()
    "tpu.region"() ({
      %run_scoped3A = tpu.sem_alloc : memref<!tpu.dma_semaphore, #tpu.memory_space<semaphore_mem>>
      %dma_start3A_64 = arith.constant 0 : i32
      %dma_start3A_65 = arith.constant 0 : i32
      %dma_start3A_66 = tpu.memref_slice %arg8[%dma_start3A_64, %dma_start3A_65] : memref<40x128xi32, #tpu.memory_space<vmem>> -> memref<40x128xi32, #tpu.memory_space<vmem>>
      %dma_start3A_67 = arith.constant 0 : i32
      %dma_start3A_68 = arith.constant 0 : i32
      %dma_start3A_69 = tpu.memref_slice %arg4[%add3A, %dma_start3A_67, %dma_start3A_68] : memref<32x79x128xi32, #tpu.memory_space<hbm>> -> memref<1x40x128xi32, #tpu.memory_space<hbm>>
      %dma_start3A_70 = tpu.memref_squeeze %dma_start3A_69 : memref<1x40x128xi32, #tpu.memory_space<hbm>> -> memref<40x128xi32, #tpu.memory_space<hbm>>
      %dma_start3A_71 = arith.constant 0 : i32
      %dma_start3A_72 = arith.constant 0 : i32
      %dma_start3A_73 = tpu.memref_slice %arg8[%dma_start3A_71, %dma_start3A_72] : memref<40x128xi32, #tpu.memory_space<vmem>> -> memref<40x128xi32, #tpu.memory_space<vmem>>
      %dma_start3A_74 = arith.constant 0 : i32
      %dma_start3A_75 = arith.constant 0 : i32
      %dma_start3A_76 = tpu.memref_slice %arg4[%add3A, %dma_start3A_74, %dma_start3A_75] : memref<32x79x128xi32, #tpu.memory_space<hbm>> -> memref<1x40x128xi32, #tpu.memory_space<hbm>>
      %dma_start3A_77 = tpu.memref_squeeze %dma_start3A_76 : memref<1x40x128xi32, #tpu.memory_space<hbm>> -> memref<40x128xi32, #tpu.memory_space<hbm>>
      tpu.enqueue_dma source(%dma_start3A_77 : memref<40x128xi32, #tpu.memory_space<hbm>>) target(%dma_start3A_73 : memref<40x128xi32, #tpu.memory_space<vmem>>) target_semaphore(%run_scoped3A : memref<!tpu.dma_semaphore, #tpu.memory_space<semaphore_mem>>)
      %dma_wait3A = arith.constant 0 : i32
      %dma_wait3A_78 = arith.constant 0 : i32
      %dma_wait3A_79 = tpu.memref_slice %arg8[%dma_wait3A, %dma_wait3A_78] : memref<40x128xi32, #tpu.memory_space<vmem>> -> memref<40x128xi32, #tpu.memory_space<vmem>>
      %dma_wait3A_80 = arith.constant 0 : i32
      %dma_wait3A_81 = arith.constant 0 : i32
      %dma_wait3A_82 = tpu.memref_slice %arg4[%add3A, %dma_wait3A_80, %dma_wait3A_81] : memref<32x79x128xi32, #tpu.memory_space<hbm>> -> memref<1x40x128xi32, #tpu.memory_space<hbm>>
      %dma_wait3A_83 = tpu.memref_squeeze %dma_wait3A_82 : memref<1x40x128xi32, #tpu.memory_space<hbm>> -> memref<40x128xi32, #tpu.memory_space<hbm>>
      %dma_wait3A_84 = arith.constant 0 : i32
      %dma_wait3A_85 = arith.constant 0 : i32
      %dma_wait3A_86 = tpu.memref_slice %arg8[%dma_wait3A_84, %dma_wait3A_85] : memref<40x128xi32, #tpu.memory_space<vmem>> -> memref<40x128xi32, #tpu.memory_space<vmem>>
      %dma_wait3A_87 = arith.constant 0 : i32
      %dma_wait3A_88 = arith.constant 0 : i32
      %dma_wait3A_89 = tpu.memref_slice %arg4[%add3A, %dma_wait3A_87, %dma_wait3A_88] : memref<32x79x128xi32, #tpu.memory_space<hbm>> -> memref<1x40x128xi32, #tpu.memory_space<hbm>>
      %dma_wait3A_90 = tpu.memref_squeeze %dma_wait3A_89 : memref<1x40x128xi32, #tpu.memory_space<hbm>> -> memref<40x128xi32, #tpu.memory_space<hbm>>
      tpu.wait_dma2 semaphore(%run_scoped3A : memref<!tpu.dma_semaphore, #tpu.memory_space<semaphore_mem>>) src(%dma_wait3A_90 : memref<40x128xi32, #tpu.memory_space<hbm>>) dst(%dma_wait3A_86 : memref<40x128xi32, #tpu.memory_space<vmem>>)
      tpu.yield
    }) : () -> ()
    %dma_start3A = arith.constant 0 : i32
    %dma_start3A_21 = arith.constant 0 : i32
    %dma_start3A_22 = tpu.memref_slice %arg7[%dma_start3A, %dma_start3A_21] : memref<40x128xi32, #tpu.memory_space<vmem>> -> memref<1x128xi32, #tpu.memory_space<vmem>>
    %dma_start3A_23 = tpu.memref_squeeze %dma_start3A_22 : memref<1x128xi32, #tpu.memory_space<vmem>> -> memref<128xi32, #tpu.memory_space<vmem>>
    %dma_start3A_24 = arith.constant 0 : i32
    %dma_start3A_25 = arith.constant 0 : i32
    %dma_start3A_26 = tpu.memref_slice %arg2[%dma_start3A_24, %dma_start3A_25] : memref<10000x128xf32, #tpu.memory_space<hbm>> -> memref<10000x128xf32, #tpu.memory_space<hbm>>
    tpu.enqueue_indirect_dma source(%dma_start3A_26 : memref<10000x128xf32, #tpu.memory_space<hbm>>) target(%arg9 : memref<128x128xf32, #tpu.memory_space<vmem>>) offsets(%dma_start3A_23 : memref<128xi32, #tpu.memory_space<vmem>>) semaphore(%arg12 : memref<!tpu.dma_semaphore, #tpu.memory_space<semaphore_mem>>)
    %scan3A = arith.constant 0 : i32
    %scan3A_27 = arith.constant 40 : i32
    %scan3A_28 = arith.addi %scan3A, %scan3A_27 : i32
    %scan3A_29 = arith.constant 1 : i32
    scf.for %scan3A_64 = %scan3A to %scan3A_28 step %scan3A_29  : i32 {
      %jit3A = arith.constant 2 : i32
      %eq3A = arith.constant 0 : i32
      %eq3A_65 = arith.cmpi eq, %jit3A, %eq3A : i32
      %jit3A_66 = arith.constant 1 : i32
      %select_n3A = arith.select %eq3A_65, %jit3A_66, %jit3A : i32
      %rem3A = arith.remsi %scan3A_64, %select_n3A : i32
      %ne3A = arith.constant 0 : i32
      %ne3A_67 = arith.cmpi ne, %rem3A, %ne3A : i32
      %lt3A = arith.constant 0 : i32
      %lt3A_68 = arith.cmpi slt, %rem3A, %lt3A : i32
      %lt3A_69 = arith.constant 0 : i32
      %lt3A_70 = arith.cmpi slt, %select_n3A, %lt3A_69 : i32
      %ne3A_71 = arith.xori %lt3A_68, %lt3A_70 : i1
      %and3A = arith.andi %ne3A_71, %ne3A_67 : i1
      %add3A_72 = arith.addi %rem3A, %select_n3A : i32
      %select_n3A_73 = arith.select %and3A, %add3A_72, %rem3A : i32
      %eq3A_74 = arith.constant 0 : i32
      %eq3A_75 = arith.cmpi eq, %select_n3A_73, %eq3A_74 : i32
      %add3A_76 = arith.constant 1 : i32
      %add3A_77 = arith.addi %scan3A_64, %add3A_76 : i32
      %lt3A_78 = arith.constant 40 : i32
      %lt3A_79 = arith.cmpi slt, %add3A_77, %lt3A_78 : i32
      %and3A_80 = arith.andi %eq3A_75, %lt3A_79 : i1
      %convert_element_type3A = arith.extui %and3A_80 : i1 to i32
      %cond3A = arith.constant 0 : i32
      %cond3A_81 = arith.cmpi ne, %convert_element_type3A, %cond3A : i32
      scf.if %cond3A_81 {
        %add3A_150 = arith.constant 1 : i32
        %add3A_151 = arith.addi %scan3A_64, %add3A_150 : i32
        %dma_start3A_152 = arith.constant 0 : i32
        %dma_start3A_153 = tpu.memref_slice %arg7[%add3A_151, %dma_start3A_152] : memref<40x128xi32, #tpu.memory_space<vmem>> -> memref<1x128xi32, #tpu.memory_space<vmem>>
        %dma_start3A_154 = tpu.memref_squeeze %dma_start3A_153 : memref<1x128xi32, #tpu.memory_space<vmem>> -> memref<128xi32, #tpu.memory_space<vmem>>
        %dma_start3A_155 = arith.constant 0 : i32
        %dma_start3A_156 = arith.constant 0 : i32
        %dma_start3A_157 = tpu.memref_slice %arg2[%dma_start3A_155, %dma_start3A_156] : memref<10000x128xf32, #tpu.memory_space<hbm>> -> memref<10000x128xf32, #tpu.memory_space<hbm>>
        tpu.enqueue_indirect_dma source(%dma_start3A_157 : memref<10000x128xf32, #tpu.memory_space<hbm>>) target(%arg10 : memref<128x128xf32, #tpu.memory_space<vmem>>) offsets(%dma_start3A_154 : memref<128xi32, #tpu.memory_space<vmem>>) semaphore(%arg13 : memref<!tpu.dma_semaphore, #tpu.memory_space<semaphore_mem>>)
      } else {
      }
      %jit3A_82 = arith.constant 2 : i32
      %eq3A_83 = arith.constant 0 : i32
      %eq3A_84 = arith.cmpi eq, %jit3A_82, %eq3A_83 : i32
      %jit3A_85 = arith.constant 1 : i32
      %select_n3A_86 = arith.select %eq3A_84, %jit3A_85, %jit3A_82 : i32
      %rem3A_87 = arith.remsi %scan3A_64, %select_n3A_86 : i32
      %ne3A_88 = arith.constant 0 : i32
      %ne3A_89 = arith.cmpi ne, %rem3A_87, %ne3A_88 : i32
      %lt3A_90 = arith.constant 0 : i32
      %lt3A_91 = arith.cmpi slt, %rem3A_87, %lt3A_90 : i32
      %lt3A_92 = arith.constant 0 : i32
      %lt3A_93 = arith.cmpi slt, %select_n3A_86, %lt3A_92 : i32
      %ne3A_94 = arith.xori %lt3A_91, %lt3A_93 : i1
      %and3A_95 = arith.andi %ne3A_94, %ne3A_89 : i1
      %add3A_96 = arith.addi %rem3A_87, %select_n3A_86 : i32
      %select_n3A_97 = arith.select %and3A_95, %add3A_96, %rem3A_87 : i32
      %eq3A_98 = arith.constant 1 : i32
      %eq3A_99 = arith.cmpi eq, %select_n3A_97, %eq3A_98 : i32
      %add3A_100 = arith.constant 1 : i32
      %add3A_101 = arith.addi %scan3A_64, %add3A_100 : i32
      %lt3A_102 = arith.constant 40 : i32
      %lt3A_103 = arith.cmpi slt, %add3A_101, %lt3A_102 : i32
      %and3A_104 = arith.andi %eq3A_99, %lt3A_103 : i1
      %convert_element_type3A_105 = arith.extui %and3A_104 : i1 to i32
      %cond3A_106 = arith.constant 0 : i32
      %cond3A_107 = arith.cmpi ne, %convert_element_type3A_105, %cond3A_106 : i32
      scf.if %cond3A_107 {
        %add3A_150 = arith.constant 1 : i32
        %add3A_151 = arith.addi %scan3A_64, %add3A_150 : i32
        %dma_start3A_152 = arith.constant 0 : i32
        %dma_start3A_153 = tpu.memref_slice %arg7[%add3A_151, %dma_start3A_152] : memref<40x128xi32, #tpu.memory_space<vmem>> -> memref<1x128xi32, #tpu.memory_space<vmem>>
        %dma_start3A_154 = tpu.memref_squeeze %dma_start3A_153 : memref<1x128xi32, #tpu.memory_space<vmem>> -> memref<128xi32, #tpu.memory_space<vmem>>
        %dma_start3A_155 = arith.constant 0 : i32
        %dma_start3A_156 = arith.constant 0 : i32
        %dma_start3A_157 = tpu.memref_slice %arg2[%dma_start3A_155, %dma_start3A_156] : memref<10000x128xf32, #tpu.memory_space<hbm>> -> memref<10000x128xf32, #tpu.memory_space<hbm>>
        tpu.enqueue_indirect_dma source(%dma_start3A_157 : memref<10000x128xf32, #tpu.memory_space<hbm>>) target(%arg9 : memref<128x128xf32, #tpu.memory_space<vmem>>) offsets(%dma_start3A_154 : memref<128xi32, #tpu.memory_space<vmem>>) semaphore(%arg12 : memref<!tpu.dma_semaphore, #tpu.memory_space<semaphore_mem>>)
      } else {
      }
      %jit3A_108 = arith.constant 2 : i32
      %eq3A_109 = arith.constant 0 : i32
      %eq3A_110 = arith.cmpi eq, %jit3A_108, %eq3A_109 : i32
      %jit3A_111 = arith.constant 1 : i32
      %select_n3A_112 = arith.select %eq3A_110, %jit3A_111, %jit3A_108 : i32
      %rem3A_113 = arith.remsi %scan3A_64, %select_n3A_112 : i32
      %ne3A_114 = arith.constant 0 : i32
      %ne3A_115 = arith.cmpi ne, %rem3A_113, %ne3A_114 : i32
      %lt3A_116 = arith.constant 0 : i32
      %lt3A_117 = arith.cmpi slt, %rem3A_113, %lt3A_116 : i32
      %lt3A_118 = arith.constant 0 : i32
      %lt3A_119 = arith.cmpi slt, %select_n3A_112, %lt3A_118 : i32
      %ne3A_120 = arith.xori %lt3A_117, %lt3A_119 : i1
      %and3A_121 = arith.andi %ne3A_120, %ne3A_115 : i1
      %add3A_122 = arith.addi %rem3A_113, %select_n3A_112 : i32
      %select_n3A_123 = arith.select %and3A_121, %add3A_122, %rem3A_113 : i32
      %eq3A_124 = arith.constant 0 : i32
      %eq3A_125 = arith.cmpi eq, %select_n3A_123, %eq3A_124 : i32
      %convert_element_type3A_126 = arith.extui %eq3A_125 : i1 to i32
      %cond3A_127 = arith.constant 0 : i32
      %cond3A_128 = arith.cmpi ne, %convert_element_type3A_126, %cond3A_127 : i32
      scf.if %cond3A_128 {
        %dma_wait3A = arith.constant 0 : i32
        %dma_wait3A_150 = tpu.memref_slice %arg7[%scan3A_64, %dma_wait3A] : memref<40x128xi32, #tpu.memory_space<vmem>> -> memref<1x128xi32, #tpu.memory_space<vmem>>
        %dma_wait3A_151 = tpu.memref_squeeze %dma_wait3A_150 : memref<1x128xi32, #tpu.memory_space<vmem>> -> memref<128xi32, #tpu.memory_space<vmem>>
        %dma_wait3A_152 = arith.constant 0 : i32
        %dma_wait3A_153 = arith.constant 0 : i32
        %dma_wait3A_154 = tpu.memref_slice %arg2[%dma_wait3A_152, %dma_wait3A_153] : memref<10000x128xf32, #tpu.memory_space<hbm>> -> memref<10000x128xf32, #tpu.memory_space<hbm>>
        tpu.wait_indirect_dma semaphore(%arg12 : memref<!tpu.dma_semaphore, #tpu.memory_space<semaphore_mem>>) src(%dma_wait3A_154 : memref<10000x128xf32, #tpu.memory_space<hbm>>) dst(%arg9 : memref<128x128xf32, #tpu.memory_space<vmem>>)
        "tpu.region"() ({
          %run_scoped3A = tpu.sem_alloc : memref<!tpu.dma_semaphore, #tpu.memory_space<semaphore_mem>>
          %dma_start3A_155 = arith.constant 0 : i32
          %dma_start3A_156 = tpu.memref_slice %arg8[%scan3A_64, %dma_start3A_155] : memref<40x128xi32, #tpu.memory_space<vmem>> -> memref<1x128xi32, #tpu.memory_space<vmem>>
          %dma_start3A_157 = tpu.memref_squeeze %dma_start3A_156 : memref<1x128xi32, #tpu.memory_space<vmem>> -> memref<128xi32, #tpu.memory_space<vmem>>
          %dma_start3A_158 = arith.constant 0 : i32
          %dma_start3A_159 = arith.constant 0 : i32
          %dma_start3A_160 = tpu.memref_slice %arg11[%dma_start3A_158, %dma_start3A_159] : memref<10240x128xf32, #tpu.memory_space<vmem_shared>> -> memref<10240x128xf32, #tpu.memory_space<vmem_shared>>
          tpu.enqueue_indirect_dma source(%arg9 : memref<128x128xf32, #tpu.memory_space<vmem>>) target(%dma_start3A_160 : memref<10240x128xf32, #tpu.memory_space<vmem_shared>>) offsets(%dma_start3A_157 : memref<128xi32, #tpu.memory_space<vmem>>) semaphore(%run_scoped3A : memref<!tpu.dma_semaphore, #tpu.memory_space<semaphore_mem>>) {add = true}
          %dma_wait3A_161 = arith.constant 0 : i32
          %dma_wait3A_162 = tpu.memref_slice %arg8[%scan3A_64, %dma_wait3A_161] : memref<40x128xi32, #tpu.memory_space<vmem>> -> memref<1x128xi32, #tpu.memory_space<vmem>>
          %dma_wait3A_163 = tpu.memref_squeeze %dma_wait3A_162 : memref<1x128xi32, #tpu.memory_space<vmem>> -> memref<128xi32, #tpu.memory_space<vmem>>
          %dma_wait3A_164 = arith.constant 0 : i32
          %dma_wait3A_165 = arith.constant 0 : i32
          %dma_wait3A_166 = tpu.memref_slice %arg11[%dma_wait3A_164, %dma_wait3A_165] : memref<10240x128xf32, #tpu.memory_space<vmem_shared>> -> memref<10240x128xf32, #tpu.memory_space<vmem_shared>>
          tpu.wait_indirect_dma semaphore(%run_scoped3A : memref<!tpu.dma_semaphore, #tpu.memory_space<semaphore_mem>>) src(%arg9 : memref<128x128xf32, #tpu.memory_space<vmem>>) dst(%dma_wait3A_166 : memref<10240x128xf32, #tpu.memory_space<vmem_shared>>)
          tpu.yield
        }) : () -> ()
      } else {
      }
      %jit3A_129 = arith.constant 2 : i32
      %eq3A_130 = arith.constant 0 : i32
      %eq3A_131 = arith.cmpi eq, %jit3A_129, %eq3A_130 : i32
      %jit3A_132 = arith.constant 1 : i32
      %select_n3A_133 = arith.select %eq3A_131, %jit3A_132, %jit3A_129 : i32
      %rem3A_134 = arith.remsi %scan3A_64, %select_n3A_133 : i32
      %ne3A_135 = arith.constant 0 : i32
      %ne3A_136 = arith.cmpi ne, %rem3A_134, %ne3A_135 : i32
      %lt3A_137 = arith.constant 0 : i32
      %lt3A_138 = arith.cmpi slt, %rem3A_134, %lt3A_137 : i32
      %lt3A_139 = arith.constant 0 : i32
      %lt3A_140 = arith.cmpi slt, %select_n3A_133, %lt3A_139 : i32
      %ne3A_141 = arith.xori %lt3A_138, %lt3A_140 : i1
      %and3A_142 = arith.andi %ne3A_141, %ne3A_136 : i1
      %add3A_143 = arith.addi %rem3A_134, %select_n3A_133 : i32
      %select_n3A_144 = arith.select %and3A_142, %add3A_143, %rem3A_134 : i32
      %eq3A_145 = arith.constant 1 : i32
      %eq3A_146 = arith.cmpi eq, %select_n3A_144, %eq3A_145 : i32
      %convert_element_type3A_147 = arith.extui %eq3A_146 : i1 to i32
      %cond3A_148 = arith.constant 0 : i32
      %cond3A_149 = arith.cmpi ne, %convert_element_type3A_147, %cond3A_148 : i32
      scf.if %cond3A_149 {
        %dma_wait3A = arith.constant 0 : i32
        %dma_wait3A_150 = tpu.memref_slice %arg7[%scan3A_64, %dma_wait3A] : memref<40x128xi32, #tpu.memory_space<vmem>> -> memref<1x128xi32, #tpu.memory_space<vmem>>
        %dma_wait3A_151 = tpu.memref_squeeze %dma_wait3A_150 : memref<1x128xi32, #tpu.memory_space<vmem>> -> memref<128xi32, #tpu.memory_space<vmem>>
        %dma_wait3A_152 = arith.constant 0 : i32
        %dma_wait3A_153 = arith.constant 0 : i32
        %dma_wait3A_154 = tpu.memref_slice %arg2[%dma_wait3A_152, %dma_wait3A_153] : memref<10000x128xf32, #tpu.memory_space<hbm>> -> memref<10000x128xf32, #tpu.memory_space<hbm>>
        tpu.wait_indirect_dma semaphore(%arg13 : memref<!tpu.dma_semaphore, #tpu.memory_space<semaphore_mem>>) src(%dma_wait3A_154 : memref<10000x128xf32, #tpu.memory_space<hbm>>) dst(%arg10 : memref<128x128xf32, #tpu.memory_space<vmem>>)
        "tpu.region"() ({
          %run_scoped3A = tpu.sem_alloc : memref<!tpu.dma_semaphore, #tpu.memory_space<semaphore_mem>>
          %dma_start3A_155 = arith.constant 0 : i32
          %dma_start3A_156 = tpu.memref_slice %arg8[%scan3A_64, %dma_start3A_155] : memref<40x128xi32, #tpu.memory_space<vmem>> -> memref<1x128xi32, #tpu.memory_space<vmem>>
          %dma_start3A_157 = tpu.memref_squeeze %dma_start3A_156 : memref<1x128xi32, #tpu.memory_space<vmem>> -> memref<128xi32, #tpu.memory_space<vmem>>
          %dma_start3A_158 = arith.constant 0 : i32
          %dma_start3A_159 = arith.constant 0 : i32
          %dma_start3A_160 = tpu.memref_slice %arg11[%dma_start3A_158, %dma_start3A_159] : memref<10240x128xf32, #tpu.memory_space<vmem_shared>> -> memref<10240x128xf32, #tpu.memory_space<vmem_shared>>
          tpu.enqueue_indirect_dma source(%arg10 : memref<128x128xf32, #tpu.memory_space<vmem>>) target(%dma_start3A_160 : memref<10240x128xf32, #tpu.memory_space<vmem_shared>>) offsets(%dma_start3A_157 : memref<128xi32, #tpu.memory_space<vmem>>) semaphore(%run_scoped3A : memref<!tpu.dma_semaphore, #tpu.memory_space<semaphore_mem>>) {add = true}
          %dma_wait3A_161 = arith.constant 0 : i32
          %dma_wait3A_162 = tpu.memref_slice %arg8[%scan3A_64, %dma_wait3A_161] : memref<40x128xi32, #tpu.memory_space<vmem>> -> memref<1x128xi32, #tpu.memory_space<vmem>>
          %dma_wait3A_163 = tpu.memref_squeeze %dma_wait3A_162 : memref<1x128xi32, #tpu.memory_space<vmem>> -> memref<128xi32, #tpu.memory_space<vmem>>
          %dma_wait3A_164 = arith.constant 0 : i32
          %dma_wait3A_165 = arith.constant 0 : i32
          %dma_wait3A_166 = tpu.memref_slice %arg11[%dma_wait3A_164, %dma_wait3A_165] : memref<10240x128xf32, #tpu.memory_space<vmem_shared>> -> memref<10240x128xf32, #tpu.memory_space<vmem_shared>>
          tpu.wait_indirect_dma semaphore(%run_scoped3A : memref<!tpu.dma_semaphore, #tpu.memory_space<semaphore_mem>>) src(%arg10 : memref<128x128xf32, #tpu.memory_space<vmem>>) dst(%dma_wait3A_166 : memref<10240x128xf32, #tpu.memory_space<vmem_shared>>)
          tpu.yield
        }) : () -> ()
      } else {
      }
    }
    %scan3A_30 = arith.constant 40 : i32
    "tpu.region"() ({
      %run_scoped3A = tpu.sem_alloc : memref<!tpu.dma_semaphore, #tpu.memory_space<semaphore_mem>>
      %dma_start3A_64 = arith.constant 0 : i32
      %dma_start3A_65 = arith.constant 0 : i32
      %dma_start3A_66 = tpu.memref_slice %arg7[%dma_start3A_64, %dma_start3A_65] : memref<40x128xi32, #tpu.memory_space<vmem>> -> memref<39x128xi32, #tpu.memory_space<vmem>>
      %dma_start3A_67 = arith.constant 40 : i32
      %dma_start3A_68 = arith.constant 0 : i32
      %dma_start3A_69 = tpu.memref_slice %arg3[%add3A, %dma_start3A_67, %dma_start3A_68] : memref<32x79x128xi32, #tpu.memory_space<hbm>> -> memref<1x39x128xi32, #tpu.memory_space<hbm>>
      %dma_start3A_70 = tpu.memref_squeeze %dma_start3A_69 : memref<1x39x128xi32, #tpu.memory_space<hbm>> -> memref<39x128xi32, #tpu.memory_space<hbm>>
      %dma_start3A_71 = arith.constant 0 : i32
      %dma_start3A_72 = arith.constant 0 : i32
      %dma_start3A_73 = tpu.memref_slice %arg7[%dma_start3A_71, %dma_start3A_72] : memref<40x128xi32, #tpu.memory_space<vmem>> -> memref<39x128xi32, #tpu.memory_space<vmem>>
      %dma_start3A_74 = arith.constant 40 : i32
      %dma_start3A_75 = arith.constant 0 : i32
      %dma_start3A_76 = tpu.memref_slice %arg3[%add3A, %dma_start3A_74, %dma_start3A_75] : memref<32x79x128xi32, #tpu.memory_space<hbm>> -> memref<1x39x128xi32, #tpu.memory_space<hbm>>
      %dma_start3A_77 = tpu.memref_squeeze %dma_start3A_76 : memref<1x39x128xi32, #tpu.memory_space<hbm>> -> memref<39x128xi32, #tpu.memory_space<hbm>>
      tpu.enqueue_dma source(%dma_start3A_77 : memref<39x128xi32, #tpu.memory_space<hbm>>) target(%dma_start3A_73 : memref<39x128xi32, #tpu.memory_space<vmem>>) target_semaphore(%run_scoped3A : memref<!tpu.dma_semaphore, #tpu.memory_space<semaphore_mem>>)
      %dma_wait3A = arith.constant 0 : i32
      %dma_wait3A_78 = arith.constant 0 : i32
      %dma_wait3A_79 = tpu.memref_slice %arg7[%dma_wait3A, %dma_wait3A_78] : memref<40x128xi32, #tpu.memory_space<vmem>> -> memref<39x128xi32, #tpu.memory_space<vmem>>
      %dma_wait3A_80 = arith.constant 40 : i32
      %dma_wait3A_81 = arith.constant 0 : i32
      %dma_wait3A_82 = tpu.memref_slice %arg3[%add3A, %dma_wait3A_80, %dma_wait3A_81] : memref<32x79x128xi32, #tpu.memory_space<hbm>> -> memref<1x39x128xi32, #tpu.memory_space<hbm>>
      %dma_wait3A_83 = tpu.memref_squeeze %dma_wait3A_82 : memref<1x39x128xi32, #tpu.memory_space<hbm>> -> memref<39x128xi32, #tpu.memory_space<hbm>>
      %dma_wait3A_84 = arith.constant 0 : i32
      %dma_wait3A_85 = arith.constant 0 : i32
      %dma_wait3A_86 = tpu.memref_slice %arg7[%dma_wait3A_84, %dma_wait3A_85] : memref<40x128xi32, #tpu.memory_space<vmem>> -> memref<39x128xi32, #tpu.memory_space<vmem>>
      %dma_wait3A_87 = arith.constant 40 : i32
      %dma_wait3A_88 = arith.constant 0 : i32
      %dma_wait3A_89 = tpu.memref_slice %arg3[%add3A, %dma_wait3A_87, %dma_wait3A_88] : memref<32x79x128xi32, #tpu.memory_space<hbm>> -> memref<1x39x128xi32, #tpu.memory_space<hbm>>
      %dma_wait3A_90 = tpu.memref_squeeze %dma_wait3A_89 : memref<1x39x128xi32, #tpu.memory_space<hbm>> -> memref<39x128xi32, #tpu.memory_space<hbm>>
      tpu.wait_dma2 semaphore(%run_scoped3A : memref<!tpu.dma_semaphore, #tpu.memory_space<semaphore_mem>>) src(%dma_wait3A_90 : memref<39x128xi32, #tpu.memory_space<hbm>>) dst(%dma_wait3A_86 : memref<39x128xi32, #tpu.memory_space<vmem>>)
      tpu.yield
    }) : () -> ()
    "tpu.region"() ({
      %run_scoped3A = tpu.sem_alloc : memref<!tpu.dma_semaphore, #tpu.memory_space<semaphore_mem>>
      %dma_start3A_64 = arith.constant 0 : i32
      %dma_start3A_65 = arith.constant 0 : i32
      %dma_start3A_66 = tpu.memref_slice %arg8[%dma_start3A_64, %dma_start3A_65] : memref<40x128xi32, #tpu.memory_space<vmem>> -> memref<39x128xi32, #tpu.memory_space<vmem>>
      %dma_start3A_67 = arith.constant 40 : i32
      %dma_start3A_68 = arith.constant 0 : i32
      %dma_start3A_69 = tpu.memref_slice %arg4[%add3A, %dma_start3A_67, %dma_start3A_68] : memref<32x79x128xi32, #tpu.memory_space<hbm>> -> memref<1x39x128xi32, #tpu.memory_space<hbm>>
      %dma_start3A_70 = tpu.memref_squeeze %dma_start3A_69 : memref<1x39x128xi32, #tpu.memory_space<hbm>> -> memref<39x128xi32, #tpu.memory_space<hbm>>
      %dma_start3A_71 = arith.constant 0 : i32
      %dma_start3A_72 = arith.constant 0 : i32
      %dma_start3A_73 = tpu.memref_slice %arg8[%dma_start3A_71, %dma_start3A_72] : memref<40x128xi32, #tpu.memory_space<vmem>> -> memref<39x128xi32, #tpu.memory_space<vmem>>
      %dma_start3A_74 = arith.constant 40 : i32
      %dma_start3A_75 = arith.constant 0 : i32
      %dma_start3A_76 = tpu.memref_slice %arg4[%add3A, %dma_start3A_74, %dma_start3A_75] : memref<32x79x128xi32, #tpu.memory_space<hbm>> -> memref<1x39x128xi32, #tpu.memory_space<hbm>>
      %dma_start3A_77 = tpu.memref_squeeze %dma_start3A_76 : memref<1x39x128xi32, #tpu.memory_space<hbm>> -> memref<39x128xi32, #tpu.memory_space<hbm>>
      tpu.enqueue_dma source(%dma_start3A_77 : memref<39x128xi32, #tpu.memory_space<hbm>>) target(%dma_start3A_73 : memref<39x128xi32, #tpu.memory_space<vmem>>) target_semaphore(%run_scoped3A : memref<!tpu.dma_semaphore, #tpu.memory_space<semaphore_mem>>)
      %dma_wait3A = arith.constant 0 : i32
      %dma_wait3A_78 = arith.constant 0 : i32
      %dma_wait3A_79 = tpu.memref_slice %arg8[%dma_wait3A, %dma_wait3A_78] : memref<40x128xi32, #tpu.memory_space<vmem>> -> memref<39x128xi32, #tpu.memory_space<vmem>>
      %dma_wait3A_80 = arith.constant 40 : i32
      %dma_wait3A_81 = arith.constant 0 : i32
      %dma_wait3A_82 = tpu.memref_slice %arg4[%add3A, %dma_wait3A_80, %dma_wait3A_81] : memref<32x79x128xi32, #tpu.memory_space<hbm>> -> memref<1x39x128xi32, #tpu.memory_space<hbm>>
      %dma_wait3A_83 = tpu.memref_squeeze %dma_wait3A_82 : memref<1x39x128xi32, #tpu.memory_space<hbm>> -> memref<39x128xi32, #tpu.memory_space<hbm>>
      %dma_wait3A_84 = arith.constant 0 : i32
      %dma_wait3A_85 = arith.constant 0 : i32
      %dma_wait3A_86 = tpu.memref_slice %arg8[%dma_wait3A_84, %dma_wait3A_85] : memref<40x128xi32, #tpu.memory_space<vmem>> -> memref<39x128xi32, #tpu.memory_space<vmem>>
      %dma_wait3A_87 = arith.constant 40 : i32
      %dma_wait3A_88 = arith.constant 0 : i32
      %dma_wait3A_89 = tpu.memref_slice %arg4[%add3A, %dma_wait3A_87, %dma_wait3A_88] : memref<32x79x128xi32, #tpu.memory_space<hbm>> -> memref<1x39x128xi32, #tpu.memory_space<hbm>>
      %dma_wait3A_90 = tpu.memref_squeeze %dma_wait3A_89 : memref<1x39x128xi32, #tpu.memory_space<hbm>> -> memref<39x128xi32, #tpu.memory_space<hbm>>
      tpu.wait_dma2 semaphore(%run_scoped3A : memref<!tpu.dma_semaphore, #tpu.memory_space<semaphore_mem>>) src(%dma_wait3A_90 : memref<39x128xi32, #tpu.memory_space<hbm>>) dst(%dma_wait3A_86 : memref<39x128xi32, #tpu.memory_space<vmem>>)
      tpu.yield
    }) : () -> ()
    %dma_start3A_31 = arith.constant 0 : i32
    %dma_start3A_32 = arith.constant 0 : i32
    %dma_start3A_33 = tpu.memref_slice %arg7[%dma_start3A_31, %dma_start3A_32] : memref<40x128xi32, #tpu.memory_space<vmem>> -> memref<1x128xi32, #tpu.memory_space<vmem>>
    %dma_start3A_34 = tpu.memref_squeeze %dma_start3A_33 : memref<1x128xi32, #tpu.memory_space<vmem>> -> memref<128xi32, #tpu.memory_space<vmem>>
    %dma_start3A_35 = arith.constant 0 : i32
    %dma_start3A_36 = arith.constant 0 : i32
    %dma_start3A_37 = tpu.memref_slice %arg2[%dma_start3A_35, %dma_start3A_36] : memref<10000x128xf32, #tpu.memory_space<hbm>> -> memref<10000x128xf32, #tpu.memory_space<hbm>>
    tpu.enqueue_indirect_dma source(%dma_start3A_37 : memref<10000x128xf32, #tpu.memory_space<hbm>>) target(%arg9 : memref<128x128xf32, #tpu.memory_space<vmem>>) offsets(%dma_start3A_34 : memref<128xi32, #tpu.memory_space<vmem>>) semaphore(%arg12 : memref<!tpu.dma_semaphore, #tpu.memory_space<semaphore_mem>>)
    %scan3A_38 = arith.constant 0 : i32
    %scan3A_39 = arith.constant 39 : i32
    %scan3A_40 = arith.addi %scan3A_38, %scan3A_39 : i32
    %scan3A_41 = arith.constant 1 : i32
    scf.for %scan3A_64 = %scan3A_38 to %scan3A_40 step %scan3A_41  : i32 {
      %jit3A = arith.constant 2 : i32
      %eq3A = arith.constant 0 : i32
      %eq3A_65 = arith.cmpi eq, %jit3A, %eq3A : i32
      %jit3A_66 = arith.constant 1 : i32
      %select_n3A = arith.select %eq3A_65, %jit3A_66, %jit3A : i32
      %rem3A = arith.remsi %scan3A_64, %select_n3A : i32
      %ne3A = arith.constant 0 : i32
      %ne3A_67 = arith.cmpi ne, %rem3A, %ne3A : i32
      %lt3A = arith.constant 0 : i32
      %lt3A_68 = arith.cmpi slt, %rem3A, %lt3A : i32
      %lt3A_69 = arith.constant 0 : i32
      %lt3A_70 = arith.cmpi slt, %select_n3A, %lt3A_69 : i32
      %ne3A_71 = arith.xori %lt3A_68, %lt3A_70 : i1
      %and3A = arith.andi %ne3A_71, %ne3A_67 : i1
      %add3A_72 = arith.addi %rem3A, %select_n3A : i32
      %select_n3A_73 = arith.select %and3A, %add3A_72, %rem3A : i32
      %eq3A_74 = arith.constant 0 : i32
      %eq3A_75 = arith.cmpi eq, %select_n3A_73, %eq3A_74 : i32
      %add3A_76 = arith.constant 1 : i32
      %add3A_77 = arith.addi %scan3A_64, %add3A_76 : i32
      %lt3A_78 = arith.constant 39 : i32
      %lt3A_79 = arith.cmpi slt, %add3A_77, %lt3A_78 : i32
      %and3A_80 = arith.andi %eq3A_75, %lt3A_79 : i1
      %convert_element_type3A = arith.extui %and3A_80 : i1 to i32
      %cond3A = arith.constant 0 : i32
      %cond3A_81 = arith.cmpi ne, %convert_element_type3A, %cond3A : i32
      scf.if %cond3A_81 {
        %add3A_150 = arith.constant 1 : i32
        %add3A_151 = arith.addi %scan3A_64, %add3A_150 : i32
        %dma_start3A_152 = arith.constant 0 : i32
        %dma_start3A_153 = tpu.memref_slice %arg7[%add3A_151, %dma_start3A_152] : memref<40x128xi32, #tpu.memory_space<vmem>> -> memref<1x128xi32, #tpu.memory_space<vmem>>
        %dma_start3A_154 = tpu.memref_squeeze %dma_start3A_153 : memref<1x128xi32, #tpu.memory_space<vmem>> -> memref<128xi32, #tpu.memory_space<vmem>>
        %dma_start3A_155 = arith.constant 0 : i32
        %dma_start3A_156 = arith.constant 0 : i32
        %dma_start3A_157 = tpu.memref_slice %arg2[%dma_start3A_155, %dma_start3A_156] : memref<10000x128xf32, #tpu.memory_space<hbm>> -> memref<10000x128xf32, #tpu.memory_space<hbm>>
        tpu.enqueue_indirect_dma source(%dma_start3A_157 : memref<10000x128xf32, #tpu.memory_space<hbm>>) target(%arg10 : memref<128x128xf32, #tpu.memory_space<vmem>>) offsets(%dma_start3A_154 : memref<128xi32, #tpu.memory_space<vmem>>) semaphore(%arg13 : memref<!tpu.dma_semaphore, #tpu.memory_space<semaphore_mem>>)
      } else {
      }
      %jit3A_82 = arith.constant 2 : i32
      %eq3A_83 = arith.constant 0 : i32
      %eq3A_84 = arith.cmpi eq, %jit3A_82, %eq3A_83 : i32
      %jit3A_85 = arith.constant 1 : i32
      %select_n3A_86 = arith.select %eq3A_84, %jit3A_85, %jit3A_82 : i32
      %rem3A_87 = arith.remsi %scan3A_64, %select_n3A_86 : i32
      %ne3A_88 = arith.constant 0 : i32
      %ne3A_89 = arith.cmpi ne, %rem3A_87, %ne3A_88 : i32
      %lt3A_90 = arith.constant 0 : i32
      %lt3A_91 = arith.cmpi slt, %rem3A_87, %lt3A_90 : i32
      %lt3A_92 = arith.constant 0 : i32
      %lt3A_93 = arith.cmpi slt, %select_n3A_86, %lt3A_92 : i32
      %ne3A_94 = arith.xori %lt3A_91, %lt3A_93 : i1
      %and3A_95 = arith.andi %ne3A_94, %ne3A_89 : i1
      %add3A_96 = arith.addi %rem3A_87, %select_n3A_86 : i32
      %select_n3A_97 = arith.select %and3A_95, %add3A_96, %rem3A_87 : i32
      %eq3A_98 = arith.constant 1 : i32
      %eq3A_99 = arith.cmpi eq, %select_n3A_97, %eq3A_98 : i32
      %add3A_100 = arith.constant 1 : i32
      %add3A_101 = arith.addi %scan3A_64, %add3A_100 : i32
      %lt3A_102 = arith.constant 39 : i32
      %lt3A_103 = arith.cmpi slt, %add3A_101, %lt3A_102 : i32
      %and3A_104 = arith.andi %eq3A_99, %lt3A_103 : i1
      %convert_element_type3A_105 = arith.extui %and3A_104 : i1 to i32
      %cond3A_106 = arith.constant 0 : i32
      %cond3A_107 = arith.cmpi ne, %convert_element_type3A_105, %cond3A_106 : i32
      scf.if %cond3A_107 {
        %add3A_150 = arith.constant 1 : i32
        %add3A_151 = arith.addi %scan3A_64, %add3A_150 : i32
        %dma_start3A_152 = arith.constant 0 : i32
        %dma_start3A_153 = tpu.memref_slice %arg7[%add3A_151, %dma_start3A_152] : memref<40x128xi32, #tpu.memory_space<vmem>> -> memref<1x128xi32, #tpu.memory_space<vmem>>
        %dma_start3A_154 = tpu.memref_squeeze %dma_start3A_153 : memref<1x128xi32, #tpu.memory_space<vmem>> -> memref<128xi32, #tpu.memory_space<vmem>>
        %dma_start3A_155 = arith.constant 0 : i32
        %dma_start3A_156 = arith.constant 0 : i32
        %dma_start3A_157 = tpu.memref_slice %arg2[%dma_start3A_155, %dma_start3A_156] : memref<10000x128xf32, #tpu.memory_space<hbm>> -> memref<10000x128xf32, #tpu.memory_space<hbm>>
        tpu.enqueue_indirect_dma source(%dma_start3A_157 : memref<10000x128xf32, #tpu.memory_space<hbm>>) target(%arg9 : memref<128x128xf32, #tpu.memory_space<vmem>>) offsets(%dma_start3A_154 : memref<128xi32, #tpu.memory_space<vmem>>) semaphore(%arg12 : memref<!tpu.dma_semaphore, #tpu.memory_space<semaphore_mem>>)
      } else {
      }
      %jit3A_108 = arith.constant 2 : i32
      %eq3A_109 = arith.constant 0 : i32
      %eq3A_110 = arith.cmpi eq, %jit3A_108, %eq3A_109 : i32
      %jit3A_111 = arith.constant 1 : i32
      %select_n3A_112 = arith.select %eq3A_110, %jit3A_111, %jit3A_108 : i32
      %rem3A_113 = arith.remsi %scan3A_64, %select_n3A_112 : i32
      %ne3A_114 = arith.constant 0 : i32
      %ne3A_115 = arith.cmpi ne, %rem3A_113, %ne3A_114 : i32
      %lt3A_116 = arith.constant 0 : i32
      %lt3A_117 = arith.cmpi slt, %rem3A_113, %lt3A_116 : i32
      %lt3A_118 = arith.constant 0 : i32
      %lt3A_119 = arith.cmpi slt, %select_n3A_112, %lt3A_118 : i32
      %ne3A_120 = arith.xori %lt3A_117, %lt3A_119 : i1
      %and3A_121 = arith.andi %ne3A_120, %ne3A_115 : i1
      %add3A_122 = arith.addi %rem3A_113, %select_n3A_112 : i32
      %select_n3A_123 = arith.select %and3A_121, %add3A_122, %rem3A_113 : i32
      %eq3A_124 = arith.constant 0 : i32
      %eq3A_125 = arith.cmpi eq, %select_n3A_123, %eq3A_124 : i32
      %convert_element_type3A_126 = arith.extui %eq3A_125 : i1 to i32
      %cond3A_127 = arith.constant 0 : i32
      %cond3A_128 = arith.cmpi ne, %convert_element_type3A_126, %cond3A_127 : i32
      scf.if %cond3A_128 {
        %dma_wait3A = arith.constant 0 : i32
        %dma_wait3A_150 = tpu.memref_slice %arg7[%scan3A_64, %dma_wait3A] : memref<40x128xi32, #tpu.memory_space<vmem>> -> memref<1x128xi32, #tpu.memory_space<vmem>>
        %dma_wait3A_151 = tpu.memref_squeeze %dma_wait3A_150 : memref<1x128xi32, #tpu.memory_space<vmem>> -> memref<128xi32, #tpu.memory_space<vmem>>
        %dma_wait3A_152 = arith.constant 0 : i32
        %dma_wait3A_153 = arith.constant 0 : i32
        %dma_wait3A_154 = tpu.memref_slice %arg2[%dma_wait3A_152, %dma_wait3A_153] : memref<10000x128xf32, #tpu.memory_space<hbm>> -> memref<10000x128xf32, #tpu.memory_space<hbm>>
        tpu.wait_indirect_dma semaphore(%arg12 : memref<!tpu.dma_semaphore, #tpu.memory_space<semaphore_mem>>) src(%dma_wait3A_154 : memref<10000x128xf32, #tpu.memory_space<hbm>>) dst(%arg9 : memref<128x128xf32, #tpu.memory_space<vmem>>)
        "tpu.region"() ({
          %run_scoped3A = tpu.sem_alloc : memref<!tpu.dma_semaphore, #tpu.memory_space<semaphore_mem>>
          %dma_start3A_155 = arith.constant 0 : i32
          %dma_start3A_156 = tpu.memref_slice %arg8[%scan3A_64, %dma_start3A_155] : memref<40x128xi32, #tpu.memory_space<vmem>> -> memref<1x128xi32, #tpu.memory_space<vmem>>
          %dma_start3A_157 = tpu.memref_squeeze %dma_start3A_156 : memref<1x128xi32, #tpu.memory_space<vmem>> -> memref<128xi32, #tpu.memory_space<vmem>>
          %dma_start3A_158 = arith.constant 0 : i32
          %dma_start3A_159 = arith.constant 0 : i32
          %dma_start3A_160 = tpu.memref_slice %arg11[%dma_start3A_158, %dma_start3A_159] : memref<10240x128xf32, #tpu.memory_space<vmem_shared>> -> memref<10240x128xf32, #tpu.memory_space<vmem_shared>>
          tpu.enqueue_indirect_dma source(%arg9 : memref<128x128xf32, #tpu.memory_space<vmem>>) target(%dma_start3A_160 : memref<10240x128xf32, #tpu.memory_space<vmem_shared>>) offsets(%dma_start3A_157 : memref<128xi32, #tpu.memory_space<vmem>>) semaphore(%run_scoped3A : memref<!tpu.dma_semaphore, #tpu.memory_space<semaphore_mem>>) {add = true}
          %dma_wait3A_161 = arith.constant 0 : i32
          %dma_wait3A_162 = tpu.memref_slice %arg8[%scan3A_64, %dma_wait3A_161] : memref<40x128xi32, #tpu.memory_space<vmem>> -> memref<1x128xi32, #tpu.memory_space<vmem>>
          %dma_wait3A_163 = tpu.memref_squeeze %dma_wait3A_162 : memref<1x128xi32, #tpu.memory_space<vmem>> -> memref<128xi32, #tpu.memory_space<vmem>>
          %dma_wait3A_164 = arith.constant 0 : i32
          %dma_wait3A_165 = arith.constant 0 : i32
          %dma_wait3A_166 = tpu.memref_slice %arg11[%dma_wait3A_164, %dma_wait3A_165] : memref<10240x128xf32, #tpu.memory_space<vmem_shared>> -> memref<10240x128xf32, #tpu.memory_space<vmem_shared>>
          tpu.wait_indirect_dma semaphore(%run_scoped3A : memref<!tpu.dma_semaphore, #tpu.memory_space<semaphore_mem>>) src(%arg9 : memref<128x128xf32, #tpu.memory_space<vmem>>) dst(%dma_wait3A_166 : memref<10240x128xf32, #tpu.memory_space<vmem_shared>>)
          tpu.yield
        }) : () -> ()
      } else {
      }
      %jit3A_129 = arith.constant 2 : i32
      %eq3A_130 = arith.constant 0 : i32
      %eq3A_131 = arith.cmpi eq, %jit3A_129, %eq3A_130 : i32
      %jit3A_132 = arith.constant 1 : i32
      %select_n3A_133 = arith.select %eq3A_131, %jit3A_132, %jit3A_129 : i32
      %rem3A_134 = arith.remsi %scan3A_64, %select_n3A_133 : i32
      %ne3A_135 = arith.constant 0 : i32
      %ne3A_136 = arith.cmpi ne, %rem3A_134, %ne3A_135 : i32
      %lt3A_137 = arith.constant 0 : i32
      %lt3A_138 = arith.cmpi slt, %rem3A_134, %lt3A_137 : i32
      %lt3A_139 = arith.constant 0 : i32
      %lt3A_140 = arith.cmpi slt, %select_n3A_133, %lt3A_139 : i32
      %ne3A_141 = arith.xori %lt3A_138, %lt3A_140 : i1
      %and3A_142 = arith.andi %ne3A_141, %ne3A_136 : i1
      %add3A_143 = arith.addi %rem3A_134, %select_n3A_133 : i32
      %select_n3A_144 = arith.select %and3A_142, %add3A_143, %rem3A_134 : i32
      %eq3A_145 = arith.constant 1 : i32
      %eq3A_146 = arith.cmpi eq, %select_n3A_144, %eq3A_145 : i32
      %convert_element_type3A_147 = arith.extui %eq3A_146 : i1 to i32
      %cond3A_148 = arith.constant 0 : i32
      %cond3A_149 = arith.cmpi ne, %convert_element_type3A_147, %cond3A_148 : i32
      scf.if %cond3A_149 {
        %dma_wait3A = arith.constant 0 : i32
        %dma_wait3A_150 = tpu.memref_slice %arg7[%scan3A_64, %dma_wait3A] : memref<40x128xi32, #tpu.memory_space<vmem>> -> memref<1x128xi32, #tpu.memory_space<vmem>>
        %dma_wait3A_151 = tpu.memref_squeeze %dma_wait3A_150 : memref<1x128xi32, #tpu.memory_space<vmem>> -> memref<128xi32, #tpu.memory_space<vmem>>
        %dma_wait3A_152 = arith.constant 0 : i32
        %dma_wait3A_153 = arith.constant 0 : i32
        %dma_wait3A_154 = tpu.memref_slice %arg2[%dma_wait3A_152, %dma_wait3A_153] : memref<10000x128xf32, #tpu.memory_space<hbm>> -> memref<10000x128xf32, #tpu.memory_space<hbm>>
        tpu.wait_indirect_dma semaphore(%arg13 : memref<!tpu.dma_semaphore, #tpu.memory_space<semaphore_mem>>) src(%dma_wait3A_154 : memref<10000x128xf32, #tpu.memory_space<hbm>>) dst(%arg10 : memref<128x128xf32, #tpu.memory_space<vmem>>)
        "tpu.region"() ({
          %run_scoped3A = tpu.sem_alloc : memref<!tpu.dma_semaphore, #tpu.memory_space<semaphore_mem>>
          %dma_start3A_155 = arith.constant 0 : i32
          %dma_start3A_156 = tpu.memref_slice %arg8[%scan3A_64, %dma_start3A_155] : memref<40x128xi32, #tpu.memory_space<vmem>> -> memref<1x128xi32, #tpu.memory_space<vmem>>
          %dma_start3A_157 = tpu.memref_squeeze %dma_start3A_156 : memref<1x128xi32, #tpu.memory_space<vmem>> -> memref<128xi32, #tpu.memory_space<vmem>>
          %dma_start3A_158 = arith.constant 0 : i32
          %dma_start3A_159 = arith.constant 0 : i32
          %dma_start3A_160 = tpu.memref_slice %arg11[%dma_start3A_158, %dma_start3A_159] : memref<10240x128xf32, #tpu.memory_space<vmem_shared>> -> memref<10240x128xf32, #tpu.memory_space<vmem_shared>>
          tpu.enqueue_indirect_dma source(%arg10 : memref<128x128xf32, #tpu.memory_space<vmem>>) target(%dma_start3A_160 : memref<10240x128xf32, #tpu.memory_space<vmem_shared>>) offsets(%dma_start3A_157 : memref<128xi32, #tpu.memory_space<vmem>>) semaphore(%run_scoped3A : memref<!tpu.dma_semaphore, #tpu.memory_space<semaphore_mem>>) {add = true}
          %dma_wait3A_161 = arith.constant 0 : i32
          %dma_wait3A_162 = tpu.memref_slice %arg8[%scan3A_64, %dma_wait3A_161] : memref<40x128xi32, #tpu.memory_space<vmem>> -> memref<1x128xi32, #tpu.memory_space<vmem>>
          %dma_wait3A_163 = tpu.memref_squeeze %dma_wait3A_162 : memref<1x128xi32, #tpu.memory_space<vmem>> -> memref<128xi32, #tpu.memory_space<vmem>>
          %dma_wait3A_164 = arith.constant 0 : i32
          %dma_wait3A_165 = arith.constant 0 : i32
          %dma_wait3A_166 = tpu.memref_slice %arg11[%dma_wait3A_164, %dma_wait3A_165] : memref<10240x128xf32, #tpu.memory_space<vmem_shared>> -> memref<10240x128xf32, #tpu.memory_space<vmem_shared>>
          tpu.wait_indirect_dma semaphore(%run_scoped3A : memref<!tpu.dma_semaphore, #tpu.memory_space<semaphore_mem>>) src(%arg10 : memref<128x128xf32, #tpu.memory_space<vmem>>) dst(%dma_wait3A_166 : memref<10240x128xf32, #tpu.memory_space<vmem_shared>>)
          tpu.yield
        }) : () -> ()
      } else {
      }
    }
    %scan3A_42 = arith.constant 39 : i32
    %barrier3A_43 = arith.constant 0 : index
    tpu.barrier barrier_id(%barrier3A_43)
    %mul3A_44 = arith.constant 640 : i32
    %mul3A_45 = arith.muli %arg1, %mul3A_44 : i32
    %add3A_46 = arith.constant 0 : i32
    %add3A_47 = arith.addi %mul3A_45, %add3A_46 : i32
    "tpu.region"() ({
      %run_scoped3A = tpu.sem_alloc : memref<!tpu.dma_semaphore, #tpu.memory_space<semaphore_mem>>
      %dma_start3A_64 = arith.constant 0 : i32
      %dma_start3A_65 = tpu.memref_slice %arg11[%add3A_47, %dma_start3A_64] : memref<10240x128xf32, #tpu.memory_space<vmem_shared>> -> memref<128x128xf32, #tpu.memory_space<vmem_shared>>
      %dma_start3A_66 = arith.constant 0 : i32
      %dma_start3A_67 = tpu.memref_slice %arg11[%add3A_47, %dma_start3A_66] : memref<10240x128xf32, #tpu.memory_space<vmem_shared>> -> memref<128x128xf32, #tpu.memory_space<vmem_shared>>
      tpu.enqueue_dma source(%dma_start3A_67 : memref<128x128xf32, #tpu.memory_space<vmem_shared>>) target(%arg9 : memref<128x128xf32, #tpu.memory_space<vmem>>) target_semaphore(%run_scoped3A : memref<!tpu.dma_semaphore, #tpu.memory_space<semaphore_mem>>)
      %dma_wait3A = arith.constant 0 : i32
      %dma_wait3A_68 = tpu.memref_slice %arg11[%add3A_47, %dma_wait3A] : memref<10240x128xf32, #tpu.memory_space<vmem_shared>> -> memref<128x128xf32, #tpu.memory_space<vmem_shared>>
      %dma_wait3A_69 = arith.constant 0 : i32
      %dma_wait3A_70 = tpu.memref_slice %arg11[%add3A_47, %dma_wait3A_69] : memref<10240x128xf32, #tpu.memory_space<vmem_shared>> -> memref<128x128xf32, #tpu.memory_space<vmem_shared>>
      tpu.wait_dma2 semaphore(%run_scoped3A : memref<!tpu.dma_semaphore, #tpu.memory_space<semaphore_mem>>) src(%dma_wait3A_70 : memref<128x128xf32, #tpu.memory_space<vmem_shared>>) dst(%arg9 : memref<128x128xf32, #tpu.memory_space<vmem>>)
      tpu.yield
    }) : () -> ()
    "tpu.region"() ({
      %run_scoped3A = tpu.sem_alloc : memref<!tpu.dma_semaphore, #tpu.memory_space<semaphore_mem>>
      %dma_start3A_64 = arith.constant 0 : i32
      %dma_start3A_65 = tpu.memref_slice %arg6[%arg0, %add3A_47, %dma_start3A_64] : memref<2x10240x128xf32, #tpu.memory_space<hbm>> -> memref<1x128x128xf32, #tpu.memory_space<hbm>>
      %dma_start3A_66 = tpu.memref_squeeze %dma_start3A_65 : memref<1x128x128xf32, #tpu.memory_space<hbm>> -> memref<128x128xf32, #tpu.memory_space<hbm>>
      %dma_start3A_67 = arith.constant 0 : i32
      %dma_start3A_68 = tpu.memref_slice %arg6[%arg0, %add3A_47, %dma_start3A_67] : memref<2x10240x128xf32, #tpu.memory_space<hbm>> -> memref<1x128x128xf32, #tpu.memory_space<hbm>>
      %dma_start3A_69 = tpu.memref_squeeze %dma_start3A_68 : memref<1x128x128xf32, #tpu.memory_space<hbm>> -> memref<128x128xf32, #tpu.memory_space<hbm>>
      tpu.enqueue_dma source(%arg9 : memref<128x128xf32, #tpu.memory_space<vmem>>) target(%dma_start3A_69 : memref<128x128xf32, #tpu.memory_space<hbm>>) target_semaphore(%run_scoped3A : memref<!tpu.dma_semaphore, #tpu.memory_space<semaphore_mem>>)
      %dma_wait3A = arith.constant 0 : i32
      %dma_wait3A_70 = tpu.memref_slice %arg6[%arg0, %add3A_47, %dma_wait3A] : memref<2x10240x128xf32, #tpu.memory_space<hbm>> -> memref<1x128x128xf32, #tpu.memory_space<hbm>>
      %dma_wait3A_71 = tpu.memref_squeeze %dma_wait3A_70 : memref<1x128x128xf32, #tpu.memory_space<hbm>> -> memref<128x128xf32, #tpu.memory_space<hbm>>
      %dma_wait3A_72 = arith.constant 0 : i32
      %dma_wait3A_73 = tpu.memref_slice %arg6[%arg0, %add3A_47, %dma_wait3A_72] : memref<2x10240x128xf32, #tpu.memory_space<hbm>> -> memref<1x128x128xf32, #tpu.memory_space<hbm>>
      %dma_wait3A_74 = tpu.memref_squeeze %dma_wait3A_73 : memref<1x128x128xf32, #tpu.memory_space<hbm>> -> memref<128x128xf32, #tpu.memory_space<hbm>>
      tpu.wait_dma2 semaphore(%run_scoped3A : memref<!tpu.dma_semaphore, #tpu.memory_space<semaphore_mem>>) src(%arg9 : memref<128x128xf32, #tpu.memory_space<vmem>>) dst(%dma_wait3A_74 : memref<128x128xf32, #tpu.memory_space<hbm>>)
      tpu.yield
    }) : () -> ()
    %mul3A_48 = arith.constant 640 : i32
    %mul3A_49 = arith.muli %arg1, %mul3A_48 : i32
    %add3A_50 = arith.constant 128 : i32
    %add3A_51 = arith.addi %mul3A_49, %add3A_50 : i32
    "tpu.region"() ({
      %run_scoped3A = tpu.sem_alloc : memref<!tpu.dma_semaphore, #tpu.memory_space<semaphore_mem>>
      %dma_start3A_64 = arith.constant 0 : i32
      %dma_start3A_65 = tpu.memref_slice %arg11[%add3A_51, %dma_start3A_64] : memref<10240x128xf32, #tpu.memory_space<vmem_shared>> -> memref<128x128xf32, #tpu.memory_space<vmem_shared>>
      %dma_start3A_66 = arith.constant 0 : i32
      %dma_start3A_67 = tpu.memref_slice %arg11[%add3A_51, %dma_start3A_66] : memref<10240x128xf32, #tpu.memory_space<vmem_shared>> -> memref<128x128xf32, #tpu.memory_space<vmem_shared>>
      tpu.enqueue_dma source(%dma_start3A_67 : memref<128x128xf32, #tpu.memory_space<vmem_shared>>) target(%arg9 : memref<128x128xf32, #tpu.memory_space<vmem>>) target_semaphore(%run_scoped3A : memref<!tpu.dma_semaphore, #tpu.memory_space<semaphore_mem>>)
      %dma_wait3A = arith.constant 0 : i32
      %dma_wait3A_68 = tpu.memref_slice %arg11[%add3A_51, %dma_wait3A] : memref<10240x128xf32, #tpu.memory_space<vmem_shared>> -> memref<128x128xf32, #tpu.memory_space<vmem_shared>>
      %dma_wait3A_69 = arith.constant 0 : i32
      %dma_wait3A_70 = tpu.memref_slice %arg11[%add3A_51, %dma_wait3A_69] : memref<10240x128xf32, #tpu.memory_space<vmem_shared>> -> memref<128x128xf32, #tpu.memory_space<vmem_shared>>
      tpu.wait_dma2 semaphore(%run_scoped3A : memref<!tpu.dma_semaphore, #tpu.memory_space<semaphore_mem>>) src(%dma_wait3A_70 : memref<128x128xf32, #tpu.memory_space<vmem_shared>>) dst(%arg9 : memref<128x128xf32, #tpu.memory_space<vmem>>)
      tpu.yield
    }) : () -> ()
    "tpu.region"() ({
      %run_scoped3A = tpu.sem_alloc : memref<!tpu.dma_semaphore, #tpu.memory_space<semaphore_mem>>
      %dma_start3A_64 = arith.constant 0 : i32
      %dma_start3A_65 = tpu.memref_slice %arg6[%arg0, %add3A_51, %dma_start3A_64] : memref<2x10240x128xf32, #tpu.memory_space<hbm>> -> memref<1x128x128xf32, #tpu.memory_space<hbm>>
      %dma_start3A_66 = tpu.memref_squeeze %dma_start3A_65 : memref<1x128x128xf32, #tpu.memory_space<hbm>> -> memref<128x128xf32, #tpu.memory_space<hbm>>
      %dma_start3A_67 = arith.constant 0 : i32
      %dma_start3A_68 = tpu.memref_slice %arg6[%arg0, %add3A_51, %dma_start3A_67] : memref<2x10240x128xf32, #tpu.memory_space<hbm>> -> memref<1x128x128xf32, #tpu.memory_space<hbm>>
      %dma_start3A_69 = tpu.memref_squeeze %dma_start3A_68 : memref<1x128x128xf32, #tpu.memory_space<hbm>> -> memref<128x128xf32, #tpu.memory_space<hbm>>
      tpu.enqueue_dma source(%arg9 : memref<128x128xf32, #tpu.memory_space<vmem>>) target(%dma_start3A_69 : memref<128x128xf32, #tpu.memory_space<hbm>>) target_semaphore(%run_scoped3A : memref<!tpu.dma_semaphore, #tpu.memory_space<semaphore_mem>>)
      %dma_wait3A = arith.constant 0 : i32
      %dma_wait3A_70 = tpu.memref_slice %arg6[%arg0, %add3A_51, %dma_wait3A] : memref<2x10240x128xf32, #tpu.memory_space<hbm>> -> memref<1x128x128xf32, #tpu.memory_space<hbm>>
      %dma_wait3A_71 = tpu.memref_squeeze %dma_wait3A_70 : memref<1x128x128xf32, #tpu.memory_space<hbm>> -> memref<128x128xf32, #tpu.memory_space<hbm>>
      %dma_wait3A_72 = arith.constant 0 : i32
      %dma_wait3A_73 = tpu.memref_slice %arg6[%arg0, %add3A_51, %dma_wait3A_72] : memref<2x10240x128xf32, #tpu.memory_space<hbm>> -> memref<1x128x128xf32, #tpu.memory_space<hbm>>
      %dma_wait3A_74 = tpu.memref_squeeze %dma_wait3A_73 : memref<1x128x128xf32, #tpu.memory_space<hbm>> -> memref<128x128xf32, #tpu.memory_space<hbm>>
      tpu.wait_dma2 semaphore(%run_scoped3A : memref<!tpu.dma_semaphore, #tpu.memory_space<semaphore_mem>>) src(%arg9 : memref<128x128xf32, #tpu.memory_space<vmem>>) dst(%dma_wait3A_74 : memref<128x128xf32, #tpu.memory_space<hbm>>)
      tpu.yield
    }) : () -> ()
    %mul3A_52 = arith.constant 640 : i32
    %mul3A_53 = arith.muli %arg1, %mul3A_52 : i32
    %add3A_54 = arith.constant 256 : i32
    %add3A_55 = arith.addi %mul3A_53, %add3A_54 : i32
    "tpu.region"() ({
      %run_scoped3A = tpu.sem_alloc : memref<!tpu.dma_semaphore, #tpu.memory_space<semaphore_mem>>
      %dma_start3A_64 = arith.constant 0 : i32
      %dma_start3A_65 = tpu.memref_slice %arg11[%add3A_55, %dma_start3A_64] : memref<10240x128xf32, #tpu.memory_space<vmem_shared>> -> memref<128x128xf32, #tpu.memory_space<vmem_shared>>
      %dma_start3A_66 = arith.constant 0 : i32
      %dma_start3A_67 = tpu.memref_slice %arg11[%add3A_55, %dma_start3A_66] : memref<10240x128xf32, #tpu.memory_space<vmem_shared>> -> memref<128x128xf32, #tpu.memory_space<vmem_shared>>
      tpu.enqueue_dma source(%dma_start3A_67 : memref<128x128xf32, #tpu.memory_space<vmem_shared>>) target(%arg9 : memref<128x128xf32, #tpu.memory_space<vmem>>) target_semaphore(%run_scoped3A : memref<!tpu.dma_semaphore, #tpu.memory_space<semaphore_mem>>)
      %dma_wait3A = arith.constant 0 : i32
      %dma_wait3A_68 = tpu.memref_slice %arg11[%add3A_55, %dma_wait3A] : memref<10240x128xf32, #tpu.memory_space<vmem_shared>> -> memref<128x128xf32, #tpu.memory_space<vmem_shared>>
      %dma_wait3A_69 = arith.constant 0 : i32
      %dma_wait3A_70 = tpu.memref_slice %arg11[%add3A_55, %dma_wait3A_69] : memref<10240x128xf32, #tpu.memory_space<vmem_shared>> -> memref<128x128xf32, #tpu.memory_space<vmem_shared>>
      tpu.wait_dma2 semaphore(%run_scoped3A : memref<!tpu.dma_semaphore, #tpu.memory_space<semaphore_mem>>) src(%dma_wait3A_70 : memref<128x128xf32, #tpu.memory_space<vmem_shared>>) dst(%arg9 : memref<128x128xf32, #tpu.memory_space<vmem>>)
      tpu.yield
    }) : () -> ()
    "tpu.region"() ({
      %run_scoped3A = tpu.sem_alloc : memref<!tpu.dma_semaphore, #tpu.memory_space<semaphore_mem>>
      %dma_start3A_64 = arith.constant 0 : i32
      %dma_start3A_65 = tpu.memref_slice %arg6[%arg0, %add3A_55, %dma_start3A_64] : memref<2x10240x128xf32, #tpu.memory_space<hbm>> -> memref<1x128x128xf32, #tpu.memory_space<hbm>>
      %dma_start3A_66 = tpu.memref_squeeze %dma_start3A_65 : memref<1x128x128xf32, #tpu.memory_space<hbm>> -> memref<128x128xf32, #tpu.memory_space<hbm>>
      %dma_start3A_67 = arith.constant 0 : i32
      %dma_start3A_68 = tpu.memref_slice %arg6[%arg0, %add3A_55, %dma_start3A_67] : memref<2x10240x128xf32, #tpu.memory_space<hbm>> -> memref<1x128x128xf32, #tpu.memory_space<hbm>>
      %dma_start3A_69 = tpu.memref_squeeze %dma_start3A_68 : memref<1x128x128xf32, #tpu.memory_space<hbm>> -> memref<128x128xf32, #tpu.memory_space<hbm>>
      tpu.enqueue_dma source(%arg9 : memref<128x128xf32, #tpu.memory_space<vmem>>) target(%dma_start3A_69 : memref<128x128xf32, #tpu.memory_space<hbm>>) target_semaphore(%run_scoped3A : memref<!tpu.dma_semaphore, #tpu.memory_space<semaphore_mem>>)
      %dma_wait3A = arith.constant 0 : i32
      %dma_wait3A_70 = tpu.memref_slice %arg6[%arg0, %add3A_55, %dma_wait3A] : memref<2x10240x128xf32, #tpu.memory_space<hbm>> -> memref<1x128x128xf32, #tpu.memory_space<hbm>>
      %dma_wait3A_71 = tpu.memref_squeeze %dma_wait3A_70 : memref<1x128x128xf32, #tpu.memory_space<hbm>> -> memref<128x128xf32, #tpu.memory_space<hbm>>
      %dma_wait3A_72 = arith.constant 0 : i32
      %dma_wait3A_73 = tpu.memref_slice %arg6[%arg0, %add3A_55, %dma_wait3A_72] : memref<2x10240x128xf32, #tpu.memory_space<hbm>> -> memref<1x128x128xf32, #tpu.memory_space<hbm>>
      %dma_wait3A_74 = tpu.memref_squeeze %dma_wait3A_73 : memref<1x128x128xf32, #tpu.memory_space<hbm>> -> memref<128x128xf32, #tpu.memory_space<hbm>>
      tpu.wait_dma2 semaphore(%run_scoped3A : memref<!tpu.dma_semaphore, #tpu.memory_space<semaphore_mem>>) src(%arg9 : memref<128x128xf32, #tpu.memory_space<vmem>>) dst(%dma_wait3A_74 : memref<128x128xf32, #tpu.memory_space<hbm>>)
      tpu.yield
    }) : () -> ()
    %mul3A_56 = arith.constant 640 : i32
    %mul3A_57 = arith.muli %arg1, %mul3A_56 : i32
    %add3A_58 = arith.constant 384 : i32
    %add3A_59 = arith.addi %mul3A_57, %add3A_58 : i32
    "tpu.region"() ({
      %run_scoped3A = tpu.sem_alloc : memref<!tpu.dma_semaphore, #tpu.memory_space<semaphore_mem>>
      %dma_start3A_64 = arith.constant 0 : i32
      %dma_start3A_65 = tpu.memref_slice %arg11[%add3A_59, %dma_start3A_64] : memref<10240x128xf32, #tpu.memory_space<vmem_shared>> -> memref<128x128xf32, #tpu.memory_space<vmem_shared>>
      %dma_start3A_66 = arith.constant 0 : i32
      %dma_start3A_67 = tpu.memref_slice %arg11[%add3A_59, %dma_start3A_66] : memref<10240x128xf32, #tpu.memory_space<vmem_shared>> -> memref<128x128xf32, #tpu.memory_space<vmem_shared>>
      tpu.enqueue_dma source(%dma_start3A_67 : memref<128x128xf32, #tpu.memory_space<vmem_shared>>) target(%arg9 : memref<128x128xf32, #tpu.memory_space<vmem>>) target_semaphore(%run_scoped3A : memref<!tpu.dma_semaphore, #tpu.memory_space<semaphore_mem>>)
      %dma_wait3A = arith.constant 0 : i32
      %dma_wait3A_68 = tpu.memref_slice %arg11[%add3A_59, %dma_wait3A] : memref<10240x128xf32, #tpu.memory_space<vmem_shared>> -> memref<128x128xf32, #tpu.memory_space<vmem_shared>>
      %dma_wait3A_69 = arith.constant 0 : i32
      %dma_wait3A_70 = tpu.memref_slice %arg11[%add3A_59, %dma_wait3A_69] : memref<10240x128xf32, #tpu.memory_space<vmem_shared>> -> memref<128x128xf32, #tpu.memory_space<vmem_shared>>
      tpu.wait_dma2 semaphore(%run_scoped3A : memref<!tpu.dma_semaphore, #tpu.memory_space<semaphore_mem>>) src(%dma_wait3A_70 : memref<128x128xf32, #tpu.memory_space<vmem_shared>>) dst(%arg9 : memref<128x128xf32, #tpu.memory_space<vmem>>)
      tpu.yield
    }) : () -> ()
    "tpu.region"() ({
      %run_scoped3A = tpu.sem_alloc : memref<!tpu.dma_semaphore, #tpu.memory_space<semaphore_mem>>
      %dma_start3A_64 = arith.constant 0 : i32
      %dma_start3A_65 = tpu.memref_slice %arg6[%arg0, %add3A_59, %dma_start3A_64] : memref<2x10240x128xf32, #tpu.memory_space<hbm>> -> memref<1x128x128xf32, #tpu.memory_space<hbm>>
      %dma_start3A_66 = tpu.memref_squeeze %dma_start3A_65 : memref<1x128x128xf32, #tpu.memory_space<hbm>> -> memref<128x128xf32, #tpu.memory_space<hbm>>
      %dma_start3A_67 = arith.constant 0 : i32
      %dma_start3A_68 = tpu.memref_slice %arg6[%arg0, %add3A_59, %dma_start3A_67] : memref<2x10240x128xf32, #tpu.memory_space<hbm>> -> memref<1x128x128xf32, #tpu.memory_space<hbm>>
      %dma_start3A_69 = tpu.memref_squeeze %dma_start3A_68 : memref<1x128x128xf32, #tpu.memory_space<hbm>> -> memref<128x128xf32, #tpu.memory_space<hbm>>
      tpu.enqueue_dma source(%arg9 : memref<128x128xf32, #tpu.memory_space<vmem>>) target(%dma_start3A_69 : memref<128x128xf32, #tpu.memory_space<hbm>>) target_semaphore(%run_scoped3A : memref<!tpu.dma_semaphore, #tpu.memory_space<semaphore_mem>>)
      %dma_wait3A = arith.constant 0 : i32
      %dma_wait3A_70 = tpu.memref_slice %arg6[%arg0, %add3A_59, %dma_wait3A] : memref<2x10240x128xf32, #tpu.memory_space<hbm>> -> memref<1x128x128xf32, #tpu.memory_space<hbm>>
      %dma_wait3A_71 = tpu.memref_squeeze %dma_wait3A_70 : memref<1x128x128xf32, #tpu.memory_space<hbm>> -> memref<128x128xf32, #tpu.memory_space<hbm>>
      %dma_wait3A_72 = arith.constant 0 : i32
      %dma_wait3A_73 = tpu.memref_slice %arg6[%arg0, %add3A_59, %dma_wait3A_72] : memref<2x10240x128xf32, #tpu.memory_space<hbm>> -> memref<1x128x128xf32, #tpu.memory_space<hbm>>
      %dma_wait3A_74 = tpu.memref_squeeze %dma_wait3A_73 : memref<1x128x128xf32, #tpu.memory_space<hbm>> -> memref<128x128xf32, #tpu.memory_space<hbm>>
      tpu.wait_dma2 semaphore(%run_scoped3A : memref<!tpu.dma_semaphore, #tpu.memory_space<semaphore_mem>>) src(%arg9 : memref<128x128xf32, #tpu.memory_space<vmem>>) dst(%dma_wait3A_74 : memref<128x128xf32, #tpu.memory_space<hbm>>)
      tpu.yield
    }) : () -> ()
    %mul3A_60 = arith.constant 640 : i32
    %mul3A_61 = arith.muli %arg1, %mul3A_60 : i32
    %add3A_62 = arith.constant 512 : i32
    %add3A_63 = arith.addi %mul3A_61, %add3A_62 : i32
    "tpu.region"() ({
      %run_scoped3A = tpu.sem_alloc : memref<!tpu.dma_semaphore, #tpu.memory_space<semaphore_mem>>
      %dma_start3A_64 = arith.constant 0 : i32
      %dma_start3A_65 = tpu.memref_slice %arg11[%add3A_63, %dma_start3A_64] : memref<10240x128xf32, #tpu.memory_space<vmem_shared>> -> memref<128x128xf32, #tpu.memory_space<vmem_shared>>
      %dma_start3A_66 = arith.constant 0 : i32
      %dma_start3A_67 = tpu.memref_slice %arg11[%add3A_63, %dma_start3A_66] : memref<10240x128xf32, #tpu.memory_space<vmem_shared>> -> memref<128x128xf32, #tpu.memory_space<vmem_shared>>
      tpu.enqueue_dma source(%dma_start3A_67 : memref<128x128xf32, #tpu.memory_space<vmem_shared>>) target(%arg9 : memref<128x128xf32, #tpu.memory_space<vmem>>) target_semaphore(%run_scoped3A : memref<!tpu.dma_semaphore, #tpu.memory_space<semaphore_mem>>)
      %dma_wait3A = arith.constant 0 : i32
      %dma_wait3A_68 = tpu.memref_slice %arg11[%add3A_63, %dma_wait3A] : memref<10240x128xf32, #tpu.memory_space<vmem_shared>> -> memref<128x128xf32, #tpu.memory_space<vmem_shared>>
      %dma_wait3A_69 = arith.constant 0 : i32
      %dma_wait3A_70 = tpu.memref_slice %arg11[%add3A_63, %dma_wait3A_69] : memref<10240x128xf32, #tpu.memory_space<vmem_shared>> -> memref<128x128xf32, #tpu.memory_space<vmem_shared>>
      tpu.wait_dma2 semaphore(%run_scoped3A : memref<!tpu.dma_semaphore, #tpu.memory_space<semaphore_mem>>) src(%dma_wait3A_70 : memref<128x128xf32, #tpu.memory_space<vmem_shared>>) dst(%arg9 : memref<128x128xf32, #tpu.memory_space<vmem>>)
      tpu.yield
    }) : () -> ()
    "tpu.region"() ({
      %run_scoped3A = tpu.sem_alloc : memref<!tpu.dma_semaphore, #tpu.memory_space<semaphore_mem>>
      %dma_start3A_64 = arith.constant 0 : i32
      %dma_start3A_65 = tpu.memref_slice %arg6[%arg0, %add3A_63, %dma_start3A_64] : memref<2x10240x128xf32, #tpu.memory_space<hbm>> -> memref<1x128x128xf32, #tpu.memory_space<hbm>>
      %dma_start3A_66 = tpu.memref_squeeze %dma_start3A_65 : memref<1x128x128xf32, #tpu.memory_space<hbm>> -> memref<128x128xf32, #tpu.memory_space<hbm>>
      %dma_start3A_67 = arith.constant 0 : i32
      %dma_start3A_68 = tpu.memref_slice %arg6[%arg0, %add3A_63, %dma_start3A_67] : memref<2x10240x128xf32, #tpu.memory_space<hbm>> -> memref<1x128x128xf32, #tpu.memory_space<hbm>>
      %dma_start3A_69 = tpu.memref_squeeze %dma_start3A_68 : memref<1x128x128xf32, #tpu.memory_space<hbm>> -> memref<128x128xf32, #tpu.memory_space<hbm>>
      tpu.enqueue_dma source(%arg9 : memref<128x128xf32, #tpu.memory_space<vmem>>) target(%dma_start3A_69 : memref<128x128xf32, #tpu.memory_space<hbm>>) target_semaphore(%run_scoped3A : memref<!tpu.dma_semaphore, #tpu.memory_space<semaphore_mem>>)
      %dma_wait3A = arith.constant 0 : i32
      %dma_wait3A_70 = tpu.memref_slice %arg6[%arg0, %add3A_63, %dma_wait3A] : memref<2x10240x128xf32, #tpu.memory_space<hbm>> -> memref<1x128x128xf32, #tpu.memory_space<hbm>>
      %dma_wait3A_71 = tpu.memref_squeeze %dma_wait3A_70 : memref<1x128x128xf32, #tpu.memory_space<hbm>> -> memref<128x128xf32, #tpu.memory_space<hbm>>
      %dma_wait3A_72 = arith.constant 0 : i32
      %dma_wait3A_73 = tpu.memref_slice %arg6[%arg0, %add3A_63, %dma_wait3A_72] : memref<2x10240x128xf32, #tpu.memory_space<hbm>> -> memref<1x128x128xf32, #tpu.memory_space<hbm>>
      %dma_wait3A_74 = tpu.memref_squeeze %dma_wait3A_73 : memref<1x128x128xf32, #tpu.memory_space<hbm>> -> memref<128x128xf32, #tpu.memory_space<hbm>>
      tpu.wait_dma2 semaphore(%run_scoped3A : memref<!tpu.dma_semaphore, #tpu.memory_space<semaphore_mem>>) src(%arg9 : memref<128x128xf32, #tpu.memory_space<vmem>>) dst(%dma_wait3A_74 : memref<128x128xf32, #tpu.memory_space<hbm>>)
      tpu.yield
    }) : () -> ()
    return
  }
}

module attributes {stable_mosaic.version = 14 : i64} {
  func.func @body(%arg0: i32, %arg1: memref<1000x16xf32, #tpu.memory_space<vmem>>, %arg2: memref<1000x2xf32, #tpu.memory_space<vmem>>, %arg3: memref<16x128xf32, #tpu.memory_space<vmem>>, %arg4: memref<1x128xf32, #tpu.memory_space<vmem>>, %arg5: memref<1x128xf32, #tpu.memory_space<vmem>>, %arg6: memref<1x128xf32, #tpu.memory_space<vmem>>, %arg7: memref<128x128xf32, #tpu.memory_space<vmem>>, %arg8: memref<1000x128xf32, #tpu.memory_space<vmem>>, %arg9: memref<1000x1xf32, #tpu.memory_space<vmem>>) attributes {dimension_semantics = [#tpu.dimension_semantics<arbitrary>], iteration_bounds = array<i64: 10>, scalar_prefetch = 0 : i64, scratch_operands = 0 : i64, tpu.core_type = #tpu.core_type<tc>, window_params = [{transform_indices = @transform_0, window_bounds = array<i64: 1000, 16>}, {transform_indices = @transform_1, window_bounds = array<i64: 1000, 2>}, {pipeline_mode = #tpu.pipeline_mode<synchronous>, transform_indices = @transform_2, window_bounds = array<i64: 16, 128>}, {pipeline_mode = #tpu.pipeline_mode<synchronous>, transform_indices = @transform_3, window_bounds = array<i64: 1, 128>}, {pipeline_mode = #tpu.pipeline_mode<synchronous>, transform_indices = @transform_4, window_bounds = array<i64: 1, 128>}, {pipeline_mode = #tpu.pipeline_mode<synchronous>, transform_indices = @transform_5, window_bounds = array<i64: 1, 128>}, {pipeline_mode = #tpu.pipeline_mode<synchronous>, transform_indices = @transform_6, window_bounds = array<i64: 128, 128>}, {transform_indices = @transform_7, window_bounds = array<i64: 1000, 128>}, {transform_indices = @transform_8, window_bounds = array<i64: 1000, 1>}]} {
    %get3A = arith.constant 0 : index
    %get3A_0 = arith.constant 0 : index
    %get3A_1 = vector.load %arg2[%get3A, %get3A_0] : memref<1000x2xf32, #tpu.memory_space<vmem>>, vector<1000x2xf32>
    %reduce_sum3A = arith.constant dense<0.000000e+00> : vector<1000xf32>
    %reduce_sum3A_2 = vector.multi_reduction <add>, %get3A_1, %reduce_sum3A [1] : vector<1000x2xf32> to vector<1000xf32>
    %broadcast_in_dim3A = vector.shape_cast %reduce_sum3A_2 : vector<1000xf32> to vector<1000x1xf32>
    %add3A = arith.constant 1.000000e+00 : f32
    %add3A_3 = vector.broadcast %add3A : f32 to vector<1000x1xf32>
    %add3A_4 = arith.addf %broadcast_in_dim3A, %add3A_3 : vector<1000x1xf32>
    %rsqrt3A = math.rsqrt %add3A_4 : vector<1000x1xf32>
    %get3A_5 = arith.constant 0 : index
    %get3A_6 = arith.constant 0 : index
    %get3A_7 = vector.load %arg1[%get3A_5, %get3A_6] : memref<1000x16xf32, #tpu.memory_space<vmem>>, vector<1000x16xf32>
    %get3A_8 = arith.constant 0 : index
    %get3A_9 = arith.constant 0 : index
    %get3A_10 = vector.load %arg3[%get3A_8, %get3A_9] : memref<16x128xf32, #tpu.memory_space<vmem>>, vector<16x128xf32>
    %dot_general3A = arith.constant dense<0.000000e+00> : vector<1000x128xf32>
    %dot_general3A_11 = tpu.matmul %get3A_7, %get3A_10, %dot_general3A {dimension_numbers = #tpu.dot_dimension_numbers<[1], [0], [0], [1], [0, 0, 1, 1], [], []>, transpose_lhs_hint = false} : vector<1000x16xf32>, vector<16x128xf32>, vector<1000x128xf32> -> vector<1000x128xf32>
    %get3A_12 = arith.constant 0 : index
    %get3A_13 = arith.constant 0 : index
    %get3A_14 = vector.load %arg4[%get3A_12, %get3A_13] : memref<1x128xf32, #tpu.memory_space<vmem>>, vector<1x128xf32>
    %add3A_15 = vector.broadcast %get3A_14 : vector<1x128xf32> to vector<1000x128xf32>
    %add3A_16 = arith.addf %dot_general3A_11, %add3A_15 : vector<1000x128xf32>
    %get3A_17 = arith.constant 0 : index
    %get3A_18 = arith.constant 0 : index
    %get3A_19 = vector.load %arg5[%get3A_17, %get3A_18] : memref<1x128xf32, #tpu.memory_space<vmem>>, vector<1x128xf32>
    %mul3A = arith.constant 0.999994993 : f32
    %mul3A_20 = vector.broadcast %mul3A : f32 to vector<1x128xf32>
    %mul3A_21 = arith.mulf %get3A_19, %mul3A_20 : vector<1x128xf32>
    %mul3A_22 = vector.broadcast %mul3A_21 : vector<1x128xf32> to vector<1000x128xf32>
    %mul3A_23 = arith.mulf %add3A_16, %mul3A_22 : vector<1000x128xf32>
    %get3A_24 = arith.constant 0 : index
    %get3A_25 = arith.constant 0 : index
    %get3A_26 = vector.load %arg6[%get3A_24, %get3A_25] : memref<1x128xf32, #tpu.memory_space<vmem>>, vector<1x128xf32>
    %add3A_27 = vector.broadcast %get3A_26 : vector<1x128xf32> to vector<1000x128xf32>
    %add3A_28 = arith.addf %mul3A_23, %add3A_27 : vector<1000x128xf32>
    %max3A = arith.constant 0.000000e+00 : f32
    %max3A_29 = vector.broadcast %max3A : f32 to vector<1000x128xf32>
    %max3A_30 = arith.maximumf %add3A_28, %max3A_29 : vector<1000x128xf32>
    %get3A_31 = arith.constant 0 : index
    %get3A_32 = arith.constant 0 : index
    %get3A_33 = vector.load %arg7[%get3A_31, %get3A_32] : memref<128x128xf32, #tpu.memory_space<vmem>>, vector<128x128xf32>
    %dot_general3A_34 = arith.constant dense<0.000000e+00> : vector<1000x128xf32>
    %dot_general3A_35 = tpu.matmul %max3A_30, %get3A_33, %dot_general3A_34 {dimension_numbers = #tpu.dot_dimension_numbers<[1], [0], [0], [1], [0, 0, 1, 1], [], []>, transpose_lhs_hint = false} : vector<1000x128xf32>, vector<128x128xf32>, vector<1000x128xf32> -> vector<1000x128xf32>
    %mul3A_36 = vector.broadcast %rsqrt3A : vector<1000x1xf32> to vector<1000x128xf32>
    %mul3A_37 = arith.mulf %mul3A_36, %dot_general3A_35 : vector<1000x128xf32>
    %swap3A = arith.constant 0 : index
    %swap3A_38 = arith.constant 0 : index
    %swap3A_39 = vector.load %arg8[%swap3A, %swap3A_38] : memref<1000x128xf32, #tpu.memory_space<vmem>>, vector<1000x128xf32>
    tpu.vector_store %arg8[%swap3A, %swap3A_38], %mul3A_37 {strides = array<i32>} : memref<1000x128xf32, #tpu.memory_space<vmem>>, vector<1000x128xf32>,
    %swap3A_40 = arith.constant 0 : index
    %swap3A_41 = arith.constant 0 : index
    %swap3A_42 = vector.load %arg9[%swap3A_40, %swap3A_41] : memref<1000x1xf32, #tpu.memory_space<vmem>>, vector<1000x1xf32>
    tpu.vector_store %arg9[%swap3A_40, %swap3A_41], %rsqrt3A {strides = array<i32>} : memref<1000x1xf32, #tpu.memory_space<vmem>>, vector<1000x1xf32>,
    return
  }
  func.func @transform_0(%arg0: i32) -> (i32, i32) {
    %c0_i32 = arith.constant 0 : i32
    %c0_i32_0 = arith.constant 0 : i32
    return %arg0, %c0_i32 : i32, i32
  }
  func.func @transform_1(%arg0: i32) -> (i32, i32) {
    %c0_i32 = arith.constant 0 : i32
    %c0_i32_0 = arith.constant 0 : i32
    return %arg0, %c0_i32 : i32, i32
  }
  func.func @transform_2(%arg0: i32) -> (i32, i32) {
    %c0_i32 = arith.constant 0 : i32
    %c0_i32_0 = arith.constant 0 : i32
    %c0_i32_1 = arith.constant 0 : i32
    return %c0_i32, %c0_i32_0 : i32, i32
  }
  func.func @transform_3(%arg0: i32) -> (i32, i32) {
    %c0_i32 = arith.constant 0 : i32
    %c0_i32_0 = arith.constant 0 : i32
    %c0_i32_1 = arith.constant 0 : i32
    return %c0_i32, %c0_i32_0 : i32, i32
  }
  func.func @transform_4(%arg0: i32) -> (i32, i32) {
    %c0_i32 = arith.constant 0 : i32
    %c0_i32_0 = arith.constant 0 : i32
    %c0_i32_1 = arith.constant 0 : i32
    return %c0_i32, %c0_i32_0 : i32, i32
  }
  func.func @transform_5(%arg0: i32) -> (i32, i32) {
    %c0_i32 = arith.constant 0 : i32
    %c0_i32_0 = arith.constant 0 : i32
    %c0_i32_1 = arith.constant 0 : i32
    return %c0_i32, %c0_i32_0 : i32, i32
  }
  func.func @transform_6(%arg0: i32) -> (i32, i32) {
    %c0_i32 = arith.constant 0 : i32
    %c0_i32_0 = arith.constant 0 : i32
    %c0_i32_1 = arith.constant 0 : i32
    return %c0_i32, %c0_i32_0 : i32, i32
  }
  func.func @transform_7(%arg0: i32) -> (i32, i32) {
    %c0_i32 = arith.constant 0 : i32
    %c0_i32_0 = arith.constant 0 : i32
    return %arg0, %c0_i32 : i32, i32
  }
  func.func @transform_8(%arg0: i32) -> (i32, i32) {
    %c0_i32 = arith.constant 0 : i32
    %c0_i32_0 = arith.constant 0 : i32
    return %arg0, %c0_i32 : i32, i32
  }
}

module attributes {stable_mosaic.version = 14 : i64} {
  func.func @body(%arg0: i32, %arg1: memref<2x1000x128xf32, #tpu.memory_space<vmem>>, %arg2: memref<1000x128xf32, #tpu.memory_space<vmem>>, %arg3: memref<1000x1xf32, #tpu.memory_space<vmem>>, %arg4: memref<1x128xf32, #tpu.memory_space<vmem>>, %arg5: memref<1x128xf32, #tpu.memory_space<vmem>>, %arg6: memref<1x128xf32, #tpu.memory_space<vmem>>, %arg7: memref<128x128xf32, #tpu.memory_space<vmem>>, %arg8: memref<1000x128xf32, #tpu.memory_space<vmem>>, %arg9: memref<1000x128xf32, #tpu.memory_space<vmem>>) attributes {dimension_semantics = [#tpu.dimension_semantics<arbitrary>], iteration_bounds = array<i64: 10>, scalar_prefetch = 0 : i64, scratch_operands = 0 : i64, tpu.core_type = #tpu.core_type<tc>, window_params = [{transform_indices = @transform_0, window_bounds = array<i64: 2, 1000, 128>}, {transform_indices = @transform_1, window_bounds = array<i64: 1000, 128>}, {transform_indices = @transform_2, window_bounds = array<i64: 1000, 1>}, {pipeline_mode = #tpu.pipeline_mode<synchronous>, transform_indices = @transform_3, window_bounds = array<i64: 1, 128>}, {pipeline_mode = #tpu.pipeline_mode<synchronous>, transform_indices = @transform_4, window_bounds = array<i64: 1, 128>}, {pipeline_mode = #tpu.pipeline_mode<synchronous>, transform_indices = @transform_5, window_bounds = array<i64: 1, 128>}, {pipeline_mode = #tpu.pipeline_mode<synchronous>, transform_indices = @transform_6, window_bounds = array<i64: 128, 128>}, {transform_indices = @transform_7, window_bounds = array<i64: 1000, 128>}, {transform_indices = @transform_8, window_bounds = array<i64: 1000, 128>}]} {
    %get3A = arith.constant 0 : index
    %get3A_0 = arith.constant 0 : index
    %get3A_1 = arith.constant 0 : index
    %get3A_2 = vector.load %arg1[%get3A, %get3A_0, %get3A_1] : memref<2x1000x128xf32, #tpu.memory_space<vmem>>, vector<1x1000x128xf32>
    %get3A_3 = vector.shape_cast %get3A_2 : vector<1x1000x128xf32> to vector<1000x128xf32>
    %get3A_4 = arith.constant 1 : index
    %get3A_5 = arith.constant 0 : index
    %get3A_6 = arith.constant 0 : index
    %get3A_7 = vector.load %arg1[%get3A_4, %get3A_5, %get3A_6] : memref<2x1000x128xf32, #tpu.memory_space<vmem>>, vector<1x1000x128xf32>
    %get3A_8 = vector.shape_cast %get3A_7 : vector<1x1000x128xf32> to vector<1000x128xf32>
    %add3A = arith.addf %get3A_3, %get3A_8 : vector<1000x128xf32>
    %get3A_9 = arith.constant 0 : index
    %get3A_10 = arith.constant 0 : index
    %get3A_11 = vector.load %arg3[%get3A_9, %get3A_10] : memref<1000x1xf32, #tpu.memory_space<vmem>>, vector<1000x1xf32>
    %get3A_12 = arith.constant 0 : index
    %get3A_13 = arith.constant 0 : index
    %get3A_14 = vector.load %arg2[%get3A_12, %get3A_13] : memref<1000x128xf32, #tpu.memory_space<vmem>>, vector<1000x128xf32>
    %add3A_15 = arith.addf %add3A, %get3A_14 : vector<1000x128xf32>
    %mul3A = vector.broadcast %get3A_11 : vector<1000x1xf32> to vector<1000x128xf32>
    %mul3A_16 = arith.mulf %mul3A, %add3A_15 : vector<1000x128xf32>
    %get3A_17 = arith.constant 0 : index
    %get3A_18 = arith.constant 0 : index
    %get3A_19 = vector.load %arg4[%get3A_17, %get3A_18] : memref<1x128xf32, #tpu.memory_space<vmem>>, vector<1x128xf32>
    %add3A_20 = vector.broadcast %get3A_19 : vector<1x128xf32> to vector<1000x128xf32>
    %add3A_21 = arith.addf %mul3A_16, %add3A_20 : vector<1000x128xf32>
    %get3A_22 = arith.constant 0 : index
    %get3A_23 = arith.constant 0 : index
    %get3A_24 = vector.load %arg5[%get3A_22, %get3A_23] : memref<1x128xf32, #tpu.memory_space<vmem>>, vector<1x128xf32>
    %mul3A_25 = arith.constant 0.999994993 : f32
    %mul3A_26 = vector.broadcast %mul3A_25 : f32 to vector<1x128xf32>
    %mul3A_27 = arith.mulf %get3A_24, %mul3A_26 : vector<1x128xf32>
    %mul3A_28 = vector.broadcast %mul3A_27 : vector<1x128xf32> to vector<1000x128xf32>
    %mul3A_29 = arith.mulf %add3A_21, %mul3A_28 : vector<1000x128xf32>
    %get3A_30 = arith.constant 0 : index
    %get3A_31 = arith.constant 0 : index
    %get3A_32 = vector.load %arg6[%get3A_30, %get3A_31] : memref<1x128xf32, #tpu.memory_space<vmem>>, vector<1x128xf32>
    %add3A_33 = vector.broadcast %get3A_32 : vector<1x128xf32> to vector<1000x128xf32>
    %add3A_34 = arith.addf %mul3A_29, %add3A_33 : vector<1000x128xf32>
    %max3A = arith.constant 0.000000e+00 : f32
    %max3A_35 = vector.broadcast %max3A : f32 to vector<1000x128xf32>
    %max3A_36 = arith.maximumf %add3A_34, %max3A_35 : vector<1000x128xf32>
    %swap3A = arith.constant 0 : index
    %swap3A_37 = arith.constant 0 : index
    %swap3A_38 = vector.load %arg8[%swap3A, %swap3A_37] : memref<1000x128xf32, #tpu.memory_space<vmem>>, vector<1000x128xf32>
    tpu.vector_store %arg8[%swap3A, %swap3A_37], %max3A_36 {strides = array<i32>} : memref<1000x128xf32, #tpu.memory_space<vmem>>, vector<1000x128xf32>,
    %get3A_39 = arith.constant 0 : index
    %get3A_40 = arith.constant 0 : index
    %get3A_41 = vector.load %arg7[%get3A_39, %get3A_40] : memref<128x128xf32, #tpu.memory_space<vmem>>, vector<128x128xf32>
    %dot_general3A = arith.constant dense<0.000000e+00> : vector<1000x128xf32>
    %dot_general3A_42 = tpu.matmul %max3A_36, %get3A_41, %dot_general3A {dimension_numbers = #tpu.dot_dimension_numbers<[1], [0], [0], [1], [0, 0, 1, 1], [], []>, transpose_lhs_hint = false} : vector<1000x128xf32>, vector<128x128xf32>, vector<1000x128xf32> -> vector<1000x128xf32>
    %mul3A_43 = vector.broadcast %get3A_11 : vector<1000x1xf32> to vector<1000x128xf32>
    %mul3A_44 = arith.mulf %mul3A_43, %dot_general3A_42 : vector<1000x128xf32>
    %swap3A_45 = arith.constant 0 : index
    %swap3A_46 = arith.constant 0 : index
    %swap3A_47 = vector.load %arg9[%swap3A_45, %swap3A_46] : memref<1000x128xf32, #tpu.memory_space<vmem>>, vector<1000x128xf32>
    tpu.vector_store %arg9[%swap3A_45, %swap3A_46], %mul3A_44 {strides = array<i32>} : memref<1000x128xf32, #tpu.memory_space<vmem>>, vector<1000x128xf32>,
    return
  }
  func.func @transform_0(%arg0: i32) -> (i32, i32, i32) {
    %c0_i32 = arith.constant 0 : i32
    %c0_i32_0 = arith.constant 0 : i32
    %c0_i32_1 = arith.constant 0 : i32
    return %c0_i32, %arg0, %c0_i32_0 : i32, i32, i32
  }
  func.func @transform_1(%arg0: i32) -> (i32, i32) {
    %c0_i32 = arith.constant 0 : i32
    %c0_i32_0 = arith.constant 0 : i32
    return %arg0, %c0_i32 : i32, i32
  }
  func.func @transform_2(%arg0: i32) -> (i32, i32) {
    %c0_i32 = arith.constant 0 : i32
    %c0_i32_0 = arith.constant 0 : i32
    return %arg0, %c0_i32 : i32, i32
  }
  func.func @transform_3(%arg0: i32) -> (i32, i32) {
    %c0_i32 = arith.constant 0 : i32
    %c0_i32_0 = arith.constant 0 : i32
    %c0_i32_1 = arith.constant 0 : i32
    return %c0_i32, %c0_i32_0 : i32, i32
  }
  func.func @transform_4(%arg0: i32) -> (i32, i32) {
    %c0_i32 = arith.constant 0 : i32
    %c0_i32_0 = arith.constant 0 : i32
    %c0_i32_1 = arith.constant 0 : i32
    return %c0_i32, %c0_i32_0 : i32, i32
  }
  func.func @transform_5(%arg0: i32) -> (i32, i32) {
    %c0_i32 = arith.constant 0 : i32
    %c0_i32_0 = arith.constant 0 : i32
    %c0_i32_1 = arith.constant 0 : i32
    return %c0_i32, %c0_i32_0 : i32, i32
  }
  func.func @transform_6(%arg0: i32) -> (i32, i32) {
    %c0_i32 = arith.constant 0 : i32
    %c0_i32_0 = arith.constant 0 : i32
    %c0_i32_1 = arith.constant 0 : i32
    return %c0_i32, %c0_i32_0 : i32, i32
  }
  func.func @transform_7(%arg0: i32) -> (i32, i32) {
    %c0_i32 = arith.constant 0 : i32
    %c0_i32_0 = arith.constant 0 : i32
    return %arg0, %c0_i32 : i32, i32
  }
  func.func @transform_8(%arg0: i32) -> (i32, i32) {
    %c0_i32 = arith.constant 0 : i32
    %c0_i32_0 = arith.constant 0 : i32
    return %arg0, %c0_i32 : i32, i32
  }
}

module attributes {stable_mosaic.version = 14 : i64} {
  func.func @body(%arg0: i32, %arg1: memref<2x1000x128xf32, #tpu.memory_space<vmem>>, %arg2: memref<1000x128xf32, #tpu.memory_space<vmem>>, %arg3: memref<1000x128xf32, #tpu.memory_space<vmem>>, %arg4: memref<1000x1xf32, #tpu.memory_space<vmem>>, %arg5: memref<1x128xf32, #tpu.memory_space<vmem>>, %arg6: memref<1x128xf32, #tpu.memory_space<vmem>>, %arg7: memref<1x128xf32, #tpu.memory_space<vmem>>, %arg8: memref<128x128xf32, #tpu.memory_space<vmem>>, %arg9: memref<1000x128xf32, #tpu.memory_space<vmem>>, %arg10: memref<1000x128xf32, #tpu.memory_space<vmem>>) attributes {dimension_semantics = [#tpu.dimension_semantics<arbitrary>], iteration_bounds = array<i64: 10>, scalar_prefetch = 0 : i64, scratch_operands = 0 : i64, tpu.core_type = #tpu.core_type<tc>, window_params = [{transform_indices = @transform_0, window_bounds = array<i64: 2, 1000, 128>}, {transform_indices = @transform_1, window_bounds = array<i64: 1000, 128>}, {transform_indices = @transform_2, window_bounds = array<i64: 1000, 128>}, {transform_indices = @transform_3, window_bounds = array<i64: 1000, 1>}, {pipeline_mode = #tpu.pipeline_mode<synchronous>, transform_indices = @transform_4, window_bounds = array<i64: 1, 128>}, {pipeline_mode = #tpu.pipeline_mode<synchronous>, transform_indices = @transform_5, window_bounds = array<i64: 1, 128>}, {pipeline_mode = #tpu.pipeline_mode<synchronous>, transform_indices = @transform_6, window_bounds = array<i64: 1, 128>}, {pipeline_mode = #tpu.pipeline_mode<synchronous>, transform_indices = @transform_7, window_bounds = array<i64: 128, 128>}, {transform_indices = @transform_8, window_bounds = array<i64: 1000, 128>}, {transform_indices = @transform_9, window_bounds = array<i64: 1000, 128>}]} {
    %get3A = arith.constant 0 : index
    %get3A_0 = arith.constant 0 : index
    %get3A_1 = arith.constant 0 : index
    %get3A_2 = vector.load %arg1[%get3A, %get3A_0, %get3A_1] : memref<2x1000x128xf32, #tpu.memory_space<vmem>>, vector<1x1000x128xf32>
    %get3A_3 = vector.shape_cast %get3A_2 : vector<1x1000x128xf32> to vector<1000x128xf32>
    %get3A_4 = arith.constant 1 : index
    %get3A_5 = arith.constant 0 : index
    %get3A_6 = arith.constant 0 : index
    %get3A_7 = vector.load %arg1[%get3A_4, %get3A_5, %get3A_6] : memref<2x1000x128xf32, #tpu.memory_space<vmem>>, vector<1x1000x128xf32>
    %get3A_8 = vector.shape_cast %get3A_7 : vector<1x1000x128xf32> to vector<1000x128xf32>
    %add3A = arith.addf %get3A_3, %get3A_8 : vector<1000x128xf32>
    %get3A_9 = arith.constant 0 : index
    %get3A_10 = arith.constant 0 : index
    %get3A_11 = vector.load %arg4[%get3A_9, %get3A_10] : memref<1000x1xf32, #tpu.memory_space<vmem>>, vector<1000x1xf32>
    %get3A_12 = arith.constant 0 : index
    %get3A_13 = arith.constant 0 : index
    %get3A_14 = vector.load %arg2[%get3A_12, %get3A_13] : memref<1000x128xf32, #tpu.memory_space<vmem>>, vector<1000x128xf32>
    %add3A_15 = arith.addf %add3A, %get3A_14 : vector<1000x128xf32>
    %mul3A = vector.broadcast %get3A_11 : vector<1000x1xf32> to vector<1000x128xf32>
    %mul3A_16 = arith.mulf %mul3A, %add3A_15 : vector<1000x128xf32>
    %get3A_17 = arith.constant 0 : index
    %get3A_18 = arith.constant 0 : index
    %get3A_19 = vector.load %arg5[%get3A_17, %get3A_18] : memref<1x128xf32, #tpu.memory_space<vmem>>, vector<1x128xf32>
    %add3A_20 = vector.broadcast %get3A_19 : vector<1x128xf32> to vector<1000x128xf32>
    %add3A_21 = arith.addf %mul3A_16, %add3A_20 : vector<1000x128xf32>
    %get3A_22 = arith.constant 0 : index
    %get3A_23 = arith.constant 0 : index
    %get3A_24 = vector.load %arg6[%get3A_22, %get3A_23] : memref<1x128xf32, #tpu.memory_space<vmem>>, vector<1x128xf32>
    %mul3A_25 = arith.constant 0.999994993 : f32
    %mul3A_26 = vector.broadcast %mul3A_25 : f32 to vector<1x128xf32>
    %mul3A_27 = arith.mulf %get3A_24, %mul3A_26 : vector<1x128xf32>
    %mul3A_28 = vector.broadcast %mul3A_27 : vector<1x128xf32> to vector<1000x128xf32>
    %mul3A_29 = arith.mulf %add3A_21, %mul3A_28 : vector<1000x128xf32>
    %get3A_30 = arith.constant 0 : index
    %get3A_31 = arith.constant 0 : index
    %get3A_32 = vector.load %arg7[%get3A_30, %get3A_31] : memref<1x128xf32, #tpu.memory_space<vmem>>, vector<1x128xf32>
    %add3A_33 = vector.broadcast %get3A_32 : vector<1x128xf32> to vector<1000x128xf32>
    %add3A_34 = arith.addf %mul3A_29, %add3A_33 : vector<1000x128xf32>
    %max3A = arith.constant 0.000000e+00 : f32
    %max3A_35 = vector.broadcast %max3A : f32 to vector<1000x128xf32>
    %max3A_36 = arith.maximumf %add3A_34, %max3A_35 : vector<1000x128xf32>
    %get3A_37 = arith.constant 0 : index
    %get3A_38 = arith.constant 0 : index
    %get3A_39 = vector.load %arg3[%get3A_37, %get3A_38] : memref<1000x128xf32, #tpu.memory_space<vmem>>, vector<1000x128xf32>
    %add3A_40 = arith.addf %max3A_36, %get3A_39 : vector<1000x128xf32>
    %swap3A = arith.constant 0 : index
    %swap3A_41 = arith.constant 0 : index
    %swap3A_42 = vector.load %arg9[%swap3A, %swap3A_41] : memref<1000x128xf32, #tpu.memory_space<vmem>>, vector<1000x128xf32>
    tpu.vector_store %arg9[%swap3A, %swap3A_41], %add3A_40 {strides = array<i32>} : memref<1000x128xf32, #tpu.memory_space<vmem>>, vector<1000x128xf32>,
    %get3A_43 = arith.constant 0 : index
    %get3A_44 = arith.constant 0 : index
    %get3A_45 = vector.load %arg8[%get3A_43, %get3A_44] : memref<128x128xf32, #tpu.memory_space<vmem>>, vector<128x128xf32>
    %dot_general3A = arith.constant dense<0.000000e+00> : vector<1000x128xf32>
    %dot_general3A_46 = tpu.matmul %add3A_40, %get3A_45, %dot_general3A {dimension_numbers = #tpu.dot_dimension_numbers<[1], [0], [0], [1], [0, 0, 1, 1], [], []>, transpose_lhs_hint = false} : vector<1000x128xf32>, vector<128x128xf32>, vector<1000x128xf32> -> vector<1000x128xf32>
    %mul3A_47 = vector.broadcast %get3A_11 : vector<1000x1xf32> to vector<1000x128xf32>
    %mul3A_48 = arith.mulf %mul3A_47, %dot_general3A_46 : vector<1000x128xf32>
    %swap3A_49 = arith.constant 0 : index
    %swap3A_50 = arith.constant 0 : index
    %swap3A_51 = vector.load %arg10[%swap3A_49, %swap3A_50] : memref<1000x128xf32, #tpu.memory_space<vmem>>, vector<1000x128xf32>
    tpu.vector_store %arg10[%swap3A_49, %swap3A_50], %mul3A_48 {strides = array<i32>} : memref<1000x128xf32, #tpu.memory_space<vmem>>, vector<1000x128xf32>,
    return
  }
  func.func @transform_0(%arg0: i32) -> (i32, i32, i32) {
    %c0_i32 = arith.constant 0 : i32
    %c0_i32_0 = arith.constant 0 : i32
    %c0_i32_1 = arith.constant 0 : i32
    return %c0_i32, %arg0, %c0_i32_0 : i32, i32, i32
  }
  func.func @transform_1(%arg0: i32) -> (i32, i32) {
    %c0_i32 = arith.constant 0 : i32
    %c0_i32_0 = arith.constant 0 : i32
    return %arg0, %c0_i32 : i32, i32
  }
  func.func @transform_2(%arg0: i32) -> (i32, i32) {
    %c0_i32 = arith.constant 0 : i32
    %c0_i32_0 = arith.constant 0 : i32
    return %arg0, %c0_i32 : i32, i32
  }
  func.func @transform_3(%arg0: i32) -> (i32, i32) {
    %c0_i32 = arith.constant 0 : i32
    %c0_i32_0 = arith.constant 0 : i32
    return %arg0, %c0_i32 : i32, i32
  }
  func.func @transform_4(%arg0: i32) -> (i32, i32) {
    %c0_i32 = arith.constant 0 : i32
    %c0_i32_0 = arith.constant 0 : i32
    %c0_i32_1 = arith.constant 0 : i32
    return %c0_i32, %c0_i32_0 : i32, i32
  }
  func.func @transform_5(%arg0: i32) -> (i32, i32) {
    %c0_i32 = arith.constant 0 : i32
    %c0_i32_0 = arith.constant 0 : i32
    %c0_i32_1 = arith.constant 0 : i32
    return %c0_i32, %c0_i32_0 : i32, i32
  }
  func.func @transform_6(%arg0: i32) -> (i32, i32) {
    %c0_i32 = arith.constant 0 : i32
    %c0_i32_0 = arith.constant 0 : i32
    %c0_i32_1 = arith.constant 0 : i32
    return %c0_i32, %c0_i32_0 : i32, i32
  }
  func.func @transform_7(%arg0: i32) -> (i32, i32) {
    %c0_i32 = arith.constant 0 : i32
    %c0_i32_0 = arith.constant 0 : i32
    %c0_i32_1 = arith.constant 0 : i32
    return %c0_i32, %c0_i32_0 : i32, i32
  }
  func.func @transform_8(%arg0: i32) -> (i32, i32) {
    %c0_i32 = arith.constant 0 : i32
    %c0_i32_0 = arith.constant 0 : i32
    return %arg0, %c0_i32 : i32, i32
  }
  func.func @transform_9(%arg0: i32) -> (i32, i32) {
    %c0_i32 = arith.constant 0 : i32
    %c0_i32_0 = arith.constant 0 : i32
    return %arg0, %c0_i32 : i32, i32
  }
}

module attributes {stable_mosaic.version = 14 : i64} {
  func.func @body(%arg0: i32, %arg1: memref<2x1000x128xf32, #tpu.memory_space<vmem>>, %arg2: memref<1000x128xf32, #tpu.memory_space<vmem>>, %arg3: memref<1000x128xf32, #tpu.memory_space<vmem>>, %arg4: memref<1000x1xf32, #tpu.memory_space<vmem>>, %arg5: memref<1x128xf32, #tpu.memory_space<vmem>>, %arg6: memref<1x128xf32, #tpu.memory_space<vmem>>, %arg7: memref<1x128xf32, #tpu.memory_space<vmem>>, %arg8: memref<1x1x1000xi32, #tpu.memory_space<vmem>>, %arg9: memref<128x64xf32, #tpu.memory_space<vmem>>, %arg10: memref<1x64xf32, #tpu.memory_space<vmem>>, %arg11: memref<1x64xf32, #tpu.memory_space<vmem>>, %arg12: memref<1x64xf32, #tpu.memory_space<vmem>>, %arg13: memref<64x32xf32, #tpu.memory_space<vmem>>, %arg14: memref<1x32xf32, #tpu.memory_space<vmem>>, %arg15: memref<1x32xf32, #tpu.memory_space<vmem>>, %arg16: memref<1x32xf32, #tpu.memory_space<vmem>>, %arg17: memref<32x2xf32, #tpu.memory_space<vmem>>, %arg18: memref<1x2xf32, #tpu.memory_space<vmem>>, %arg19: memref<32x2xf32, #tpu.memory_space<vmem>>, %arg20: memref<32x128xf32, #tpu.memory_space<vmem>>, %arg21: memref<32x128xf32, #tpu.memory_space<vmem>>) attributes {dimension_semantics = [#tpu.dimension_semantics<arbitrary>], iteration_bounds = array<i64: 10>, scalar_prefetch = 0 : i64, scratch_operands = 2 : i64, tpu.core_type = #tpu.core_type<tc>, window_params = [{transform_indices = @transform_0, window_bounds = array<i64: 2, 1000, 128>}, {transform_indices = @transform_1, window_bounds = array<i64: 1000, 128>}, {transform_indices = @transform_2, window_bounds = array<i64: 1000, 128>}, {transform_indices = @transform_3, window_bounds = array<i64: 1000, 1>}, {pipeline_mode = #tpu.pipeline_mode<synchronous>, transform_indices = @transform_4, window_bounds = array<i64: 1, 128>}, {pipeline_mode = #tpu.pipeline_mode<synchronous>, transform_indices = @transform_5, window_bounds = array<i64: 1, 128>}, {pipeline_mode = #tpu.pipeline_mode<synchronous>, transform_indices = @transform_6, window_bounds = array<i64: 1, 128>}, {transform_indices = @transform_7, window_bounds = array<i64: 1, 1, 1000>}, {pipeline_mode = #tpu.pipeline_mode<synchronous>, transform_indices = @transform_8, window_bounds = array<i64: 128, 64>}, {pipeline_mode = #tpu.pipeline_mode<synchronous>, transform_indices = @transform_9, window_bounds = array<i64: 1, 64>}, {pipeline_mode = #tpu.pipeline_mode<synchronous>, transform_indices = @transform_10, window_bounds = array<i64: 1, 64>}, {pipeline_mode = #tpu.pipeline_mode<synchronous>, transform_indices = @transform_11, window_bounds = array<i64: 1, 64>}, {pipeline_mode = #tpu.pipeline_mode<synchronous>, transform_indices = @transform_12, window_bounds = array<i64: 64, 32>}, {pipeline_mode = #tpu.pipeline_mode<synchronous>, transform_indices = @transform_13, window_bounds = array<i64: 1, 32>}, {pipeline_mode = #tpu.pipeline_mode<synchronous>, transform_indices = @transform_14, window_bounds = array<i64: 1, 32>}, {pipeline_mode = #tpu.pipeline_mode<synchronous>, transform_indices = @transform_15, window_bounds = array<i64: 1, 32>}, {pipeline_mode = #tpu.pipeline_mode<synchronous>, transform_indices = @transform_16, window_bounds = array<i64: 32, 2>}, {pipeline_mode = #tpu.pipeline_mode<synchronous>, transform_indices = @transform_17, window_bounds = array<i64: 1, 2>}, {pipeline_mode = #tpu.pipeline_mode<synchronous>, transform_indices = @transform_18, window_bounds = array<i64: 32, 2>}]} {
    %eq3A = arith.constant 0 : i32
    %eq3A_0 = arith.cmpi eq, %arg0, %eq3A : i32
    %convert_element_type3A = arith.extui %eq3A_0 : i1 to i32
    %cond3A = arith.constant 0 : i32
    %cond3A_1 = arith.cmpi ne, %convert_element_type3A, %cond3A : i32
    scf.if %cond3A_1 {
      %broadcast_in_dim3A_75 = arith.constant 0.000000e+00 : f32
      %broadcast_in_dim3A_76 = vector.broadcast %broadcast_in_dim3A_75 : f32 to vector<32x128xf32>
      %swap3A_77 = arith.constant 0 : index
      %swap3A_78 = arith.constant 0 : index
      %swap3A_79 = vector.load %arg20[%swap3A_77, %swap3A_78] : memref<32x128xf32, #tpu.memory_space<vmem>>, vector<32x128xf32>
      tpu.vector_store %arg20[%swap3A_77, %swap3A_78], %broadcast_in_dim3A_76 {strides = array<i32>} : memref<32x128xf32, #tpu.memory_space<vmem>>, vector<32x128xf32>,
      %broadcast_in_dim3A_80 = arith.constant 0.000000e+00 : f32
      %broadcast_in_dim3A_81 = vector.broadcast %broadcast_in_dim3A_80 : f32 to vector<32x128xf32>
      %swap3A_82 = arith.constant 0 : index
      %swap3A_83 = arith.constant 0 : index
      %swap3A_84 = vector.load %arg21[%swap3A_82, %swap3A_83] : memref<32x128xf32, #tpu.memory_space<vmem>>, vector<32x128xf32>
      tpu.vector_store %arg21[%swap3A_82, %swap3A_83], %broadcast_in_dim3A_81 {strides = array<i32>} : memref<32x128xf32, #tpu.memory_space<vmem>>, vector<32x128xf32>,
    } else {
    }
    %get3A = arith.constant 0 : index
    %get3A_2 = arith.constant 0 : index
    %get3A_3 = arith.constant 0 : index
    %get3A_4 = vector.load %arg1[%get3A, %get3A_2, %get3A_3] : memref<2x1000x128xf32, #tpu.memory_space<vmem>>, vector<1x1000x128xf32>
    %get3A_5 = vector.shape_cast %get3A_4 : vector<1x1000x128xf32> to vector<1000x128xf32>
    %get3A_6 = arith.constant 1 : index
    %get3A_7 = arith.constant 0 : index
    %get3A_8 = arith.constant 0 : index
    %get3A_9 = vector.load %arg1[%get3A_6, %get3A_7, %get3A_8] : memref<2x1000x128xf32, #tpu.memory_space<vmem>>, vector<1x1000x128xf32>
    %get3A_10 = vector.shape_cast %get3A_9 : vector<1x1000x128xf32> to vector<1000x128xf32>
    %add3A = arith.addf %get3A_5, %get3A_10 : vector<1000x128xf32>
    %get3A_11 = arith.constant 0 : index
    %get3A_12 = arith.constant 0 : index
    %get3A_13 = vector.load %arg4[%get3A_11, %get3A_12] : memref<1000x1xf32, #tpu.memory_space<vmem>>, vector<1000x1xf32>
    %get3A_14 = arith.constant 0 : index
    %get3A_15 = arith.constant 0 : index
    %get3A_16 = vector.load %arg2[%get3A_14, %get3A_15] : memref<1000x128xf32, #tpu.memory_space<vmem>>, vector<1000x128xf32>
    %add3A_17 = arith.addf %add3A, %get3A_16 : vector<1000x128xf32>
    %mul3A = vector.broadcast %get3A_13 : vector<1000x1xf32> to vector<1000x128xf32>
    %mul3A_18 = arith.mulf %mul3A, %add3A_17 : vector<1000x128xf32>
    %get3A_19 = arith.constant 0 : index
    %get3A_20 = arith.constant 0 : index
    %get3A_21 = vector.load %arg5[%get3A_19, %get3A_20] : memref<1x128xf32, #tpu.memory_space<vmem>>, vector<1x128xf32>
    %add3A_22 = vector.broadcast %get3A_21 : vector<1x128xf32> to vector<1000x128xf32>
    %add3A_23 = arith.addf %mul3A_18, %add3A_22 : vector<1000x128xf32>
    %get3A_24 = arith.constant 0 : index
    %get3A_25 = arith.constant 0 : index
    %get3A_26 = vector.load %arg6[%get3A_24, %get3A_25] : memref<1x128xf32, #tpu.memory_space<vmem>>, vector<1x128xf32>
    %mul3A_27 = arith.constant 0.999994993 : f32
    %mul3A_28 = vector.broadcast %mul3A_27 : f32 to vector<1x128xf32>
    %mul3A_29 = arith.mulf %get3A_26, %mul3A_28 : vector<1x128xf32>
    %mul3A_30 = vector.broadcast %mul3A_29 : vector<1x128xf32> to vector<1000x128xf32>
    %mul3A_31 = arith.mulf %add3A_23, %mul3A_30 : vector<1000x128xf32>
    %get3A_32 = arith.constant 0 : index
    %get3A_33 = arith.constant 0 : index
    %get3A_34 = vector.load %arg7[%get3A_32, %get3A_33] : memref<1x128xf32, #tpu.memory_space<vmem>>, vector<1x128xf32>
    %add3A_35 = vector.broadcast %get3A_34 : vector<1x128xf32> to vector<1000x128xf32>
    %add3A_36 = arith.addf %mul3A_31, %add3A_35 : vector<1000x128xf32>
    %max3A = arith.constant 0.000000e+00 : f32
    %max3A_37 = vector.broadcast %max3A : f32 to vector<1000x128xf32>
    %max3A_38 = arith.maximumf %add3A_36, %max3A_37 : vector<1000x128xf32>
    %get3A_39 = arith.constant 0 : index
    %get3A_40 = arith.constant 0 : index
    %get3A_41 = vector.load %arg3[%get3A_39, %get3A_40] : memref<1000x128xf32, #tpu.memory_space<vmem>>, vector<1000x128xf32>
    %add3A_42 = arith.addf %max3A_38, %get3A_41 : vector<1000x128xf32>
    %get3A_43 = arith.constant 0 : index
    %get3A_44 = arith.constant 0 : index
    %get3A_45 = arith.constant 0 : index
    %get3A_46 = vector.load %arg8[%get3A_43, %get3A_44, %get3A_45] : memref<1x1x1000xi32, #tpu.memory_space<vmem>>, vector<1x1x1000xi32>
    %get3A_47 = vector.shape_cast %get3A_46 : vector<1x1x1000xi32> to vector<1x1000xi32>
    %iota3A = tpu.iota {dimensions = array<i32: 0>} : vector<32x1000xi32>
    %eq3A_48 = vector.broadcast %get3A_47 : vector<1x1000xi32> to vector<32x1000xi32>
    %eq3A_49 = arith.cmpi eq, %iota3A, %eq3A_48 : vector<32x1000xi32>
    %jit3A = arith.constant 1.000000e+00 : f32
    %jit3A_50 = arith.constant 0.000000e+00 : f32
    %broadcast_in_dim3A = vector.broadcast %jit3A : f32 to vector<32x1000xf32>
    %broadcast_in_dim3A_51 = vector.broadcast %jit3A_50 : f32 to vector<32x1000xf32>
    %select_n3A = arith.select %eq3A_49, %broadcast_in_dim3A, %broadcast_in_dim3A_51 : vector<32x1000xi1>, vector<32x1000xf32>
    %get3A_52 = arith.constant 0 : index
    %get3A_53 = arith.constant 0 : index
    %get3A_54 = vector.load %arg20[%get3A_52, %get3A_53] : memref<32x128xf32, #tpu.memory_space<vmem>>, vector<32x128xf32>
    %dot_general3A = arith.constant dense<0.000000e+00> : vector<32x128xf32>
    %dot_general3A_55 = tpu.matmul %select_n3A, %add3A_42, %dot_general3A {dimension_numbers = #tpu.dot_dimension_numbers<[1], [0], [0], [1], [0, 0, 1, 1], [], []>, precision = #tpu.contract_precision<fp32>, transpose_lhs_hint = false} : vector<32x1000xf32>, vector<1000x128xf32>, vector<32x128xf32> -> vector<32x128xf32>
    %add3A_56 = arith.addf %get3A_54, %dot_general3A_55 : vector<32x128xf32>
    %swap3A = arith.constant 0 : index
    %swap3A_57 = arith.constant 0 : index
    %swap3A_58 = vector.load %arg20[%swap3A, %swap3A_57] : memref<32x128xf32, #tpu.memory_space<vmem>>, vector<32x128xf32>
    tpu.vector_store %arg20[%swap3A, %swap3A_57], %add3A_56 {strides = array<i32>} : memref<32x128xf32, #tpu.memory_space<vmem>>, vector<32x128xf32>,
    %reduce_sum3A = arith.constant dense<0.000000e+00> : vector<32xf32>
    %reduce_sum3A_59 = vector.multi_reduction <add>, %select_n3A, %reduce_sum3A [1] : vector<32x1000xf32> to vector<32xf32>
    %broadcast_in_dim3A_60 = vector.shape_cast %reduce_sum3A_59 : vector<32xf32> to vector<32x1xf32>
    %get3A_61 = arith.constant 0 : index
    %get3A_62 = arith.constant 0 : index
    %get3A_63 = vector.load %arg21[%get3A_61, %get3A_62] : memref<32x128xf32, #tpu.memory_space<vmem>>, vector<32x128xf32>
    %broadcast_in_dim3A_64 = vector.shape_cast %broadcast_in_dim3A_60 : vector<32x1xf32> to vector<32x1xf32>
    %broadcast_in_dim3A_65 = vector.broadcast %broadcast_in_dim3A_64 : vector<32x1xf32> to vector<32x128xf32>
    %add3A_66 = arith.addf %get3A_63, %broadcast_in_dim3A_65 : vector<32x128xf32>
    %swap3A_67 = arith.constant 0 : index
    %swap3A_68 = arith.constant 0 : index
    %swap3A_69 = vector.load %arg21[%swap3A_67, %swap3A_68] : memref<32x128xf32, #tpu.memory_space<vmem>>, vector<32x128xf32>
    tpu.vector_store %arg21[%swap3A_67, %swap3A_68], %add3A_66 {strides = array<i32>} : memref<32x128xf32, #tpu.memory_space<vmem>>, vector<32x128xf32>,
    %eq3A_70 = arith.constant 9 : i32
    %eq3A_71 = arith.cmpi eq, %arg0, %eq3A_70 : i32
    %convert_element_type3A_72 = arith.extui %eq3A_71 : i1 to i32
    %cond3A_73 = arith.constant 0 : i32
    %cond3A_74 = arith.cmpi ne, %convert_element_type3A_72, %cond3A_73 : i32
    scf.if %cond3A_74 {
      %get3A_75 = arith.constant 0 : index
      %get3A_76 = arith.constant 0 : index
      %get3A_77 = vector.load %arg20[%get3A_75, %get3A_76] : memref<32x128xf32, #tpu.memory_space<vmem>>, vector<32x128xf32>
      %get3A_78 = arith.constant 0 : index
      %get3A_79 = arith.constant 0 : index
      %get3A_80 = vector.load %arg21[%get3A_78, %get3A_79] : memref<32x128xf32, #tpu.memory_space<vmem>>, vector<32x128xf32>
      %max3A_81 = arith.constant 1.000000e+00 : f32
      %max3A_82 = vector.broadcast %max3A_81 : f32 to vector<32x128xf32>
      %max3A_83 = arith.maximumf %get3A_80, %max3A_82 : vector<32x128xf32>
      %div3A = arith.divf %get3A_77, %max3A_83 : vector<32x128xf32>
      %get3A_84 = arith.constant 0 : index
      %get3A_85 = arith.constant 0 : index
      %get3A_86 = vector.load %arg9[%get3A_84, %get3A_85] : memref<128x64xf32, #tpu.memory_space<vmem>>, vector<128x64xf32>
      %dot_general3A_87 = arith.constant dense<0.000000e+00> : vector<32x64xf32>
      %dot_general3A_88 = tpu.matmul %div3A, %get3A_86, %dot_general3A_87 {dimension_numbers = #tpu.dot_dimension_numbers<[1], [0], [0], [1], [0, 0, 1, 1], [], []>, transpose_lhs_hint = false} : vector<32x128xf32>, vector<128x64xf32>, vector<32x64xf32> -> vector<32x64xf32>
      %get3A_89 = arith.constant 0 : index
      %get3A_90 = arith.constant 0 : index
      %get3A_91 = vector.load %arg10[%get3A_89, %get3A_90] : memref<1x64xf32, #tpu.memory_space<vmem>>, vector<1x64xf32>
      %add3A_92 = vector.broadcast %get3A_91 : vector<1x64xf32> to vector<32x64xf32>
      %add3A_93 = arith.addf %dot_general3A_88, %add3A_92 : vector<32x64xf32>
      %get3A_94 = arith.constant 0 : index
      %get3A_95 = arith.constant 0 : index
      %get3A_96 = vector.load %arg11[%get3A_94, %get3A_95] : memref<1x64xf32, #tpu.memory_space<vmem>>, vector<1x64xf32>
      %mul3A_97 = arith.constant 0.999994993 : f32
      %mul3A_98 = vector.broadcast %mul3A_97 : f32 to vector<1x64xf32>
      %mul3A_99 = arith.mulf %get3A_96, %mul3A_98 : vector<1x64xf32>
      %mul3A_100 = vector.broadcast %mul3A_99 : vector<1x64xf32> to vector<32x64xf32>
      %mul3A_101 = arith.mulf %add3A_93, %mul3A_100 : vector<32x64xf32>
      %get3A_102 = arith.constant 0 : index
      %get3A_103 = arith.constant 0 : index
      %get3A_104 = vector.load %arg12[%get3A_102, %get3A_103] : memref<1x64xf32, #tpu.memory_space<vmem>>, vector<1x64xf32>
      %add3A_105 = vector.broadcast %get3A_104 : vector<1x64xf32> to vector<32x64xf32>
      %add3A_106 = arith.addf %mul3A_101, %add3A_105 : vector<32x64xf32>
      %max3A_107 = arith.constant 0.000000e+00 : f32
      %max3A_108 = vector.broadcast %max3A_107 : f32 to vector<32x64xf32>
      %max3A_109 = arith.maximumf %add3A_106, %max3A_108 : vector<32x64xf32>
      %get3A_110 = arith.constant 0 : index
      %get3A_111 = arith.constant 0 : index
      %get3A_112 = vector.load %arg13[%get3A_110, %get3A_111] : memref<64x32xf32, #tpu.memory_space<vmem>>, vector<64x32xf32>
      %dot_general3A_113 = arith.constant dense<0.000000e+00> : vector<32x32xf32>
      %dot_general3A_114 = tpu.matmul %max3A_109, %get3A_112, %dot_general3A_113 {dimension_numbers = #tpu.dot_dimension_numbers<[1], [0], [0], [1], [0, 0, 1, 1], [], []>, transpose_lhs_hint = false} : vector<32x64xf32>, vector<64x32xf32>, vector<32x32xf32> -> vector<32x32xf32>
      %get3A_115 = arith.constant 0 : index
      %get3A_116 = arith.constant 0 : index
      %get3A_117 = vector.load %arg14[%get3A_115, %get3A_116] : memref<1x32xf32, #tpu.memory_space<vmem>>, vector<1x32xf32>
      %add3A_118 = vector.broadcast %get3A_117 : vector<1x32xf32> to vector<32x32xf32>
      %add3A_119 = arith.addf %dot_general3A_114, %add3A_118 : vector<32x32xf32>
      %get3A_120 = arith.constant 0 : index
      %get3A_121 = arith.constant 0 : index
      %get3A_122 = vector.load %arg15[%get3A_120, %get3A_121] : memref<1x32xf32, #tpu.memory_space<vmem>>, vector<1x32xf32>
      %mul3A_123 = arith.constant 0.999994993 : f32
      %mul3A_124 = vector.broadcast %mul3A_123 : f32 to vector<1x32xf32>
      %mul3A_125 = arith.mulf %get3A_122, %mul3A_124 : vector<1x32xf32>
      %mul3A_126 = vector.broadcast %mul3A_125 : vector<1x32xf32> to vector<32x32xf32>
      %mul3A_127 = arith.mulf %add3A_119, %mul3A_126 : vector<32x32xf32>
      %get3A_128 = arith.constant 0 : index
      %get3A_129 = arith.constant 0 : index
      %get3A_130 = vector.load %arg16[%get3A_128, %get3A_129] : memref<1x32xf32, #tpu.memory_space<vmem>>, vector<1x32xf32>
      %add3A_131 = vector.broadcast %get3A_130 : vector<1x32xf32> to vector<32x32xf32>
      %add3A_132 = arith.addf %mul3A_127, %add3A_131 : vector<32x32xf32>
      %max3A_133 = arith.constant 0.000000e+00 : f32
      %max3A_134 = vector.broadcast %max3A_133 : f32 to vector<32x32xf32>
      %max3A_135 = arith.maximumf %add3A_132, %max3A_134 : vector<32x32xf32>
      %get3A_136 = arith.constant 0 : index
      %get3A_137 = arith.constant 0 : index
      %get3A_138 = vector.load %arg17[%get3A_136, %get3A_137] : memref<32x2xf32, #tpu.memory_space<vmem>>, vector<32x2xf32>
      %dot_general3A_139 = arith.constant dense<0.000000e+00> : vector<32x2xf32>
      %dot_general3A_140 = tpu.matmul %max3A_135, %get3A_138, %dot_general3A_139 {dimension_numbers = #tpu.dot_dimension_numbers<[1], [0], [0], [1], [0, 0, 1, 1], [], []>, transpose_lhs_hint = false} : vector<32x32xf32>, vector<32x2xf32>, vector<32x2xf32> -> vector<32x2xf32>
      %get3A_141 = arith.constant 0 : index
      %get3A_142 = arith.constant 0 : index
      %get3A_143 = vector.load %arg18[%get3A_141, %get3A_142] : memref<1x2xf32, #tpu.memory_space<vmem>>, vector<1x2xf32>
      %add3A_144 = vector.broadcast %get3A_143 : vector<1x2xf32> to vector<32x2xf32>
      %add3A_145 = arith.addf %dot_general3A_140, %add3A_144 : vector<32x2xf32>
      %swap3A_146 = arith.constant 0 : index
      %swap3A_147 = arith.constant 0 : index
      %swap3A_148 = vector.load %arg19[%swap3A_146, %swap3A_147] : memref<32x2xf32, #tpu.memory_space<vmem>>, vector<32x2xf32>
      tpu.vector_store %arg19[%swap3A_146, %swap3A_147], %add3A_145 {strides = array<i32>} : memref<32x2xf32, #tpu.memory_space<vmem>>, vector<32x2xf32>,
    } else {
    }
    return
  }
  func.func @transform_0(%arg0: i32) -> (i32, i32, i32) {
    %c0_i32 = arith.constant 0 : i32
    %c0_i32_0 = arith.constant 0 : i32
    %c0_i32_1 = arith.constant 0 : i32
    return %c0_i32, %arg0, %c0_i32_0 : i32, i32, i32
  }
  func.func @transform_1(%arg0: i32) -> (i32, i32) {
    %c0_i32 = arith.constant 0 : i32
    %c0_i32_0 = arith.constant 0 : i32
    return %arg0, %c0_i32 : i32, i32
  }
  func.func @transform_2(%arg0: i32) -> (i32, i32) {
    %c0_i32 = arith.constant 0 : i32
    %c0_i32_0 = arith.constant 0 : i32
    return %arg0, %c0_i32 : i32, i32
  }
  func.func @transform_3(%arg0: i32) -> (i32, i32) {
    %c0_i32 = arith.constant 0 : i32
    %c0_i32_0 = arith.constant 0 : i32
    return %arg0, %c0_i32 : i32, i32
  }
  func.func @transform_4(%arg0: i32) -> (i32, i32) {
    %c0_i32 = arith.constant 0 : i32
    %c0_i32_0 = arith.constant 0 : i32
    %c0_i32_1 = arith.constant 0 : i32
    return %c0_i32, %c0_i32_0 : i32, i32
  }
  func.func @transform_5(%arg0: i32) -> (i32, i32) {
    %c0_i32 = arith.constant 0 : i32
    %c0_i32_0 = arith.constant 0 : i32
    %c0_i32_1 = arith.constant 0 : i32
    return %c0_i32, %c0_i32_0 : i32, i32
  }
  func.func @transform_6(%arg0: i32) -> (i32, i32) {
    %c0_i32 = arith.constant 0 : i32
    %c0_i32_0 = arith.constant 0 : i32
    %c0_i32_1 = arith.constant 0 : i32
    return %c0_i32, %c0_i32_0 : i32, i32
  }
  func.func @transform_7(%arg0: i32) -> (i32, i32, i32) {
    %c0_i32 = arith.constant 0 : i32
    %c0_i32_0 = arith.constant 0 : i32
    %c0_i32_1 = arith.constant 0 : i32
    return %arg0, %c0_i32, %c0_i32_0 : i32, i32, i32
  }
  func.func @transform_8(%arg0: i32) -> (i32, i32) {
    %c0_i32 = arith.constant 0 : i32
    %c0_i32_0 = arith.constant 0 : i32
    %c0_i32_1 = arith.constant 0 : i32
    return %c0_i32, %c0_i32_0 : i32, i32
  }
  func.func @transform_9(%arg0: i32) -> (i32, i32) {
    %c0_i32 = arith.constant 0 : i32
    %c0_i32_0 = arith.constant 0 : i32
    %c0_i32_1 = arith.constant 0 : i32
    return %c0_i32, %c0_i32_0 : i32, i32
  }
  func.func @transform_10(%arg0: i32) -> (i32, i32) {
    %c0_i32 = arith.constant 0 : i32
    %c0_i32_0 = arith.constant 0 : i32
    %c0_i32_1 = arith.constant 0 : i32
    return %c0_i32, %c0_i32_0 : i32, i32
  }
  func.func @transform_11(%arg0: i32) -> (i32, i32) {
    %c0_i32 = arith.constant 0 : i32
    %c0_i32_0 = arith.constant 0 : i32
    %c0_i32_1 = arith.constant 0 : i32
    return %c0_i32, %c0_i32_0 : i32, i32
  }
  func.func @transform_12(%arg0: i32) -> (i32, i32) {
    %c0_i32 = arith.constant 0 : i32
    %c0_i32_0 = arith.constant 0 : i32
    %c0_i32_1 = arith.constant 0 : i32
    return %c0_i32, %c0_i32_0 : i32, i32
  }
  func.func @transform_13(%arg0: i32) -> (i32, i32) {
    %c0_i32 = arith.constant 0 : i32
    %c0_i32_0 = arith.constant 0 : i32
    %c0_i32_1 = arith.constant 0 : i32
    return %c0_i32, %c0_i32_0 : i32, i32
  }
  func.func @transform_14(%arg0: i32) -> (i32, i32) {
    %c0_i32 = arith.constant 0 : i32
    %c0_i32_0 = arith.constant 0 : i32
    %c0_i32_1 = arith.constant 0 : i32
    return %c0_i32, %c0_i32_0 : i32, i32
  }
  func.func @transform_15(%arg0: i32) -> (i32, i32) {
    %c0_i32 = arith.constant 0 : i32
    %c0_i32_0 = arith.constant 0 : i32
    %c0_i32_1 = arith.constant 0 : i32
    return %c0_i32, %c0_i32_0 : i32, i32
  }
  func.func @transform_16(%arg0: i32) -> (i32, i32) {
    %c0_i32 = arith.constant 0 : i32
    %c0_i32_0 = arith.constant 0 : i32
    %c0_i32_1 = arith.constant 0 : i32
    return %c0_i32, %c0_i32_0 : i32, i32
  }
  func.func @transform_17(%arg0: i32) -> (i32, i32) {
    %c0_i32 = arith.constant 0 : i32
    %c0_i32_0 = arith.constant 0 : i32
    %c0_i32_1 = arith.constant 0 : i32
    return %c0_i32, %c0_i32_0 : i32, i32
  }
  func.func @transform_18(%arg0: i32) -> (i32, i32) {
    %c0_i32 = arith.constant 0 : i32
    %c0_i32_0 = arith.constant 0 : i32
    %c0_i32_1 = arith.constant 0 : i32
    return %c0_i32, %c0_i32_0 : i32, i32
  }
}

</mosaic_0001>

<sc_bundles>
// kernel: kernel.10.cloned.1.call-start
scs
__scs_entry_jumppad:
0x0: {  	(pc) =	sbr.rel $0x88, $3  }
0x1: {  	(tag) =	ssettag $0x0;
	lr =	simm.s32 $0x1  }
0x2: {  	[smem:$0x3F84] =	sst lr;
	_ =	strace $0xD0000000  }
0x3: {  	_ = 	snop  }
0x4: {  	_ = 	snop  }
0x5: {  	_ = 	snop  }
0x6: {  	_ = 	snop  }
0x7: {  	_ = 	snop  }
__scs_overlays_trampoline_lowered:
0x8: {  	[smem:$0x3F93] =	sst s0  }
0x9: {  	[smem:$0x3F94] =	sst s1  }
0xa: {  	[smem:$0x3F95] =	sst s2  }
0xb: {  	[smem:$0x3F96] =	sst s3  }
0xc: {  	[smem:$0x3F97] =	sst s4  }
0xd: {  	[smem:$0x3F98] =	sst s5  }
0xe: {  	[smem:$0x3F99] =	sst s6  }
0xf: {  	[smem:$0x3F9A] =	sst s7  }
0x10: {  	[smem:$0x3F9B] =	sst s8  }
0x11: {  	[smem:$0x3F9C] =	sst s9;
	s0 =	simm.s32 @!p0 $0x0  }
0x12: {  	s1 =	sld [smem:$0x3F82];
	s0 =	simm.s32 @p0 $0x1  }
0x13: {  	[smem:$0x3F9D] =	sst s0;
	s0 =	simm.s32 @!p1 $0x0  }
0x14: {  	s2 =	sld [smem:$0x3F81];
	s0 =	simm.s32 @p1 $0x1  }
0x15: {  	[smem:$0x3F9E] =	sst s0;
	s0 =	simm.s32 @!p2 $0x0  }
0x16: {  	s3 =	sld [smem:$0x3FDB];
	s0 =	simm.s32 @p2 $0x1  }
0x17: {  	s4 =	simm.s32 $0x1BF5;
	[smem:$0x3FA0] =	sst s0  }
0x18: {  	s0 =	sld [smem:$0x3F83];
	_ =	swait.ge [sflag:s4], $0x0  }
0x19: {  	s7 =	sld [smem:$0x3F84]  }
0x1a: {  	s8 =	sadd.s32 $0xFFFFE003, lr  }
0x1b: {  	s9 =	sadd.s32 $0xFFFFFEF7, lr;
	s5 =	simm.s32 $0xFFFFFFFF;
	p2 =	slt.u32 s8, $0xFFFFF086  }
0x1c: {  	p1 =	slt.u32 s9, $0xF7A;
	s5 =	simm.s32 @!p2 $0x0  }
0x1d: {  	s5 =	simm.s32 @p1 $0x1;
	p0 =	seq.s32 s7, s2  }
0x1e: {  	s7 =	smul.u32 @!p0 $0xF7A, s2;
	p2 =	seq.s32 @!p0 s5, $0x0  }
0x1f: {  	s9 =	smul.u32 $0xF7A, s1;
	s8 =	simm.s32 @!p0 $0x1BF5;
	p2 =	por !p2, p0  }
0x20: {  	[sflag:s8] =	ssyncset.s32 @!p0 $0xFFFFF086;
	s6 =	sadd.s32 @!p0 s3, s7;
	s7 =	simm.s32 @!p0 $0x108  }
0x21: {  	s3 =	sadd.s32 s3, s9;
	s6 =	sadd.s32 @!p0 $0x88, s6;
	s7 =	simm.s32 @p2 $0x1082  }
0x22: {  	[simem:s7], [sflag:s8] =	dma.local @!p0 [hbm:s6], $0xF7A  }
0x23: {  	s9 =	sor.u32 $0xD0000000, s2;
	s6 =	simm.s32 $0x108;
	_ =	swait.ge @!p0 [sflag:s8], $0x0  }
0x24: {  	s3 =	sadd.s32 $0x88, s3;
	s6 =	simm.s32 @!p1 $0x1082;
	[sflag:s4] =	ssyncset.s32 $0xFFFFF086  }
0x25: {  	[simem:s6], [sflag:s4] =	dma.local [hbm:s3], $0xF7A  }
0x26: {  	[smem:$0x3F84] =	sst s1;
	(tag) =	ssettag s2;
	_ =	strace s9  }
0x27: {  	s1 =	sld [smem:$0x3F94]  }
0x28: {  	s2 =	sld [smem:$0x3F95]  }
0x29: {  	s4 =	sld [smem:$0x3F97]  }
0x2a: {  	p0 =	seq.s32 s5, $0x0;
	s5 =	sld [smem:$0x3F98]  }
0x2b: {  	s6 =	sld [smem:$0x3F99]  }
0x2c: {  	s7 =	sld [smem:$0x3F9A]  }
0x2d: {  	s3 =	simm.s32 $0x108;
	s8 =	sld [smem:$0x3F9B]  }
0x2e: {  	s3 =	simm.s32 @!p0 $0x1082;
	s9 =	sld [smem:$0x3F9C]  }
0x2f: {  	lr =	sadd.s32 s0, s3;
	s0 =	sld [smem:$0x3F93]  }
0x30: {  	s3 =	sld [smem:$0x3F96]  }
0x31: {  	[smem:$0x3F9F] =	sst s10  }
0x32: {  	s10 =	sld [smem:$0x3F9D];
	_ =	sdelay $0x3  }
0x33: {  	p0 =	seq.s32 s10, $0x1;
	s10 =	sld [smem:$0x3F9F];
	_ =	sdelay $0x3  }
0x34: {  	[smem:$0x3F9F] =	sst s10  }
0x35: {  	s10 =	sld [smem:$0x3F9E];
	_ =	sdelay $0x3  }
0x36: {  	p1 =	seq.s32 s10, $0x1;
	s10 =	sld [smem:$0x3F9F];
	_ =	sdelay $0x3  }
0x37: {  	[smem:$0x3F9F] =	sst s10  }
0x38: {  	s10 =	sld [smem:$0x3FA0]  }
0x39: {  	_ = 	snop;
	(pc) =	sbr.ind lr, $3  }
0x3a: {  	_ = 	snop  }
0x3b: {  	_ = 	snop  }
0x3c: {  	p2 =	seq.s32 s10, $0x1;
	s10 =	sld [smem:$0x3F9F]  }
0x3d: {  	_ =	shalt  }
0x3e: {  	_ =	shalt  }
0x3f: {  	_ =	shalt  }
0x40: {  	_ =	shalt  }
0x41: {  	_ =	shalt  }
0x42: {  	_ =	shalt  }
0x43: {  	_ =	shalt  }
0x44: {  	_ =	shalt  }
0x45: {  	_ =	shalt  }
0x46: {  	_ =	shalt  }
0x47: {  	_ =	shalt  }
0x48: {  	_ =	shalt  }
0x49: {  	_ =	shalt  }
0x4a: {  	_ =	shalt  }
0x4b: {  	_ =	shalt  }
0x4c: {  	_ =	shalt  }
0x4d: {  	_ =	shalt  }
0x4e: {  	_ =	shalt  }
0x4f: {  	_ =	shalt  }
0x50: {  	_ =	shalt  }
0x51: {  	_ =	shalt  }
0x52: {  	_ =	shalt  }
0x53: {  	_ =	shalt  }
0x54: {  	_ =	shalt  }
0x55: {  	_ =	shalt  }
0x56: {  	_ =	shalt  }
0x57: {  	_ =	shalt  }
0x58: {  	_ =	shalt  }
0x59: {  	_ =	shalt  }
0x5a: {  	_ =	shalt  }
0x5b: {  	_ =	shalt  }
0x5c: {  	_ =	shalt  }
0x5d: {  	_ =	shalt  }
0x5e: {  	_ =	shalt  }
0x5f: {  	_ =	shalt  }
0x60: {  	_ =	shalt  }
0x61: {  	_ =	shalt  }
0x62: {  	_ =	shalt  }
0x63: {  	_ =	shalt  }
0x64: {  	_ =	shalt  }
0x65: {  	_ =	shalt  }
0x66: {  	_ =	shalt  }
0x67: {  	_ =	shalt  }
0x68: {  	_ =	shalt  }
0x69: {  	_ =	shalt  }
0x6a: {  	_ =	shalt  }
0x6b: {  	_ =	shalt  }
0x6c: {  	_ =	shalt  }
0x6d: {  	_ =	shalt  }
0x6e: {  	_ =	shalt  }
0x6f: {  	_ =	shalt  }
0x70: {  	_ =	shalt  }
0x71: {  	_ =	shalt  }
0x72: {  	_ =	shalt  }
0x73: {  	_ =	shalt  }
0x74: {  	_ =	shalt  }
0x75: {  	_ =	shalt  }
0x76: {  	_ =	shalt  }
0x77: {  	_ =	shalt  }
0x78: {  	_ =	shalt  }
0x79: {  	_ =	shalt  }
0x7a: {  	_ =	shalt  }
0x7b: {  	_ =	shalt  }
0x7c: {  	_ =	shalt  }
0x7d: {  	_ =	shalt  }
0x7e: {  	_ =	shalt  }
0x7f: {  	_ =	shalt  }
0x80: {  	_ =	shalt  }
0x81: {  	_ =	shalt  }
0x82: {  	_ =	shalt  }
0x83: {  	_ =	shalt  }
0x84: {  	_ =	shalt  }
0x85: {  	_ =	shalt  }
0x86: {  	_ =	shalt  }
0x87: {  	_ =	shalt  }
.Lfunc_end0:
.L_simem_size_0:
called_computation_lowered:
.L_overlay_start_0:
0x88: {  	s2 =	sld [smem:$0x3FD9]  }
0x89: {  	s3 =	sld [smem:$0x3FFE];
	_ =	sdelay $0x1  }
0x8a: {  	s1 =	srdreg.scid  }
0x8b: {  	s0 =	sand.u32 $0x1, s1  }
0x8c: {  	s16 =	sshll.u32 s0, $0xA;
	s2 =	sadd.s32 s3, s2  }
0x8d: {  	s2 =	sadd.s32 s2, s16  }
0x8e: {  	[smem:$0x3FAB] =	sst s2  }
0x8f: {  	_ = 	snop  }
0x90: {  	(tm) =	ssettm $0x1  }
0x91: {  	s17 =	sld [smem:$0x3FFB];
	_ =	sdelay $0x3  }
0x92: {  	_ =	strace s17  }
0x93: {  	s2 =	sld [smem:$0x3FFC];
	_ =	sdelay $0x3  }
0x94: {  	_ =	strace s2  }
0x95: {  	s2 =	sld [smem:$0x3FFD];
	_ =	sdelay $0x3  }
0x96: {  	_ =	strace s2  }
0x97: {  	_ =	strace $0x8FFFFFFF  }
0x98: {  	s18 =	sld [smem:$0x3FDB];
	_ =	sdelay $0x1  }
0x99: {  	s19 =	simm.s32 $_scs_section_size  }
0x9a: {  	s4 =	simm.s32 $_size__tile_overlayer_lowered;
	s5 =	simm.s32 $_tile_overlayer_lowered  }
0x9b: {  	s22 =	simm.s32 $0x1BFF;
	s21 =	sshll.u32 s5, $0x1;
	s2 =	sadd.s32 s19, s18  }
0x9c: {  	s6 =	simm.s32 $0x0;
	s20 =	sshll.u32 s4, $0x1;
	s4 =	sadd.s32 s21, s2  }
0x9d: {  	[timem:s6], [sflag:s22] =	dma.local [hbm:s4], s20  }
0x9e: {  	_ =	swait.ge [sflag:s22], s20  }
0x9f: {  	s3 =	ssub.s32 $0x0, s20;
	[sflag:s22] =	ssyncset.done $0x0  }
0xa0: {  	[sflag:s22] =	ssyncadd.s32 s3;
	_ =	sdelay $0x1  }
0xa1: {  	s23 =	simm.s32 $0x1B8B  }
0xa2: {  	_ =	swait.ge [sflag:s23], $0x1  }
0xa3: {  	[sflag:s23] =	ssyncset.done $0x0  }
0xa4: {  	s25 =	simm.s32 $0x1B8E;
	s24 =	sld [smem:$0x3FFE];
	[sflag:s23] =	ssyncadd.s32 $0xFFFFFFFF  }
0xa5: {  	s26 =	simm.s32 $execute0_lowered;
	[smem:$0x3FD2] =	sst s25  }
0xa6: {  	s4 =	sshll.u32 s26, $0x1;
	_ =	strace $0x80000046;
	[dreg:$0x1] =	wrdreg $0xFFFFFFFF  }
0xa7: {  	s28 =	simm.s32 $_size_execute0_lowered;
	s2 =	sadd.s32 s2, s4;
	[dreg:$0x0] =	wrdreg $0x0  }
0xa8: {  	s4 =	sshll.u32 s28, $0x1;
	[dreg:$0x2] =	wrdreg s2  }
0xa9: {  	[dreg:$0x3] =	wrdreg s4  }
0xaa: {  	[dreg:$0x4] =	wrdreg $0xC0  }
0xab: {  	_ =	task [dreg:s6], $0x5FFFF  }
0xac: {  	[dreg:$0x1] =	wrdreg $0xFFFFFFFF  }
0xad: {  	[dreg:$0x0] =	wrdreg $0x60  }
0xae: {  	[dreg:$0x2] =	wrdreg s24  }
0xaf: {  	[dreg:$0x3] =	wrdreg $0x88000  }
0xb0: {  	[dreg:$0x4] =	wrdreg $0x9  }
0xb1: {  	_ =	task.clear_ibuf [dreg:s6], $0x5FFFF;
	_ =	strace $0x90000046  }
0xb2: {  	s29 =	simm.s32 $0x9;
	_ =	strace $0x80000048  }
0xb3: {  	_ =	swait.ge [sflag:s29], $0x1  }
0xb4: {  	[sflag:s29] =	ssyncadd.s32 $0xFFFFFFFF  }
0xb5: {  	_ =	strace $0x90000048  }
0xb6: {  	_ =	sfence  }
0xb7: {  	s30 =	sld [smem:$0x0];
	_ =	sdelay $0x2  }
0xb8: {  	s31 =	sshll.u32 s1, $0xD;
	s1 =	sshrl.u32 s1, $0x2  }
0xb9: {  	s3 =	sand.u32 $0x4000, s31;
	s1 =	sadd.s32 s1, s30  }
0xba: {  	s0 =	sor.u32 s3, s0;
	s1 =	sshll.u32 s1, $0x11  }
0xbb: {  	s0 =	sor.u32 s1, s0  }
0xbc: {  	s0 =	sadd.s32 $0x8F2B, s0  }
0xbd: {  	[sflag:s0] =	ssyncadd.remote.s32 $0x1  }
0xbe: {  	_ =	sfence.sel $0xFFFF  }
0xbf: {  	[dreg:$0x0] =	wrdreg $0xFFFFFFFF;
	(pc) =	sbr.abs _section_cstart, $3  }
0xc0: {  	[dreg:$0x1] =	wrdreg $0xFFFFFFFF  }
0xc1: {  	_ =	task.clear_ibuf [dreg:s6], $0x2FFFF;
	_ =	strace $0x9FFFFFFF  }
0xc2: {  	(tm) =	ssettm $0x7FFFFFFF  }
0xc3: {  	_ =	shalt  }
tec
execute0_lowered:
.L_overlay_start_1:
0x0: {  	(tag) =	ssettag $0x1  }
0x1: {  	s0 =	rddreg [dreg:$0x0];
	s2 =	srdreg.scid  }
0x2: {  	s1 =	rddreg [dreg:$0x1];
	s14 =	stileid.u32;
	s29 =	simm.s32 $0x6800  }
0x3: {  	s30 =	simm.s32 $0x1;
	s31 =	simm.s32 $0x2800;
	s3 =	sand.u32 $0x1, s2  }
0x4: {  	s2 =	simm.s32 $0x0;
	s6 =	smul.u32 $0x14000, s14;
	s13 =	sadd.s32 $0x11A00, s0  }
0x5: {  	s4 =	sshll.u32 s3, $0x4;
	s5 =	ssub.s32 $0x2, s3;
	[smem:$0x7FF] =	sst s2  }
0x6: {  	s3 =	smul.u32 $0x140000, s3;
	s4 =	sor.u32 s14, s4;
	s9 =	sshrl.u32 s5, $0x1  }
0x7: {  	s17 =	sor.u32 $0x2000, s6;
	s18 =	sadd.s32 $0x4000, s6;
	s19 =	sadd.s32 $0x6000, s6  }
0x8: {  	s20 =	sadd.s32 $0x8000, s6;
	s21 =	sadd.s32 $0xA000, s6;
	s22 =	sadd.s32 $0xC000, s6  }
0x9: {  	s23 =	sadd.s32 $0xE000, s6;
	s24 =	sadd.s32 $0x10000, s6;
	s14 =	smul.u32 $0x50000, s14  }
0xa: {  	s25 =	sadd.s32 $0x12000, s6;
	s10 =	smul.u32 $0x500, s4;
	s28 =	ssub.s32 s5, s9  }
0xb: {  	s11 =	sadd.s32 s6, s3;
	s12 =	sadd.s32 s3, s17;
	s16 =	sadd.s32 s3, s18  }
0xc: {  	s26 =	sadd.s32 s3, s19;
	s7 =	sadd.s32 s3, s20;
	s8 =	sadd.s32 s3, s21  }
0xd: {  	s9 =	sadd.s32 s3, s22;
	s17 =	sadd.s32 s17, s1;
	s18 =	sadd.s32 s18, s1  }
0xe: {  	s19 =	sadd.s32 s19, s1;
	s20 =	sadd.s32 s20, s1;
	s21 =	sadd.s32 s21, s1  }
0xf: {  	s22 =	sadd.s32 s22, s1;
	s4 =	sshrl.u32 s11, $0x3;
	s15 =	sshrl.u32 s12, $0x3  }
0x10: {  	s5 =	sshrl.u32 s16, $0x3;
	s6 =	sshrl.u32 s26, $0x3;
	s7 =	sshrl.u32 s7, $0x3  }
0x11: {  	s8 =	sshrl.u32 s8, $0x3;
	s9 =	sshrl.u32 s9, $0x3;
	s11 =	sadd.s32 s3, s23  }
0x12: {  	s12 =	sadd.s32 s3, s24;
	s3 =	sadd.s32 s3, s25;
	s26 =	sshrl.u32 s14, $0x2  }
0x13: {  	s14 =	sadd.s32 $0x10E00, s0;
	s23 =	sadd.s32 s23, s1;
	s24 =	sadd.s32 s24, s1  }
0x14: {  	s25 =	sadd.s32 s25, s1;
	s28 =	smax.u32 s28, $0x1;
	s4 =	sadd.s32 s13, s4  }
0x15: {  	s5 =	sadd.s32 s13, s5;
	s6 =	sadd.s32 s13, s6;
	s7 =	sadd.s32 s13, s7  }
0x16: {  	s8 =	sadd.s32 s13, s8;
	s9 =	sadd.s32 s13, s9;
	s11 =	sshrl.u32 s11, $0x3  }
0x17: {  	s12 =	sshrl.u32 s12, $0x3;
	s3 =	sshrl.u32 s3, $0x3;
	s16 =	sadd.s32 s26, s1  }
0x18: {  	[dreg:$0x3] =	wrdreg s4;
	s4 =	sadd.s32 s13, s15;
	s11 =	sadd.s32 s13, s11  }
0x19: {  	s12 =	sadd.s32 s13, s12;
	s13 =	sadd.s32 s13, s3;
	s15 =	sadd.s32 $0x11600, s0  }
0x1a: {  	[dreg:$0x4] =	wrdreg s4;
	s4 =	sadd.s32 s10, s0;
	s10 =	simm.s32 $0x80  }
0x1b: {  	s0 =	simm.s32 $0x0;
	_ =	strace $0x80000047;
	s26 =	sadd.s32 $0x6E00, s4  }
.LBB2_1:
0x1c: {  	[tilespmem:s29], [sflag:$0x1] =	stream.linear.gather [hbm4b:s15+s2], $0x2000, $0x38;
	[tilespmem:$0x1C800] =	vst v63  }
0x1d: {  	_ =	swait.ge [sflag:s30], $0x2000  }
0x1e: {  	[sflag:s30] =	ssyncset.done $0x0  }
0x1f: {  	[sflag:s30] =	ssyncadd.s32 $0xFFFFE000  }
0x20: {  	[spmem:s16] =	stream.linear.scatter [tilespmem:s29], [sflag:$0x1], $0x2000, $0x38;
	[tilespmem:$0x1C800] =	vst v63  }
0x21: {  	_ =	swait.ge [sflag:s30], $0x2000  }
0x22: {  	[sflag:s30] =	ssyncset.done $0x0  }
0x23: {  	[sflag:s30] =	ssyncadd.s32 $0xFFFFE000  }
0x24: {  	[spmem:s17] =	stream.linear.scatter [tilespmem:s29], [sflag:$0x1], $0x2000, $0x38;
	[tilespmem:$0x1C800] =	vst v63  }
0x25: {  	_ =	swait.ge [sflag:s30], $0x2000  }
0x26: {  	[sflag:s30] =	ssyncset.done $0x0  }
0x27: {  	[sflag:s30] =	ssyncadd.s32 $0xFFFFE000  }
0x28: {  	[spmem:s18] =	stream.linear.scatter [tilespmem:s29], [sflag:$0x1], $0x2000, $0x38;
	[tilespmem:$0x1C800] =	vst v63  }
0x29: {  	_ =	swait.ge [sflag:s30], $0x2000  }
0x2a: {  	[sflag:s30] =	ssyncset.done $0x0  }
0x2b: {  	[sflag:s30] =	ssyncadd.s32 $0xFFFFE000  }
0x2c: {  	[spmem:s19] =	stream.linear.scatter [tilespmem:s29], [sflag:$0x1], $0x2000, $0x38;
	[tilespmem:$0x1C800] =	vst v63  }
0x2d: {  	_ =	swait.ge [sflag:s30], $0x2000  }
0x2e: {  	[sflag:s30] =	ssyncset.done $0x0  }
0x2f: {  	[sflag:s30] =	ssyncadd.s32 $0xFFFFE000  }
0x30: {  	[spmem:s20] =	stream.linear.scatter [tilespmem:s29], [sflag:$0x1], $0x2000, $0x38;
	[tilespmem:$0x1C800] =	vst v63  }
0x31: {  	_ =	swait.ge [sflag:s30], $0x2000  }
0x32: {  	[sflag:s30] =	ssyncset.done $0x0  }
0x33: {  	[sflag:s30] =	ssyncadd.s32 $0xFFFFE000  }
0x34: {  	[spmem:s21] =	stream.linear.scatter [tilespmem:s29], [sflag:$0x1], $0x2000, $0x38;
	[tilespmem:$0x1C800] =	vst v63  }
0x35: {  	_ =	swait.ge [sflag:s30], $0x2000  }
0x36: {  	[sflag:s30] =	ssyncset.done $0x0  }
0x37: {  	[sflag:s30] =	ssyncadd.s32 $0xFFFFE000  }
0x38: {  	[spmem:s22] =	stream.linear.scatter [tilespmem:s29], [sflag:$0x1], $0x2000, $0x38;
	[tilespmem:$0x1C800] =	vst v63  }
0x39: {  	_ =	swait.ge [sflag:s30], $0x2000  }
0x3a: {  	[sflag:s30] =	ssyncset.done $0x0  }
0x3b: {  	[sflag:s30] =	ssyncadd.s32 $0xFFFFE000  }
0x3c: {  	[spmem:s23] =	stream.linear.scatter [tilespmem:s29], [sflag:$0x1], $0x2000, $0x38;
	[tilespmem:$0x1C800] =	vst v63  }
0x3d: {  	_ =	swait.ge [sflag:s30], $0x2000  }
0x3e: {  	[sflag:s30] =	ssyncset.done $0x0  }
0x3f: {  	[sflag:s30] =	ssyncadd.s32 $0xFFFFE000  }
0x40: {  	[spmem:s24] =	stream.linear.scatter [tilespmem:s29], [sflag:$0x1], $0x2000, $0x38;
	[tilespmem:$0x1C800] =	vst v63  }
0x41: {  	_ =	swait.ge [sflag:s30], $0x2000  }
0x42: {  	[sflag:s30] =	ssyncset.done $0x0  }
0x43: {  	[sflag:s30] =	ssyncadd.s32 $0xFFFFE000  }
0x44: {  	[spmem:s25] =	stream.linear.scatter [tilespmem:s29], [sflag:$0x1], $0x2000, $0x38;
	[tilespmem:$0x1C800] =	vst v63  }
0x45: {  	_ =	swait.ge [sflag:s30], $0x2000  }
0x46: {  	[sflag:s30] =	ssyncset.done $0x0  }
0x47: {  	[sflag:s30] =	ssyncadd.s32 $0xFFFFE000  }
0x48: {  	[tilespmem:s31], [sflag:$0x1] =	stream.linear.gather [hbm4b:s14+s2], $0x4000, $0x38;
	[tilespmem:$0x1C800] =	vst v63  }
0x49: {  	_ =	swait.ge [sflag:s30], $0x4000  }
0x4a: {  	[sflag:s30] =	ssyncset.done $0x0  }
0x4b: {  	[sflag:s30] =	ssyncadd.s32 $0xFFFFC000  }
0x4c: {  	[tilespmem:s2], [sflag:$0x1] =	stream.linear.gather [hbm4b:s26+s2], $0x2780, $0x38;
	[tilespmem:$0x1C800] =	vst v63  }
0x4d: {  	_ =	swait.ge [sflag:s30], $0x2780  }
0x4e: {  	[sflag:s30] =	ssyncset.done $0x0  }
0x4f: {  	[sflag:s30] =	ssyncadd.s32 $0xFFFFD880  }
0x50: {  	s3 =	simm.s32 $0x0;
	[bflag:$0x0] =	sbarrier.arrive $0xFFFF  }
0x51: {  	[spmem:s1] =	stream.indirect.scatter.add.f32 [tilespmem:s31], [sflag:$0x1], $0x80, s3, s10, $0xb8;
	[tilespmem:$0x1C800] =	vst v63  }
0x52: {  	_ =	swait.ge [sflag:s30], $0x4000  }
0x53: {  	s3 =	simm.s32 $0x200;
	[sflag:s30] =	ssyncset.done $0x0  }
.LBB2_2:
0x54: {  	s4 =	sshra.s32 s3, $0x2;
	[sflag:s30] =	ssyncadd.s32 $0xFFFFC000;
	p0 =	sne.s32 s3, $0x9C00  }
0x55: {  	[spmem:s1] =	stream.indirect.scatter.add.f32 [tilespmem:s31], [sflag:$0x1], $0x80, s4, s10, $0xb8;
	[tilespmem:$0x1C800] =	vst v63  }
.Ltmp0:
0x56: {  	_ = 	snop;
	(pc) =	sbr.rel @p0 .LBB2_2-.Ltmp0, $4  }
0x57: {  	_ = 	snop  }
0x58: {  	s3 =	sadd.s32 $0x200, s3  }
0x59: {  	_ =	swait.ge [sflag:s30], $0x4000  }
0x5a: {  	[sflag:s30] =	ssyncset.done $0x0  }
0x5b: {  	[sflag:s30] =	ssyncadd.s32 $0xFFFFC000  }
0x5c: {  	[bflag:$0x0] =	sbarrier.arrive $0xFFFF  }
0x5d: {  	[tilespmem:s29], [sflag:$0x1] =	stream.linear.gather [spmem:s16], $0x2000, $0x38;
	[tilespmem:$0x1C800] =	vst v63  }
0x5e: {  	_ =	swait.ge [sflag:s30], $0x2000  }
0x5f: {  	[sflag:s30] =	ssyncset.done $0x0  }
0x60: {  	s3 =	rddreg [dreg:$0x3];
	[sflag:s30] =	ssyncadd.s32 $0xFFFFE000  }
0x61: {  	[hbm4b:s3+s2] =	stream.linear.scatter [tilespmem:s29], [sflag:$0x1], $0x2000, $0x38;
	[tilespmem:$0x1C800] =	vst v63  }
0x62: {  	_ =	swait.ge [sflag:s30], $0x2000  }
0x63: {  	[sflag:s30] =	ssyncset.done $0x0  }
0x64: {  	[sflag:s30] =	ssyncadd.s32 $0xFFFFE000  }
0x65: {  	[tilespmem:s29], [sflag:$0x1] =	stream.linear.gather [spmem:s17], $0x2000, $0x38;
	[tilespmem:$0x1C800] =	vst v63  }
0x66: {  	_ =	swait.ge [sflag:s30], $0x2000  }
0x67: {  	[sflag:s30] =	ssyncset.done $0x0  }
0x68: {  	s4 =	rddreg [dreg:$0x4];
	[sflag:s30] =	ssyncadd.s32 $0xFFFFE000  }
0x69: {  	[hbm4b:s4+s2] =	stream.linear.scatter [tilespmem:s29], [sflag:$0x1], $0x2000, $0x38;
	[tilespmem:$0x1C800] =	vst v63  }
0x6a: {  	_ =	swait.ge [sflag:s30], $0x2000  }
0x6b: {  	[sflag:s30] =	ssyncset.done $0x0  }
0x6c: {  	[sflag:s30] =	ssyncadd.s32 $0xFFFFE000  }
0x6d: {  	[tilespmem:s29], [sflag:$0x1] =	stream.linear.gather [spmem:s18], $0x2000, $0x38;
	[tilespmem:$0x1C800] =	vst v63  }
0x6e: {  	_ =	swait.ge [sflag:s30], $0x2000  }
0x6f: {  	[sflag:s30] =	ssyncset.done $0x0  }
0x70: {  	[sflag:s30] =	ssyncadd.s32 $0xFFFFE000  }
0x71: {  	[hbm4b:s5+s2] =	stream.linear.scatter [tilespmem:s29], [sflag:$0x1], $0x2000, $0x38;
	[tilespmem:$0x1C800] =	vst v63  }
0x72: {  	_ =	swait.ge [sflag:s30], $0x2000  }
0x73: {  	[sflag:s30] =	ssyncset.done $0x0  }
0x74: {  	[sflag:s30] =	ssyncadd.s32 $0xFFFFE000  }
0x75: {  	[tilespmem:s29], [sflag:$0x1] =	stream.linear.gather [spmem:s19], $0x2000, $0x38;
	[tilespmem:$0x1C800] =	vst v63  }
0x76: {  	_ =	swait.ge [sflag:s30], $0x2000  }
0x77: {  	[sflag:s30] =	ssyncset.done $0x0  }
0x78: {  	[sflag:s30] =	ssyncadd.s32 $0xFFFFE000  }
0x79: {  	[hbm4b:s6+s2] =	stream.linear.scatter [tilespmem:s29], [sflag:$0x1], $0x2000, $0x38;
	[tilespmem:$0x1C800] =	vst v63  }
0x7a: {  	_ =	swait.ge [sflag:s30], $0x2000  }
0x7b: {  	[sflag:s30] =	ssyncset.done $0x0  }
0x7c: {  	[sflag:s30] =	ssyncadd.s32 $0xFFFFE000  }
0x7d: {  	[tilespmem:s29], [sflag:$0x1] =	stream.linear.gather [spmem:s20], $0x2000, $0x38;
	[tilespmem:$0x1C800] =	vst v63  }
0x7e: {  	_ =	swait.ge [sflag:s30], $0x2000  }
0x7f: {  	[sflag:s30] =	ssyncset.done $0x0  }
0x80: {  	[sflag:s30] =	ssyncadd.s32 $0xFFFFE000  }
0x81: {  	[hbm4b:s7+s2] =	stream.linear.scatter [tilespmem:s29], [sflag:$0x1], $0x2000, $0x38;
	[tilespmem:$0x1C800] =	vst v63  }
0x82: {  	_ =	swait.ge [sflag:s30], $0x2000  }
0x83: {  	[sflag:s30] =	ssyncset.done $0x0  }
0x84: {  	[sflag:s30] =	ssyncadd.s32 $0xFFFFE000  }
0x85: {  	[tilespmem:s29], [sflag:$0x1] =	stream.linear.gather [spmem:s21], $0x2000, $0x38;
	[tilespmem:$0x1C800] =	vst v63  }
0x86: {  	_ =	swait.ge [sflag:s30], $0x2000  }
0x87: {  	[sflag:s30] =	ssyncset.done $0x0  }
0x88: {  	[sflag:s30] =	ssyncadd.s32 $0xFFFFE000  }
0x89: {  	[hbm4b:s8+s2] =	stream.linear.scatter [tilespmem:s29], [sflag:$0x1], $0x2000, $0x38;
	[tilespmem:$0x1C800] =	vst v63  }
0x8a: {  	_ =	swait.ge [sflag:s30], $0x2000  }
0x8b: {  	[sflag:s30] =	ssyncset.done $0x0  }
0x8c: {  	[sflag:s30] =	ssyncadd.s32 $0xFFFFE000  }
0x8d: {  	[tilespmem:s29], [sflag:$0x1] =	stream.linear.gather [spmem:s22], $0x2000, $0x38;
	[tilespmem:$0x1C800] =	vst v63  }
0x8e: {  	_ =	swait.ge [sflag:s30], $0x2000  }
0x8f: {  	[sflag:s30] =	ssyncset.done $0x0  }
0x90: {  	[sflag:s30] =	ssyncadd.s32 $0xFFFFE000  }
0x91: {  	[hbm4b:s9+s2] =	stream.linear.scatter [tilespmem:s29], [sflag:$0x1], $0x2000, $0x38;
	[tilespmem:$0x1C800] =	vst v63  }
0x92: {  	_ =	swait.ge [sflag:s30], $0x2000  }
0x93: {  	[sflag:s30] =	ssyncset.done $0x0  }
0x94: {  	[sflag:s30] =	ssyncadd.s32 $0xFFFFE000  }
0x95: {  	[tilespmem:s29], [sflag:$0x1] =	stream.linear.gather [spmem:s23], $0x2000, $0x38;
	[tilespmem:$0x1C800] =	vst v63  }
0x96: {  	_ =	swait.ge [sflag:s30], $0x2000  }
0x97: {  	[sflag:s30] =	ssyncset.done $0x0  }
0x98: {  	[sflag:s30] =	ssyncadd.s32 $0xFFFFE000  }
0x99: {  	[hbm4b:s11+s2] =	stream.linear.scatter [tilespmem:s29], [sflag:$0x1], $0x2000, $0x38;
	[tilespmem:$0x1C800] =	vst v63  }
0x9a: {  	_ =	swait.ge [sflag:s30], $0x2000  }
0x9b: {  	[sflag:s30] =	ssyncset.done $0x0  }
0x9c: {  	[sflag:s30] =	ssyncadd.s32 $0xFFFFE000  }
0x9d: {  	[tilespmem:s29], [sflag:$0x1] =	stream.linear.gather [spmem:s24], $0x2000, $0x38;
	[tilespmem:$0x1C800] =	vst v63  }
0x9e: {  	_ =	swait.ge [sflag:s30], $0x2000  }
0x9f: {  	[sflag:s30] =	ssyncset.done $0x0  }
0xa0: {  	[sflag:s30] =	ssyncadd.s32 $0xFFFFE000  }
0xa1: {  	[hbm4b:s12+s2] =	stream.linear.scatter [tilespmem:s29], [sflag:$0x1], $0x2000, $0x38;
	[tilespmem:$0x1C800] =	vst v63  }
0xa2: {  	_ =	swait.ge [sflag:s30], $0x2000  }
0xa3: {  	[sflag:s30] =	ssyncset.done $0x0  }
0xa4: {  	[sflag:s30] =	ssyncadd.s32 $0xFFFFE000  }
0xa5: {  	[tilespmem:s29], [sflag:$0x1] =	stream.linear.gather [spmem:s25], $0x2000, $0x38;
	[tilespmem:$0x1C800] =	vst v63  }
0xa6: {  	s0 =	sadd.s32 $0x1, s0;
	_ =	swait.ge [sflag:s30], $0x2000  }
0xa7: {  	p0 =	sne.s32 s0, s28;
	[sflag:s30] =	ssyncset.done $0x0  }
.Ltmp1:
0xa8: {  	[sflag:s30] =	ssyncadd.s32 $0xFFFFE000;
	(pc) =	sbr.rel @p0 .LBB2_1-.Ltmp1, $4  }
0xa9: {  	[hbm4b:s13+s2] =	stream.linear.scatter [tilespmem:s29], [sflag:$0x1], $0x2000, $0x38;
	[tilespmem:$0x1C800] =	vst v63  }
0xaa: {  	_ =	swait.ge [sflag:s30], $0x2000  }
0xab: {  	[sflag:s30] =	ssyncset.done $0x0  }
0xac: {  	[sflag:s30] =	ssyncadd.s32 $0xFFFFE000  }
0xad: {  	_ =	sfence.sel $0x180000  }
0xae: {  	[bflag:$0x0] =	sbarrier.arrive $0xFFFF  }
0xaf: {  	_ =	strace $0x90000047  }
0xb0: {  	s0 =	stileid.u32;
	[bflag:$0x2] =	sbarrier.arrive $0xFFFF  }
0xb1: {  	p0 =	sne.s32 s0, $0x0;
	s0 =	rddreg [dreg:$0x2]  }
0xb2: {  	s0 =	sadd.s32 @!p0 $0x100000, s0  }
0xb3: {  	[sflag:s0] =	ssyncadd.tile.s32 @!p0 $0x1;
	_ =	shalt  }
.Lfunc_end2:
_tile_overlayer_lowered:
.L_overlay_start_2:
0xb4: {  	(tag) =	ssettag $0x2  }
0xb5: {  	s0 =	rddreg [dreg:$0x0];
	s2 =	stileid.u32  }
0xb6: {  	s1 =	rddreg [dreg:$0x1];
	p0 =	sne.s32 s2, $0x0  }
0xb7: {  	s3 =	rddreg [dreg:$0x2];
	[bflag:$0x3] =	sbarrier.arrive $0xFFFF;
	s2 =	simm.s32 @!p0 $0x1C01  }
0xb8: {  	[timem:s3], [sflag:s2] =	dma.local @!p0 [hbm:s0], s1  }
0xb9: {  	s0 =	simm.s32 @!p0 $0x1  }
0xba: {  	_ =	swait.ge @!p0 [sflag:s0], s1  }
0xbb: {  	s1 =	ssub.s32 @!p0 $0x0, s1;
	[sflag:s0] =	ssyncset.done @!p0 $0x0  }
0xbc: {  	[sflag:s0] =	ssyncadd.s32 @!p0 s1  }
0xbd: {  	[bflag:$0x3] =	sbarrier.arrive $0xFFFF  }
0xbe: {  	_ =	shalt  }

// kernel: kernel.13.cloned.1.call-start
scs
__scs_entry_jumppad:
0x0: {  	(pc) =	sbr.rel $0x88, $3  }
0x1: {  	(tag) =	ssettag $0x0;
	lr =	simm.s32 $0x1  }
0x2: {  	[smem:$0x3F84] =	sst lr;
	_ =	strace $0xD0000000  }
0x3: {  	_ = 	snop  }
0x4: {  	_ = 	snop  }
0x5: {  	_ = 	snop  }
0x6: {  	_ = 	snop  }
0x7: {  	_ = 	snop  }
__scs_overlays_trampoline_lowered:
0x8: {  	[smem:$0x3F93] =	sst s0  }
0x9: {  	[smem:$0x3F94] =	sst s1  }
0xa: {  	[smem:$0x3F95] =	sst s2  }
0xb: {  	[smem:$0x3F96] =	sst s3  }
0xc: {  	[smem:$0x3F97] =	sst s4  }
0xd: {  	[smem:$0x3F98] =	sst s5  }
0xe: {  	[smem:$0x3F99] =	sst s6  }
0xf: {  	[smem:$0x3F9A] =	sst s7  }
0x10: {  	[smem:$0x3F9B] =	sst s8  }
0x11: {  	[smem:$0x3F9C] =	sst s9;
	s0 =	simm.s32 @!p0 $0x0  }
0x12: {  	s1 =	sld [smem:$0x3F82];
	s0 =	simm.s32 @p0 $0x1  }
0x13: {  	[smem:$0x3F9D] =	sst s0;
	s0 =	simm.s32 @!p1 $0x0  }
0x14: {  	s2 =	sld [smem:$0x3F81];
	s0 =	simm.s32 @p1 $0x1  }
0x15: {  	[smem:$0x3F9E] =	sst s0;
	s0 =	simm.s32 @!p2 $0x0  }
0x16: {  	s3 =	sld [smem:$0x3FDB];
	s0 =	simm.s32 @p2 $0x1  }
0x17: {  	s4 =	simm.s32 $0x1BF5;
	[smem:$0x3FA0] =	sst s0  }
0x18: {  	s0 =	sld [smem:$0x3F83];
	_ =	swait.ge [sflag:s4], $0x0  }
0x19: {  	s7 =	sld [smem:$0x3F84]  }
0x1a: {  	s8 =	sadd.s32 $0xFFFFE003, lr  }
0x1b: {  	s9 =	sadd.s32 $0xFFFFFEF7, lr;
	s5 =	simm.s32 $0xFFFFFFFF;
	p2 =	slt.u32 s8, $0xFFFFF086  }
0x1c: {  	p1 =	slt.u32 s9, $0xF7A;
	s5 =	simm.s32 @!p2 $0x0  }
0x1d: {  	s5 =	simm.s32 @p1 $0x1;
	p0 =	seq.s32 s7, s2  }
0x1e: {  	s7 =	smul.u32 @!p0 $0xF7A, s2;
	p2 =	seq.s32 @!p0 s5, $0x0  }
0x1f: {  	s9 =	smul.u32 $0xF7A, s1;
	s8 =	simm.s32 @!p0 $0x1BF5;
	p2 =	por !p2, p0  }
0x20: {  	[sflag:s8] =	ssyncset.s32 @!p0 $0xFFFFF086;
	s6 =	sadd.s32 @!p0 s3, s7;
	s7 =	simm.s32 @!p0 $0x108  }
0x21: {  	s3 =	sadd.s32 s3, s9;
	s6 =	sadd.s32 @!p0 $0x88, s6;
	s7 =	simm.s32 @p2 $0x1082  }
0x22: {  	[simem:s7], [sflag:s8] =	dma.local @!p0 [hbm:s6], $0xF7A  }
0x23: {  	s9 =	sor.u32 $0xD0000000, s2;
	s6 =	simm.s32 $0x108;
	_ =	swait.ge @!p0 [sflag:s8], $0x0  }
0x24: {  	s3 =	sadd.s32 $0x88, s3;
	s6 =	simm.s32 @!p1 $0x1082;
	[sflag:s4] =	ssyncset.s32 $0xFFFFF086  }
0x25: {  	[simem:s6], [sflag:s4] =	dma.local [hbm:s3], $0xF7A  }
0x26: {  	[smem:$0x3F84] =	sst s1;
	(tag) =	ssettag s2;
	_ =	strace s9  }
0x27: {  	s1 =	sld [smem:$0x3F94]  }
0x28: {  	s2 =	sld [smem:$0x3F95]  }
0x29: {  	s4 =	sld [smem:$0x3F97]  }
0x2a: {  	p0 =	seq.s32 s5, $0x0;
	s5 =	sld [smem:$0x3F98]  }
0x2b: {  	s6 =	sld [smem:$0x3F99]  }
0x2c: {  	s7 =	sld [smem:$0x3F9A]  }
0x2d: {  	s3 =	simm.s32 $0x108;
	s8 =	sld [smem:$0x3F9B]  }
0x2e: {  	s3 =	simm.s32 @!p0 $0x1082;
	s9 =	sld [smem:$0x3F9C]  }
0x2f: {  	lr =	sadd.s32 s0, s3;
	s0 =	sld [smem:$0x3F93]  }
0x30: {  	s3 =	sld [smem:$0x3F96]  }
0x31: {  	[smem:$0x3F9F] =	sst s10  }
0x32: {  	s10 =	sld [smem:$0x3F9D];
	_ =	sdelay $0x3  }
0x33: {  	p0 =	seq.s32 s10, $0x1;
	s10 =	sld [smem:$0x3F9F];
	_ =	sdelay $0x3  }
0x34: {  	[smem:$0x3F9F] =	sst s10  }
0x35: {  	s10 =	sld [smem:$0x3F9E];
	_ =	sdelay $0x3  }
0x36: {  	p1 =	seq.s32 s10, $0x1;
	s10 =	sld [smem:$0x3F9F];
	_ =	sdelay $0x3  }
0x37: {  	[smem:$0x3F9F] =	sst s10  }
0x38: {  	s10 =	sld [smem:$0x3FA0]  }
0x39: {  	_ = 	snop;
	(pc) =	sbr.ind lr, $3  }
0x3a: {  	_ = 	snop  }
0x3b: {  	_ = 	snop  }
0x3c: {  	p2 =	seq.s32 s10, $0x1;
	s10 =	sld [smem:$0x3F9F]  }
0x3d: {  	_ =	shalt  }
0x3e: {  	_ =	shalt  }
0x3f: {  	_ =	shalt  }
0x40: {  	_ =	shalt  }
0x41: {  	_ =	shalt  }
0x42: {  	_ =	shalt  }
0x43: {  	_ =	shalt  }
0x44: {  	_ =	shalt  }
0x45: {  	_ =	shalt  }
0x46: {  	_ =	shalt  }
0x47: {  	_ =	shalt  }
0x48: {  	_ =	shalt  }
0x49: {  	_ =	shalt  }
0x4a: {  	_ =	shalt  }
0x4b: {  	_ =	shalt  }
0x4c: {  	_ =	shalt  }
0x4d: {  	_ =	shalt  }
0x4e: {  	_ =	shalt  }
0x4f: {  	_ =	shalt  }
0x50: {  	_ =	shalt  }
0x51: {  	_ =	shalt  }
0x52: {  	_ =	shalt  }
0x53: {  	_ =	shalt  }
0x54: {  	_ =	shalt  }
0x55: {  	_ =	shalt  }
0x56: {  	_ =	shalt  }
0x57: {  	_ =	shalt  }
0x58: {  	_ =	shalt  }
0x59: {  	_ =	shalt  }
0x5a: {  	_ =	shalt  }
0x5b: {  	_ =	shalt  }
0x5c: {  	_ =	shalt  }
0x5d: {  	_ =	shalt  }
0x5e: {  	_ =	shalt  }
0x5f: {  	_ =	shalt  }
0x60: {  	_ =	shalt  }
0x61: {  	_ =	shalt  }
0x62: {  	_ =	shalt  }
0x63: {  	_ =	shalt  }
0x64: {  	_ =	shalt  }
0x65: {  	_ =	shalt  }
0x66: {  	_ =	shalt  }
0x67: {  	_ =	shalt  }
0x68: {  	_ =	shalt  }
0x69: {  	_ =	shalt  }
0x6a: {  	_ =	shalt  }
0x6b: {  	_ =	shalt  }
0x6c: {  	_ =	shalt  }
0x6d: {  	_ =	shalt  }
0x6e: {  	_ =	shalt  }
0x6f: {  	_ =	shalt  }
0x70: {  	_ =	shalt  }
0x71: {  	_ =	shalt  }
0x72: {  	_ =	shalt  }
0x73: {  	_ =	shalt  }
0x74: {  	_ =	shalt  }
0x75: {  	_ =	shalt  }
0x76: {  	_ =	shalt  }
0x77: {  	_ =	shalt  }
0x78: {  	_ =	shalt  }
0x79: {  	_ =	shalt  }
0x7a: {  	_ =	shalt  }
0x7b: {  	_ =	shalt  }
0x7c: {  	_ =	shalt  }
0x7d: {  	_ =	shalt  }
0x7e: {  	_ =	shalt  }
0x7f: {  	_ =	shalt  }
0x80: {  	_ =	shalt  }
0x81: {  	_ =	shalt  }
0x82: {  	_ =	shalt  }
0x83: {  	_ =	shalt  }
0x84: {  	_ =	shalt  }
0x85: {  	_ =	shalt  }
0x86: {  	_ =	shalt  }
0x87: {  	_ =	shalt  }
.Lfunc_end0:
.L_simem_size_0:
called_computation.1_lowered:
.L_overlay_start_0:
0x88: {  	s2 =	sld [smem:$0x3FD9]  }
0x89: {  	s3 =	sld [smem:$0x3FFE];
	_ =	sdelay $0x1  }
0x8a: {  	s1 =	srdreg.scid  }
0x8b: {  	s0 =	sand.u32 $0x1, s1  }
0x8c: {  	s16 =	sshll.u32 s0, $0xA;
	s2 =	sadd.s32 s3, s2  }
0x8d: {  	s2 =	sadd.s32 s2, s16  }
0x8e: {  	[smem:$0x3FAB] =	sst s2  }
0x8f: {  	_ = 	snop  }
0x90: {  	(tm) =	ssettm $0x1  }
0x91: {  	s17 =	sld [smem:$0x3FFB];
	_ =	sdelay $0x3  }
0x92: {  	_ =	strace s17  }
0x93: {  	s2 =	sld [smem:$0x3FFC];
	_ =	sdelay $0x3  }
0x94: {  	_ =	strace s2  }
0x95: {  	s2 =	sld [smem:$0x3FFD];
	_ =	sdelay $0x3  }
0x96: {  	_ =	strace s2  }
0x97: {  	_ =	strace $0x8FFFFFFF  }
0x98: {  	s18 =	sld [smem:$0x3FDB];
	_ =	sdelay $0x1  }
0x99: {  	s19 =	simm.s32 $_scs_section_size  }
0x9a: {  	s4 =	simm.s32 $_size__tile_overlayer_lowered;
	s5 =	simm.s32 $_tile_overlayer_lowered  }
0x9b: {  	s22 =	simm.s32 $0x1BFF;
	s21 =	sshll.u32 s5, $0x1;
	s2 =	sadd.s32 s19, s18  }
0x9c: {  	s6 =	simm.s32 $0x0;
	s20 =	sshll.u32 s4, $0x1;
	s4 =	sadd.s32 s21, s2  }
0x9d: {  	[timem:s6], [sflag:s22] =	dma.local [hbm:s4], s20  }
0x9e: {  	_ =	swait.ge [sflag:s22], s20  }
0x9f: {  	s3 =	ssub.s32 $0x0, s20;
	[sflag:s22] =	ssyncset.done $0x0  }
0xa0: {  	[sflag:s22] =	ssyncadd.s32 s3;
	_ =	sdelay $0x1  }
0xa1: {  	s23 =	simm.s32 $0x1B8B  }
0xa2: {  	_ =	swait.ge [sflag:s23], $0x1  }
0xa3: {  	[sflag:s23] =	ssyncset.done $0x0  }
0xa4: {  	s25 =	simm.s32 $0x1B8E;
	s24 =	sld [smem:$0x3FFE];
	[sflag:s23] =	ssyncadd.s32 $0xFFFFFFFF  }
0xa5: {  	s26 =	simm.s32 $execute0_lowered;
	[smem:$0x3FD2] =	sst s25  }
0xa6: {  	s4 =	sshll.u32 s26, $0x1;
	_ =	strace $0x80000049;
	[dreg:$0x1] =	wrdreg $0xFFFFFFFF  }
0xa7: {  	s28 =	simm.s32 $_size_execute0_lowered;
	s2 =	sadd.s32 s2, s4;
	[dreg:$0x0] =	wrdreg $0x0  }
0xa8: {  	s4 =	sshll.u32 s28, $0x1;
	[dreg:$0x2] =	wrdreg s2  }
0xa9: {  	[dreg:$0x3] =	wrdreg s4  }
0xaa: {  	[dreg:$0x4] =	wrdreg $0xC0  }
0xab: {  	_ =	task [dreg:s6], $0x5FFFF  }
0xac: {  	[dreg:$0x1] =	wrdreg $0xFFFFFFFF  }
0xad: {  	[dreg:$0x0] =	wrdreg $0x60  }
0xae: {  	[dreg:$0x2] =	wrdreg s24  }
0xaf: {  	[dreg:$0x3] =	wrdreg $0xA8000  }
0xb0: {  	[dreg:$0x4] =	wrdreg $0x9  }
0xb1: {  	_ =	task.clear_ibuf [dreg:s6], $0x5FFFF;
	_ =	strace $0x90000049  }
0xb2: {  	s29 =	simm.s32 $0x9;
	_ =	strace $0x8000004B  }
0xb3: {  	_ =	swait.ge [sflag:s29], $0x1  }
0xb4: {  	[sflag:s29] =	ssyncadd.s32 $0xFFFFFFFF  }
0xb5: {  	_ =	strace $0x9000004B  }
0xb6: {  	_ =	sfence  }
0xb7: {  	s30 =	sld [smem:$0x0];
	_ =	sdelay $0x2  }
0xb8: {  	s31 =	sshll.u32 s1, $0xD;
	s1 =	sshrl.u32 s1, $0x2  }
0xb9: {  	s3 =	sand.u32 $0x4000, s31;
	s1 =	sadd.s32 s1, s30  }
0xba: {  	s0 =	sor.u32 s3, s0;
	s1 =	sshll.u32 s1, $0x11  }
0xbb: {  	s0 =	sor.u32 s1, s0  }
0xbc: {  	s0 =	sadd.s32 $0x8F2B, s0  }
0xbd: {  	[sflag:s0] =	ssyncadd.remote.s32 $0x1  }
0xbe: {  	_ =	sfence.sel $0xFFFF  }
0xbf: {  	[dreg:$0x0] =	wrdreg $0xFFFFFFFF;
	(pc) =	sbr.abs _section_cstart, $3  }
0xc0: {  	[dreg:$0x1] =	wrdreg $0xFFFFFFFF  }
0xc1: {  	_ =	task.clear_ibuf [dreg:s6], $0x2FFFF;
	_ =	strace $0x9FFFFFFF  }
0xc2: {  	(tm) =	ssettm $0x7FFFFFFF  }
0xc3: {  	_ =	shalt  }
tec
execute0_lowered:
.L_overlay_start_1:
0x0: {  	(tag) =	ssettag $0x1  }
0x1: {  	s0 =	rddreg [dreg:$0x0]  }
0x2: {  	s1 =	rddreg [dreg:$0x1];
	s2 =	simm.s32 $0x0;
	s3 =	srdreg.scid  }
0x3: {  	s5 =	stileid.u32;
	s22 =	simm.s32 $0x3;
	s23 =	simm.s32 $0x2  }
0x4: {  	s28 =	simm.s32 $0x80;
	s30 =	simm.s32 $0x4;
	s31 =	simm.s32 $0x0  }
0x5: {  	[smem:$0x7FF] =	sst s2;
	s4 =	sadd.s32 $0x10E00, s0;
	s13 =	sadd.s32 $0x61A00, s0  }
0x6: {  	s3 =	sand.u32 $0x1, s3;
	s14 =	sadd.s32 $0x6E00, s0;
	s7 =	smul.u32 $0x50000, s5  }
0x7: {  	s8 =	sadd.s32 $0x5F200, s0;
	s0 =	sadd.s32 $0x6BA00, s0;
	s15 =	smul.u32 $0x14000, s5  }
0x8: {  	_ =	strace $0x8000004A;
	s6 =	ssub.s32 $0x2, s3;
	[dreg:$0x3] =	wrdreg s8  }
0x9: {  	s9 =	sshll.u32 s3, $0x4;
	s3 =	smul.u32 $0x140000, s3;
	s24 =	sshrl.u32 s6, $0x1  }
0xa: {  	s7 =	sshrl.u32 s7, $0x2;
	s25 =	sor.u32 s5, s9;
	s16 =	sadd.s32 $0x4000, s15  }
0xb: {  	s17 =	sadd.s32 $0x8000, s15;
	s18 =	sadd.s32 $0xC000, s15;
	s19 =	sadd.s32 $0x10000, s15  }
0xc: {  	s20 =	ssub.s32 s6, s24;
	s6 =	sadd.s32 s7, s1;
	s9 =	smul.u32 $0x2800, s25  }
0xd: {  	s7 =	sadd.s32 s16, s1;
	s8 =	sadd.s32 s17, s1;
	s10 =	sadd.s32 s19, s1  }
0xe: {  	s15 =	sadd.s32 s15, s3;
	s16 =	sadd.s32 s3, s16;
	s17 =	sadd.s32 s3, s17  }
0xf: {  	s15 =	sshrl.u32 s15, $0x3;
	s16 =	sshrl.u32 s16, $0x3;
	s17 =	sshrl.u32 s17, $0x3  }
0x10: {  	s20 =	smax.u32 s20, $0x1;
	s21 =	sshrl.u32 s9, $0x3;
	s9 =	sadd.s32 s18, s1  }
0x11: {  	s15 =	sadd.s32 s0, s15;
	s16 =	sadd.s32 s0, s16;
	s18 =	sadd.s32 s3, s18  }
0x12: {  	s3 =	sadd.s32 s3, s19;
	s17 =	sadd.s32 s0, s17;
	s26 =	sadd.s32 s13, s21  }
0x13: {  	s29 =	sadd.s32 s14, s21;
	s21 =	sadd.s32 $0x280, s21;
	[dreg:$0x4] =	wrdreg s26  }
0x14: {  	s18 =	sshrl.u32 s18, $0x3;
	s3 =	sshrl.u32 s3, $0x3;
	[dreg:$0x5] =	wrdreg s29  }
0x15: {  	s13 =	sadd.s32 s13, s21;
	s14 =	sadd.s32 s14, s21;
	s18 =	sadd.s32 s0, s18  }
0x16: {  	s19 =	sadd.s32 s0, s3;
	s21 =	simm.s32 $0x2800;
	s26 =	simm.s32 $0x1  }
.LBB2_1:
0x17: {  	s0 =	rddreg [dreg:$0x3]  }
0x18: {  	[tilespmem:s21], [sflag:$0x3] =	stream.linear.gather [hbm4b:s0+s2], $0x4000, $0x38;
	[tilespmem:$0x1E800] =	vst v63  }
0x19: {  	_ =	swait.ge [sflag:s22], $0x4000  }
0x1a: {  	[sflag:s22] =	ssyncset.done $0x0  }
0x1b: {  	[sflag:s22] =	ssyncadd.s32 $0xFFFFC000  }
0x1c: {  	[spmem:s6] =	stream.linear.scatter [tilespmem:s21], [sflag:$0x3], $0x4000, $0x38;
	[tilespmem:$0x1E800] =	vst v63  }
0x1d: {  	_ =	swait.ge [sflag:s22], $0x4000  }
0x1e: {  	[sflag:s22] =	ssyncset.done $0x0  }
0x1f: {  	[sflag:s22] =	ssyncadd.s32 $0xFFFFC000  }
0x20: {  	[spmem:s7] =	stream.linear.scatter [tilespmem:s21], [sflag:$0x3], $0x4000, $0x38;
	[tilespmem:$0x1E800] =	vst v63  }
0x21: {  	_ =	swait.ge [sflag:s22], $0x4000  }
0x22: {  	[sflag:s22] =	ssyncset.done $0x0  }
0x23: {  	[sflag:s22] =	ssyncadd.s32 $0xFFFFC000  }
0x24: {  	[spmem:s8] =	stream.linear.scatter [tilespmem:s21], [sflag:$0x3], $0x4000, $0x38;
	[tilespmem:$0x1E800] =	vst v63  }
0x25: {  	_ =	swait.ge [sflag:s22], $0x4000  }
0x26: {  	[sflag:s22] =	ssyncset.done $0x0  }
0x27: {  	[sflag:s22] =	ssyncadd.s32 $0xFFFFC000  }
0x28: {  	[spmem:s9] =	stream.linear.scatter [tilespmem:s21], [sflag:$0x3], $0x4000, $0x38;
	[tilespmem:$0x1E800] =	vst v63  }
0x29: {  	_ =	swait.ge [sflag:s22], $0x4000  }
0x2a: {  	[sflag:s22] =	ssyncset.done $0x0  }
0x2b: {  	[sflag:s22] =	ssyncadd.s32 $0xFFFFC000  }
0x2c: {  	[spmem:s10] =	stream.linear.scatter [tilespmem:s21], [sflag:$0x3], $0x4000, $0x38;
	[tilespmem:$0x1E800] =	vst v63  }
0x2d: {  	_ =	swait.ge [sflag:s22], $0x4000  }
0x2e: {  	[sflag:s22] =	ssyncset.done $0x0  }
0x2f: {  	[sflag:s22] =	ssyncadd.s32 $0xFFFFC000  }
0x30: {  	[bflag:$0x0] =	sbarrier.arrive $0xFFFF  }
0x31: {  	s5 =	rddreg [dreg:$0x4]  }
0x32: {  	[tilespmem:s2], [sflag:$0x3] =	stream.linear.gather [hbm4b:s5+s2], $0x1400, $0x38;
	[tilespmem:$0x1E800] =	vst v63  }
0x33: {  	_ =	swait.ge [sflag:s22], $0x1400  }
0x34: {  	[sflag:s22] =	ssyncset.done $0x0  }
0x35: {  	s0 =	simm.s32 $0x1400;
	s3 =	rddreg [dreg:$0x5];
	[sflag:s22] =	ssyncadd.s32 $0xFFFFEC00  }
0x36: {  	[tilespmem:s0], [sflag:$0x3] =	stream.linear.gather [hbm4b:s3+s2], $0x1400, $0x38;
	[tilespmem:$0x1E800] =	vst v63  }
0x37: {  	_ =	swait.ge [sflag:s22], $0x1400  }
0x38: {  	s11 =	sand.u32 $0x1, s2;
	[sflag:s22] =	ssyncset.done $0x0  }
0x39: {  	p0 =	seq.s32 s11, $0x1;
	p1 =	seq.s32 s11, $0x0;
	[sflag:s22] =	ssyncadd.s32 $0xFFFFEC00  }
0x3a: {  	[tilespmem:s21], [sflag:$0x1] =	stream.indirect.gather [hbm4b:s4+s28], $0x80, s2, s28, $0xb8;
	[tilespmem:$0x1E800] =	vst v63  }
0x3b: {  	p2 =	sne.s32 s11, $0x0;
	s24 =	simm.s32 @!p0 $0x80;
	s25 =	simm.s32 @!p0 $0x6800  }
0x3c: {  	[tilespmem:s25], [sflag:$0x2] =	stream.indirect.gather @!p0 [hbm4b:s4+s24], $0x80, s28, s24, $0xb8;
	[tilespmem:$0x1E800] =	vst v63  }
0x3d: {  	s3 =	simm.s32 @!p2 $0x1;
	s24 =	simm.s32 @!p1 $0x80;
	s25 =	simm.s32 @!p1 $0x2800  }
0x3e: {  	[tilespmem:s25], [sflag:$0x1] =	stream.indirect.gather @!p1 [hbm4b:s4+s24], $0x80, s28, s24, $0xb8;
	[tilespmem:$0x1E800] =	vst v63  }
0x3f: {  	_ =	swait.ge @!p2 [sflag:s3], $0x4000  }
0x40: {  	s24 =	simm.s32 @!p2 $0x80;
	[sflag:s3] =	ssyncset.done @!p2 $0x0  }
0x41: {  	s25 =	simm.s32 @!p2 $0x2800;
	[sflag:s3] =	ssyncadd.s32 @!p2 $0xFFFFC000;
	s3 =	simm.s32 @!p2 $0x4  }
0x42: {  	[spmem:s1] =	stream.indirect.scatter.add.f32 @!p2 [tilespmem:s25], [sflag:$0x4], $0x80, s0, s24, $0xb8;
	[tilespmem:$0x1E800] =	vst v63  }
0x43: {  	_ =	swait.ge @!p2 [sflag:s3], $0x4000  }
0x44: {  	p0 =	por p0, p0;
	[sflag:s3] =	ssyncset.done @!p2 $0x0  }
0x45: {  	s24 =	simm.s32 @p0 $0x2;
	[sflag:s3] =	ssyncadd.s32 @!p2 $0xFFFFC000  }
0x46: {  	_ =	swait.ge @p0 [sflag:s24], $0x4000  }
0x47: {  	s12 =	simm.s32 $0x1;
	[sflag:s24] =	ssyncset.done @p0 $0x0  }
0x48: {  	s29 =	simm.s32 @p0 $0x6800;
	s3 =	simm.s32 @p0 $0x80;
	[sflag:s24] =	ssyncadd.s32 @p0 $0xFFFFC000  }
0x49: {  	[spmem:s1] =	stream.indirect.scatter.add.f32 @p0 [tilespmem:s29], [sflag:$0x3], $0x80, s0, s3, $0xb8;
	[tilespmem:$0x1E800] =	vst v63  }
0x4a: {  	s25 =	sand.u32 $0x1, s12;
	s24 =	simm.s32 $0x2;
	s29 =	simm.s32 @p0 $0x3  }
0x4b: {  	s3 =	simm.s32 $0x100;
	s0 =	simm.s32 $0x1480;
	_ =	swait.ge @p0 [sflag:s29], $0x4000  }
.LBB2_2:
0x4c: {  	p3 =	seq.s32 s25, $0x1;
	p1 =	seq.s32 s25, $0x0;
	[sflag:s29] =	ssyncset.done @p0 $0x0  }
0x4d: {  	s5 =	simm.s32 @!p3 $0x80;
	s11 =	simm.s32 @!p3 $0x6800;
	[sflag:s29] =	ssyncadd.s32 @p0 $0xFFFFC000  }
0x4e: {  	[tilespmem:s11], [sflag:$0x2] =	stream.indirect.gather @!p3 [hbm4b:s4+s5], $0x80, s3, s5, $0xb8;
	[tilespmem:$0x1E800] =	vst v63  }
0x4f: {  	p2 =	sne.s32 s25, $0x0;
	s5 =	simm.s32 @!p1 $0x80;
	s11 =	simm.s32 @!p1 $0x2800  }
0x50: {  	[tilespmem:s11], [sflag:$0x1] =	stream.indirect.gather @!p1 [hbm4b:s4+s5], $0x80, s3, s5, $0xb8;
	[tilespmem:$0x1E800] =	vst v63  }
0x51: {  	s5 =	simm.s32 @!p2 $0x1;
	s11 =	smov.u32 s24;
	s24 =	sadd.s32 $0x1, s24  }
0x52: {  	p0 =	por p3, p3;
	p1 =	sne.s32 s24, $0x27;
	_ =	swait.ge @!p2 [sflag:s5], $0x4000  }
0x53: {  	s25 =	simm.s32 @!p2 $0x80;
	s29 =	simm.s32 @!p2 $0x2800;
	[sflag:s5] =	ssyncset.done @!p2 $0x0  }
0x54: {  	[sflag:s5] =	ssyncadd.s32 @!p2 $0xFFFFC000;
	s5 =	simm.s32 @!p2 $0x4  }
0x55: {  	[spmem:s1] =	stream.indirect.scatter.add.f32 @!p2 [tilespmem:s29], [sflag:$0x4], $0x80, s0, s25, $0xb8;
	[tilespmem:$0x1E800] =	vst v63  }
0x56: {  	_ =	swait.ge @!p2 [sflag:s5], $0x4000  }
0x57: {  	s25 =	simm.s32 @p0 $0x2;
	[sflag:s5] =	ssyncset.done @!p2 $0x0  }
0x58: {  	[sflag:s5] =	ssyncadd.s32 @!p2 $0xFFFFC000  }
.Ltmp0:
0x59: {  	_ =	swait.ge @p0 [sflag:s25], $0x4000;
	(pc) =	sbr.rel @p1 .LBB2_2-.Ltmp0, $4  }
0x5a: {  	s12 =	simm.s32 @p0 $0x6800;
	s5 =	simm.s32 @p0 $0x80;
	[sflag:s25] =	ssyncset.done @p0 $0x0  }
0x5b: {  	s3 =	sadd.s32 $0x80, s3;
	s29 =	simm.s32 @p0 $0x3;
	[sflag:s25] =	ssyncadd.s32 @p0 $0xFFFFC000  }
0x5c: {  	[spmem:s1] =	stream.indirect.scatter.add.f32 @p0 [tilespmem:s12], [sflag:$0x3], $0x80, s0, s5, $0xb8;
	[tilespmem:$0x1E800] =	vst v63  }
0x5d: {  	s25 =	sand.u32 $0x1, s11;
	s0 =	sadd.s32 $0x80, s0;
	_ =	swait.ge @p0 [sflag:s29], $0x4000  }
0x5e: {  	p1 =	seq.s32 s25, $0x1;
	p2 =	seq.s32 s25, $0x0;
	[sflag:s29] =	ssyncset.done @p0 $0x0  }
0x5f: {  	s5 =	simm.s32 @!p1 $0x80;
	s11 =	simm.s32 @!p1 $0x6800;
	[sflag:s29] =	ssyncadd.s32 @p0 $0xFFFFC000  }
0x60: {  	[tilespmem:s11], [sflag:$0x2] =	stream.indirect.gather @!p1 [hbm4b:s4+s5], $0x80, s3, s5, $0xb8;
	[tilespmem:$0x1E800] =	vst v63  }
0x61: {  	p0 =	sne.s32 s25, $0x0;
	s5 =	simm.s32 @!p2 $0x80;
	s11 =	simm.s32 @!p2 $0x2800  }
0x62: {  	[tilespmem:s11], [sflag:$0x1] =	stream.indirect.gather @!p2 [hbm4b:s4+s5], $0x80, s3, s5, $0xb8;
	[tilespmem:$0x1E800] =	vst v63  }
0x63: {  	s3 =	simm.s32 @!p0 $0x1  }
0x64: {  	_ =	swait.ge @!p0 [sflag:s3], $0x4000  }
0x65: {  	s5 =	simm.s32 @!p0 $0x80;
	[sflag:s3] =	ssyncset.done @!p0 $0x0  }
0x66: {  	s11 =	simm.s32 @!p0 $0x2800;
	[sflag:s3] =	ssyncadd.s32 @!p0 $0xFFFFC000;
	s3 =	simm.s32 @!p0 $0x4  }
0x67: {  	[spmem:s1] =	stream.indirect.scatter.add.f32 @!p0 [tilespmem:s11], [sflag:$0x4], $0x80, s0, s5, $0xb8;
	[tilespmem:$0x1E800] =	vst v63  }
0x68: {  	_ =	swait.ge @!p0 [sflag:s3], $0x4000  }
0x69: {  	p1 =	por p1, p1;
	[sflag:s3] =	ssyncset.done @!p0 $0x0  }
0x6a: {  	s5 =	simm.s32 @p1 $0x2;
	[sflag:s3] =	ssyncadd.s32 @!p0 $0xFFFFC000  }
0x6b: {  	_ =	swait.ge @p1 [sflag:s5], $0x4000  }
0x6c: {  	s11 =	simm.s32 @p1 $0x6800;
	[sflag:s5] =	ssyncset.done @p1 $0x0  }
0x6d: {  	s3 =	simm.s32 @p1 $0x80;
	[sflag:s5] =	ssyncadd.s32 @p1 $0xFFFFC000;
	s5 =	simm.s32 @p1 $0x3  }
0x6e: {  	[spmem:s1] =	stream.indirect.scatter.add.f32 @p1 [tilespmem:s11], [sflag:$0x3], $0x80, s0, s3, $0xb8;
	[tilespmem:$0x1E800] =	vst v63  }
0x6f: {  	_ =	swait.ge @p1 [sflag:s5], $0x4000  }
0x70: {  	[sflag:s5] =	ssyncset.done @p1 $0x0  }
0x71: {  	[sflag:s5] =	ssyncadd.s32 @p1 $0xFFFFC000  }
0x72: {  	_ =	swait.ge [sflag:s23], $0x4000  }
0x73: {  	s12 =	simm.s32 $0x6800;
	[sflag:s23] =	ssyncset.done $0x0  }
0x74: {  	s0 =	simm.s32 $0x80;
	s11 =	simm.s32 $0x2780;
	[sflag:s23] =	ssyncadd.s32 $0xFFFFC000  }
0x75: {  	[spmem:s1] =	stream.indirect.scatter.add.f32 [tilespmem:s12], [sflag:$0x3], $0x80, s11, s0, $0xb8;
	[tilespmem:$0x1E800] =	vst v63  }
0x76: {  	_ =	swait.ge [sflag:s22], $0x4000  }
0x77: {  	[sflag:s22] =	ssyncset.done $0x0  }
0x78: {  	s24 =	simm.s32 $0x0;
	[sflag:s22] =	ssyncadd.s32 $0xFFFFC000  }
0x79: {  	[tilespmem:s24], [sflag:$0x3] =	stream.linear.gather [hbm4b:s13+s24], $0x1380, $0x38;
	[tilespmem:$0x1E800] =	vst v63  }
0x7a: {  	_ =	swait.ge [sflag:s22], $0x1380  }
0x7b: {  	[sflag:s22] =	ssyncset.done $0x0  }
0x7c: {  	s5 =	simm.s32 $0x1400;
	[sflag:s22] =	ssyncadd.s32 $0xFFFFEC80  }
0x7d: {  	[tilespmem:s5], [sflag:$0x3] =	stream.linear.gather [hbm4b:s14+s24], $0x1380, $0x38;
	[tilespmem:$0x1E800] =	vst v63  }
0x7e: {  	_ =	swait.ge [sflag:s22], $0x1380  }
0x7f: {  	s3 =	sand.u32 $0x1, s24;
	[sflag:s22] =	ssyncset.done $0x0  }
0x80: {  	p0 =	seq.s32 s3, $0x1;
	[sflag:s22] =	ssyncadd.s32 $0xFFFFEC80  }
0x81: {  	[tilespmem:s21], [sflag:$0x1] =	stream.indirect.gather [hbm4b:s4+s0], $0x80, s24, s0, $0xb8;
	[tilespmem:$0x1E800] =	vst v63  }
0x82: {  	p1 =	seq.s32 s3, $0x0;
	s11 =	simm.s32 @!p0 $0x80;
	s12 =	simm.s32 @!p0 $0x6800  }
0x83: {  	[tilespmem:s12], [sflag:$0x2] =	stream.indirect.gather @!p0 [hbm4b:s4+s11], $0x80, s0, s11, $0xb8;
	[tilespmem:$0x1E800] =	vst v63  }
0x84: {  	p2 =	sne.s32 s3, $0x0;
	s11 =	simm.s32 @!p1 $0x80;
	s12 =	simm.s32 @!p1 $0x2800  }
0x85: {  	[tilespmem:s12], [sflag:$0x1] =	stream.indirect.gather @!p1 [hbm4b:s4+s11], $0x80, s0, s11, $0xb8;
	[tilespmem:$0x1E800] =	vst v63  }
0x86: {  	s0 =	simm.s32 @!p2 $0x1  }
0x87: {  	_ =	swait.ge @!p2 [sflag:s0], $0x4000  }
0x88: {  	s3 =	simm.s32 @!p2 $0x80;
	[sflag:s0] =	ssyncset.done @!p2 $0x0  }
0x89: {  	s11 =	simm.s32 @!p2 $0x2800;
	[sflag:s0] =	ssyncadd.s32 @!p2 $0xFFFFC000;
	s0 =	simm.s32 @!p2 $0x4  }
0x8a: {  	[spmem:s1] =	stream.indirect.scatter.add.f32 @!p2 [tilespmem:s11], [sflag:$0x4], $0x80, s5, s3, $0xb8;
	[tilespmem:$0x1E800] =	vst v63  }
0x8b: {  	_ =	swait.ge @!p2 [sflag:s0], $0x4000  }
0x8c: {  	p0 =	por p0, p0;
	[sflag:s0] =	ssyncset.done @!p2 $0x0  }
0x8d: {  	s25 =	simm.s32 $0x1;
	s3 =	simm.s32 @p0 $0x2;
	[sflag:s0] =	ssyncadd.s32 @!p2 $0xFFFFC000  }
0x8e: {  	s25 =	sand.u32 $0x1, s25;
	_ =	swait.ge @p0 [sflag:s3], $0x4000  }
0x8f: {  	s24 =	simm.s32 $0x2;
	s29 =	simm.s32 @p0 $0x3;
	[sflag:s3] =	ssyncset.done @p0 $0x0  }
0x90: {  	s12 =	simm.s32 @p0 $0x6800;
	s11 =	simm.s32 @p0 $0x80;
	[sflag:s3] =	ssyncadd.s32 @p0 $0xFFFFC000  }
0x91: {  	[spmem:s1] =	stream.indirect.scatter.add.f32 @p0 [tilespmem:s12], [sflag:$0x3], $0x80, s5, s11, $0xb8;
	[tilespmem:$0x1E800] =	vst v63  }
0x92: {  	s0 =	simm.s32 $0x1480;
	s3 =	simm.s32 $0x100;
	_ =	swait.ge @p0 [sflag:s29], $0x4000  }
.LBB2_4:
0x93: {  	p3 =	seq.s32 s25, $0x1;
	p1 =	seq.s32 s25, $0x0;
	[sflag:s29] =	ssyncset.done @p0 $0x0  }
0x94: {  	s5 =	simm.s32 @!p3 $0x80;
	s11 =	simm.s32 @!p3 $0x6800;
	[sflag:s29] =	ssyncadd.s32 @p0 $0xFFFFC000  }
0x95: {  	[tilespmem:s11], [sflag:$0x2] =	stream.indirect.gather @!p3 [hbm4b:s4+s5], $0x80, s3, s5, $0xb8;
	[tilespmem:$0x1E800] =	vst v63  }
0x96: {  	p2 =	sne.s32 s25, $0x0;
	s5 =	simm.s32 @!p1 $0x80;
	s11 =	simm.s32 @!p1 $0x2800  }
0x97: {  	[tilespmem:s11], [sflag:$0x1] =	stream.indirect.gather @!p1 [hbm4b:s4+s5], $0x80, s3, s5, $0xb8;
	[tilespmem:$0x1E800] =	vst v63  }
0x98: {  	s5 =	simm.s32 @!p2 $0x1;
	s11 =	smov.u32 s24;
	s24 =	sadd.s32 $0x1, s24  }
0x99: {  	p0 =	por p3, p3;
	p1 =	sne.s32 s24, $0x26;
	_ =	swait.ge @!p2 [sflag:s5], $0x4000  }
0x9a: {  	s12 =	simm.s32 @!p2 $0x80;
	s25 =	simm.s32 @!p2 $0x2800;
	[sflag:s5] =	ssyncset.done @!p2 $0x0  }
0x9b: {  	[sflag:s5] =	ssyncadd.s32 @!p2 $0xFFFFC000;
	s5 =	simm.s32 @!p2 $0x4  }
0x9c: {  	[spmem:s1] =	stream.indirect.scatter.add.f32 @!p2 [tilespmem:s25], [sflag:$0x4], $0x80, s0, s12, $0xb8;
	[tilespmem:$0x1E800] =	vst v63  }
0x9d: {  	_ =	swait.ge @!p2 [sflag:s5], $0x4000  }
0x9e: {  	s12 =	simm.s32 @p0 $0x2;
	[sflag:s5] =	ssyncset.done @!p2 $0x0  }
0x9f: {  	[sflag:s5] =	ssyncadd.s32 @!p2 $0xFFFFC000  }
.Ltmp1:
0xa0: {  	_ =	swait.ge @p0 [sflag:s12], $0x4000;
	(pc) =	sbr.rel @p1 .LBB2_4-.Ltmp1, $4  }
0xa1: {  	s25 =	simm.s32 @p0 $0x6800;
	s5 =	simm.s32 @p0 $0x80;
	[sflag:s12] =	ssyncset.done @p0 $0x0  }
0xa2: {  	s29 =	simm.s32 @p0 $0x3;
	s3 =	sadd.s32 $0x80, s3;
	[sflag:s12] =	ssyncadd.s32 @p0 $0xFFFFC000  }
0xa3: {  	[spmem:s1] =	stream.indirect.scatter.add.f32 @p0 [tilespmem:s25], [sflag:$0x3], $0x80, s0, s5, $0xb8;
	[tilespmem:$0x1E800] =	vst v63  }
0xa4: {  	s25 =	sand.u32 $0x1, s11;
	s0 =	sadd.s32 $0x80, s0;
	_ =	swait.ge @p0 [sflag:s29], $0x4000  }
0xa5: {  	p1 =	seq.s32 s25, $0x1;
	p2 =	seq.s32 s25, $0x0;
	[sflag:s29] =	ssyncset.done @p0 $0x0  }
0xa6: {  	s5 =	simm.s32 @!p1 $0x80;
	[sflag:s29] =	ssyncadd.s32 @p0 $0xFFFFC000;
	s11 =	simm.s32 @!p1 $0x6800  }
0xa7: {  	[tilespmem:s11], [sflag:$0x2] =	stream.indirect.gather @!p1 [hbm4b:s4+s5], $0x80, s3, s5, $0xb8;
	[tilespmem:$0x1E800] =	vst v63  }
0xa8: {  	p0 =	sne.s32 s25, $0x0;
	s5 =	simm.s32 @!p2 $0x80;
	s11 =	simm.s32 @!p2 $0x2800  }
0xa9: {  	[tilespmem:s11], [sflag:$0x1] =	stream.indirect.gather @!p2 [hbm4b:s4+s5], $0x80, s3, s5, $0xb8;
	[tilespmem:$0x1E800] =	vst v63  }
0xaa: {  	s3 =	simm.s32 @!p0 $0x1  }
0xab: {  	_ =	swait.ge @!p0 [sflag:s3], $0x4000  }
0xac: {  	[sflag:s3] =	ssyncset.done @!p0 $0x0  }
0xad: {  	s5 =	simm.s32 @!p0 $0x80;
	[sflag:s3] =	ssyncadd.s32 @!p0 $0xFFFFC000;
	s3 =	simm.s32 @!p0 $0x2800  }
0xae: {  	[spmem:s1] =	stream.indirect.scatter.add.f32 @!p0 [tilespmem:s3], [sflag:$0x4], $0x80, s0, s5, $0xb8;
	[tilespmem:$0x1E800] =	vst v63  }
0xaf: {  	s3 =	simm.s32 @!p0 $0x4  }
0xb0: {  	_ =	swait.ge @!p0 [sflag:s3], $0x4000  }
0xb1: {  	p1 =	por p1, p1;
	[sflag:s3] =	ssyncset.done @!p0 $0x0  }
0xb2: {  	s5 =	simm.s32 @p1 $0x2;
	[sflag:s3] =	ssyncadd.s32 @!p0 $0xFFFFC000  }
0xb3: {  	_ =	swait.ge @p1 [sflag:s5], $0x4000  }
0xb4: {  	[sflag:s5] =	ssyncset.done @p1 $0x0  }
0xb5: {  	s3 =	simm.s32 @p1 $0x80;
	[sflag:s5] =	ssyncadd.s32 @p1 $0xFFFFC000;
	s5 =	simm.s32 @p1 $0x6800  }
0xb6: {  	[spmem:s1] =	stream.indirect.scatter.add.f32 @p1 [tilespmem:s5], [sflag:$0x3], $0x80, s0, s3, $0xb8;
	[tilespmem:$0x1E800] =	vst v63  }
0xb7: {  	s0 =	simm.s32 @p1 $0x3  }
0xb8: {  	_ =	swait.ge @p1 [sflag:s0], $0x4000  }
0xb9: {  	[sflag:s0] =	ssyncset.done @p1 $0x0  }
0xba: {  	[sflag:s0] =	ssyncadd.s32 @p1 $0xFFFFC000  }
0xbb: {  	_ =	swait.ge [sflag:s26], $0x4000  }
0xbc: {  	[sflag:s26] =	ssyncset.done $0x0  }
0xbd: {  	s29 =	simm.s32 $0x2700;
	[sflag:s26] =	ssyncadd.s32 $0xFFFFC000  }
0xbe: {  	[spmem:s1] =	stream.indirect.scatter.add.f32 [tilespmem:s21], [sflag:$0x4], $0x80, s29, s28, $0xb8;
	[tilespmem:$0x1E800] =	vst v63  }
0xbf: {  	_ =	swait.ge [sflag:s30], $0x4000  }
0xc0: {  	[sflag:s30] =	ssyncset.done $0x0  }
0xc1: {  	[sflag:s30] =	ssyncadd.s32 $0xFFFFC000  }
0xc2: {  	[bflag:$0x0] =	sbarrier.arrive $0xFFFF  }
0xc3: {  	[tilespmem:s21], [sflag:$0x3] =	stream.linear.gather [spmem:s6], $0x4000, $0x38;
	[tilespmem:$0x1E800] =	vst v63  }
0xc4: {  	_ =	swait.ge [sflag:s22], $0x4000  }
0xc5: {  	[sflag:s22] =	ssyncset.done $0x0  }
0xc6: {  	[sflag:s22] =	ssyncadd.s32 $0xFFFFC000  }
0xc7: {  	[hbm4b:s15+s2] =	stream.linear.scatter [tilespmem:s21], [sflag:$0x3], $0x4000, $0x38;
	[tilespmem:$0x1E800] =	vst v63  }
0xc8: {  	_ =	swait.ge [sflag:s22], $0x4000  }
0xc9: {  	[sflag:s22] =	ssyncset.done $0x0  }
0xca: {  	[sflag:s22] =	ssyncadd.s32 $0xFFFFC000  }
0xcb: {  	[tilespmem:s21], [sflag:$0x3] =	stream.linear.gather [spmem:s7], $0x4000, $0x38;
	[tilespmem:$0x1E800] =	vst v63  }
0xcc: {  	_ =	swait.ge [sflag:s22], $0x4000  }
0xcd: {  	[sflag:s22] =	ssyncset.done $0x0  }
0xce: {  	[sflag:s22] =	ssyncadd.s32 $0xFFFFC000  }
0xcf: {  	[hbm4b:s16+s2] =	stream.linear.scatter [tilespmem:s21], [sflag:$0x3], $0x4000, $0x38;
	[tilespmem:$0x1E800] =	vst v63  }
0xd0: {  	_ =	swait.ge [sflag:s22], $0x4000  }
0xd1: {  	[sflag:s22] =	ssyncset.done $0x0  }
0xd2: {  	[sflag:s22] =	ssyncadd.s32 $0xFFFFC000  }
0xd3: {  	[tilespmem:s21], [sflag:$0x3] =	stream.linear.gather [spmem:s8], $0x4000, $0x38;
	[tilespmem:$0x1E800] =	vst v63  }
0xd4: {  	_ =	swait.ge [sflag:s22], $0x4000  }
0xd5: {  	[sflag:s22] =	ssyncset.done $0x0  }
0xd6: {  	[sflag:s22] =	ssyncadd.s32 $0xFFFFC000  }
0xd7: {  	[hbm4b:s17+s2] =	stream.linear.scatter [tilespmem:s21], [sflag:$0x3], $0x4000, $0x38;
	[tilespmem:$0x1E800] =	vst v63  }
0xd8: {  	_ =	swait.ge [sflag:s22], $0x4000  }
0xd9: {  	[sflag:s22] =	ssyncset.done $0x0  }
0xda: {  	[sflag:s22] =	ssyncadd.s32 $0xFFFFC000  }
0xdb: {  	[tilespmem:s21], [sflag:$0x3] =	stream.linear.gather [spmem:s9], $0x4000, $0x38;
	[tilespmem:$0x1E800] =	vst v63  }
0xdc: {  	_ =	swait.ge [sflag:s22], $0x4000  }
0xdd: {  	[sflag:s22] =	ssyncset.done $0x0  }
0xde: {  	[sflag:s22] =	ssyncadd.s32 $0xFFFFC000  }
0xdf: {  	[hbm4b:s18+s2] =	stream.linear.scatter [tilespmem:s21], [sflag:$0x3], $0x4000, $0x38;
	[tilespmem:$0x1E800] =	vst v63  }
0xe0: {  	_ =	swait.ge [sflag:s22], $0x4000  }
0xe1: {  	[sflag:s22] =	ssyncset.done $0x0  }
0xe2: {  	[sflag:s22] =	ssyncadd.s32 $0xFFFFC000  }
0xe3: {  	[tilespmem:s21], [sflag:$0x3] =	stream.linear.gather [spmem:s10], $0x4000, $0x38;
	[tilespmem:$0x1E800] =	vst v63  }
0xe4: {  	s31 =	sadd.s32 $0x1, s31;
	_ =	swait.ge [sflag:s22], $0x4000  }
0xe5: {  	p0 =	sne.s32 s31, s20;
	[sflag:s22] =	ssyncset.done $0x0  }
.Ltmp2:
0xe6: {  	[sflag:s22] =	ssyncadd.s32 $0xFFFFC000;
	(pc) =	sbr.rel @p0 .LBB2_1-.Ltmp2, $4  }
0xe7: {  	[hbm4b:s19+s2] =	stream.linear.scatter [tilespmem:s21], [sflag:$0x3], $0x4000, $0x38;
	[tilespmem:$0x1E800] =	vst v63  }
0xe8: {  	_ =	swait.ge [sflag:s22], $0x4000  }
0xe9: {  	[sflag:s22] =	ssyncset.done $0x0  }
0xea: {  	[sflag:s22] =	ssyncadd.s32 $0xFFFFC000  }
0xeb: {  	_ =	sfence.sel $0x180000  }
0xec: {  	[bflag:$0x0] =	sbarrier.arrive $0xFFFF  }
0xed: {  	_ =	strace $0x9000004A  }
0xee: {  	s0 =	stileid.u32;
	[bflag:$0x2] =	sbarrier.arrive $0xFFFF  }
0xef: {  	p0 =	sne.s32 s0, $0x0;
	s0 =	rddreg [dreg:$0x2]  }
0xf0: {  	s0 =	sadd.s32 @!p0 $0x100000, s0  }
0xf1: {  	[sflag:s0] =	ssyncadd.tile.s32 @!p0 $0x1;
	_ =	shalt  }
.Lfunc_end2:
_tile_overlayer_lowered:
.L_overlay_start_2:
0xf2: {  	(tag) =	ssettag $0x2  }
0xf3: {  	s0 =	rddreg [dreg:$0x0];
	s2 =	stileid.u32  }
0xf4: {  	s1 =	rddreg [dreg:$0x1];
	p0 =	sne.s32 s2, $0x0  }
0xf5: {  	s3 =	rddreg [dreg:$0x2];
	[bflag:$0x3] =	sbarrier.arrive $0xFFFF;
	s2 =	simm.s32 @!p0 $0x1C03  }
0xf6: {  	[timem:s3], [sflag:s2] =	dma.local @!p0 [hbm:s0], s1  }
0xf7: {  	s0 =	simm.s32 @!p0 $0x3  }
0xf8: {  	_ =	swait.ge @!p0 [sflag:s0], s1  }
0xf9: {  	s1 =	ssub.s32 @!p0 $0x0, s1;
	[sflag:s0] =	ssyncset.done @!p0 $0x0  }
0xfa: {  	[sflag:s0] =	ssyncadd.s32 @!p0 s1  }
0xfb: {  	[bflag:$0x3] =	sbarrier.arrive $0xFFFF  }
0xfc: {  	_ =	shalt  }

// kernel: kernel.16.cloned.1.call-start
scs
__scs_entry_jumppad:
0x0: {  	(pc) =	sbr.rel $0x88, $3  }
0x1: {  	(tag) =	ssettag $0x0;
	lr =	simm.s32 $0x1  }
0x2: {  	[smem:$0x3F84] =	sst lr;
	_ =	strace $0xD0000000  }
0x3: {  	_ = 	snop  }
0x4: {  	_ = 	snop  }
0x5: {  	_ = 	snop  }
0x6: {  	_ = 	snop  }
0x7: {  	_ = 	snop  }
__scs_overlays_trampoline_lowered:
0x8: {  	[smem:$0x3F93] =	sst s0  }
0x9: {  	[smem:$0x3F94] =	sst s1  }
0xa: {  	[smem:$0x3F95] =	sst s2  }
0xb: {  	[smem:$0x3F96] =	sst s3  }
0xc: {  	[smem:$0x3F97] =	sst s4  }
0xd: {  	[smem:$0x3F98] =	sst s5  }
0xe: {  	[smem:$0x3F99] =	sst s6  }
0xf: {  	[smem:$0x3F9A] =	sst s7  }
0x10: {  	[smem:$0x3F9B] =	sst s8  }
0x11: {  	[smem:$0x3F9C] =	sst s9;
	s0 =	simm.s32 @!p0 $0x0  }
0x12: {  	s1 =	sld [smem:$0x3F82];
	s0 =	simm.s32 @p0 $0x1  }
0x13: {  	[smem:$0x3F9D] =	sst s0;
	s0 =	simm.s32 @!p1 $0x0  }
0x14: {  	s2 =	sld [smem:$0x3F81];
	s0 =	simm.s32 @p1 $0x1  }
0x15: {  	[smem:$0x3F9E] =	sst s0;
	s0 =	simm.s32 @!p2 $0x0  }
0x16: {  	s3 =	sld [smem:$0x3FDB];
	s0 =	simm.s32 @p2 $0x1  }
0x17: {  	s4 =	simm.s32 $0x1BF5;
	[smem:$0x3FA0] =	sst s0  }
0x18: {  	s0 =	sld [smem:$0x3F83];
	_ =	swait.ge [sflag:s4], $0x0  }
0x19: {  	s7 =	sld [smem:$0x3F84]  }
0x1a: {  	s8 =	sadd.s32 $0xFFFFE003, lr  }
0x1b: {  	s9 =	sadd.s32 $0xFFFFFEF7, lr;
	s5 =	simm.s32 $0xFFFFFFFF;
	p2 =	slt.u32 s8, $0xFFFFF086  }
0x1c: {  	p1 =	slt.u32 s9, $0xF7A;
	s5 =	simm.s32 @!p2 $0x0  }
0x1d: {  	s5 =	simm.s32 @p1 $0x1;
	p0 =	seq.s32 s7, s2  }
0x1e: {  	s7 =	smul.u32 @!p0 $0xF7A, s2;
	p2 =	seq.s32 @!p0 s5, $0x0  }
0x1f: {  	s9 =	smul.u32 $0xF7A, s1;
	s8 =	simm.s32 @!p0 $0x1BF5;
	p2 =	por !p2, p0  }
0x20: {  	[sflag:s8] =	ssyncset.s32 @!p0 $0xFFFFF086;
	s6 =	sadd.s32 @!p0 s3, s7;
	s7 =	simm.s32 @!p0 $0x108  }
0x21: {  	s3 =	sadd.s32 s3, s9;
	s6 =	sadd.s32 @!p0 $0x88, s6;
	s7 =	simm.s32 @p2 $0x1082  }
0x22: {  	[simem:s7], [sflag:s8] =	dma.local @!p0 [hbm:s6], $0xF7A  }
0x23: {  	s9 =	sor.u32 $0xD0000000, s2;
	s6 =	simm.s32 $0x108;
	_ =	swait.ge @!p0 [sflag:s8], $0x0  }
0x24: {  	s3 =	sadd.s32 $0x88, s3;
	s6 =	simm.s32 @!p1 $0x1082;
	[sflag:s4] =	ssyncset.s32 $0xFFFFF086  }
0x25: {  	[simem:s6], [sflag:s4] =	dma.local [hbm:s3], $0xF7A  }
0x26: {  	[smem:$0x3F84] =	sst s1;
	(tag) =	ssettag s2;
	_ =	strace s9  }
0x27: {  	s1 =	sld [smem:$0x3F94]  }
0x28: {  	s2 =	sld [smem:$0x3F95]  }
0x29: {  	s4 =	sld [smem:$0x3F97]  }
0x2a: {  	p0 =	seq.s32 s5, $0x0;
	s5 =	sld [smem:$0x3F98]  }
0x2b: {  	s6 =	sld [smem:$0x3F99]  }
0x2c: {  	s7 =	sld [smem:$0x3F9A]  }
0x2d: {  	s3 =	simm.s32 $0x108;
	s8 =	sld [smem:$0x3F9B]  }
0x2e: {  	s3 =	simm.s32 @!p0 $0x1082;
	s9 =	sld [smem:$0x3F9C]  }
0x2f: {  	lr =	sadd.s32 s0, s3;
	s0 =	sld [smem:$0x3F93]  }
0x30: {  	s3 =	sld [smem:$0x3F96]  }
0x31: {  	[smem:$0x3F9F] =	sst s10  }
0x32: {  	s10 =	sld [smem:$0x3F9D];
	_ =	sdelay $0x3  }
0x33: {  	p0 =	seq.s32 s10, $0x1;
	s10 =	sld [smem:$0x3F9F];
	_ =	sdelay $0x3  }
0x34: {  	[smem:$0x3F9F] =	sst s10  }
0x35: {  	s10 =	sld [smem:$0x3F9E];
	_ =	sdelay $0x3  }
0x36: {  	p1 =	seq.s32 s10, $0x1;
	s10 =	sld [smem:$0x3F9F];
	_ =	sdelay $0x3  }
0x37: {  	[smem:$0x3F9F] =	sst s10  }
0x38: {  	s10 =	sld [smem:$0x3FA0]  }
0x39: {  	_ = 	snop;
	(pc) =	sbr.ind lr, $3  }
0x3a: {  	_ = 	snop  }
0x3b: {  	_ = 	snop  }
0x3c: {  	p2 =	seq.s32 s10, $0x1;
	s10 =	sld [smem:$0x3F9F]  }
0x3d: {  	_ =	shalt  }
0x3e: {  	_ =	shalt  }
0x3f: {  	_ =	shalt  }
0x40: {  	_ =	shalt  }
0x41: {  	_ =	shalt  }
0x42: {  	_ =	shalt  }
0x43: {  	_ =	shalt  }
0x44: {  	_ =	shalt  }
0x45: {  	_ =	shalt  }
0x46: {  	_ =	shalt  }
0x47: {  	_ =	shalt  }
0x48: {  	_ =	shalt  }
0x49: {  	_ =	shalt  }
0x4a: {  	_ =	shalt  }
0x4b: {  	_ =	shalt  }
0x4c: {  	_ =	shalt  }
0x4d: {  	_ =	shalt  }
0x4e: {  	_ =	shalt  }
0x4f: {  	_ =	shalt  }
0x50: {  	_ =	shalt  }
0x51: {  	_ =	shalt  }
0x52: {  	_ =	shalt  }
0x53: {  	_ =	shalt  }
0x54: {  	_ =	shalt  }
0x55: {  	_ =	shalt  }
0x56: {  	_ =	shalt  }
0x57: {  	_ =	shalt  }
0x58: {  	_ =	shalt  }
0x59: {  	_ =	shalt  }
0x5a: {  	_ =	shalt  }
0x5b: {  	_ =	shalt  }
0x5c: {  	_ =	shalt  }
0x5d: {  	_ =	shalt  }
0x5e: {  	_ =	shalt  }
0x5f: {  	_ =	shalt  }
0x60: {  	_ =	shalt  }
0x61: {  	_ =	shalt  }
0x62: {  	_ =	shalt  }
0x63: {  	_ =	shalt  }
0x64: {  	_ =	shalt  }
0x65: {  	_ =	shalt  }
0x66: {  	_ =	shalt  }
0x67: {  	_ =	shalt  }
0x68: {  	_ =	shalt  }
0x69: {  	_ =	shalt  }
0x6a: {  	_ =	shalt  }
0x6b: {  	_ =	shalt  }
0x6c: {  	_ =	shalt  }
0x6d: {  	_ =	shalt  }
0x6e: {  	_ =	shalt  }
0x6f: {  	_ =	shalt  }
0x70: {  	_ =	shalt  }
0x71: {  	_ =	shalt  }
0x72: {  	_ =	shalt  }
0x73: {  	_ =	shalt  }
0x74: {  	_ =	shalt  }
0x75: {  	_ =	shalt  }
0x76: {  	_ =	shalt  }
0x77: {  	_ =	shalt  }
0x78: {  	_ =	shalt  }
0x79: {  	_ =	shalt  }
0x7a: {  	_ =	shalt  }
0x7b: {  	_ =	shalt  }
0x7c: {  	_ =	shalt  }
0x7d: {  	_ =	shalt  }
0x7e: {  	_ =	shalt  }
0x7f: {  	_ =	shalt  }
0x80: {  	_ =	shalt  }
0x81: {  	_ =	shalt  }
0x82: {  	_ =	shalt  }
0x83: {  	_ =	shalt  }
0x84: {  	_ =	shalt  }
0x85: {  	_ =	shalt  }
0x86: {  	_ =	shalt  }
0x87: {  	_ =	shalt  }
.Lfunc_end0:
.L_simem_size_0:
called_computation.2_lowered:
.L_overlay_start_0:
0x88: {  	s2 =	sld [smem:$0x3FD9]  }
0x89: {  	s3 =	sld [smem:$0x3FFE];
	_ =	sdelay $0x1  }
0x8a: {  	s1 =	srdreg.scid  }
0x8b: {  	s0 =	sand.u32 $0x1, s1  }
0x8c: {  	s16 =	sshll.u32 s0, $0xA;
	s2 =	sadd.s32 s3, s2  }
0x8d: {  	s2 =	sadd.s32 s2, s16  }
0x8e: {  	[smem:$0x3FAB] =	sst s2  }
0x8f: {  	_ = 	snop  }
0x90: {  	(tm) =	ssettm $0x1  }
0x91: {  	s17 =	sld [smem:$0x3FFB];
	_ =	sdelay $0x3  }
0x92: {  	_ =	strace s17  }
0x93: {  	s2 =	sld [smem:$0x3FFC];
	_ =	sdelay $0x3  }
0x94: {  	_ =	strace s2  }
0x95: {  	s2 =	sld [smem:$0x3FFD];
	_ =	sdelay $0x3  }
0x96: {  	_ =	strace s2  }
0x97: {  	_ =	strace $0x8FFFFFFF  }
0x98: {  	s18 =	sld [smem:$0x3FDB];
	_ =	sdelay $0x1  }
0x99: {  	s19 =	simm.s32 $_scs_section_size  }
0x9a: {  	s4 =	simm.s32 $_size__tile_overlayer_lowered;
	s5 =	simm.s32 $_tile_overlayer_lowered  }
0x9b: {  	s22 =	simm.s32 $0x1BFF;
	s21 =	sshll.u32 s5, $0x1;
	s2 =	sadd.s32 s19, s18  }
0x9c: {  	s6 =	simm.s32 $0x0;
	s20 =	sshll.u32 s4, $0x1;
	s4 =	sadd.s32 s21, s2  }
0x9d: {  	[timem:s6], [sflag:s22] =	dma.local [hbm:s4], s20  }
0x9e: {  	_ =	swait.ge [sflag:s22], s20  }
0x9f: {  	s3 =	ssub.s32 $0x0, s20;
	[sflag:s22] =	ssyncset.done $0x0  }
0xa0: {  	[sflag:s22] =	ssyncadd.s32 s3;
	_ =	sdelay $0x1  }
0xa1: {  	s23 =	simm.s32 $0x1B8B  }
0xa2: {  	_ =	swait.ge [sflag:s23], $0x1  }
0xa3: {  	[sflag:s23] =	ssyncset.done $0x0  }
0xa4: {  	s25 =	simm.s32 $0x1B8E;
	s24 =	sld [smem:$0x3FFE];
	[sflag:s23] =	ssyncadd.s32 $0xFFFFFFFF  }
0xa5: {  	s26 =	simm.s32 $execute0_lowered;
	[smem:$0x3FD2] =	sst s25  }
0xa6: {  	s4 =	sshll.u32 s26, $0x1;
	_ =	strace $0x8000004C;
	[dreg:$0x1] =	wrdreg $0xFFFFFFFF  }
0xa7: {  	s28 =	simm.s32 $_size_execute0_lowered;
	s2 =	sadd.s32 s2, s4;
	[dreg:$0x0] =	wrdreg $0x0  }
0xa8: {  	s4 =	sshll.u32 s28, $0x1;
	[dreg:$0x2] =	wrdreg s2  }
0xa9: {  	[dreg:$0x3] =	wrdreg s4  }
0xaa: {  	[dreg:$0x4] =	wrdreg $0xC0  }
0xab: {  	_ =	task [dreg:s6], $0x5FFFF  }
0xac: {  	[dreg:$0x1] =	wrdreg $0xFFFFFFFF  }
0xad: {  	[dreg:$0x0] =	wrdreg $0x60  }
0xae: {  	[dreg:$0x2] =	wrdreg s24  }
0xaf: {  	[dreg:$0x3] =	wrdreg $0xA8000  }
0xb0: {  	[dreg:$0x4] =	wrdreg $0x9  }
0xb1: {  	_ =	task.clear_ibuf [dreg:s6], $0x5FFFF;
	_ =	strace $0x9000004C  }
0xb2: {  	s29 =	simm.s32 $0x9;
	_ =	strace $0x8000004E  }
0xb3: {  	_ =	swait.ge [sflag:s29], $0x1  }
0xb4: {  	[sflag:s29] =	ssyncadd.s32 $0xFFFFFFFF  }
0xb5: {  	_ =	strace $0x9000004E  }
0xb6: {  	_ =	sfence  }
0xb7: {  	s30 =	sld [smem:$0x0];
	_ =	sdelay $0x2  }
0xb8: {  	s31 =	sshll.u32 s1, $0xD;
	s1 =	sshrl.u32 s1, $0x2  }
0xb9: {  	s3 =	sand.u32 $0x4000, s31;
	s1 =	sadd.s32 s1, s30  }
0xba: {  	s0 =	sor.u32 s3, s0;
	s1 =	sshll.u32 s1, $0x11  }
0xbb: {  	s0 =	sor.u32 s1, s0  }
0xbc: {  	s0 =	sadd.s32 $0x8F2B, s0  }
0xbd: {  	[sflag:s0] =	ssyncadd.remote.s32 $0x1  }
0xbe: {  	_ =	sfence.sel $0xFFFF  }
0xbf: {  	[dreg:$0x0] =	wrdreg $0xFFFFFFFF;
	(pc) =	sbr.abs _section_cstart, $3  }
0xc0: {  	[dreg:$0x1] =	wrdreg $0xFFFFFFFF  }
0xc1: {  	_ =	task.clear_ibuf [dreg:s6], $0x2FFFF;
	_ =	strace $0x9FFFFFFF  }
0xc2: {  	(tm) =	ssettm $0x7FFFFFFF  }
0xc3: {  	_ =	shalt  }
tec
execute0_lowered:
.L_overlay_start_1:
0x0: {  	(tag) =	ssettag $0x1  }
0x1: {  	s0 =	rddreg [dreg:$0x0]  }
0x2: {  	s1 =	rddreg [dreg:$0x1];
	s2 =	simm.s32 $0x0;
	s3 =	srdreg.scid  }
0x3: {  	s5 =	stileid.u32;
	s22 =	simm.s32 $0x3;
	s23 =	simm.s32 $0x2  }
0x4: {  	s28 =	simm.s32 $0x80;
	s30 =	simm.s32 $0x4;
	s31 =	simm.s32 $0x0  }
0x5: {  	[smem:$0x7FF] =	sst s2;
	s4 =	sadd.s32 $0x10E00, s0;
	s13 =	sadd.s32 $0x61A00, s0  }
0x6: {  	s3 =	sand.u32 $0x1, s3;
	s14 =	sadd.s32 $0x6E00, s0;
	s7 =	smul.u32 $0x50000, s5  }
0x7: {  	s8 =	sadd.s32 $0x5F200, s0;
	s0 =	sadd.s32 $0x6BA00, s0;
	s15 =	smul.u32 $0x14000, s5  }
0x8: {  	_ =	strace $0x8000004D;
	s6 =	ssub.s32 $0x2, s3;
	[dreg:$0x3] =	wrdreg s8  }
0x9: {  	s9 =	sshll.u32 s3, $0x4;
	s3 =	smul.u32 $0x140000, s3;
	s24 =	sshrl.u32 s6, $0x1  }
0xa: {  	s7 =	sshrl.u32 s7, $0x2;
	s25 =	sor.u32 s5, s9;
	s16 =	sadd.s32 $0x4000, s15  }
0xb: {  	s17 =	sadd.s32 $0x8000, s15;
	s18 =	sadd.s32 $0xC000, s15;
	s19 =	sadd.s32 $0x10000, s15  }
0xc: {  	s20 =	ssub.s32 s6, s24;
	s6 =	sadd.s32 s7, s1;
	s9 =	smul.u32 $0x2800, s25  }
0xd: {  	s7 =	sadd.s32 s16, s1;
	s8 =	sadd.s32 s17, s1;
	s10 =	sadd.s32 s19, s1  }
0xe: {  	s15 =	sadd.s32 s15, s3;
	s16 =	sadd.s32 s3, s16;
	s17 =	sadd.s32 s3, s17  }
0xf: {  	s15 =	sshrl.u32 s15, $0x3;
	s16 =	sshrl.u32 s16, $0x3;
	s17 =	sshrl.u32 s17, $0x3  }
0x10: {  	s20 =	smax.u32 s20, $0x1;
	s21 =	sshrl.u32 s9, $0x3;
	s9 =	sadd.s32 s18, s1  }
0x11: {  	s15 =	sadd.s32 s0, s15;
	s16 =	sadd.s32 s0, s16;
	s18 =	sadd.s32 s3, s18  }
0x12: {  	s3 =	sadd.s32 s3, s19;
	s17 =	sadd.s32 s0, s17;
	s26 =	sadd.s32 s13, s21  }
0x13: {  	s29 =	sadd.s32 s14, s21;
	s21 =	sadd.s32 $0x280, s21;
	[dreg:$0x4] =	wrdreg s26  }
0x14: {  	s18 =	sshrl.u32 s18, $0x3;
	s3 =	sshrl.u32 s3, $0x3;
	[dreg:$0x5] =	wrdreg s29  }
0x15: {  	s13 =	sadd.s32 s13, s21;
	s14 =	sadd.s32 s14, s21;
	s18 =	sadd.s32 s0, s18  }
0x16: {  	s19 =	sadd.s32 s0, s3;
	s21 =	simm.s32 $0x2800;
	s26 =	simm.s32 $0x1  }
.LBB2_1:
0x17: {  	s0 =	rddreg [dreg:$0x3]  }
0x18: {  	[tilespmem:s21], [sflag:$0x3] =	stream.linear.gather [hbm4b:s0+s2], $0x4000, $0x38;
	[tilespmem:$0x1E800] =	vst v63  }
0x19: {  	_ =	swait.ge [sflag:s22], $0x4000  }
0x1a: {  	[sflag:s22] =	ssyncset.done $0x0  }
0x1b: {  	[sflag:s22] =	ssyncadd.s32 $0xFFFFC000  }
0x1c: {  	[spmem:s6] =	stream.linear.scatter [tilespmem:s21], [sflag:$0x3], $0x4000, $0x38;
	[tilespmem:$0x1E800] =	vst v63  }
0x1d: {  	_ =	swait.ge [sflag:s22], $0x4000  }
0x1e: {  	[sflag:s22] =	ssyncset.done $0x0  }
0x1f: {  	[sflag:s22] =	ssyncadd.s32 $0xFFFFC000  }
0x20: {  	[spmem:s7] =	stream.linear.scatter [tilespmem:s21], [sflag:$0x3], $0x4000, $0x38;
	[tilespmem:$0x1E800] =	vst v63  }
0x21: {  	_ =	swait.ge [sflag:s22], $0x4000  }
0x22: {  	[sflag:s22] =	ssyncset.done $0x0  }
0x23: {  	[sflag:s22] =	ssyncadd.s32 $0xFFFFC000  }
0x24: {  	[spmem:s8] =	stream.linear.scatter [tilespmem:s21], [sflag:$0x3], $0x4000, $0x38;
	[tilespmem:$0x1E800] =	vst v63  }
0x25: {  	_ =	swait.ge [sflag:s22], $0x4000  }
0x26: {  	[sflag:s22] =	ssyncset.done $0x0  }
0x27: {  	[sflag:s22] =	ssyncadd.s32 $0xFFFFC000  }
0x28: {  	[spmem:s9] =	stream.linear.scatter [tilespmem:s21], [sflag:$0x3], $0x4000, $0x38;
	[tilespmem:$0x1E800] =	vst v63  }
0x29: {  	_ =	swait.ge [sflag:s22], $0x4000  }
0x2a: {  	[sflag:s22] =	ssyncset.done $0x0  }
0x2b: {  	[sflag:s22] =	ssyncadd.s32 $0xFFFFC000  }
0x2c: {  	[spmem:s10] =	stream.linear.scatter [tilespmem:s21], [sflag:$0x3], $0x4000, $0x38;
	[tilespmem:$0x1E800] =	vst v63  }
0x2d: {  	_ =	swait.ge [sflag:s22], $0x4000  }
0x2e: {  	[sflag:s22] =	ssyncset.done $0x0  }
0x2f: {  	[sflag:s22] =	ssyncadd.s32 $0xFFFFC000  }
0x30: {  	[bflag:$0x0] =	sbarrier.arrive $0xFFFF  }
0x31: {  	s5 =	rddreg [dreg:$0x4]  }
0x32: {  	[tilespmem:s2], [sflag:$0x3] =	stream.linear.gather [hbm4b:s5+s2], $0x1400, $0x38;
	[tilespmem:$0x1E800] =	vst v63  }
0x33: {  	_ =	swait.ge [sflag:s22], $0x1400  }
0x34: {  	[sflag:s22] =	ssyncset.done $0x0  }
0x35: {  	s0 =	simm.s32 $0x1400;
	s3 =	rddreg [dreg:$0x5];
	[sflag:s22] =	ssyncadd.s32 $0xFFFFEC00  }
0x36: {  	[tilespmem:s0], [sflag:$0x3] =	stream.linear.gather [hbm4b:s3+s2], $0x1400, $0x38;
	[tilespmem:$0x1E800] =	vst v63  }
0x37: {  	_ =	swait.ge [sflag:s22], $0x1400  }
0x38: {  	s11 =	sand.u32 $0x1, s2;
	[sflag:s22] =	ssyncset.done $0x0  }
0x39: {  	p0 =	seq.s32 s11, $0x1;
	p1 =	seq.s32 s11, $0x0;
	[sflag:s22] =	ssyncadd.s32 $0xFFFFEC00  }
0x3a: {  	[tilespmem:s21], [sflag:$0x1] =	stream.indirect.gather [hbm4b:s4+s28], $0x80, s2, s28, $0xb8;
	[tilespmem:$0x1E800] =	vst v63  }
0x3b: {  	p2 =	sne.s32 s11, $0x0;
	s24 =	simm.s32 @!p0 $0x80;
	s25 =	simm.s32 @!p0 $0x6800  }
0x3c: {  	[tilespmem:s25], [sflag:$0x2] =	stream.indirect.gather @!p0 [hbm4b:s4+s24], $0x80, s28, s24, $0xb8;
	[tilespmem:$0x1E800] =	vst v63  }
0x3d: {  	s3 =	simm.s32 @!p2 $0x1;
	s24 =	simm.s32 @!p1 $0x80;
	s25 =	simm.s32 @!p1 $0x2800  }
0x3e: {  	[tilespmem:s25], [sflag:$0x1] =	stream.indirect.gather @!p1 [hbm4b:s4+s24], $0x80, s28, s24, $0xb8;
	[tilespmem:$0x1E800] =	vst v63  }
0x3f: {  	_ =	swait.ge @!p2 [sflag:s3], $0x4000  }
0x40: {  	s24 =	simm.s32 @!p2 $0x80;
	[sflag:s3] =	ssyncset.done @!p2 $0x0  }
0x41: {  	s25 =	simm.s32 @!p2 $0x2800;
	[sflag:s3] =	ssyncadd.s32 @!p2 $0xFFFFC000;
	s3 =	simm.s32 @!p2 $0x4  }
0x42: {  	[spmem:s1] =	stream.indirect.scatter.add.f32 @!p2 [tilespmem:s25], [sflag:$0x4], $0x80, s0, s24, $0xb8;
	[tilespmem:$0x1E800] =	vst v63  }
0x43: {  	_ =	swait.ge @!p2 [sflag:s3], $0x4000  }
0x44: {  	p0 =	por p0, p0;
	[sflag:s3] =	ssyncset.done @!p2 $0x0  }
0x45: {  	s24 =	simm.s32 @p0 $0x2;
	[sflag:s3] =	ssyncadd.s32 @!p2 $0xFFFFC000  }
0x46: {  	_ =	swait.ge @p0 [sflag:s24], $0x4000  }
0x47: {  	s12 =	simm.s32 $0x1;
	[sflag:s24] =	ssyncset.done @p0 $0x0  }
0x48: {  	s29 =	simm.s32 @p0 $0x6800;
	s3 =	simm.s32 @p0 $0x80;
	[sflag:s24] =	ssyncadd.s32 @p0 $0xFFFFC000  }
0x49: {  	[spmem:s1] =	stream.indirect.scatter.add.f32 @p0 [tilespmem:s29], [sflag:$0x3], $0x80, s0, s3, $0xb8;
	[tilespmem:$0x1E800] =	vst v63  }
0x4a: {  	s25 =	sand.u32 $0x1, s12;
	s24 =	simm.s32 $0x2;
	s29 =	simm.s32 @p0 $0x3  }
0x4b: {  	s3 =	simm.s32 $0x100;
	s0 =	simm.s32 $0x1480;
	_ =	swait.ge @p0 [sflag:s29], $0x4000  }
.LBB2_2:
0x4c: {  	p3 =	seq.s32 s25, $0x1;
	p1 =	seq.s32 s25, $0x0;
	[sflag:s29] =	ssyncset.done @p0 $0x0  }
0x4d: {  	s5 =	simm.s32 @!p3 $0x80;
	s11 =	simm.s32 @!p3 $0x6800;
	[sflag:s29] =	ssyncadd.s32 @p0 $0xFFFFC000  }
0x4e: {  	[tilespmem:s11], [sflag:$0x2] =	stream.indirect.gather @!p3 [hbm4b:s4+s5], $0x80, s3, s5, $0xb8;
	[tilespmem:$0x1E800] =	vst v63  }
0x4f: {  	p2 =	sne.s32 s25, $0x0;
	s5 =	simm.s32 @!p1 $0x80;
	s11 =	simm.s32 @!p1 $0x2800  }
0x50: {  	[tilespmem:s11], [sflag:$0x1] =	stream.indirect.gather @!p1 [hbm4b:s4+s5], $0x80, s3, s5, $0xb8;
	[tilespmem:$0x1E800] =	vst v63  }
0x51: {  	s5 =	simm.s32 @!p2 $0x1;
	s11 =	smov.u32 s24;
	s24 =	sadd.s32 $0x1, s24  }
0x52: {  	p0 =	por p3, p3;
	p1 =	sne.s32 s24, $0x27;
	_ =	swait.ge @!p2 [sflag:s5], $0x4000  }
0x53: {  	s25 =	simm.s32 @!p2 $0x80;
	s29 =	simm.s32 @!p2 $0x2800;
	[sflag:s5] =	ssyncset.done @!p2 $0x0  }
0x54: {  	[sflag:s5] =	ssyncadd.s32 @!p2 $0xFFFFC000;
	s5 =	simm.s32 @!p2 $0x4  }
0x55: {  	[spmem:s1] =	stream.indirect.scatter.add.f32 @!p2 [tilespmem:s29], [sflag:$0x4], $0x80, s0, s25, $0xb8;
	[tilespmem:$0x1E800] =	vst v63  }
0x56: {  	_ =	swait.ge @!p2 [sflag:s5], $0x4000  }
0x57: {  	s25 =	simm.s32 @p0 $0x2;
	[sflag:s5] =	ssyncset.done @!p2 $0x0  }
0x58: {  	[sflag:s5] =	ssyncadd.s32 @!p2 $0xFFFFC000  }
.Ltmp0:
0x59: {  	_ =	swait.ge @p0 [sflag:s25], $0x4000;
	(pc) =	sbr.rel @p1 .LBB2_2-.Ltmp0, $4  }
0x5a: {  	s12 =	simm.s32 @p0 $0x6800;
	s5 =	simm.s32 @p0 $0x80;
	[sflag:s25] =	ssyncset.done @p0 $0x0  }
0x5b: {  	s3 =	sadd.s32 $0x80, s3;
	s29 =	simm.s32 @p0 $0x3;
	[sflag:s25] =	ssyncadd.s32 @p0 $0xFFFFC000  }
0x5c: {  	[spmem:s1] =	stream.indirect.scatter.add.f32 @p0 [tilespmem:s12], [sflag:$0x3], $0x80, s0, s5, $0xb8;
	[tilespmem:$0x1E800] =	vst v63  }
0x5d: {  	s25 =	sand.u32 $0x1, s11;
	s0 =	sadd.s32 $0x80, s0;
	_ =	swait.ge @p0 [sflag:s29], $0x4000  }
0x5e: {  	p1 =	seq.s32 s25, $0x1;
	p2 =	seq.s32 s25, $0x0;
	[sflag:s29] =	ssyncset.done @p0 $0x0  }
0x5f: {  	s5 =	simm.s32 @!p1 $0x80;
	s11 =	simm.s32 @!p1 $0x6800;
	[sflag:s29] =	ssyncadd.s32 @p0 $0xFFFFC000  }
0x60: {  	[tilespmem:s11], [sflag:$0x2] =	stream.indirect.gather @!p1 [hbm4b:s4+s5], $0x80, s3, s5, $0xb8;
	[tilespmem:$0x1E800] =	vst v63  }
0x61: {  	p0 =	sne.s32 s25, $0x0;
	s5 =	simm.s32 @!p2 $0x80;
	s11 =	simm.s32 @!p2 $0x2800  }
0x62: {  	[tilespmem:s11], [sflag:$0x1] =	stream.indirect.gather @!p2 [hbm4b:s4+s5], $0x80, s3, s5, $0xb8;
	[tilespmem:$0x1E800] =	vst v63  }
0x63: {  	s3 =	simm.s32 @!p0 $0x1  }
0x64: {  	_ =	swait.ge @!p0 [sflag:s3], $0x4000  }
0x65: {  	s5 =	simm.s32 @!p0 $0x80;
	[sflag:s3] =	ssyncset.done @!p0 $0x0  }
0x66: {  	s11 =	simm.s32 @!p0 $0x2800;
	[sflag:s3] =	ssyncadd.s32 @!p0 $0xFFFFC000;
	s3 =	simm.s32 @!p0 $0x4  }
0x67: {  	[spmem:s1] =	stream.indirect.scatter.add.f32 @!p0 [tilespmem:s11], [sflag:$0x4], $0x80, s0, s5, $0xb8;
	[tilespmem:$0x1E800] =	vst v63  }
0x68: {  	_ =	swait.ge @!p0 [sflag:s3], $0x4000  }
0x69: {  	p1 =	por p1, p1;
	[sflag:s3] =	ssyncset.done @!p0 $0x0  }
0x6a: {  	s5 =	simm.s32 @p1 $0x2;
	[sflag:s3] =	ssyncadd.s32 @!p0 $0xFFFFC000  }
0x6b: {  	_ =	swait.ge @p1 [sflag:s5], $0x4000  }
0x6c: {  	s11 =	simm.s32 @p1 $0x6800;
	[sflag:s5] =	ssyncset.done @p1 $0x0  }
0x6d: {  	s3 =	simm.s32 @p1 $0x80;
	[sflag:s5] =	ssyncadd.s32 @p1 $0xFFFFC000;
	s5 =	simm.s32 @p1 $0x3  }
0x6e: {  	[spmem:s1] =	stream.indirect.scatter.add.f32 @p1 [tilespmem:s11], [sflag:$0x3], $0x80, s0, s3, $0xb8;
	[tilespmem:$0x1E800] =	vst v63  }
0x6f: {  	_ =	swait.ge @p1 [sflag:s5], $0x4000  }
0x70: {  	[sflag:s5] =	ssyncset.done @p1 $0x0  }
0x71: {  	[sflag:s5] =	ssyncadd.s32 @p1 $0xFFFFC000  }
0x72: {  	_ =	swait.ge [sflag:s23], $0x4000  }
0x73: {  	s12 =	simm.s32 $0x6800;
	[sflag:s23] =	ssyncset.done $0x0  }
0x74: {  	s0 =	simm.s32 $0x80;
	s11 =	simm.s32 $0x2780;
	[sflag:s23] =	ssyncadd.s32 $0xFFFFC000  }
0x75: {  	[spmem:s1] =	stream.indirect.scatter.add.f32 [tilespmem:s12], [sflag:$0x3], $0x80, s11, s0, $0xb8;
	[tilespmem:$0x1E800] =	vst v63  }
0x76: {  	_ =	swait.ge [sflag:s22], $0x4000  }
0x77: {  	[sflag:s22] =	ssyncset.done $0x0  }
0x78: {  	s24 =	simm.s32 $0x0;
	[sflag:s22] =	ssyncadd.s32 $0xFFFFC000  }
0x79: {  	[tilespmem:s24], [sflag:$0x3] =	stream.linear.gather [hbm4b:s13+s24], $0x1380, $0x38;
	[tilespmem:$0x1E800] =	vst v63  }
0x7a: {  	_ =	swait.ge [sflag:s22], $0x1380  }
0x7b: {  	[sflag:s22] =	ssyncset.done $0x0  }
0x7c: {  	s5 =	simm.s32 $0x1400;
	[sflag:s22] =	ssyncadd.s32 $0xFFFFEC80  }
0x7d: {  	[tilespmem:s5], [sflag:$0x3] =	stream.linear.gather [hbm4b:s14+s24], $0x1380, $0x38;
	[tilespmem:$0x1E800] =	vst v63  }
0x7e: {  	_ =	swait.ge [sflag:s22], $0x1380  }
0x7f: {  	s3 =	sand.u32 $0x1, s24;
	[sflag:s22] =	ssyncset.done $0x0  }
0x80: {  	p0 =	seq.s32 s3, $0x1;
	[sflag:s22] =	ssyncadd.s32 $0xFFFFEC80  }
0x81: {  	[tilespmem:s21], [sflag:$0x1] =	stream.indirect.gather [hbm4b:s4+s0], $0x80, s24, s0, $0xb8;
	[tilespmem:$0x1E800] =	vst v63  }
0x82: {  	p1 =	seq.s32 s3, $0x0;
	s11 =	simm.s32 @!p0 $0x80;
	s12 =	simm.s32 @!p0 $0x6800  }
0x83: {  	[tilespmem:s12], [sflag:$0x2] =	stream.indirect.gather @!p0 [hbm4b:s4+s11], $0x80, s0, s11, $0xb8;
	[tilespmem:$0x1E800] =	vst v63  }
0x84: {  	p2 =	sne.s32 s3, $0x0;
	s11 =	simm.s32 @!p1 $0x80;
	s12 =	simm.s32 @!p1 $0x2800  }
0x85: {  	[tilespmem:s12], [sflag:$0x1] =	stream.indirect.gather @!p1 [hbm4b:s4+s11], $0x80, s0, s11, $0xb8;
	[tilespmem:$0x1E800] =	vst v63  }
0x86: {  	s0 =	simm.s32 @!p2 $0x1  }
0x87: {  	_ =	swait.ge @!p2 [sflag:s0], $0x4000  }
0x88: {  	s3 =	simm.s32 @!p2 $0x80;
	[sflag:s0] =	ssyncset.done @!p2 $0x0  }
0x89: {  	s11 =	simm.s32 @!p2 $0x2800;
	[sflag:s0] =	ssyncadd.s32 @!p2 $0xFFFFC000;
	s0 =	simm.s32 @!p2 $0x4  }
0x8a: {  	[spmem:s1] =	stream.indirect.scatter.add.f32 @!p2 [tilespmem:s11], [sflag:$0x4], $0x80, s5, s3, $0xb8;
	[tilespmem:$0x1E800] =	vst v63  }
0x8b: {  	_ =	swait.ge @!p2 [sflag:s0], $0x4000  }
0x8c: {  	p0 =	por p0, p0;
	[sflag:s0] =	ssyncset.done @!p2 $0x0  }
0x8d: {  	s25 =	simm.s32 $0x1;
	s3 =	simm.s32 @p0 $0x2;
	[sflag:s0] =	ssyncadd.s32 @!p2 $0xFFFFC000  }
0x8e: {  	s25 =	sand.u32 $0x1, s25;
	_ =	swait.ge @p0 [sflag:s3], $0x4000  }
0x8f: {  	s24 =	simm.s32 $0x2;
	s29 =	simm.s32 @p0 $0x3;
	[sflag:s3] =	ssyncset.done @p0 $0x0  }
0x90: {  	s12 =	simm.s32 @p0 $0x6800;
	s11 =	simm.s32 @p0 $0x80;
	[sflag:s3] =	ssyncadd.s32 @p0 $0xFFFFC000  }
0x91: {  	[spmem:s1] =	stream.indirect.scatter.add.f32 @p0 [tilespmem:s12], [sflag:$0x3], $0x80, s5, s11, $0xb8;
	[tilespmem:$0x1E800] =	vst v63  }
0x92: {  	s0 =	simm.s32 $0x1480;
	s3 =	simm.s32 $0x100;
	_ =	swait.ge @p0 [sflag:s29], $0x4000  }
.LBB2_4:
0x93: {  	p3 =	seq.s32 s25, $0x1;
	p1 =	seq.s32 s25, $0x0;
	[sflag:s29] =	ssyncset.done @p0 $0x0  }
0x94: {  	s5 =	simm.s32 @!p3 $0x80;
	s11 =	simm.s32 @!p3 $0x6800;
	[sflag:s29] =	ssyncadd.s32 @p0 $0xFFFFC000  }
0x95: {  	[tilespmem:s11], [sflag:$0x2] =	stream.indirect.gather @!p3 [hbm4b:s4+s5], $0x80, s3, s5, $0xb8;
	[tilespmem:$0x1E800] =	vst v63  }
0x96: {  	p2 =	sne.s32 s25, $0x0;
	s5 =	simm.s32 @!p1 $0x80;
	s11 =	simm.s32 @!p1 $0x2800  }
0x97: {  	[tilespmem:s11], [sflag:$0x1] =	stream.indirect.gather @!p1 [hbm4b:s4+s5], $0x80, s3, s5, $0xb8;
	[tilespmem:$0x1E800] =	vst v63  }
0x98: {  	s5 =	simm.s32 @!p2 $0x1;
	s11 =	smov.u32 s24;
	s24 =	sadd.s32 $0x1, s24  }
0x99: {  	p0 =	por p3, p3;
	p1 =	sne.s32 s24, $0x26;
	_ =	swait.ge @!p2 [sflag:s5], $0x4000  }
0x9a: {  	s12 =	simm.s32 @!p2 $0x80;
	s25 =	simm.s32 @!p2 $0x2800;
	[sflag:s5] =	ssyncset.done @!p2 $0x0  }
0x9b: {  	[sflag:s5] =	ssyncadd.s32 @!p2 $0xFFFFC000;
	s5 =	simm.s32 @!p2 $0x4  }
0x9c: {  	[spmem:s1] =	stream.indirect.scatter.add.f32 @!p2 [tilespmem:s25], [sflag:$0x4], $0x80, s0, s12, $0xb8;
	[tilespmem:$0x1E800] =	vst v63  }
0x9d: {  	_ =	swait.ge @!p2 [sflag:s5], $0x4000  }
0x9e: {  	s12 =	simm.s32 @p0 $0x2;
	[sflag:s5] =	ssyncset.done @!p2 $0x0  }
0x9f: {  	[sflag:s5] =	ssyncadd.s32 @!p2 $0xFFFFC000  }
.Ltmp1:
0xa0: {  	_ =	swait.ge @p0 [sflag:s12], $0x4000;
	(pc) =	sbr.rel @p1 .LBB2_4-.Ltmp1, $4  }
0xa1: {  	s25 =	simm.s32 @p0 $0x6800;
	s5 =	simm.s32 @p0 $0x80;
	[sflag:s12] =	ssyncset.done @p0 $0x0  }
0xa2: {  	s29 =	simm.s32 @p0 $0x3;
	s3 =	sadd.s32 $0x80, s3;
	[sflag:s12] =	ssyncadd.s32 @p0 $0xFFFFC000  }
0xa3: {  	[spmem:s1] =	stream.indirect.scatter.add.f32 @p0 [tilespmem:s25], [sflag:$0x3], $0x80, s0, s5, $0xb8;
	[tilespmem:$0x1E800] =	vst v63  }
0xa4: {  	s25 =	sand.u32 $0x1, s11;
	s0 =	sadd.s32 $0x80, s0;
	_ =	swait.ge @p0 [sflag:s29], $0x4000  }
0xa5: {  	p1 =	seq.s32 s25, $0x1;
	p2 =	seq.s32 s25, $0x0;
	[sflag:s29] =	ssyncset.done @p0 $0x0  }
0xa6: {  	s5 =	simm.s32 @!p1 $0x80;
	[sflag:s29] =	ssyncadd.s32 @p0 $0xFFFFC000;
	s11 =	simm.s32 @!p1 $0x6800  }
0xa7: {  	[tilespmem:s11], [sflag:$0x2] =	stream.indirect.gather @!p1 [hbm4b:s4+s5], $0x80, s3, s5, $0xb8;
	[tilespmem:$0x1E800] =	vst v63  }
0xa8: {  	p0 =	sne.s32 s25, $0x0;
	s5 =	simm.s32 @!p2 $0x80;
	s11 =	simm.s32 @!p2 $0x2800  }
0xa9: {  	[tilespmem:s11], [sflag:$0x1] =	stream.indirect.gather @!p2 [hbm4b:s4+s5], $0x80, s3, s5, $0xb8;
	[tilespmem:$0x1E800] =	vst v63  }
0xaa: {  	s3 =	simm.s32 @!p0 $0x1  }
0xab: {  	_ =	swait.ge @!p0 [sflag:s3], $0x4000  }
0xac: {  	[sflag:s3] =	ssyncset.done @!p0 $0x0  }
0xad: {  	s5 =	simm.s32 @!p0 $0x80;
	[sflag:s3] =	ssyncadd.s32 @!p0 $0xFFFFC000;
	s3 =	simm.s32 @!p0 $0x2800  }
0xae: {  	[spmem:s1] =	stream.indirect.scatter.add.f32 @!p0 [tilespmem:s3], [sflag:$0x4], $0x80, s0, s5, $0xb8;
	[tilespmem:$0x1E800] =	vst v63  }
0xaf: {  	s3 =	simm.s32 @!p0 $0x4  }
0xb0: {  	_ =	swait.ge @!p0 [sflag:s3], $0x4000  }
0xb1: {  	p1 =	por p1, p1;
	[sflag:s3] =	ssyncset.done @!p0 $0x0  }
0xb2: {  	s5 =	simm.s32 @p1 $0x2;
	[sflag:s3] =	ssyncadd.s32 @!p0 $0xFFFFC000  }
0xb3: {  	_ =	swait.ge @p1 [sflag:s5], $0x4000  }
0xb4: {  	[sflag:s5] =	ssyncset.done @p1 $0x0  }
0xb5: {  	s3 =	simm.s32 @p1 $0x80;
	[sflag:s5] =	ssyncadd.s32 @p1 $0xFFFFC000;
	s5 =	simm.s32 @p1 $0x6800  }
0xb6: {  	[spmem:s1] =	stream.indirect.scatter.add.f32 @p1 [tilespmem:s5], [sflag:$0x3], $0x80, s0, s3, $0xb8;
	[tilespmem:$0x1E800] =	vst v63  }
0xb7: {  	s0 =	simm.s32 @p1 $0x3  }
0xb8: {  	_ =	swait.ge @p1 [sflag:s0], $0x4000  }
0xb9: {  	[sflag:s0] =	ssyncset.done @p1 $0x0  }
0xba: {  	[sflag:s0] =	ssyncadd.s32 @p1 $0xFFFFC000  }
0xbb: {  	_ =	swait.ge [sflag:s26], $0x4000  }
0xbc: {  	[sflag:s26] =	ssyncset.done $0x0  }
0xbd: {  	s29 =	simm.s32 $0x2700;
	[sflag:s26] =	ssyncadd.s32 $0xFFFFC000  }
0xbe: {  	[spmem:s1] =	stream.indirect.scatter.add.f32 [tilespmem:s21], [sflag:$0x4], $0x80, s29, s28, $0xb8;
	[tilespmem:$0x1E800] =	vst v63  }
0xbf: {  	_ =	swait.ge [sflag:s30], $0x4000  }
0xc0: {  	[sflag:s30] =	ssyncset.done $0x0  }
0xc1: {  	[sflag:s30] =	ssyncadd.s32 $0xFFFFC000  }
0xc2: {  	[bflag:$0x0] =	sbarrier.arrive $0xFFFF  }
0xc3: {  	[tilespmem:s21], [sflag:$0x3] =	stream.linear.gather [spmem:s6], $0x4000, $0x38;
	[tilespmem:$0x1E800] =	vst v63  }
0xc4: {  	_ =	swait.ge [sflag:s22], $0x4000  }
0xc5: {  	[sflag:s22] =	ssyncset.done $0x0  }
0xc6: {  	[sflag:s22] =	ssyncadd.s32 $0xFFFFC000  }
0xc7: {  	[hbm4b:s15+s2] =	stream.linear.scatter [tilespmem:s21], [sflag:$0x3], $0x4000, $0x38;
	[tilespmem:$0x1E800] =	vst v63  }
0xc8: {  	_ =	swait.ge [sflag:s22], $0x4000  }
0xc9: {  	[sflag:s22] =	ssyncset.done $0x0  }
0xca: {  	[sflag:s22] =	ssyncadd.s32 $0xFFFFC000  }
0xcb: {  	[tilespmem:s21], [sflag:$0x3] =	stream.linear.gather [spmem:s7], $0x4000, $0x38;
	[tilespmem:$0x1E800] =	vst v63  }
0xcc: {  	_ =	swait.ge [sflag:s22], $0x4000  }
0xcd: {  	[sflag:s22] =	ssyncset.done $0x0  }
0xce: {  	[sflag:s22] =	ssyncadd.s32 $0xFFFFC000  }
0xcf: {  	[hbm4b:s16+s2] =	stream.linear.scatter [tilespmem:s21], [sflag:$0x3], $0x4000, $0x38;
	[tilespmem:$0x1E800] =	vst v63  }
0xd0: {  	_ =	swait.ge [sflag:s22], $0x4000  }
0xd1: {  	[sflag:s22] =	ssyncset.done $0x0  }
0xd2: {  	[sflag:s22] =	ssyncadd.s32 $0xFFFFC000  }
0xd3: {  	[tilespmem:s21], [sflag:$0x3] =	stream.linear.gather [spmem:s8], $0x4000, $0x38;
	[tilespmem:$0x1E800] =	vst v63  }
0xd4: {  	_ =	swait.ge [sflag:s22], $0x4000  }
0xd5: {  	[sflag:s22] =	ssyncset.done $0x0  }
0xd6: {  	[sflag:s22] =	ssyncadd.s32 $0xFFFFC000  }
0xd7: {  	[hbm4b:s17+s2] =	stream.linear.scatter [tilespmem:s21], [sflag:$0x3], $0x4000, $0x38;
	[tilespmem:$0x1E800] =	vst v63  }
0xd8: {  	_ =	swait.ge [sflag:s22], $0x4000  }
0xd9: {  	[sflag:s22] =	ssyncset.done $0x0  }
0xda: {  	[sflag:s22] =	ssyncadd.s32 $0xFFFFC000  }
0xdb: {  	[tilespmem:s21], [sflag:$0x3] =	stream.linear.gather [spmem:s9], $0x4000, $0x38;
	[tilespmem:$0x1E800] =	vst v63  }
0xdc: {  	_ =	swait.ge [sflag:s22], $0x4000  }
0xdd: {  	[sflag:s22] =	ssyncset.done $0x0  }
0xde: {  	[sflag:s22] =	ssyncadd.s32 $0xFFFFC000  }
0xdf: {  	[hbm4b:s18+s2] =	stream.linear.scatter [tilespmem:s21], [sflag:$0x3], $0x4000, $0x38;
	[tilespmem:$0x1E800] =	vst v63  }
0xe0: {  	_ =	swait.ge [sflag:s22], $0x4000  }
0xe1: {  	[sflag:s22] =	ssyncset.done $0x0  }
0xe2: {  	[sflag:s22] =	ssyncadd.s32 $0xFFFFC000  }
0xe3: {  	[tilespmem:s21], [sflag:$0x3] =	stream.linear.gather [spmem:s10], $0x4000, $0x38;
	[tilespmem:$0x1E800] =	vst v63  }
0xe4: {  	s31 =	sadd.s32 $0x1, s31;
	_ =	swait.ge [sflag:s22], $0x4000  }
0xe5: {  	p0 =	sne.s32 s31, s20;
	[sflag:s22] =	ssyncset.done $0x0  }
.Ltmp2:
0xe6: {  	[sflag:s22] =	ssyncadd.s32 $0xFFFFC000;
	(pc) =	sbr.rel @p0 .LBB2_1-.Ltmp2, $4  }
0xe7: {  	[hbm4b:s19+s2] =	stream.linear.scatter [tilespmem:s21], [sflag:$0x3], $0x4000, $0x38;
	[tilespmem:$0x1E800] =	vst v63  }
0xe8: {  	_ =	swait.ge [sflag:s22], $0x4000  }
0xe9: {  	[sflag:s22] =	ssyncset.done $0x0  }
0xea: {  	[sflag:s22] =	ssyncadd.s32 $0xFFFFC000  }
0xeb: {  	_ =	sfence.sel $0x180000  }
0xec: {  	[bflag:$0x0] =	sbarrier.arrive $0xFFFF  }
0xed: {  	_ =	strace $0x9000004D  }
0xee: {  	s0 =	stileid.u32;
	[bflag:$0x2] =	sbarrier.arrive $0xFFFF  }
0xef: {  	p0 =	sne.s32 s0, $0x0;
	s0 =	rddreg [dreg:$0x2]  }
0xf0: {  	s0 =	sadd.s32 @!p0 $0x100000, s0  }
0xf1: {  	[sflag:s0] =	ssyncadd.tile.s32 @!p0 $0x1;
	_ =	shalt  }
.Lfunc_end2:
_tile_overlayer_lowered:
.L_overlay_start_2:
0xf2: {  	(tag) =	ssettag $0x2  }
0xf3: {  	s0 =	rddreg [dreg:$0x0];
	s2 =	stileid.u32  }
0xf4: {  	s1 =	rddreg [dreg:$0x1];
	p0 =	sne.s32 s2, $0x0  }
0xf5: {  	s3 =	rddreg [dreg:$0x2];
	[bflag:$0x3] =	sbarrier.arrive $0xFFFF;
	s2 =	simm.s32 @!p0 $0x1C03  }
0xf6: {  	[timem:s3], [sflag:s2] =	dma.local @!p0 [hbm:s0], s1  }
0xf7: {  	s0 =	simm.s32 @!p0 $0x3  }
0xf8: {  	_ =	swait.ge @!p0 [sflag:s0], s1  }
0xf9: {  	s1 =	ssub.s32 @!p0 $0x0, s1;
	[sflag:s0] =	ssyncset.done @!p0 $0x0  }
0xfa: {  	[sflag:s0] =	ssyncadd.s32 @!p0 s1  }
0xfb: {  	[bflag:$0x3] =	sbarrier.arrive $0xFFFF  }
0xfc: {  	_ =	shalt  }

// kernel: kernel.19.cloned.1.call-start
scs
__scs_entry_jumppad:
0x0: {  	(pc) =	sbr.rel $0x88, $3  }
0x1: {  	(tag) =	ssettag $0x0;
	lr =	simm.s32 $0x1  }
0x2: {  	[smem:$0x3F84] =	sst lr;
	_ =	strace $0xD0000000  }
0x3: {  	_ = 	snop  }
0x4: {  	_ = 	snop  }
0x5: {  	_ = 	snop  }
0x6: {  	_ = 	snop  }
0x7: {  	_ = 	snop  }
__scs_overlays_trampoline_lowered:
0x8: {  	[smem:$0x3F93] =	sst s0  }
0x9: {  	[smem:$0x3F94] =	sst s1  }
0xa: {  	[smem:$0x3F95] =	sst s2  }
0xb: {  	[smem:$0x3F96] =	sst s3  }
0xc: {  	[smem:$0x3F97] =	sst s4  }
0xd: {  	[smem:$0x3F98] =	sst s5  }
0xe: {  	[smem:$0x3F99] =	sst s6  }
0xf: {  	[smem:$0x3F9A] =	sst s7  }
0x10: {  	[smem:$0x3F9B] =	sst s8  }
0x11: {  	[smem:$0x3F9C] =	sst s9;
	s0 =	simm.s32 @!p0 $0x0  }
0x12: {  	s1 =	sld [smem:$0x3F82];
	s0 =	simm.s32 @p0 $0x1  }
0x13: {  	[smem:$0x3F9D] =	sst s0;
	s0 =	simm.s32 @!p1 $0x0  }
0x14: {  	s2 =	sld [smem:$0x3F81];
	s0 =	simm.s32 @p1 $0x1  }
0x15: {  	[smem:$0x3F9E] =	sst s0;
	s0 =	simm.s32 @!p2 $0x0  }
0x16: {  	s3 =	sld [smem:$0x3FDB];
	s0 =	simm.s32 @p2 $0x1  }
0x17: {  	s4 =	simm.s32 $0x1BF5;
	[smem:$0x3FA0] =	sst s0  }
0x18: {  	s0 =	sld [smem:$0x3F83];
	_ =	swait.ge [sflag:s4], $0x0  }
0x19: {  	s7 =	sld [smem:$0x3F84]  }
0x1a: {  	s8 =	sadd.s32 $0xFFFFE003, lr  }
0x1b: {  	s9 =	sadd.s32 $0xFFFFFEF7, lr;
	s5 =	simm.s32 $0xFFFFFFFF;
	p2 =	slt.u32 s8, $0xFFFFF086  }
0x1c: {  	p1 =	slt.u32 s9, $0xF7A;
	s5 =	simm.s32 @!p2 $0x0  }
0x1d: {  	s5 =	simm.s32 @p1 $0x1;
	p0 =	seq.s32 s7, s2  }
0x1e: {  	s7 =	smul.u32 @!p0 $0xF7A, s2;
	p2 =	seq.s32 @!p0 s5, $0x0  }
0x1f: {  	s9 =	smul.u32 $0xF7A, s1;
	s8 =	simm.s32 @!p0 $0x1BF5;
	p2 =	por !p2, p0  }
0x20: {  	[sflag:s8] =	ssyncset.s32 @!p0 $0xFFFFF086;
	s6 =	sadd.s32 @!p0 s3, s7;
	s7 =	simm.s32 @!p0 $0x108  }
0x21: {  	s3 =	sadd.s32 s3, s9;
	s6 =	sadd.s32 @!p0 $0x88, s6;
	s7 =	simm.s32 @p2 $0x1082  }
0x22: {  	[simem:s7], [sflag:s8] =	dma.local @!p0 [hbm:s6], $0xF7A  }
0x23: {  	s9 =	sor.u32 $0xD0000000, s2;
	s6 =	simm.s32 $0x108;
	_ =	swait.ge @!p0 [sflag:s8], $0x0  }
0x24: {  	s3 =	sadd.s32 $0x88, s3;
	s6 =	simm.s32 @!p1 $0x1082;
	[sflag:s4] =	ssyncset.s32 $0xFFFFF086  }
0x25: {  	[simem:s6], [sflag:s4] =	dma.local [hbm:s3], $0xF7A  }
0x26: {  	[smem:$0x3F84] =	sst s1;
	(tag) =	ssettag s2;
	_ =	strace s9  }
0x27: {  	s1 =	sld [smem:$0x3F94]  }
0x28: {  	s2 =	sld [smem:$0x3F95]  }
0x29: {  	s4 =	sld [smem:$0x3F97]  }
0x2a: {  	p0 =	seq.s32 s5, $0x0;
	s5 =	sld [smem:$0x3F98]  }
0x2b: {  	s6 =	sld [smem:$0x3F99]  }
0x2c: {  	s7 =	sld [smem:$0x3F9A]  }
0x2d: {  	s3 =	simm.s32 $0x108;
	s8 =	sld [smem:$0x3F9B]  }
0x2e: {  	s3 =	simm.s32 @!p0 $0x1082;
	s9 =	sld [smem:$0x3F9C]  }
0x2f: {  	lr =	sadd.s32 s0, s3;
	s0 =	sld [smem:$0x3F93]  }
0x30: {  	s3 =	sld [smem:$0x3F96]  }
0x31: {  	[smem:$0x3F9F] =	sst s10  }
0x32: {  	s10 =	sld [smem:$0x3F9D];
	_ =	sdelay $0x3  }
0x33: {  	p0 =	seq.s32 s10, $0x1;
	s10 =	sld [smem:$0x3F9F];
	_ =	sdelay $0x3  }
0x34: {  	[smem:$0x3F9F] =	sst s10  }
0x35: {  	s10 =	sld [smem:$0x3F9E];
	_ =	sdelay $0x3  }
0x36: {  	p1 =	seq.s32 s10, $0x1;
	s10 =	sld [smem:$0x3F9F];
	_ =	sdelay $0x3  }
0x37: {  	[smem:$0x3F9F] =	sst s10  }
0x38: {  	s10 =	sld [smem:$0x3FA0]  }
0x39: {  	_ = 	snop;
	(pc) =	sbr.ind lr, $3  }
0x3a: {  	_ = 	snop  }
0x3b: {  	_ = 	snop  }
0x3c: {  	p2 =	seq.s32 s10, $0x1;
	s10 =	sld [smem:$0x3F9F]  }
0x3d: {  	_ =	shalt  }
0x3e: {  	_ =	shalt  }
0x3f: {  	_ =	shalt  }
0x40: {  	_ =	shalt  }
0x41: {  	_ =	shalt  }
0x42: {  	_ =	shalt  }
0x43: {  	_ =	shalt  }
0x44: {  	_ =	shalt  }
0x45: {  	_ =	shalt  }
0x46: {  	_ =	shalt  }
0x47: {  	_ =	shalt  }
0x48: {  	_ =	shalt  }
0x49: {  	_ =	shalt  }
0x4a: {  	_ =	shalt  }
0x4b: {  	_ =	shalt  }
0x4c: {  	_ =	shalt  }
0x4d: {  	_ =	shalt  }
0x4e: {  	_ =	shalt  }
0x4f: {  	_ =	shalt  }
0x50: {  	_ =	shalt  }
0x51: {  	_ =	shalt  }
0x52: {  	_ =	shalt  }
0x53: {  	_ =	shalt  }
0x54: {  	_ =	shalt  }
0x55: {  	_ =	shalt  }
0x56: {  	_ =	shalt  }
0x57: {  	_ =	shalt  }
0x58: {  	_ =	shalt  }
0x59: {  	_ =	shalt  }
0x5a: {  	_ =	shalt  }
0x5b: {  	_ =	shalt  }
0x5c: {  	_ =	shalt  }
0x5d: {  	_ =	shalt  }
0x5e: {  	_ =	shalt  }
0x5f: {  	_ =	shalt  }
0x60: {  	_ =	shalt  }
0x61: {  	_ =	shalt  }
0x62: {  	_ =	shalt  }
0x63: {  	_ =	shalt  }
0x64: {  	_ =	shalt  }
0x65: {  	_ =	shalt  }
0x66: {  	_ =	shalt  }
0x67: {  	_ =	shalt  }
0x68: {  	_ =	shalt  }
0x69: {  	_ =	shalt  }
0x6a: {  	_ =	shalt  }
0x6b: {  	_ =	shalt  }
0x6c: {  	_ =	shalt  }
0x6d: {  	_ =	shalt  }
0x6e: {  	_ =	shalt  }
0x6f: {  	_ =	shalt  }
0x70: {  	_ =	shalt  }
0x71: {  	_ =	shalt  }
0x72: {  	_ =	shalt  }
0x73: {  	_ =	shalt  }
0x74: {  	_ =	shalt  }
0x75: {  	_ =	shalt  }
0x76: {  	_ =	shalt  }
0x77: {  	_ =	shalt  }
0x78: {  	_ =	shalt  }
0x79: {  	_ =	shalt  }
0x7a: {  	_ =	shalt  }
0x7b: {  	_ =	shalt  }
0x7c: {  	_ =	shalt  }
0x7d: {  	_ =	shalt  }
0x7e: {  	_ =	shalt  }
0x7f: {  	_ =	shalt  }
0x80: {  	_ =	shalt  }
0x81: {  	_ =	shalt  }
0x82: {  	_ =	shalt  }
0x83: {  	_ =	shalt  }
0x84: {  	_ =	shalt  }
0x85: {  	_ =	shalt  }
0x86: {  	_ =	shalt  }
0x87: {  	_ =	shalt  }
.Lfunc_end0:
.L_simem_size_0:
called_computation.3_lowered:
.L_overlay_start_0:
0x88: {  	s2 =	sld [smem:$0x3FD9]  }
0x89: {  	s3 =	sld [smem:$0x3FFE];
	_ =	sdelay $0x1  }
0x8a: {  	s1 =	srdreg.scid  }
0x8b: {  	s0 =	sand.u32 $0x1, s1  }
0x8c: {  	s16 =	sshll.u32 s0, $0xA;
	s2 =	sadd.s32 s3, s2  }
0x8d: {  	s2 =	sadd.s32 s2, s16  }
0x8e: {  	[smem:$0x3FAB] =	sst s2  }
0x8f: {  	_ = 	snop  }
0x90: {  	(tm) =	ssettm $0x1  }
0x91: {  	s17 =	sld [smem:$0x3FFB];
	_ =	sdelay $0x3  }
0x92: {  	_ =	strace s17  }
0x93: {  	s2 =	sld [smem:$0x3FFC];
	_ =	sdelay $0x3  }
0x94: {  	_ =	strace s2  }
0x95: {  	s2 =	sld [smem:$0x3FFD];
	_ =	sdelay $0x3  }
0x96: {  	_ =	strace s2  }
0x97: {  	_ =	strace $0x8FFFFFFF  }
0x98: {  	s18 =	sld [smem:$0x3FDB];
	_ =	sdelay $0x1  }
0x99: {  	s19 =	simm.s32 $_scs_section_size  }
0x9a: {  	s4 =	simm.s32 $_size__tile_overlayer_lowered;
	s5 =	simm.s32 $_tile_overlayer_lowered  }
0x9b: {  	s22 =	simm.s32 $0x1BFF;
	s21 =	sshll.u32 s5, $0x1;
	s2 =	sadd.s32 s19, s18  }
0x9c: {  	s6 =	simm.s32 $0x0;
	s20 =	sshll.u32 s4, $0x1;
	s4 =	sadd.s32 s21, s2  }
0x9d: {  	[timem:s6], [sflag:s22] =	dma.local [hbm:s4], s20  }
0x9e: {  	_ =	swait.ge [sflag:s22], s20  }
0x9f: {  	s3 =	ssub.s32 $0x0, s20;
	[sflag:s22] =	ssyncset.done $0x0  }
0xa0: {  	[sflag:s22] =	ssyncadd.s32 s3;
	_ =	sdelay $0x1  }
0xa1: {  	s23 =	simm.s32 $0x1B8B  }
0xa2: {  	_ =	swait.ge [sflag:s23], $0x1  }
0xa3: {  	[sflag:s23] =	ssyncset.done $0x0  }
0xa4: {  	s25 =	simm.s32 $0x1B8E;
	s24 =	sld [smem:$0x3FFE];
	[sflag:s23] =	ssyncadd.s32 $0xFFFFFFFF  }
0xa5: {  	s26 =	simm.s32 $execute0_lowered;
	[smem:$0x3FD2] =	sst s25  }
0xa6: {  	s4 =	sshll.u32 s26, $0x1;
	_ =	strace $0x8000004F;
	[dreg:$0x1] =	wrdreg $0xFFFFFFFF  }
0xa7: {  	s28 =	simm.s32 $_size_execute0_lowered;
	s2 =	sadd.s32 s2, s4;
	[dreg:$0x0] =	wrdreg $0x0  }
0xa8: {  	s4 =	sshll.u32 s28, $0x1;
	[dreg:$0x2] =	wrdreg s2  }
0xa9: {  	[dreg:$0x3] =	wrdreg s4  }
0xaa: {  	[dreg:$0x4] =	wrdreg $0xC0  }
0xab: {  	_ =	task [dreg:s6], $0x5FFFF  }
0xac: {  	[dreg:$0x1] =	wrdreg $0xFFFFFFFF  }
0xad: {  	[dreg:$0x0] =	wrdreg $0x60  }
0xae: {  	[dreg:$0x2] =	wrdreg s24  }
0xaf: {  	[dreg:$0x3] =	wrdreg $0xA8000  }
0xb0: {  	[dreg:$0x4] =	wrdreg $0x9  }
0xb1: {  	_ =	task.clear_ibuf [dreg:s6], $0x5FFFF;
	_ =	strace $0x9000004F  }
0xb2: {  	s29 =	simm.s32 $0x9;
	_ =	strace $0x80000051  }
0xb3: {  	_ =	swait.ge [sflag:s29], $0x1  }
0xb4: {  	[sflag:s29] =	ssyncadd.s32 $0xFFFFFFFF  }
0xb5: {  	_ =	strace $0x90000051  }
0xb6: {  	_ =	sfence  }
0xb7: {  	s30 =	sld [smem:$0x0];
	_ =	sdelay $0x2  }
0xb8: {  	s31 =	sshll.u32 s1, $0xD;
	s1 =	sshrl.u32 s1, $0x2  }
0xb9: {  	s3 =	sand.u32 $0x4000, s31;
	s1 =	sadd.s32 s1, s30  }
0xba: {  	s0 =	sor.u32 s3, s0;
	s1 =	sshll.u32 s1, $0x11  }
0xbb: {  	s0 =	sor.u32 s1, s0  }
0xbc: {  	s0 =	sadd.s32 $0x8F2B, s0  }
0xbd: {  	[sflag:s0] =	ssyncadd.remote.s32 $0x1  }
0xbe: {  	_ =	sfence.sel $0xFFFF  }
0xbf: {  	[dreg:$0x0] =	wrdreg $0xFFFFFFFF;
	(pc) =	sbr.abs _section_cstart, $3  }
0xc0: {  	[dreg:$0x1] =	wrdreg $0xFFFFFFFF  }
0xc1: {  	_ =	task.clear_ibuf [dreg:s6], $0x2FFFF;
	_ =	strace $0x9FFFFFFF  }
0xc2: {  	(tm) =	ssettm $0x7FFFFFFF  }
0xc3: {  	_ =	shalt  }
tec
execute0_lowered:
.L_overlay_start_1:
0x0: {  	(tag) =	ssettag $0x1  }
0x1: {  	s0 =	rddreg [dreg:$0x0]  }
0x2: {  	s1 =	rddreg [dreg:$0x1];
	s2 =	simm.s32 $0x0;
	s3 =	srdreg.scid  }
0x3: {  	s5 =	stileid.u32;
	s22 =	simm.s32 $0x3;
	s23 =	simm.s32 $0x2  }
0x4: {  	s28 =	simm.s32 $0x80;
	s30 =	simm.s32 $0x4;
	s31 =	simm.s32 $0x0  }
0x5: {  	[smem:$0x7FF] =	sst s2;
	s4 =	sadd.s32 $0x10E00, s0;
	s13 =	sadd.s32 $0x61A00, s0  }
0x6: {  	s3 =	sand.u32 $0x1, s3;
	s14 =	sadd.s32 $0x6E00, s0;
	s7 =	smul.u32 $0x50000, s5  }
0x7: {  	s8 =	sadd.s32 $0x5F200, s0;
	s0 =	sadd.s32 $0x6BA00, s0;
	s15 =	smul.u32 $0x14000, s5  }
0x8: {  	_ =	strace $0x80000050;
	s6 =	ssub.s32 $0x2, s3;
	[dreg:$0x3] =	wrdreg s8  }
0x9: {  	s9 =	sshll.u32 s3, $0x4;
	s3 =	smul.u32 $0x140000, s3;
	s24 =	sshrl.u32 s6, $0x1  }
0xa: {  	s7 =	sshrl.u32 s7, $0x2;
	s25 =	sor.u32 s5, s9;
	s16 =	sadd.s32 $0x4000, s15  }
0xb: {  	s17 =	sadd.s32 $0x8000, s15;
	s18 =	sadd.s32 $0xC000, s15;
	s19 =	sadd.s32 $0x10000, s15  }
0xc: {  	s20 =	ssub.s32 s6, s24;
	s6 =	sadd.s32 s7, s1;
	s9 =	smul.u32 $0x2800, s25  }
0xd: {  	s7 =	sadd.s32 s16, s1;
	s8 =	sadd.s32 s17, s1;
	s10 =	sadd.s32 s19, s1  }
0xe: {  	s15 =	sadd.s32 s15, s3;
	s16 =	sadd.s32 s3, s16;
	s17 =	sadd.s32 s3, s17  }
0xf: {  	s15 =	sshrl.u32 s15, $0x3;
	s16 =	sshrl.u32 s16, $0x3;
	s17 =	sshrl.u32 s17, $0x3  }
0x10: {  	s20 =	smax.u32 s20, $0x1;
	s21 =	sshrl.u32 s9, $0x3;
	s9 =	sadd.s32 s18, s1  }
0x11: {  	s15 =	sadd.s32 s0, s15;
	s16 =	sadd.s32 s0, s16;
	s18 =	sadd.s32 s3, s18  }
0x12: {  	s3 =	sadd.s32 s3, s19;
	s17 =	sadd.s32 s0, s17;
	s26 =	sadd.s32 s13, s21  }
0x13: {  	s29 =	sadd.s32 s14, s21;
	s21 =	sadd.s32 $0x280, s21;
	[dreg:$0x4] =	wrdreg s26  }
0x14: {  	s18 =	sshrl.u32 s18, $0x3;
	s3 =	sshrl.u32 s3, $0x3;
	[dreg:$0x5] =	wrdreg s29  }
0x15: {  	s13 =	sadd.s32 s13, s21;
	s14 =	sadd.s32 s14, s21;
	s18 =	sadd.s32 s0, s18  }
0x16: {  	s19 =	sadd.s32 s0, s3;
	s21 =	simm.s32 $0x2800;
	s26 =	simm.s32 $0x1  }
.LBB2_1:
0x17: {  	s0 =	rddreg [dreg:$0x3]  }
0x18: {  	[tilespmem:s21], [sflag:$0x3] =	stream.linear.gather [hbm4b:s0+s2], $0x4000, $0x38;
	[tilespmem:$0x1E800] =	vst v63  }
0x19: {  	_ =	swait.ge [sflag:s22], $0x4000  }
0x1a: {  	[sflag:s22] =	ssyncset.done $0x0  }
0x1b: {  	[sflag:s22] =	ssyncadd.s32 $0xFFFFC000  }
0x1c: {  	[spmem:s6] =	stream.linear.scatter [tilespmem:s21], [sflag:$0x3], $0x4000, $0x38;
	[tilespmem:$0x1E800] =	vst v63  }
0x1d: {  	_ =	swait.ge [sflag:s22], $0x4000  }
0x1e: {  	[sflag:s22] =	ssyncset.done $0x0  }
0x1f: {  	[sflag:s22] =	ssyncadd.s32 $0xFFFFC000  }
0x20: {  	[spmem:s7] =	stream.linear.scatter [tilespmem:s21], [sflag:$0x3], $0x4000, $0x38;
	[tilespmem:$0x1E800] =	vst v63  }
0x21: {  	_ =	swait.ge [sflag:s22], $0x4000  }
0x22: {  	[sflag:s22] =	ssyncset.done $0x0  }
0x23: {  	[sflag:s22] =	ssyncadd.s32 $0xFFFFC000  }
0x24: {  	[spmem:s8] =	stream.linear.scatter [tilespmem:s21], [sflag:$0x3], $0x4000, $0x38;
	[tilespmem:$0x1E800] =	vst v63  }
0x25: {  	_ =	swait.ge [sflag:s22], $0x4000  }
0x26: {  	[sflag:s22] =	ssyncset.done $0x0  }
0x27: {  	[sflag:s22] =	ssyncadd.s32 $0xFFFFC000  }
0x28: {  	[spmem:s9] =	stream.linear.scatter [tilespmem:s21], [sflag:$0x3], $0x4000, $0x38;
	[tilespmem:$0x1E800] =	vst v63  }
0x29: {  	_ =	swait.ge [sflag:s22], $0x4000  }
0x2a: {  	[sflag:s22] =	ssyncset.done $0x0  }
0x2b: {  	[sflag:s22] =	ssyncadd.s32 $0xFFFFC000  }
0x2c: {  	[spmem:s10] =	stream.linear.scatter [tilespmem:s21], [sflag:$0x3], $0x4000, $0x38;
	[tilespmem:$0x1E800] =	vst v63  }
0x2d: {  	_ =	swait.ge [sflag:s22], $0x4000  }
0x2e: {  	[sflag:s22] =	ssyncset.done $0x0  }
0x2f: {  	[sflag:s22] =	ssyncadd.s32 $0xFFFFC000  }
0x30: {  	[bflag:$0x0] =	sbarrier.arrive $0xFFFF  }
0x31: {  	s5 =	rddreg [dreg:$0x4]  }
0x32: {  	[tilespmem:s2], [sflag:$0x3] =	stream.linear.gather [hbm4b:s5+s2], $0x1400, $0x38;
	[tilespmem:$0x1E800] =	vst v63  }
0x33: {  	_ =	swait.ge [sflag:s22], $0x1400  }
0x34: {  	[sflag:s22] =	ssyncset.done $0x0  }
0x35: {  	s0 =	simm.s32 $0x1400;
	s3 =	rddreg [dreg:$0x5];
	[sflag:s22] =	ssyncadd.s32 $0xFFFFEC00  }
0x36: {  	[tilespmem:s0], [sflag:$0x3] =	stream.linear.gather [hbm4b:s3+s2], $0x1400, $0x38;
	[tilespmem:$0x1E800] =	vst v63  }
0x37: {  	_ =	swait.ge [sflag:s22], $0x1400  }
0x38: {  	s11 =	sand.u32 $0x1, s2;
	[sflag:s22] =	ssyncset.done $0x0  }
0x39: {  	p0 =	seq.s32 s11, $0x1;
	p1 =	seq.s32 s11, $0x0;
	[sflag:s22] =	ssyncadd.s32 $0xFFFFEC00  }
0x3a: {  	[tilespmem:s21], [sflag:$0x1] =	stream.indirect.gather [hbm4b:s4+s28], $0x80, s2, s28, $0xb8;
	[tilespmem:$0x1E800] =	vst v63  }
0x3b: {  	p2 =	sne.s32 s11, $0x0;
	s24 =	simm.s32 @!p0 $0x80;
	s25 =	simm.s32 @!p0 $0x6800  }
0x3c: {  	[tilespmem:s25], [sflag:$0x2] =	stream.indirect.gather @!p0 [hbm4b:s4+s24], $0x80, s28, s24, $0xb8;
	[tilespmem:$0x1E800] =	vst v63  }
0x3d: {  	s3 =	simm.s32 @!p2 $0x1;
	s24 =	simm.s32 @!p1 $0x80;
	s25 =	simm.s32 @!p1 $0x2800  }
0x3e: {  	[tilespmem:s25], [sflag:$0x1] =	stream.indirect.gather @!p1 [hbm4b:s4+s24], $0x80, s28, s24, $0xb8;
	[tilespmem:$0x1E800] =	vst v63  }
0x3f: {  	_ =	swait.ge @!p2 [sflag:s3], $0x4000  }
0x40: {  	s24 =	simm.s32 @!p2 $0x80;
	[sflag:s3] =	ssyncset.done @!p2 $0x0  }
0x41: {  	s25 =	simm.s32 @!p2 $0x2800;
	[sflag:s3] =	ssyncadd.s32 @!p2 $0xFFFFC000;
	s3 =	simm.s32 @!p2 $0x4  }
0x42: {  	[spmem:s1] =	stream.indirect.scatter.add.f32 @!p2 [tilespmem:s25], [sflag:$0x4], $0x80, s0, s24, $0xb8;
	[tilespmem:$0x1E800] =	vst v63  }
0x43: {  	_ =	swait.ge @!p2 [sflag:s3], $0x4000  }
0x44: {  	p0 =	por p0, p0;
	[sflag:s3] =	ssyncset.done @!p2 $0x0  }
0x45: {  	s24 =	simm.s32 @p0 $0x2;
	[sflag:s3] =	ssyncadd.s32 @!p2 $0xFFFFC000  }
0x46: {  	_ =	swait.ge @p0 [sflag:s24], $0x4000  }
0x47: {  	s12 =	simm.s32 $0x1;
	[sflag:s24] =	ssyncset.done @p0 $0x0  }
0x48: {  	s29 =	simm.s32 @p0 $0x6800;
	s3 =	simm.s32 @p0 $0x80;
	[sflag:s24] =	ssyncadd.s32 @p0 $0xFFFFC000  }
0x49: {  	[spmem:s1] =	stream.indirect.scatter.add.f32 @p0 [tilespmem:s29], [sflag:$0x3], $0x80, s0, s3, $0xb8;
	[tilespmem:$0x1E800] =	vst v63  }
0x4a: {  	s25 =	sand.u32 $0x1, s12;
	s24 =	simm.s32 $0x2;
	s29 =	simm.s32 @p0 $0x3  }
0x4b: {  	s3 =	simm.s32 $0x100;
	s0 =	simm.s32 $0x1480;
	_ =	swait.ge @p0 [sflag:s29], $0x4000  }
.LBB2_2:
0x4c: {  	p3 =	seq.s32 s25, $0x1;
	p1 =	seq.s32 s25, $0x0;
	[sflag:s29] =	ssyncset.done @p0 $0x0  }
0x4d: {  	s5 =	simm.s32 @!p3 $0x80;
	s11 =	simm.s32 @!p3 $0x6800;
	[sflag:s29] =	ssyncadd.s32 @p0 $0xFFFFC000  }
0x4e: {  	[tilespmem:s11], [sflag:$0x2] =	stream.indirect.gather @!p3 [hbm4b:s4+s5], $0x80, s3, s5, $0xb8;
	[tilespmem:$0x1E800] =	vst v63  }
0x4f: {  	p2 =	sne.s32 s25, $0x0;
	s5 =	simm.s32 @!p1 $0x80;
	s11 =	simm.s32 @!p1 $0x2800  }
0x50: {  	[tilespmem:s11], [sflag:$0x1] =	stream.indirect.gather @!p1 [hbm4b:s4+s5], $0x80, s3, s5, $0xb8;
	[tilespmem:$0x1E800] =	vst v63  }
0x51: {  	s5 =	simm.s32 @!p2 $0x1;
	s11 =	smov.u32 s24;
	s24 =	sadd.s32 $0x1, s24  }
0x52: {  	p0 =	por p3, p3;
	p1 =	sne.s32 s24, $0x27;
	_ =	swait.ge @!p2 [sflag:s5], $0x4000  }
0x53: {  	s25 =	simm.s32 @!p2 $0x80;
	s29 =	simm.s32 @!p2 $0x2800;
	[sflag:s5] =	ssyncset.done @!p2 $0x0  }
0x54: {  	[sflag:s5] =	ssyncadd.s32 @!p2 $0xFFFFC000;
	s5 =	simm.s32 @!p2 $0x4  }
0x55: {  	[spmem:s1] =	stream.indirect.scatter.add.f32 @!p2 [tilespmem:s29], [sflag:$0x4], $0x80, s0, s25, $0xb8;
	[tilespmem:$0x1E800] =	vst v63  }
0x56: {  	_ =	swait.ge @!p2 [sflag:s5], $0x4000  }
0x57: {  	s25 =	simm.s32 @p0 $0x2;
	[sflag:s5] =	ssyncset.done @!p2 $0x0  }
0x58: {  	[sflag:s5] =	ssyncadd.s32 @!p2 $0xFFFFC000  }
.Ltmp0:
0x59: {  	_ =	swait.ge @p0 [sflag:s25], $0x4000;
	(pc) =	sbr.rel @p1 .LBB2_2-.Ltmp0, $4  }
0x5a: {  	s12 =	simm.s32 @p0 $0x6800;
	s5 =	simm.s32 @p0 $0x80;
	[sflag:s25] =	ssyncset.done @p0 $0x0  }
0x5b: {  	s3 =	sadd.s32 $0x80, s3;
	s29 =	simm.s32 @p0 $0x3;
	[sflag:s25] =	ssyncadd.s32 @p0 $0xFFFFC000  }
0x5c: {  	[spmem:s1] =	stream.indirect.scatter.add.f32 @p0 [tilespmem:s12], [sflag:$0x3], $0x80, s0, s5, $0xb8;
	[tilespmem:$0x1E800] =	vst v63  }
0x5d: {  	s25 =	sand.u32 $0x1, s11;
	s0 =	sadd.s32 $0x80, s0;
	_ =	swait.ge @p0 [sflag:s29], $0x4000  }
0x5e: {  	p1 =	seq.s32 s25, $0x1;
	p2 =	seq.s32 s25, $0x0;
	[sflag:s29] =	ssyncset.done @p0 $0x0  }
0x5f: {  	s5 =	simm.s32 @!p1 $0x80;
	s11 =	simm.s32 @!p1 $0x6800;
	[sflag:s29] =	ssyncadd.s32 @p0 $0xFFFFC000  }
0x60: {  	[tilespmem:s11], [sflag:$0x2] =	stream.indirect.gather @!p1 [hbm4b:s4+s5], $0x80, s3, s5, $0xb8;
	[tilespmem:$0x1E800] =	vst v63  }
0x61: {  	p0 =	sne.s32 s25, $0x0;
	s5 =	simm.s32 @!p2 $0x80;
	s11 =	simm.s32 @!p2 $0x2800  }
0x62: {  	[tilespmem:s11], [sflag:$0x1] =	stream.indirect.gather @!p2 [hbm4b:s4+s5], $0x80, s3, s5, $0xb8;
	[tilespmem:$0x1E800] =	vst v63  }
0x63: {  	s3 =	simm.s32 @!p0 $0x1  }
0x64: {  	_ =	swait.ge @!p0 [sflag:s3], $0x4000  }
0x65: {  	s5 =	simm.s32 @!p0 $0x80;
	[sflag:s3] =	ssyncset.done @!p0 $0x0  }
0x66: {  	s11 =	simm.s32 @!p0 $0x2800;
	[sflag:s3] =	ssyncadd.s32 @!p0 $0xFFFFC000;
	s3 =	simm.s32 @!p0 $0x4  }
0x67: {  	[spmem:s1] =	stream.indirect.scatter.add.f32 @!p0 [tilespmem:s11], [sflag:$0x4], $0x80, s0, s5, $0xb8;
	[tilespmem:$0x1E800] =	vst v63  }
0x68: {  	_ =	swait.ge @!p0 [sflag:s3], $0x4000  }
0x69: {  	p1 =	por p1, p1;
	[sflag:s3] =	ssyncset.done @!p0 $0x0  }
0x6a: {  	s5 =	simm.s32 @p1 $0x2;
	[sflag:s3] =	ssyncadd.s32 @!p0 $0xFFFFC000  }
0x6b: {  	_ =	swait.ge @p1 [sflag:s5], $0x4000  }
0x6c: {  	s11 =	simm.s32 @p1 $0x6800;
	[sflag:s5] =	ssyncset.done @p1 $0x0  }
0x6d: {  	s3 =	simm.s32 @p1 $0x80;
	[sflag:s5] =	ssyncadd.s32 @p1 $0xFFFFC000;
	s5 =	simm.s32 @p1 $0x3  }
0x6e: {  	[spmem:s1] =	stream.indirect.scatter.add.f32 @p1 [tilespmem:s11], [sflag:$0x3], $0x80, s0, s3, $0xb8;
	[tilespmem:$0x1E800] =	vst v63  }
0x6f: {  	_ =	swait.ge @p1 [sflag:s5], $0x4000  }
0x70: {  	[sflag:s5] =	ssyncset.done @p1 $0x0  }
0x71: {  	[sflag:s5] =	ssyncadd.s32 @p1 $0xFFFFC000  }
0x72: {  	_ =	swait.ge [sflag:s23], $0x4000  }
0x73: {  	s12 =	simm.s32 $0x6800;
	[sflag:s23] =	ssyncset.done $0x0  }
0x74: {  	s0 =	simm.s32 $0x80;
	s11 =	simm.s32 $0x2780;
	[sflag:s23] =	ssyncadd.s32 $0xFFFFC000  }
0x75: {  	[spmem:s1] =	stream.indirect.scatter.add.f32 [tilespmem:s12], [sflag:$0x3], $0x80, s11, s0, $0xb8;
	[tilespmem:$0x1E800] =	vst v63  }
0x76: {  	_ =	swait.ge [sflag:s22], $0x4000  }
0x77: {  	[sflag:s22] =	ssyncset.done $0x0  }
0x78: {  	s24 =	simm.s32 $0x0;
	[sflag:s22] =	ssyncadd.s32 $0xFFFFC000  }
0x79: {  	[tilespmem:s24], [sflag:$0x3] =	stream.linear.gather [hbm4b:s13+s24], $0x1380, $0x38;
	[tilespmem:$0x1E800] =	vst v63  }
0x7a: {  	_ =	swait.ge [sflag:s22], $0x1380  }
0x7b: {  	[sflag:s22] =	ssyncset.done $0x0  }
0x7c: {  	s5 =	simm.s32 $0x1400;
	[sflag:s22] =	ssyncadd.s32 $0xFFFFEC80  }
0x7d: {  	[tilespmem:s5], [sflag:$0x3] =	stream.linear.gather [hbm4b:s14+s24], $0x1380, $0x38;
	[tilespmem:$0x1E800] =	vst v63  }
0x7e: {  	_ =	swait.ge [sflag:s22], $0x1380  }
0x7f: {  	s3 =	sand.u32 $0x1, s24;
	[sflag:s22] =	ssyncset.done $0x0  }
0x80: {  	p0 =	seq.s32 s3, $0x1;
	[sflag:s22] =	ssyncadd.s32 $0xFFFFEC80  }
0x81: {  	[tilespmem:s21], [sflag:$0x1] =	stream.indirect.gather [hbm4b:s4+s0], $0x80, s24, s0, $0xb8;
	[tilespmem:$0x1E800] =	vst v63  }
0x82: {  	p1 =	seq.s32 s3, $0x0;
	s11 =	simm.s32 @!p0 $0x80;
	s12 =	simm.s32 @!p0 $0x6800  }
0x83: {  	[tilespmem:s12], [sflag:$0x2] =	stream.indirect.gather @!p0 [hbm4b:s4+s11], $0x80, s0, s11, $0xb8;
	[tilespmem:$0x1E800] =	vst v63  }
0x84: {  	p2 =	sne.s32 s3, $0x0;
	s11 =	simm.s32 @!p1 $0x80;
	s12 =	simm.s32 @!p1 $0x2800  }
0x85: {  	[tilespmem:s12], [sflag:$0x1] =	stream.indirect.gather @!p1 [hbm4b:s4+s11], $0x80, s0, s11, $0xb8;
	[tilespmem:$0x1E800] =	vst v63  }
0x86: {  	s0 =	simm.s32 @!p2 $0x1  }
0x87: {  	_ =	swait.ge @!p2 [sflag:s0], $0x4000  }
0x88: {  	s3 =	simm.s32 @!p2 $0x80;
	[sflag:s0] =	ssyncset.done @!p2 $0x0  }
0x89: {  	s11 =	simm.s32 @!p2 $0x2800;
	[sflag:s0] =	ssyncadd.s32 @!p2 $0xFFFFC000;
	s0 =	simm.s32 @!p2 $0x4  }
0x8a: {  	[spmem:s1] =	stream.indirect.scatter.add.f32 @!p2 [tilespmem:s11], [sflag:$0x4], $0x80, s5, s3, $0xb8;
	[tilespmem:$0x1E800] =	vst v63  }
0x8b: {  	_ =	swait.ge @!p2 [sflag:s0], $0x4000  }
0x8c: {  	p0 =	por p0, p0;
	[sflag:s0] =	ssyncset.done @!p2 $0x0  }
0x8d: {  	s25 =	simm.s32 $0x1;
	s3 =	simm.s32 @p0 $0x2;
	[sflag:s0] =	ssyncadd.s32 @!p2 $0xFFFFC000  }
0x8e: {  	s25 =	sand.u32 $0x1, s25;
	_ =	swait.ge @p0 [sflag:s3], $0x4000  }
0x8f: {  	s24 =	simm.s32 $0x2;
	s29 =	simm.s32 @p0 $0x3;
	[sflag:s3] =	ssyncset.done @p0 $0x0  }
0x90: {  	s12 =	simm.s32 @p0 $0x6800;
	s11 =	simm.s32 @p0 $0x80;
	[sflag:s3] =	ssyncadd.s32 @p0 $0xFFFFC000  }
0x91: {  	[spmem:s1] =	stream.indirect.scatter.add.f32 @p0 [tilespmem:s12], [sflag:$0x3], $0x80, s5, s11, $0xb8;
	[tilespmem:$0x1E800] =	vst v63  }
0x92: {  	s0 =	simm.s32 $0x1480;
	s3 =	simm.s32 $0x100;
	_ =	swait.ge @p0 [sflag:s29], $0x4000  }
.LBB2_4:
0x93: {  	p3 =	seq.s32 s25, $0x1;
	p1 =	seq.s32 s25, $0x0;
	[sflag:s29] =	ssyncset.done @p0 $0x0  }
0x94: {  	s5 =	simm.s32 @!p3 $0x80;
	s11 =	simm.s32 @!p3 $0x6800;
	[sflag:s29] =	ssyncadd.s32 @p0 $0xFFFFC000  }
0x95: {  	[tilespmem:s11], [sflag:$0x2] =	stream.indirect.gather @!p3 [hbm4b:s4+s5], $0x80, s3, s5, $0xb8;
	[tilespmem:$0x1E800] =	vst v63  }
0x96: {  	p2 =	sne.s32 s25, $0x0;
	s5 =	simm.s32 @!p1 $0x80;
	s11 =	simm.s32 @!p1 $0x2800  }
0x97: {  	[tilespmem:s11], [sflag:$0x1] =	stream.indirect.gather @!p1 [hbm4b:s4+s5], $0x80, s3, s5, $0xb8;
	[tilespmem:$0x1E800] =	vst v63  }
0x98: {  	s5 =	simm.s32 @!p2 $0x1;
	s11 =	smov.u32 s24;
	s24 =	sadd.s32 $0x1, s24  }
0x99: {  	p0 =	por p3, p3;
	p1 =	sne.s32 s24, $0x26;
	_ =	swait.ge @!p2 [sflag:s5], $0x4000  }
0x9a: {  	s12 =	simm.s32 @!p2 $0x80;
	s25 =	simm.s32 @!p2 $0x2800;
	[sflag:s5] =	ssyncset.done @!p2 $0x0  }
0x9b: {  	[sflag:s5] =	ssyncadd.s32 @!p2 $0xFFFFC000;
	s5 =	simm.s32 @!p2 $0x4  }
0x9c: {  	[spmem:s1] =	stream.indirect.scatter.add.f32 @!p2 [tilespmem:s25], [sflag:$0x4], $0x80, s0, s12, $0xb8;
	[tilespmem:$0x1E800] =	vst v63  }
0x9d: {  	_ =	swait.ge @!p2 [sflag:s5], $0x4000  }
0x9e: {  	s12 =	simm.s32 @p0 $0x2;
	[sflag:s5] =	ssyncset.done @!p2 $0x0  }
0x9f: {  	[sflag:s5] =	ssyncadd.s32 @!p2 $0xFFFFC000  }
.Ltmp1:
0xa0: {  	_ =	swait.ge @p0 [sflag:s12], $0x4000;
	(pc) =	sbr.rel @p1 .LBB2_4-.Ltmp1, $4  }
0xa1: {  	s25 =	simm.s32 @p0 $0x6800;
	s5 =	simm.s32 @p0 $0x80;
	[sflag:s12] =	ssyncset.done @p0 $0x0  }
0xa2: {  	s29 =	simm.s32 @p0 $0x3;
	s3 =	sadd.s32 $0x80, s3;
	[sflag:s12] =	ssyncadd.s32 @p0 $0xFFFFC000  }
0xa3: {  	[spmem:s1] =	stream.indirect.scatter.add.f32 @p0 [tilespmem:s25], [sflag:$0x3], $0x80, s0, s5, $0xb8;
	[tilespmem:$0x1E800] =	vst v63  }
0xa4: {  	s25 =	sand.u32 $0x1, s11;
	s0 =	sadd.s32 $0x80, s0;
	_ =	swait.ge @p0 [sflag:s29], $0x4000  }
0xa5: {  	p1 =	seq.s32 s25, $0x1;
	p2 =	seq.s32 s25, $0x0;
	[sflag:s29] =	ssyncset.done @p0 $0x0  }
0xa6: {  	s5 =	simm.s32 @!p1 $0x80;
	[sflag:s29] =	ssyncadd.s32 @p0 $0xFFFFC000;
	s11 =	simm.s32 @!p1 $0x6800  }
0xa7: {  	[tilespmem:s11], [sflag:$0x2] =	stream.indirect.gather @!p1 [hbm4b:s4+s5], $0x80, s3, s5, $0xb8;
	[tilespmem:$0x1E800] =	vst v63  }
0xa8: {  	p0 =	sne.s32 s25, $0x0;
	s5 =	simm.s32 @!p2 $0x80;
	s11 =	simm.s32 @!p2 $0x2800  }
0xa9: {  	[tilespmem:s11], [sflag:$0x1] =	stream.indirect.gather @!p2 [hbm4b:s4+s5], $0x80, s3, s5, $0xb8;
	[tilespmem:$0x1E800] =	vst v63  }
0xaa: {  	s3 =	simm.s32 @!p0 $0x1  }
0xab: {  	_ =	swait.ge @!p0 [sflag:s3], $0x4000  }
0xac: {  	[sflag:s3] =	ssyncset.done @!p0 $0x0  }
0xad: {  	s5 =	simm.s32 @!p0 $0x80;
	[sflag:s3] =	ssyncadd.s32 @!p0 $0xFFFFC000;
	s3 =	simm.s32 @!p0 $0x2800  }
0xae: {  	[spmem:s1] =	stream.indirect.scatter.add.f32 @!p0 [tilespmem:s3], [sflag:$0x4], $0x80, s0, s5, $0xb8;
	[tilespmem:$0x1E800] =	vst v63  }
0xaf: {  	s3 =	simm.s32 @!p0 $0x4  }
0xb0: {  	_ =	swait.ge @!p0 [sflag:s3], $0x4000  }
0xb1: {  	p1 =	por p1, p1;
	[sflag:s3] =	ssyncset.done @!p0 $0x0  }
0xb2: {  	s5 =	simm.s32 @p1 $0x2;
	[sflag:s3] =	ssyncadd.s32 @!p0 $0xFFFFC000  }
0xb3: {  	_ =	swait.ge @p1 [sflag:s5], $0x4000  }
0xb4: {  	[sflag:s5] =	ssyncset.done @p1 $0x0  }
0xb5: {  	s3 =	simm.s32 @p1 $0x80;
	[sflag:s5] =	ssyncadd.s32 @p1 $0xFFFFC000;
	s5 =	simm.s32 @p1 $0x6800  }
0xb6: {  	[spmem:s1] =	stream.indirect.scatter.add.f32 @p1 [tilespmem:s5], [sflag:$0x3], $0x80, s0, s3, $0xb8;
	[tilespmem:$0x1E800] =	vst v63  }
0xb7: {  	s0 =	simm.s32 @p1 $0x3  }
0xb8: {  	_ =	swait.ge @p1 [sflag:s0], $0x4000  }
0xb9: {  	[sflag:s0] =	ssyncset.done @p1 $0x0  }
0xba: {  	[sflag:s0] =	ssyncadd.s32 @p1 $0xFFFFC000  }
0xbb: {  	_ =	swait.ge [sflag:s26], $0x4000  }
0xbc: {  	[sflag:s26] =	ssyncset.done $0x0  }
0xbd: {  	s29 =	simm.s32 $0x2700;
	[sflag:s26] =	ssyncadd.s32 $0xFFFFC000  }
0xbe: {  	[spmem:s1] =	stream.indirect.scatter.add.f32 [tilespmem:s21], [sflag:$0x4], $0x80, s29, s28, $0xb8;
	[tilespmem:$0x1E800] =	vst v63  }
0xbf: {  	_ =	swait.ge [sflag:s30], $0x4000  }
0xc0: {  	[sflag:s30] =	ssyncset.done $0x0  }
0xc1: {  	[sflag:s30] =	ssyncadd.s32 $0xFFFFC000  }
0xc2: {  	[bflag:$0x0] =	sbarrier.arrive $0xFFFF  }
0xc3: {  	[tilespmem:s21], [sflag:$0x3] =	stream.linear.gather [spmem:s6], $0x4000, $0x38;
	[tilespmem:$0x1E800] =	vst v63  }
0xc4: {  	_ =	swait.ge [sflag:s22], $0x4000  }
0xc5: {  	[sflag:s22] =	ssyncset.done $0x0  }
0xc6: {  	[sflag:s22] =	ssyncadd.s32 $0xFFFFC000  }
0xc7: {  	[hbm4b:s15+s2] =	stream.linear.scatter [tilespmem:s21], [sflag:$0x3], $0x4000, $0x38;
	[tilespmem:$0x1E800] =	vst v63  }
0xc8: {  	_ =	swait.ge [sflag:s22], $0x4000  }
0xc9: {  	[sflag:s22] =	ssyncset.done $0x0  }
0xca: {  	[sflag:s22] =	ssyncadd.s32 $0xFFFFC000  }
0xcb: {  	[tilespmem:s21], [sflag:$0x3] =	stream.linear.gather [spmem:s7], $0x4000, $0x38;
	[tilespmem:$0x1E800] =	vst v63  }
0xcc: {  	_ =	swait.ge [sflag:s22], $0x4000  }
0xcd: {  	[sflag:s22] =	ssyncset.done $0x0  }
0xce: {  	[sflag:s22] =	ssyncadd.s32 $0xFFFFC000  }
0xcf: {  	[hbm4b:s16+s2] =	stream.linear.scatter [tilespmem:s21], [sflag:$0x3], $0x4000, $0x38;
	[tilespmem:$0x1E800] =	vst v63  }
0xd0: {  	_ =	swait.ge [sflag:s22], $0x4000  }
0xd1: {  	[sflag:s22] =	ssyncset.done $0x0  }
0xd2: {  	[sflag:s22] =	ssyncadd.s32 $0xFFFFC000  }
0xd3: {  	[tilespmem:s21], [sflag:$0x3] =	stream.linear.gather [spmem:s8], $0x4000, $0x38;
	[tilespmem:$0x1E800] =	vst v63  }
0xd4: {  	_ =	swait.ge [sflag:s22], $0x4000  }
0xd5: {  	[sflag:s22] =	ssyncset.done $0x0  }
0xd6: {  	[sflag:s22] =	ssyncadd.s32 $0xFFFFC000  }
0xd7: {  	[hbm4b:s17+s2] =	stream.linear.scatter [tilespmem:s21], [sflag:$0x3], $0x4000, $0x38;
	[tilespmem:$0x1E800] =	vst v63  }
0xd8: {  	_ =	swait.ge [sflag:s22], $0x4000  }
0xd9: {  	[sflag:s22] =	ssyncset.done $0x0  }
0xda: {  	[sflag:s22] =	ssyncadd.s32 $0xFFFFC000  }
0xdb: {  	[tilespmem:s21], [sflag:$0x3] =	stream.linear.gather [spmem:s9], $0x4000, $0x38;
	[tilespmem:$0x1E800] =	vst v63  }
0xdc: {  	_ =	swait.ge [sflag:s22], $0x4000  }
0xdd: {  	[sflag:s22] =	ssyncset.done $0x0  }
0xde: {  	[sflag:s22] =	ssyncadd.s32 $0xFFFFC000  }
0xdf: {  	[hbm4b:s18+s2] =	stream.linear.scatter [tilespmem:s21], [sflag:$0x3], $0x4000, $0x38;
	[tilespmem:$0x1E800] =	vst v63  }
0xe0: {  	_ =	swait.ge [sflag:s22], $0x4000  }
0xe1: {  	[sflag:s22] =	ssyncset.done $0x0  }
0xe2: {  	[sflag:s22] =	ssyncadd.s32 $0xFFFFC000  }
0xe3: {  	[tilespmem:s21], [sflag:$0x3] =	stream.linear.gather [spmem:s10], $0x4000, $0x38;
	[tilespmem:$0x1E800] =	vst v63  }
0xe4: {  	s31 =	sadd.s32 $0x1, s31;
	_ =	swait.ge [sflag:s22], $0x4000  }
0xe5: {  	p0 =	sne.s32 s31, s20;
	[sflag:s22] =	ssyncset.done $0x0  }
.Ltmp2:
0xe6: {  	[sflag:s22] =	ssyncadd.s32 $0xFFFFC000;
	(pc) =	sbr.rel @p0 .LBB2_1-.Ltmp2, $4  }
0xe7: {  	[hbm4b:s19+s2] =	stream.linear.scatter [tilespmem:s21], [sflag:$0x3], $0x4000, $0x38;
	[tilespmem:$0x1E800] =	vst v63  }
0xe8: {  	_ =	swait.ge [sflag:s22], $0x4000  }
0xe9: {  	[sflag:s22] =	ssyncset.done $0x0  }
0xea: {  	[sflag:s22] =	ssyncadd.s32 $0xFFFFC000  }
0xeb: {  	_ =	sfence.sel $0x180000  }
0xec: {  	[bflag:$0x0] =	sbarrier.arrive $0xFFFF  }
0xed: {  	_ =	strace $0x90000050  }
0xee: {  	s0 =	stileid.u32;
	[bflag:$0x2] =	sbarrier.arrive $0xFFFF  }
0xef: {  	p0 =	sne.s32 s0, $0x0;
	s0 =	rddreg [dreg:$0x2]  }
0xf0: {  	s0 =	sadd.s32 @!p0 $0x100000, s0  }
0xf1: {  	[sflag:s0] =	ssyncadd.tile.s32 @!p0 $0x1;
	_ =	shalt  }
.Lfunc_end2:
_tile_overlayer_lowered:
.L_overlay_start_2:
0xf2: {  	(tag) =	ssettag $0x2  }
0xf3: {  	s0 =	rddreg [dreg:$0x0];
	s2 =	stileid.u32  }
0xf4: {  	s1 =	rddreg [dreg:$0x1];
	p0 =	sne.s32 s2, $0x0  }
0xf5: {  	s3 =	rddreg [dreg:$0x2];
	[bflag:$0x3] =	sbarrier.arrive $0xFFFF;
	s2 =	simm.s32 @!p0 $0x1C03  }
0xf6: {  	[timem:s3], [sflag:s2] =	dma.local @!p0 [hbm:s0], s1  }
0xf7: {  	s0 =	simm.s32 @!p0 $0x3  }
0xf8: {  	_ =	swait.ge @!p0 [sflag:s0], s1  }
0xf9: {  	s1 =	ssub.s32 @!p0 $0x0, s1;
	[sflag:s0] =	ssyncset.done @!p0 $0x0  }
0xfa: {  	[sflag:s0] =	ssyncadd.s32 @!p0 s1  }
0xfb: {  	[bflag:$0x3] =	sbarrier.arrive $0xFFFF  }
0xfc: {  	_ =	shalt  }

</sc_bundles>
